<compile_context>
chip_gen: v7x
topology: tpu7x:2x2x1
jax: 0.10.2.dev20260603
libtpu: 0.0.44.dev20260713+nightly
codegen_flags: <defaults>
</compile_context>

<pallas_src>
import functools

import jax
import jax.numpy as jnp
from jax.experimental import pallas as pl
from jax.experimental.pallas import tpu as pltpu
from jax.experimental.pallas import tpu_sc as plsc

B = 1024
L = 200
D = 64
DP = 2 * D
H = 128
POOL = 8
DENSE_DIM = 256
HEAD_H = 256
MLP_H = 128
BB = 32
GW = 128

NC = 2
NS = 16
NW = NC * NS
NTOK = B * L
NPT = NTOK // NW
NPP = (B * POOL) // NW

_SP_NAMES = ('user_tokens', 'context_tokens', 'candidate_post_tokens',
             'candidate_author_tokens', 'candidate_tokens')


def _sc_gather(token_pairs, tok_idx3, sp_pairs, sp_idx):
    mesh = plsc.VectorSubcoreMesh(core_axis_name="c", subcore_axis_name="s")
    out_type = (tuple(jax.ShapeDtypeStruct((NTOK, DP), jnp.float32)
                      for _ in range(3))
                + tuple(jax.ShapeDtypeStruct((B * POOL, DP), jnp.float32)
                        for _ in sp_pairs))

    @functools.partial(
        pl.kernel, out_type=out_type, mesh=mesh,
        scratch_types=[
            pltpu.VMEM((2, GW), jnp.int32),
            pltpu.VMEM((2, GW, DP), jnp.float32),
            pltpu.SemaphoreType.DMA,
            pltpu.SemaphoreType.DMA,
            pltpu.SemaphoreType.DMA,
            pltpu.SemaphoreType.DMA,
            pltpu.SemaphoreType.DMA,
        ])
    def k(tok_tab, i0, i1, i2, t0, t1, t2, t3, t4, j0, j1, j2, j3, j4,
          e0, e1, e2, o0, o1, o2, o3, o4,
          idx_v, rows_v, sem_g, sem_o0, sem_o1, sem_i0, sem_i1):
        wid = jax.lax.axis_index("s") * NC + jax.lax.axis_index("c")
        sems_o = (sem_o0, sem_o1)
        sems_i = (sem_i0, sem_i1)

        def run(tab, idx_hbm, out_hbm, n_per_tile):
            base0 = wid * n_per_tile
            g_steps = n_per_tile // GW
            for b in range(min(2, g_steps)):
                pltpu.make_async_copy(
                    idx_hbm.at[pl.ds(base0 + b * GW, GW)], idx_v.at[b],
                    sems_i[b]).start()

            @pl.loop(0, g_steps, step=2)
            def _(g):
                for b in range(2):
                    gb = g + b
                    row0 = base0 + gb * GW
                    pltpu.make_async_copy(
                        idx_hbm.at[pl.ds(0, GW)], idx_v.at[b],
                        sems_i[b]).wait()

                    @pl.when(gb >= 2)
                    def _w():
                        pltpu.make_async_copy(
                            rows_v.at[b], out_hbm.at[pl.ds(0, GW)],
                            sems_o[b]).wait()

                    pltpu.async_copy(tab.at[idx_v.at[b]], rows_v.at[b],
                                     sem_g).wait()
                    pltpu.make_async_copy(
                        rows_v.at[b], out_hbm.at[pl.ds(row0, GW)],
                        sems_o[b]).start()

                    @pl.when(gb + 2 < g_steps)
                    def _p():
                        pltpu.make_async_copy(
                            idx_hbm.at[pl.ds(row0 + 2 * GW, GW)],
                            idx_v.at[b], sems_i[b]).start()

            for b in range(min(2, g_steps)):
                pltpu.make_async_copy(
                    rows_v.at[b], out_hbm.at[pl.ds(0, GW)], sems_o[b]).wait()

        run(tok_tab, i0, e0, NPT)
        run(tok_tab, i1, e1, NPT)
        run(tok_tab, i2, e2, NPT)
        for tab, jj, oo in ((t0, j0, o0), (t1, j1, o1), (t2, j2, o2),
                            (t3, j3, o3), (t4, j4, o4)):
            run(tab, jj, oo, NPP)

    return k(token_pairs, *tok_idx3, *sp_pairs, *sp_idx)


def _dense_kernel(e0_ref, e1_ref, e2_ref, i0_ref, i1_ref, i2_ref, len_ref,
                  pu_ref, pc_ref, pcp_ref, pca_ref, pct_ref,
                  ju_ref, jc_ref, jcp_ref, jca_ref, jct_ref, dn_ref,
                  whist_ref, lnh_ref, fuser_ref, lnu_ref, fcand_ref, lnc_ref,
                  wdense_ref, lnd_ref, w1ac_ref, w1h_ref, w1p_ref, attp_ref,
                  hw1_ref, hb1_ref, hw2_ref, hb2_ref, hw3_ref, scal_ref,
                  out_ref):
    f32 = jnp.float32

    def dot(a, b):
        return jax.lax.dot_general(a, b, (((1,), (0,)), ((), ())),
                                   preferred_element_type=f32)

    def ln_act(y, lnref):
        y = y + lnref[0:1, :]
        m = jnp.mean(y, axis=-1, keepdims=True)
        v = jnp.mean((y - m) ** 2, axis=-1, keepdims=True)
        y = (y - m) * jax.lax.rsqrt(v + 1e-5) * lnref[1:2, :] + lnref[2:3, :]
        return jax.nn.gelu(y)

    def masked_pairs(e_ref, idx_ref, rows):
        e3 = e_ref[...].reshape(BB, rows, DP)
        q3 = jnp.bitwise_and(idx_ref[...], 1).astype(f32)[:, :, None]
        lane = jax.lax.broadcasted_iota(jnp.int32, (BB, rows, DP), 2)
        return e3 * jnp.where(lane < D, 1.0 - q3, q3)

    whist = whist_ref[...]
    bf16 = jnp.bfloat16
    hpre = dot(masked_pairs(e0_ref, i0_ref, L).reshape(BB * L, DP)
               .astype(bf16), whist[0:DP])
    hpre += dot(masked_pairs(e1_ref, i1_ref, L).reshape(BB * L, DP)
                .astype(bf16), whist[DP:2 * DP])
    hpre += dot(masked_pairs(e2_ref, i2_ref, L).reshape(BB * L, DP)
                .astype(bf16), whist[2 * DP:3 * DP])
    hist2 = ln_act(hpre, lnh_ref)
    lens = len_ref[...]
    iota3 = jax.lax.broadcasted_iota(jnp.int32, (BB, L, 1), 1)
    mask3 = (iota3 < lens[:, :, None]).astype(f32)
    h3 = hist2.reshape(BB, L, H) * mask3
    hist2m = h3.reshape(BB * L, H)

    def pooled(ref, jref):
        return jnp.sum(masked_pairs(ref, jref, POOL), axis=1)

    p_u = pooled(pu_ref, ju_ref)
    p_c = pooled(pc_ref, jc_ref)
    p_cp = pooled(pcp_ref, jcp_ref)
    p_ca = pooled(pca_ref, jca_ref)
    p_ct = pooled(pct_ref, jct_ref)

    fuser = fuser_ref[...]
    user = ln_act(dot(p_u, fuser[0:DP]) + dot(p_c, fuser[DP:2 * DP]), lnu_ref)
    fcand = fcand_ref[...]
    cand = ln_act(dot(p_cp, fcand[0:DP]) + dot(p_ca, fcand[DP:2 * DP])
                  + dot(p_ct, fcand[2 * DP:3 * DP]), lnc_ref)
    dense = ln_act(dot(dn_ref[...], wdense_ref[...]), lnd_ref)

    att_a = scal_ref[0:1, 0:1]
    att_b2 = scal_ref[0:1, 1:2]
    a_row = dot(cand, w1ac_ref[...])
    hist16 = hist2m.astype(bf16)
    hterm = dot(hist16, w1h_ref[...])
    prod = h3 * cand[:, None, :]
    pterm = dot(prod.reshape(BB * L, H).astype(bf16), w1p_ref[...])
    pre3 = ((hterm + pterm).reshape(BB, L, H) + a_row[:, None, :]
            + attp_ref[0:1, :][None])
    sact = jnp.where(pre3 >= 0, pre3, pre3 * att_a[:, :, None])
    s = jnp.sum(sact * attp_ref[1:2, :][None], axis=-1) + att_b2

    iota2 = jax.lax.broadcasted_iota(jnp.int32, (BB, L), 1)
    mask2 = iota2 < lens
    s = jnp.where(mask2, s, -1e9)
    smax = jnp.max(s, axis=-1, keepdims=True)
    e = jnp.exp(s - smax)
    w = e / jnp.sum(e, axis=-1, keepdims=True)
    context = jnp.sum(w[:, :, None] * h3, axis=1)
    denom = jnp.maximum(jnp.sum(mask2.astype(f32), axis=-1, keepdims=True),
                        1.0)
    summary = jnp.sum(h3, axis=1) / denom

    a1 = scal_ref[0:1, 2:3]
    a2 = scal_ref[0:1, 3:4]
    b3 = scal_ref[0:1, 4:5]
    hw1 = hw1_ref[...]
    pieces = (cand, context, summary, user, dense, cand * context,
              jnp.abs(cand - user))
    acc = dot(pieces[0], hw1[0:H])
    for kk in range(1, 7):
        acc = acc + dot(pieces[kk], hw1[kk * H:(kk + 1) * H])
    h1 = acc + hb1_ref[...]
    h1 = jnp.where(h1 >= 0, h1, h1 * a1)
    h2 = dot(h1, hw2_ref[...]) + hb2_ref[...]
    h2 = jnp.where(h2 >= 0, h2, h2 * a2)
    out_ref[...] = jnp.sum(h2 * hw3_ref[...], axis=-1, keepdims=True) + b3


def _fold_weights(p):
    tok_w = p['tok_W']
    tok_b = p['tok_b']

    def pack_ln(bias, g, beta):
        z = jnp.zeros((8, H), jnp.float32)
        return z.at[0].set(bias).at[1].set(g).at[2].set(beta)

    def fold(w_big, n):
        blocks = [jnp.tile(tok_w @ w_big[k * H:(k + 1) * H], (2, 1))
                  for k in range(n)]
        bias = sum(tok_b @ w_big[k * H:(k + 1) * H] for k in range(n))
        return jnp.concatenate(blocks, axis=0), bias

    whist, bh = fold(p['hist_W'], 3)
    fuser, bu = fold(p['user_W'], 2)
    fcand, bc = fold(p['cand_W'], 3)

    w1 = p['att_W1']
    w1ac = w1[0:H] + w1[2 * H:3 * H]
    w1h = w1[H:2 * H] - w1[2 * H:3 * H]
    w1p = w1[3 * H:4 * H]
    attp = jnp.zeros((8, H), jnp.float32)
    attp = attp.at[0].set(p['att_b1']).at[1].set(p['att_W2'].reshape(H))
    scal = jnp.concatenate([
        jnp.stack([p['att_a'], p['att_b2'][0], p['head_a1'], p['head_a2'],
                   p['head_b3'][0]]),
        jnp.zeros((3,), jnp.float32)]).reshape(1, 8)

    return dict(
        whist=whist,
        lnh=pack_ln(p['hist_b'] + bh, p['hist_g'], p['hist_beta']),
        fuser=fuser,
        lnu=pack_ln(p['user_b'] + bu, p['user_g'], p['user_beta']),
        fcand=fcand,
        lnc=pack_ln(p['cand_b'] + bc, p['cand_g'], p['cand_beta']),
        wdense=p['dense_W'],
        lnd=pack_ln(p['dense_b'], p['dense_g'], p['dense_beta']),
        w1ac=w1ac, w1h=w1h, w1p=w1p, attp=attp,
        hw1=p['head_W1'], hb1=p['head_b1'].reshape(1, HEAD_H),
        hw2=p['head_W2'], hb2=p['head_b2'].reshape(1, MLP_H),
        hw3=p['head_W3'].reshape(1, MLP_H),
        scal=scal,
    )


def _dense_forward(embs, tok_idx2d, lengths, pooled, sp_idx2d,
                   dense_features, p):
    fw = _fold_weights(p)
    lens2 = lengths.astype(jnp.int32).reshape(B, 1)

    def full(shp):
        return pl.BlockSpec(shp, lambda i: tuple(0 for _ in shp))

    out = pl.pallas_call(
        _dense_kernel,
        grid=(B // BB,),
        in_specs=[
            pl.BlockSpec((BB * L, DP), lambda i: (i, 0)),
            pl.BlockSpec((BB * L, DP), lambda i: (i, 0)),
            pl.BlockSpec((BB * L, DP), lambda i: (i, 0)),
            pl.BlockSpec((BB, L), lambda i: (i, 0)),
            pl.BlockSpec((BB, L), lambda i: (i, 0)),
            pl.BlockSpec((BB, L), lambda i: (i, 0)),
            pl.BlockSpec((BB, 1), lambda i: (i, 0)),
            pl.BlockSpec((BB * POOL, DP), lambda i: (i, 0)),
            pl.BlockSpec((BB * POOL, DP), lambda i: (i, 0)),
            pl.BlockSpec((BB * POOL, DP), lambda i: (i, 0)),
            pl.BlockSpec((BB * POOL, DP), lambda i: (i, 0)),
            pl.BlockSpec((BB * POOL, DP), lambda i: (i, 0)),
            pl.BlockSpec((BB, POOL), lambda i: (i, 0)),
            pl.BlockSpec((BB, POOL), lambda i: (i, 0)),
            pl.BlockSpec((BB, POOL), lambda i: (i, 0)),
            pl.BlockSpec((BB, POOL), lambda i: (i, 0)),
            pl.BlockSpec((BB, POOL), lambda i: (i, 0)),
            pl.BlockSpec((BB, DENSE_DIM), lambda i: (i, 0)),
            full((3 * DP, H)), full((8, H)), full((2 * DP, H)), full((8, H)),
            full((3 * DP, H)), full((8, H)), full((DENSE_DIM, H)),
            full((8, H)), full((H, H)), full((H, H)), full((H, H)),
            full((8, H)), full((7 * H, HEAD_H)), full((1, HEAD_H)),
            full((HEAD_H, MLP_H)), full((1, MLP_H)), full((1, MLP_H)),
            full((1, 8)),
        ],
        out_specs=pl.BlockSpec((BB, 1), lambda i: (i, 0)),
        out_shape=jax.ShapeDtypeStruct((B, 1), jnp.float32),
    )(*embs, *tok_idx2d, lens2, *pooled, *sp_idx2d, dense_features,
      fw['whist'].astype(jnp.bfloat16), fw['lnh'], fw['fuser'], fw['lnu'],
      fw['fcand'], fw['lnc'], fw['wdense'], fw['lnd'], fw['w1ac'],
      fw['w1h'].astype(jnp.bfloat16), fw['w1p'].astype(jnp.bfloat16),
      fw['attp'],
      fw['hw1'], fw['hb1'], fw['hw2'], fw['hb2'], fw['hw3'], fw['scal'])
    return out.reshape(B)


def kernel(history_post_tokens, history_author_tokens, history_action_tokens,
           history_lengths, user_tokens_idx, context_tokens_idx,
           candidate_tokens_idx, candidate_post_tokens_idx,
           candidate_author_tokens_idx, dense_features, params):
    p = params
    tok_idx2d = [t.astype(jnp.int32)
                 for t in (history_post_tokens, history_author_tokens,
                           history_action_tokens)]
    tok_half = [jnp.right_shift(t.reshape(B * L), 1) for t in tok_idx2d]
    sp_idx_map = {
        'user_tokens': user_tokens_idx,
        'context_tokens': context_tokens_idx,
        'candidate_post_tokens': candidate_post_tokens_idx,
        'candidate_author_tokens': candidate_author_tokens_idx,
        'candidate_tokens': candidate_tokens_idx,
    }
    sp_idx2d = [sp_idx_map[n].astype(jnp.int32) for n in _SP_NAMES]
    sp_half = [jnp.right_shift(t.reshape(B * POOL), 1) for t in sp_idx2d]

    tok_pairs = p['token_table'].reshape(-1, DP)
    sp_pairs = [p[n + '_table'].reshape(-1, DP) for n in _SP_NAMES]

    gathered = _sc_gather(tok_pairs, tok_half, sp_pairs, sp_half)
    embs = gathered[0:3]
    pooled = gathered[3:]
    return _dense_forward(embs, tok_idx2d, history_lengths, pooled, sp_idx2d,
                          dense_features, p)

# --- scband reference (transcript-rebuilt; emitter-appended) ---
"""Pipeline reference for scband-ctrbaseline-dinmodel-26792005992812 (READ-ONLY COPY).

The authoritative reference and input builder live on the scoring server;
editing this copy changes nothing except your own understanding.
"""

import jax, jax.numpy as jnp
import numpy as np

B = 1024
L = 200
V_TOK = 1000000
V_SP = 100000
D_EMB = 64
H = 128
POOL = 8
DENSE_DIM = 256
HEAD_H = 256
MLP_H = 128
SPARSE_TABLE_NAMES = ('user_tokens', 'context_tokens', 'candidate_tokens', 'candidate_post_tokens', 'candidate_author_tokens')


def _ln(x, g, b):
    m = jnp.mean(x, axis=-1, keepdims=True)
    v = jnp.var(x, axis=-1, keepdims=True)
    return (x - m) / jnp.sqrt(v + 1e-5) * g + b


def _prelu(x, a):
    return jnp.where(x >= 0, x, a * x)


def setup_inputs(seed: int = 0) -> dict:
    key = jax.random.key(seed)
    keys = iter(jax.random.split(key, 64))
    inp = {}
    inp['history_post_tokens'] = jax.random.randint(next(keys), (B, L), 0, V_TOK)
    inp['history_author_tokens'] = jax.random.randint(next(keys), (B, L), 0, V_TOK)
    inp['history_action_tokens'] = jax.random.randint(next(keys), (B, L), 0, V_TOK)
    inp['history_lengths'] = jax.random.randint(next(keys), (B,), 1, L + 1)
    for name in SPARSE_TABLE_NAMES:
        inp[name + '_idx'] = jax.random.randint(next(keys), (B, POOL), 0, V_SP)
    inp['dense_features'] = jax.random.normal(next(keys), (B, DENSE_DIM), dtype=jnp.float32)
    p = {}
    tok_table = jax.random.normal(next(keys), (V_TOK, D_EMB), dtype=jnp.float32) * 0.02
    p['token_table'] = tok_table.at[0].set(0.0)  # padding_idx=0
    for name in SPARSE_TABLE_NAMES:
        p[name + '_table'] = jax.random.normal(next(keys), (V_SP, D_EMB), dtype=jnp.float32) * 0.02

    def lin(k, fi, fo):
        return jax.random.normal(k, (fi, fo), dtype=jnp.float32) * (1.0 / np.sqrt(fi))

    p['tok_W'] = lin(next(keys), D_EMB, H); p['tok_b'] = jnp.zeros((H,), jnp.float32)
    for nm, fi in (('user', 2 * H), ('cand', 3 * H), ('hist', 3 * H), ('dense', DENSE_DIM)):
        p[nm + '_W'] = lin(next(keys), fi, H)
        p[nm + '_b'] = jnp.zeros((H,), jnp.float32)
        p[nm + '_g'] = jnp.ones((H,), jnp.float32)
        p[nm + '_beta'] = jnp.zeros((H,), jnp.float32)
    p['att_W1'] = lin(next(keys), 4 * H, H); p['att_b1'] = jnp.zeros((H,), jnp.float32); p['att_a'] = jnp.float32(0.25)
    p['att_W2'] = lin(next(keys), H, 1); p['att_b2'] = jnp.zeros((1,), jnp.float32)
    p['head_W1'] = lin(next(keys), 7 * H, HEAD_H); p['head_b1'] = jnp.zeros((HEAD_H,), jnp.float32); p['head_a1'] = jnp.float32(0.25)
    p['head_W2'] = lin(next(keys), HEAD_H, MLP_H); p['head_b2'] = jnp.zeros((MLP_H,), jnp.float32); p['head_a2'] = jnp.float32(0.25)
    p['head_W3'] = lin(next(keys), MLP_H, 1); p['head_b3'] = jnp.zeros((1,), jnp.float32)
    inp['params'] = p
    return inp


def _forward(hpt, hat, hct, lengths, sparse_idx, dense_features, p):
    def embed_tokens(tok):
        e = jnp.take(p['token_table'], tok, axis=0)
        return e @ p['tok_W'] + p['tok_b']  # token_projection (64 != 128)

    summaries = {}
    for name in SPARSE_TABLE_NAMES:
        pooled = jnp.take(p[name + '_table'], sparse_idx[name], axis=0).sum(axis=1)  # EmbeddingBag sum pooling
        summaries[name] = pooled @ p['tok_W'] + p['tok_b']

    mask = jnp.arange(L)[None, :] < lengths[:, None]

    def proj(x, nm):
        return jax.nn.gelu(_ln(x @ p[nm + '_W'] + p[nm + '_b'], p[nm + '_g'], p[nm + '_beta']))

    user = proj(jnp.concatenate([summaries['user_tokens'], summaries['context_tokens']], axis=-1), 'user')
    dense = proj(dense_features, 'dense')
    cand = proj(jnp.concatenate([summaries['candidate_post_tokens'], summaries['candidate_author_tokens'], summaries['candidate_tokens']], axis=-1), 'cand')
    hist_in = jnp.concatenate([embed_tokens(hpt), embed_tokens(hat), embed_tokens(hct)], axis=-1)
    hist = proj(hist_in, 'hist')
    hist = hist * mask[:, :, None].astype(hist.dtype)

    # TargetAwarePool (DIN-style target-aware attention, prelu activation)
    cand_e = jnp.broadcast_to(cand[:, None, :], hist.shape)
    feats = jnp.concatenate([cand_e, hist, cand_e - hist, cand_e * hist], axis=-1)
    s = _prelu(feats @ p['att_W1'] + p['att_b1'], p['att_a']) @ p['att_W2'] + p['att_b2']
    s = jnp.squeeze(s, -1)
    s = jnp.where(mask, s, -1e9)
    w = jax.nn.softmax(s, axis=-1)
    context = jnp.sum(w[:, :, None] * hist, axis=1)

    denom = jnp.clip(jnp.sum(mask, axis=1, keepdims=True).astype(jnp.float32), 1.0, None)
    summary = jnp.sum(hist, axis=1) / denom  # masked_mean (hist already masked)

    fused = jnp.concatenate([cand, context, summary, user, dense, cand * context, jnp.abs(cand - user)], axis=-1)
    h1 = _prelu(fused @ p['head_W1'] + p['head_b1'], p['head_a1'])
    h2 = _prelu(h1 @ p['head_W2'] + p['head_b2'], p['head_a2'])
    return (h2 @ p['head_W3'] + p['head_b3']).squeeze(-1)


def reference(history_post_tokens, history_author_tokens, history_action_tokens, history_lengths, user_tokens_idx, context_tokens_idx, candidate_tokens_idx, candidate_post_tokens_idx, candidate_author_tokens_idx, dense_features, params):
    sparse_idx = {'user_tokens': user_tokens_idx, 'context_tokens': context_tokens_idx, 'candidate_tokens': candidate_tokens_idx, 'candidate_post_tokens': candidate_post_tokens_idx, 'candidate_author_tokens': candidate_author_tokens_idx}
    return _forward(history_post_tokens, history_author_tokens, history_action_tokens, history_lengths, sparse_idx, dense_features, params)

if __name__ == "__main__":
    import jax
    _d = setup_inputs()
    print(jax.jit(kernel)(*tuple(_d.values())))

</pallas_src>

<mosaic_0001>
#map = affine_map<(d0, d1) -> (0, 0)>
#map1 = affine_map<(d0, d1) -> (0)>
module attributes {stable_mosaic.version = 14 : i64} {
  func.func @k(%arg0: i32, %arg1: i32, %arg2: memref<500000x128xf32, #tpu.memory_space<hbm>>, %arg3: memref<204800xi32, #tpu.memory_space<hbm>>, %arg4: memref<204800xi32, #tpu.memory_space<hbm>>, %arg5: memref<204800xi32, #tpu.memory_space<hbm>>, %arg6: memref<50000x128xf32, #tpu.memory_space<hbm>>, %arg7: memref<50000x128xf32, #tpu.memory_space<hbm>>, %arg8: memref<50000x128xf32, #tpu.memory_space<hbm>>, %arg9: memref<50000x128xf32, #tpu.memory_space<hbm>>, %arg10: memref<50000x128xf32, #tpu.memory_space<hbm>>, %arg11: memref<8192xi32, #tpu.memory_space<hbm>>, %arg12: memref<8192xi32, #tpu.memory_space<hbm>>, %arg13: memref<8192xi32, #tpu.memory_space<hbm>>, %arg14: memref<8192xi32, #tpu.memory_space<hbm>>, %arg15: memref<8192xi32, #tpu.memory_space<hbm>>, %arg16: memref<204800x128xf32, #tpu.memory_space<hbm>>, %arg17: memref<204800x128xf32, #tpu.memory_space<hbm>>, %arg18: memref<204800x128xf32, #tpu.memory_space<hbm>>, %arg19: memref<8192x128xf32, #tpu.memory_space<hbm>>, %arg20: memref<8192x128xf32, #tpu.memory_space<hbm>>, %arg21: memref<8192x128xf32, #tpu.memory_space<hbm>>, %arg22: memref<8192x128xf32, #tpu.memory_space<hbm>>, %arg23: memref<8192x128xf32, #tpu.memory_space<hbm>>, %arg24: memref<2x128xi32, #tpu.memory_space<vmem>>, %arg25: memref<2x128x128xf32, #tpu.memory_space<vmem>>, %arg26: memref<!tpu.dma_semaphore, #tpu.memory_space<semaphore_mem>>, %arg27: memref<!tpu.dma_semaphore, #tpu.memory_space<semaphore_mem>>, %arg28: memref<!tpu.dma_semaphore, #tpu.memory_space<semaphore_mem>>, %arg29: memref<!tpu.dma_semaphore, #tpu.memory_space<semaphore_mem>>, %arg30: memref<!tpu.dma_semaphore, #tpu.memory_space<semaphore_mem>>) attributes {dimension_semantics = [#tpu.dimension_semantics<core_parallel>, #tpu.dimension_semantics<subcore_parallel>], iteration_bounds = array<i64: 2, 16>, scalar_prefetch = 0 : i64, scratch_operands = 7 : i64, tpu.core_type = #tpu.core_type<sc_vector_subcore>, window_params = [{transform_indices = #map}, {transform_indices = #map1}, {transform_indices = #map1}, {transform_indices = #map1}, {transform_indices = #map}, {transform_indices = #map}, {transform_indices = #map}, {transform_indices = #map}, {transform_indices = #map}, {transform_indices = #map1}, {transform_indices = #map1}, {transform_indices = #map1}, {transform_indices = #map1}, {transform_indices = #map1}, {transform_indices = #map}, {transform_indices = #map}, {transform_indices = #map}, {transform_indices = #map}, {transform_indices = #map}, {transform_indices = #map}, {transform_indices = #map}, {transform_indices = #map}]} {
    %mul3A = arith.constant 2 : i32
    %mul3A_0 = arith.muli %arg1, %mul3A : i32
    %add3A = arith.addi %mul3A_0, %arg0 : i32
    %mul3A_1 = arith.constant 6400 : i32
    %mul3A_2 = arith.muli %add3A, %mul3A_1 : i32
    %add3A_3 = arith.constant 0 : i32
    %add3A_4 = arith.addi %mul3A_2, %add3A_3 : i32
    %dma_start3A = arith.constant 0 : i32
    %dma_start3A_5 = arith.constant 0 : i32
    %dma_start3A_6 = tpu.memref_slice %arg24[%dma_start3A, %dma_start3A_5] : memref<2x128xi32, #tpu.memory_space<vmem>> -> memref<1x128xi32, #tpu.memory_space<vmem>>
    %dma_start3A_7 = tpu.memref_squeeze %dma_start3A_6 : memref<1x128xi32, #tpu.memory_space<vmem>> -> memref<128xi32, #tpu.memory_space<vmem>>
    %dma_start3A_8 = tpu.memref_slice %arg3[%add3A_4] : memref<204800xi32, #tpu.memory_space<hbm>> -> memref<128xi32, #tpu.memory_space<hbm>>
    %dma_start3A_9 = arith.constant 0 : i32
    %dma_start3A_10 = tpu.memref_slice %arg24[%dma_start3A, %dma_start3A_9] : memref<2x128xi32, #tpu.memory_space<vmem>> -> memref<1x128xi32, #tpu.memory_space<vmem>>
    %dma_start3A_11 = tpu.memref_squeeze %dma_start3A_10 : memref<1x128xi32, #tpu.memory_space<vmem>> -> memref<128xi32, #tpu.memory_space<vmem>>
    %dma_start3A_12 = tpu.memref_slice %arg3[%add3A_4] : memref<204800xi32, #tpu.memory_space<hbm>> -> memref<128xi32, #tpu.memory_space<hbm>>
    tpu.enqueue_dma source(%dma_start3A_12 : memref<128xi32, #tpu.memory_space<hbm>>) target(%dma_start3A_11 : memref<128xi32, #tpu.memory_space<vmem>>) target_semaphore(%arg29 : memref<!tpu.dma_semaphore, #tpu.memory_space<semaphore_mem>>)
    %add3A_13 = arith.constant 128 : i32
    %add3A_14 = arith.addi %mul3A_2, %add3A_13 : i32
    %dma_start3A_15 = arith.constant 1 : i32
    %dma_start3A_16 = arith.constant 0 : i32
    %dma_start3A_17 = tpu.memref_slice %arg24[%dma_start3A_15, %dma_start3A_16] : memref<2x128xi32, #tpu.memory_space<vmem>> -> memref<1x128xi32, #tpu.memory_space<vmem>>
    %dma_start3A_18 = tpu.memref_squeeze %dma_start3A_17 : memref<1x128xi32, #tpu.memory_space<vmem>> -> memref<128xi32, #tpu.memory_space<vmem>>
    %dma_start3A_19 = tpu.memref_slice %arg3[%add3A_14] : memref<204800xi32, #tpu.memory_space<hbm>> -> memref<128xi32, #tpu.memory_space<hbm>>
    %dma_start3A_20 = arith.constant 0 : i32
    %dma_start3A_21 = tpu.memref_slice %arg24[%dma_start3A_15, %dma_start3A_20] : memref<2x128xi32, #tpu.memory_space<vmem>> -> memref<1x128xi32, #tpu.memory_space<vmem>>
    %dma_start3A_22 = tpu.memref_squeeze %dma_start3A_21 : memref<1x128xi32, #tpu.memory_space<vmem>> -> memref<128xi32, #tpu.memory_space<vmem>>
    %dma_start3A_23 = tpu.memref_slice %arg3[%add3A_14] : memref<204800xi32, #tpu.memory_space<hbm>> -> memref<128xi32, #tpu.memory_space<hbm>>
    tpu.enqueue_dma source(%dma_start3A_23 : memref<128xi32, #tpu.memory_space<hbm>>) target(%dma_start3A_22 : memref<128xi32, #tpu.memory_space<vmem>>) target_semaphore(%arg30 : memref<!tpu.dma_semaphore, #tpu.memory_space<semaphore_mem>>)
    %scan3A = arith.constant 0 : i32
    %scan3A_24 = arith.constant 25 : i32
    %scan3A_25 = arith.addi %scan3A, %scan3A_24 : i32
    %scan3A_26 = arith.constant 1 : i32
    scf.for %scan3A_1121 = %scan3A to %scan3A_25 step %scan3A_26  : i32 {
      %mul3A_1122 = arith.constant 2 : i32
      %mul3A_1123 = arith.muli %scan3A_1121, %mul3A_1122 : i32
      %add3A_1124 = arith.constant 0 : i32
      %add3A_1125 = arith.addi %add3A_1124, %mul3A_1123 : i32
      %add3A_1126 = arith.constant 0 : i32
      %add3A_1127 = arith.addi %add3A_1125, %add3A_1126 : i32
      %mul3A_1128 = arith.constant 128 : i32
      %mul3A_1129 = arith.muli %add3A_1127, %mul3A_1128 : i32
      %add3A_1130 = arith.addi %mul3A_2, %mul3A_1129 : i32
      %dma_wait3A_1131 = arith.constant 0 : i32
      %dma_wait3A_1132 = arith.constant 0 : i32
      %dma_wait3A_1133 = tpu.memref_slice %arg24[%dma_wait3A_1131, %dma_wait3A_1132] : memref<2x128xi32, #tpu.memory_space<vmem>> -> memref<1x128xi32, #tpu.memory_space<vmem>>
      %dma_wait3A_1134 = tpu.memref_squeeze %dma_wait3A_1133 : memref<1x128xi32, #tpu.memory_space<vmem>> -> memref<128xi32, #tpu.memory_space<vmem>>
      %dma_wait3A_1135 = arith.constant 0 : i32
      %dma_wait3A_1136 = tpu.memref_slice %arg3[%dma_wait3A_1135] : memref<204800xi32, #tpu.memory_space<hbm>> -> memref<128xi32, #tpu.memory_space<hbm>>
      %dma_wait3A_1137 = arith.constant 0 : i32
      %dma_wait3A_1138 = tpu.memref_slice %arg24[%dma_wait3A_1131, %dma_wait3A_1137] : memref<2x128xi32, #tpu.memory_space<vmem>> -> memref<1x128xi32, #tpu.memory_space<vmem>>
      %dma_wait3A_1139 = tpu.memref_squeeze %dma_wait3A_1138 : memref<1x128xi32, #tpu.memory_space<vmem>> -> memref<128xi32, #tpu.memory_space<vmem>>
      %dma_wait3A_1140 = arith.constant 0 : i32
      %dma_wait3A_1141 = tpu.memref_slice %arg3[%dma_wait3A_1140] : memref<204800xi32, #tpu.memory_space<hbm>> -> memref<128xi32, #tpu.memory_space<hbm>>
      tpu.wait_dma2 semaphore(%arg29 : memref<!tpu.dma_semaphore, #tpu.memory_space<semaphore_mem>>) src(%dma_wait3A_1141 : memref<128xi32, #tpu.memory_space<hbm>>) dst(%dma_wait3A_1139 : memref<128xi32, #tpu.memory_space<vmem>>)
      %ge3A_1142 = arith.constant 2 : i32
      %ge3A_1143 = arith.cmpi sge, %add3A_1127, %ge3A_1142 : i32
      %convert_element_type3A_1144 = arith.extui %ge3A_1143 : i1 to i32
      %cond3A_1145 = arith.constant 0 : i32
      %cond3A_1146 = arith.cmpi ne, %convert_element_type3A_1144, %cond3A_1145 : i32
      scf.if %cond3A_1146 {
        %dma_wait3A_1256 = arith.constant 0 : i32
        %dma_wait3A_1257 = arith.constant 0 : i32
        %dma_wait3A_1258 = arith.constant 0 : i32
        %dma_wait3A_1259 = tpu.memref_slice %arg25[%dma_wait3A_1256, %dma_wait3A_1257, %dma_wait3A_1258] : memref<2x128x128xf32, #tpu.memory_space<vmem>> -> memref<1x128x128xf32, #tpu.memory_space<vmem>>
        %dma_wait3A_1260 = tpu.memref_squeeze %dma_wait3A_1259 : memref<1x128x128xf32, #tpu.memory_space<vmem>> -> memref<128x128xf32, #tpu.memory_space<vmem>>
        %dma_wait3A_1261 = arith.constant 0 : i32
        %dma_wait3A_1262 = arith.constant 0 : i32
        %dma_wait3A_1263 = tpu.memref_slice %arg16[%dma_wait3A_1261, %dma_wait3A_1262] : memref<204800x128xf32, #tpu.memory_space<hbm>> -> memref<128x128xf32, #tpu.memory_space<hbm>>
        %dma_wait3A_1264 = arith.constant 0 : i32
        %dma_wait3A_1265 = arith.constant 0 : i32
        %dma_wait3A_1266 = tpu.memref_slice %arg16[%dma_wait3A_1264, %dma_wait3A_1265] : memref<204800x128xf32, #tpu.memory_space<hbm>> -> memref<128x128xf32, #tpu.memory_space<hbm>>
        %dma_wait3A_1267 = arith.constant 0 : i32
        %dma_wait3A_1268 = arith.constant 0 : i32
        %dma_wait3A_1269 = tpu.memref_slice %arg25[%dma_wait3A_1256, %dma_wait3A_1267, %dma_wait3A_1268] : memref<2x128x128xf32, #tpu.memory_space<vmem>> -> memref<1x128x128xf32, #tpu.memory_space<vmem>>
        %dma_wait3A_1270 = tpu.memref_squeeze %dma_wait3A_1269 : memref<1x128x128xf32, #tpu.memory_space<vmem>> -> memref<128x128xf32, #tpu.memory_space<vmem>>
        tpu.wait_dma2 semaphore(%arg27 : memref<!tpu.dma_semaphore, #tpu.memory_space<semaphore_mem>>) src(%dma_wait3A_1270 : memref<128x128xf32, #tpu.memory_space<vmem>>) dst(%dma_wait3A_1266 : memref<128x128xf32, #tpu.memory_space<hbm>>)
      } else {
      }
      %dma_start3A_1147 = arith.constant 0 : i32
      %dma_start3A_1148 = arith.constant 0 : i32
      %dma_start3A_1149 = arith.constant 0 : i32
      %dma_start3A_1150 = arith.constant 0 : i32
      %dma_start3A_1151 = tpu.memref_slice %arg25[%dma_start3A_1148, %dma_start3A_1149, %dma_start3A_1150] : memref<2x128x128xf32, #tpu.memory_space<vmem>> -> memref<1x128x128xf32, #tpu.memory_space<vmem>>
      %dma_start3A_1152 = tpu.memref_squeeze %dma_start3A_1151 : memref<1x128x128xf32, #tpu.memory_space<vmem>> -> memref<128x128xf32, #tpu.memory_space<vmem>>
      %dma_start3A_1153 = arith.constant 0 : i32
      %dma_start3A_1154 = tpu.memref_slice %arg24[%dma_start3A_1147, %dma_start3A_1153] : memref<2x128xi32, #tpu.memory_space<vmem>> -> memref<1x128xi32, #tpu.memory_space<vmem>>
      %dma_start3A_1155 = tpu.memref_squeeze %dma_start3A_1154 : memref<1x128xi32, #tpu.memory_space<vmem>> -> memref<128xi32, #tpu.memory_space<vmem>>
      %dma_start3A_1156 = arith.constant 0 : i32
      %dma_start3A_1157 = arith.constant 0 : i32
      %dma_start3A_1158 = tpu.memref_slice %arg2[%dma_start3A_1156, %dma_start3A_1157] : memref<500000x128xf32, #tpu.memory_space<hbm>> -> memref<500000x128xf32, #tpu.memory_space<hbm>>
      tpu.enqueue_indirect_dma source(%dma_start3A_1158 : memref<500000x128xf32, #tpu.memory_space<hbm>>) target(%dma_start3A_1152 : memref<128x128xf32, #tpu.memory_space<vmem>>) offsets(%dma_start3A_1155 : memref<128xi32, #tpu.memory_space<vmem>>) semaphore(%arg26 : memref<!tpu.dma_semaphore, #tpu.memory_space<semaphore_mem>>)
      %dma_wait3A_1159 = arith.constant 0 : i32
      %dma_wait3A_1160 = arith.constant 0 : i32
      %dma_wait3A_1161 = arith.constant 0 : i32
      %dma_wait3A_1162 = arith.constant 0 : i32
      %dma_wait3A_1163 = tpu.memref_slice %arg25[%dma_wait3A_1160, %dma_wait3A_1161, %dma_wait3A_1162] : memref<2x128x128xf32, #tpu.memory_space<vmem>> -> memref<1x128x128xf32, #tpu.memory_space<vmem>>
      %dma_wait3A_1164 = tpu.memref_squeeze %dma_wait3A_1163 : memref<1x128x128xf32, #tpu.memory_space<vmem>> -> memref<128x128xf32, #tpu.memory_space<vmem>>
      %dma_wait3A_1165 = arith.constant 0 : i32
      %dma_wait3A_1166 = tpu.memref_slice %arg24[%dma_wait3A_1159, %dma_wait3A_1165] : memref<2x128xi32, #tpu.memory_space<vmem>> -> memref<1x128xi32, #tpu.memory_space<vmem>>
      %dma_wait3A_1167 = tpu.memref_squeeze %dma_wait3A_1166 : memref<1x128xi32, #tpu.memory_space<vmem>> -> memref<128xi32, #tpu.memory_space<vmem>>
      %dma_wait3A_1168 = arith.constant 0 : i32
      %dma_wait3A_1169 = arith.constant 0 : i32
      %dma_wait3A_1170 = tpu.memref_slice %arg2[%dma_wait3A_1168, %dma_wait3A_1169] : memref<500000x128xf32, #tpu.memory_space<hbm>> -> memref<500000x128xf32, #tpu.memory_space<hbm>>
      tpu.wait_indirect_dma semaphore(%arg26 : memref<!tpu.dma_semaphore, #tpu.memory_space<semaphore_mem>>) src(%dma_wait3A_1170 : memref<500000x128xf32, #tpu.memory_space<hbm>>) dst(%dma_wait3A_1164 : memref<128x128xf32, #tpu.memory_space<vmem>>)
      %dma_start3A_1171 = arith.constant 0 : i32
      %dma_start3A_1172 = arith.constant 0 : i32
      %dma_start3A_1173 = arith.constant 0 : i32
      %dma_start3A_1174 = tpu.memref_slice %arg25[%dma_start3A_1171, %dma_start3A_1172, %dma_start3A_1173] : memref<2x128x128xf32, #tpu.memory_space<vmem>> -> memref<1x128x128xf32, #tpu.memory_space<vmem>>
      %dma_start3A_1175 = tpu.memref_squeeze %dma_start3A_1174 : memref<1x128x128xf32, #tpu.memory_space<vmem>> -> memref<128x128xf32, #tpu.memory_space<vmem>>
      %dma_start3A_1176 = arith.constant 0 : i32
      %dma_start3A_1177 = tpu.memref_slice %arg16[%add3A_1130, %dma_start3A_1176] : memref<204800x128xf32, #tpu.memory_space<hbm>> -> memref<128x128xf32, #tpu.memory_space<hbm>>
      %dma_start3A_1178 = arith.constant 0 : i32
      %dma_start3A_1179 = tpu.memref_slice %arg16[%add3A_1130, %dma_start3A_1178] : memref<204800x128xf32, #tpu.memory_space<hbm>> -> memref<128x128xf32, #tpu.memory_space<hbm>>
      %dma_start3A_1180 = arith.constant 0 : i32
      %dma_start3A_1181 = arith.constant 0 : i32
      %dma_start3A_1182 = tpu.memref_slice %arg25[%dma_start3A_1171, %dma_start3A_1180, %dma_start3A_1181] : memref<2x128x128xf32, #tpu.memory_space<vmem>> -> memref<1x128x128xf32, #tpu.memory_space<vmem>>
      %dma_start3A_1183 = tpu.memref_squeeze %dma_start3A_1182 : memref<1x128x128xf32, #tpu.memory_space<vmem>> -> memref<128x128xf32, #tpu.memory_space<vmem>>
      tpu.enqueue_dma source(%dma_start3A_1183 : memref<128x128xf32, #tpu.memory_space<vmem>>) target(%dma_start3A_1179 : memref<128x128xf32, #tpu.memory_space<hbm>>) target_semaphore(%arg27 : memref<!tpu.dma_semaphore, #tpu.memory_space<semaphore_mem>>)
      %add3A_1184 = arith.constant 2 : i32
      %add3A_1185 = arith.addi %add3A_1127, %add3A_1184 : i32
      %lt3A_1186 = arith.constant 50 : i32
      %lt3A_1187 = arith.cmpi slt, %add3A_1185, %lt3A_1186 : i32
      %convert_element_type3A_1188 = arith.extui %lt3A_1187 : i1 to i32
      %cond3A_1189 = arith.constant 0 : i32
      %cond3A_1190 = arith.cmpi ne, %convert_element_type3A_1188, %cond3A_1189 : i32
      scf.if %cond3A_1190 {
        %add3A_1256 = arith.constant 256 : i32
        %add3A_1257 = arith.addi %add3A_1130, %add3A_1256 : i32
        %dma_start3A_1258 = arith.constant 0 : i32
        %dma_start3A_1259 = arith.constant 0 : i32
        %dma_start3A_1260 = tpu.memref_slice %arg24[%dma_start3A_1258, %dma_start3A_1259] : memref<2x128xi32, #tpu.memory_space<vmem>> -> memref<1x128xi32, #tpu.memory_space<vmem>>
        %dma_start3A_1261 = tpu.memref_squeeze %dma_start3A_1260 : memref<1x128xi32, #tpu.memory_space<vmem>> -> memref<128xi32, #tpu.memory_space<vmem>>
        %dma_start3A_1262 = tpu.memref_slice %arg3[%add3A_1257] : memref<204800xi32, #tpu.memory_space<hbm>> -> memref<128xi32, #tpu.memory_space<hbm>>
        %dma_start3A_1263 = arith.constant 0 : i32
        %dma_start3A_1264 = tpu.memref_slice %arg24[%dma_start3A_1258, %dma_start3A_1263] : memref<2x128xi32, #tpu.memory_space<vmem>> -> memref<1x128xi32, #tpu.memory_space<vmem>>
        %dma_start3A_1265 = tpu.memref_squeeze %dma_start3A_1264 : memref<1x128xi32, #tpu.memory_space<vmem>> -> memref<128xi32, #tpu.memory_space<vmem>>
        %dma_start3A_1266 = tpu.memref_slice %arg3[%add3A_1257] : memref<204800xi32, #tpu.memory_space<hbm>> -> memref<128xi32, #tpu.memory_space<hbm>>
        tpu.enqueue_dma source(%dma_start3A_1266 : memref<128xi32, #tpu.memory_space<hbm>>) target(%dma_start3A_1265 : memref<128xi32, #tpu.memory_space<vmem>>) target_semaphore(%arg29 : memref<!tpu.dma_semaphore, #tpu.memory_space<semaphore_mem>>)
      } else {
      }
      %add3A_1191 = arith.constant 1 : i32
      %add3A_1192 = arith.addi %add3A_1125, %add3A_1191 : i32
      %mul3A_1193 = arith.constant 128 : i32
      %mul3A_1194 = arith.muli %add3A_1192, %mul3A_1193 : i32
      %add3A_1195 = arith.addi %mul3A_2, %mul3A_1194 : i32
      %dma_wait3A_1196 = arith.constant 1 : i32
      %dma_wait3A_1197 = arith.constant 0 : i32
      %dma_wait3A_1198 = tpu.memref_slice %arg24[%dma_wait3A_1196, %dma_wait3A_1197] : memref<2x128xi32, #tpu.memory_space<vmem>> -> memref<1x128xi32, #tpu.memory_space<vmem>>
      %dma_wait3A_1199 = tpu.memref_squeeze %dma_wait3A_1198 : memref<1x128xi32, #tpu.memory_space<vmem>> -> memref<128xi32, #tpu.memory_space<vmem>>
      %dma_wait3A_1200 = arith.constant 0 : i32
      %dma_wait3A_1201 = tpu.memref_slice %arg3[%dma_wait3A_1200] : memref<204800xi32, #tpu.memory_space<hbm>> -> memref<128xi32, #tpu.memory_space<hbm>>
      %dma_wait3A_1202 = arith.constant 0 : i32
      %dma_wait3A_1203 = tpu.memref_slice %arg24[%dma_wait3A_1196, %dma_wait3A_1202] : memref<2x128xi32, #tpu.memory_space<vmem>> -> memref<1x128xi32, #tpu.memory_space<vmem>>
      %dma_wait3A_1204 = tpu.memref_squeeze %dma_wait3A_1203 : memref<1x128xi32, #tpu.memory_space<vmem>> -> memref<128xi32, #tpu.memory_space<vmem>>
      %dma_wait3A_1205 = arith.constant 0 : i32
      %dma_wait3A_1206 = tpu.memref_slice %arg3[%dma_wait3A_1205] : memref<204800xi32, #tpu.memory_space<hbm>> -> memref<128xi32, #tpu.memory_space<hbm>>
      tpu.wait_dma2 semaphore(%arg30 : memref<!tpu.dma_semaphore, #tpu.memory_space<semaphore_mem>>) src(%dma_wait3A_1206 : memref<128xi32, #tpu.memory_space<hbm>>) dst(%dma_wait3A_1204 : memref<128xi32, #tpu.memory_space<vmem>>)
      %ge3A_1207 = arith.constant 2 : i32
      %ge3A_1208 = arith.cmpi sge, %add3A_1192, %ge3A_1207 : i32
      %convert_element_type3A_1209 = arith.extui %ge3A_1208 : i1 to i32
      %cond3A_1210 = arith.constant 0 : i32
      %cond3A_1211 = arith.cmpi ne, %convert_element_type3A_1209, %cond3A_1210 : i32
      scf.if %cond3A_1211 {
        %dma_wait3A_1256 = arith.constant 1 : i32
        %dma_wait3A_1257 = arith.constant 0 : i32
        %dma_wait3A_1258 = arith.constant 0 : i32
        %dma_wait3A_1259 = tpu.memref_slice %arg25[%dma_wait3A_1256, %dma_wait3A_1257, %dma_wait3A_1258] : memref<2x128x128xf32, #tpu.memory_space<vmem>> -> memref<1x128x128xf32, #tpu.memory_space<vmem>>
        %dma_wait3A_1260 = tpu.memref_squeeze %dma_wait3A_1259 : memref<1x128x128xf32, #tpu.memory_space<vmem>> -> memref<128x128xf32, #tpu.memory_space<vmem>>
        %dma_wait3A_1261 = arith.constant 0 : i32
        %dma_wait3A_1262 = arith.constant 0 : i32
        %dma_wait3A_1263 = tpu.memref_slice %arg16[%dma_wait3A_1261, %dma_wait3A_1262] : memref<204800x128xf32, #tpu.memory_space<hbm>> -> memref<128x128xf32, #tpu.memory_space<hbm>>
        %dma_wait3A_1264 = arith.constant 0 : i32
        %dma_wait3A_1265 = arith.constant 0 : i32
        %dma_wait3A_1266 = tpu.memref_slice %arg16[%dma_wait3A_1264, %dma_wait3A_1265] : memref<204800x128xf32, #tpu.memory_space<hbm>> -> memref<128x128xf32, #tpu.memory_space<hbm>>
        %dma_wait3A_1267 = arith.constant 0 : i32
        %dma_wait3A_1268 = arith.constant 0 : i32
        %dma_wait3A_1269 = tpu.memref_slice %arg25[%dma_wait3A_1256, %dma_wait3A_1267, %dma_wait3A_1268] : memref<2x128x128xf32, #tpu.memory_space<vmem>> -> memref<1x128x128xf32, #tpu.memory_space<vmem>>
        %dma_wait3A_1270 = tpu.memref_squeeze %dma_wait3A_1269 : memref<1x128x128xf32, #tpu.memory_space<vmem>> -> memref<128x128xf32, #tpu.memory_space<vmem>>
        tpu.wait_dma2 semaphore(%arg28 : memref<!tpu.dma_semaphore, #tpu.memory_space<semaphore_mem>>) src(%dma_wait3A_1270 : memref<128x128xf32, #tpu.memory_space<vmem>>) dst(%dma_wait3A_1266 : memref<128x128xf32, #tpu.memory_space<hbm>>)
      } else {
      }
      %dma_start3A_1212 = arith.constant 1 : i32
      %dma_start3A_1213 = arith.constant 1 : i32
      %dma_start3A_1214 = arith.constant 0 : i32
      %dma_start3A_1215 = arith.constant 0 : i32
      %dma_start3A_1216 = tpu.memref_slice %arg25[%dma_start3A_1213, %dma_start3A_1214, %dma_start3A_1215] : memref<2x128x128xf32, #tpu.memory_space<vmem>> -> memref<1x128x128xf32, #tpu.memory_space<vmem>>
      %dma_start3A_1217 = tpu.memref_squeeze %dma_start3A_1216 : memref<1x128x128xf32, #tpu.memory_space<vmem>> -> memref<128x128xf32, #tpu.memory_space<vmem>>
      %dma_start3A_1218 = arith.constant 0 : i32
      %dma_start3A_1219 = tpu.memref_slice %arg24[%dma_start3A_1212, %dma_start3A_1218] : memref<2x128xi32, #tpu.memory_space<vmem>> -> memref<1x128xi32, #tpu.memory_space<vmem>>
      %dma_start3A_1220 = tpu.memref_squeeze %dma_start3A_1219 : memref<1x128xi32, #tpu.memory_space<vmem>> -> memref<128xi32, #tpu.memory_space<vmem>>
      %dma_start3A_1221 = arith.constant 0 : i32
      %dma_start3A_1222 = arith.constant 0 : i32
      %dma_start3A_1223 = tpu.memref_slice %arg2[%dma_start3A_1221, %dma_start3A_1222] : memref<500000x128xf32, #tpu.memory_space<hbm>> -> memref<500000x128xf32, #tpu.memory_space<hbm>>
      tpu.enqueue_indirect_dma source(%dma_start3A_1223 : memref<500000x128xf32, #tpu.memory_space<hbm>>) target(%dma_start3A_1217 : memref<128x128xf32, #tpu.memory_space<vmem>>) offsets(%dma_start3A_1220 : memref<128xi32, #tpu.memory_space<vmem>>) semaphore(%arg26 : memref<!tpu.dma_semaphore, #tpu.memory_space<semaphore_mem>>)
      %dma_wait3A_1224 = arith.constant 1 : i32
      %dma_wait3A_1225 = arith.constant 1 : i32
      %dma_wait3A_1226 = arith.constant 0 : i32
      %dma_wait3A_1227 = arith.constant 0 : i32
      %dma_wait3A_1228 = tpu.memref_slice %arg25[%dma_wait3A_1225, %dma_wait3A_1226, %dma_wait3A_1227] : memref<2x128x128xf32, #tpu.memory_space<vmem>> -> memref<1x128x128xf32, #tpu.memory_space<vmem>>
      %dma_wait3A_1229 = tpu.memref_squeeze %dma_wait3A_1228 : memref<1x128x128xf32, #tpu.memory_space<vmem>> -> memref<128x128xf32, #tpu.memory_space<vmem>>
      %dma_wait3A_1230 = arith.constant 0 : i32
      %dma_wait3A_1231 = tpu.memref_slice %arg24[%dma_wait3A_1224, %dma_wait3A_1230] : memref<2x128xi32, #tpu.memory_space<vmem>> -> memref<1x128xi32, #tpu.memory_space<vmem>>
      %dma_wait3A_1232 = tpu.memref_squeeze %dma_wait3A_1231 : memref<1x128xi32, #tpu.memory_space<vmem>> -> memref<128xi32, #tpu.memory_space<vmem>>
      %dma_wait3A_1233 = arith.constant 0 : i32
      %dma_wait3A_1234 = arith.constant 0 : i32
      %dma_wait3A_1235 = tpu.memref_slice %arg2[%dma_wait3A_1233, %dma_wait3A_1234] : memref<500000x128xf32, #tpu.memory_space<hbm>> -> memref<500000x128xf32, #tpu.memory_space<hbm>>
      tpu.wait_indirect_dma semaphore(%arg26 : memref<!tpu.dma_semaphore, #tpu.memory_space<semaphore_mem>>) src(%dma_wait3A_1235 : memref<500000x128xf32, #tpu.memory_space<hbm>>) dst(%dma_wait3A_1229 : memref<128x128xf32, #tpu.memory_space<vmem>>)
      %dma_start3A_1236 = arith.constant 1 : i32
      %dma_start3A_1237 = arith.constant 0 : i32
      %dma_start3A_1238 = arith.constant 0 : i32
      %dma_start3A_1239 = tpu.memref_slice %arg25[%dma_start3A_1236, %dma_start3A_1237, %dma_start3A_1238] : memref<2x128x128xf32, #tpu.memory_space<vmem>> -> memref<1x128x128xf32, #tpu.memory_space<vmem>>
      %dma_start3A_1240 = tpu.memref_squeeze %dma_start3A_1239 : memref<1x128x128xf32, #tpu.memory_space<vmem>> -> memref<128x128xf32, #tpu.memory_space<vmem>>
      %dma_start3A_1241 = arith.constant 0 : i32
      %dma_start3A_1242 = tpu.memref_slice %arg16[%add3A_1195, %dma_start3A_1241] : memref<204800x128xf32, #tpu.memory_space<hbm>> -> memref<128x128xf32, #tpu.memory_space<hbm>>
      %dma_start3A_1243 = arith.constant 0 : i32
      %dma_start3A_1244 = tpu.memref_slice %arg16[%add3A_1195, %dma_start3A_1243] : memref<204800x128xf32, #tpu.memory_space<hbm>> -> memref<128x128xf32, #tpu.memory_space<hbm>>
      %dma_start3A_1245 = arith.constant 0 : i32
      %dma_start3A_1246 = arith.constant 0 : i32
      %dma_start3A_1247 = tpu.memref_slice %arg25[%dma_start3A_1236, %dma_start3A_1245, %dma_start3A_1246] : memref<2x128x128xf32, #tpu.memory_space<vmem>> -> memref<1x128x128xf32, #tpu.memory_space<vmem>>
      %dma_start3A_1248 = tpu.memref_squeeze %dma_start3A_1247 : memref<1x128x128xf32, #tpu.memory_space<vmem>> -> memref<128x128xf32, #tpu.memory_space<vmem>>
      tpu.enqueue_dma source(%dma_start3A_1248 : memref<128x128xf32, #tpu.memory_space<vmem>>) target(%dma_start3A_1244 : memref<128x128xf32, #tpu.memory_space<hbm>>) target_semaphore(%arg28 : memref<!tpu.dma_semaphore, #tpu.memory_space<semaphore_mem>>)
      %add3A_1249 = arith.constant 2 : i32
      %add3A_1250 = arith.addi %add3A_1192, %add3A_1249 : i32
      %lt3A_1251 = arith.constant 50 : i32
      %lt3A_1252 = arith.cmpi slt, %add3A_1250, %lt3A_1251 : i32
      %convert_element_type3A_1253 = arith.extui %lt3A_1252 : i1 to i32
      %cond3A_1254 = arith.constant 0 : i32
      %cond3A_1255 = arith.cmpi ne, %convert_element_type3A_1253, %cond3A_1254 : i32
      scf.if %cond3A_1255 {
        %add3A_1256 = arith.constant 256 : i32
        %add3A_1257 = arith.addi %add3A_1195, %add3A_1256 : i32
        %dma_start3A_1258 = arith.constant 1 : i32
        %dma_start3A_1259 = arith.constant 0 : i32
        %dma_start3A_1260 = tpu.memref_slice %arg24[%dma_start3A_1258, %dma_start3A_1259] : memref<2x128xi32, #tpu.memory_space<vmem>> -> memref<1x128xi32, #tpu.memory_space<vmem>>
        %dma_start3A_1261 = tpu.memref_squeeze %dma_start3A_1260 : memref<1x128xi32, #tpu.memory_space<vmem>> -> memref<128xi32, #tpu.memory_space<vmem>>
        %dma_start3A_1262 = tpu.memref_slice %arg3[%add3A_1257] : memref<204800xi32, #tpu.memory_space<hbm>> -> memref<128xi32, #tpu.memory_space<hbm>>
        %dma_start3A_1263 = arith.constant 0 : i32
        %dma_start3A_1264 = tpu.memref_slice %arg24[%dma_start3A_1258, %dma_start3A_1263] : memref<2x128xi32, #tpu.memory_space<vmem>> -> memref<1x128xi32, #tpu.memory_space<vmem>>
        %dma_start3A_1265 = tpu.memref_squeeze %dma_start3A_1264 : memref<1x128xi32, #tpu.memory_space<vmem>> -> memref<128xi32, #tpu.memory_space<vmem>>
        %dma_start3A_1266 = tpu.memref_slice %arg3[%add3A_1257] : memref<204800xi32, #tpu.memory_space<hbm>> -> memref<128xi32, #tpu.memory_space<hbm>>
        tpu.enqueue_dma source(%dma_start3A_1266 : memref<128xi32, #tpu.memory_space<hbm>>) target(%dma_start3A_1265 : memref<128xi32, #tpu.memory_space<vmem>>) target_semaphore(%arg30 : memref<!tpu.dma_semaphore, #tpu.memory_space<semaphore_mem>>)
      } else {
      }
    }
    %scan3A_27 = arith.constant 25 : i32
    %dma_wait3A = arith.constant 0 : i32
    %dma_wait3A_28 = arith.constant 0 : i32
    %dma_wait3A_29 = arith.constant 0 : i32
    %dma_wait3A_30 = tpu.memref_slice %arg25[%dma_wait3A, %dma_wait3A_28, %dma_wait3A_29] : memref<2x128x128xf32, #tpu.memory_space<vmem>> -> memref<1x128x128xf32, #tpu.memory_space<vmem>>
    %dma_wait3A_31 = tpu.memref_squeeze %dma_wait3A_30 : memref<1x128x128xf32, #tpu.memory_space<vmem>> -> memref<128x128xf32, #tpu.memory_space<vmem>>
    %dma_wait3A_32 = arith.constant 0 : i32
    %dma_wait3A_33 = arith.constant 0 : i32
    %dma_wait3A_34 = tpu.memref_slice %arg16[%dma_wait3A_32, %dma_wait3A_33] : memref<204800x128xf32, #tpu.memory_space<hbm>> -> memref<128x128xf32, #tpu.memory_space<hbm>>
    %dma_wait3A_35 = arith.constant 0 : i32
    %dma_wait3A_36 = arith.constant 0 : i32
    %dma_wait3A_37 = tpu.memref_slice %arg16[%dma_wait3A_35, %dma_wait3A_36] : memref<204800x128xf32, #tpu.memory_space<hbm>> -> memref<128x128xf32, #tpu.memory_space<hbm>>
    %dma_wait3A_38 = arith.constant 0 : i32
    %dma_wait3A_39 = arith.constant 0 : i32
    %dma_wait3A_40 = tpu.memref_slice %arg25[%dma_wait3A, %dma_wait3A_38, %dma_wait3A_39] : memref<2x128x128xf32, #tpu.memory_space<vmem>> -> memref<1x128x128xf32, #tpu.memory_space<vmem>>
    %dma_wait3A_41 = tpu.memref_squeeze %dma_wait3A_40 : memref<1x128x128xf32, #tpu.memory_space<vmem>> -> memref<128x128xf32, #tpu.memory_space<vmem>>
    tpu.wait_dma2 semaphore(%arg27 : memref<!tpu.dma_semaphore, #tpu.memory_space<semaphore_mem>>) src(%dma_wait3A_41 : memref<128x128xf32, #tpu.memory_space<vmem>>) dst(%dma_wait3A_37 : memref<128x128xf32, #tpu.memory_space<hbm>>)
    %dma_wait3A_42 = arith.constant 1 : i32
    %dma_wait3A_43 = arith.constant 0 : i32
    %dma_wait3A_44 = arith.constant 0 : i32
    %dma_wait3A_45 = tpu.memref_slice %arg25[%dma_wait3A_42, %dma_wait3A_43, %dma_wait3A_44] : memref<2x128x128xf32, #tpu.memory_space<vmem>> -> memref<1x128x128xf32, #tpu.memory_space<vmem>>
    %dma_wait3A_46 = tpu.memref_squeeze %dma_wait3A_45 : memref<1x128x128xf32, #tpu.memory_space<vmem>> -> memref<128x128xf32, #tpu.memory_space<vmem>>
    %dma_wait3A_47 = arith.constant 0 : i32
    %dma_wait3A_48 = arith.constant 0 : i32
    %dma_wait3A_49 = tpu.memref_slice %arg16[%dma_wait3A_47, %dma_wait3A_48] : memref<204800x128xf32, #tpu.memory_space<hbm>> -> memref<128x128xf32, #tpu.memory_space<hbm>>
    %dma_wait3A_50 = arith.constant 0 : i32
    %dma_wait3A_51 = arith.constant 0 : i32
    %dma_wait3A_52 = tpu.memref_slice %arg16[%dma_wait3A_50, %dma_wait3A_51] : memref<204800x128xf32, #tpu.memory_space<hbm>> -> memref<128x128xf32, #tpu.memory_space<hbm>>
    %dma_wait3A_53 = arith.constant 0 : i32
    %dma_wait3A_54 = arith.constant 0 : i32
    %dma_wait3A_55 = tpu.memref_slice %arg25[%dma_wait3A_42, %dma_wait3A_53, %dma_wait3A_54] : memref<2x128x128xf32, #tpu.memory_space<vmem>> -> memref<1x128x128xf32, #tpu.memory_space<vmem>>
    %dma_wait3A_56 = tpu.memref_squeeze %dma_wait3A_55 : memref<1x128x128xf32, #tpu.memory_space<vmem>> -> memref<128x128xf32, #tpu.memory_space<vmem>>
    tpu.wait_dma2 semaphore(%arg28 : memref<!tpu.dma_semaphore, #tpu.memory_space<semaphore_mem>>) src(%dma_wait3A_56 : memref<128x128xf32, #tpu.memory_space<vmem>>) dst(%dma_wait3A_52 : memref<128x128xf32, #tpu.memory_space<hbm>>)
    %mul3A_57 = arith.constant 6400 : i32
    %mul3A_58 = arith.muli %add3A, %mul3A_57 : i32
    %add3A_59 = arith.constant 0 : i32
    %add3A_60 = arith.addi %mul3A_58, %add3A_59 : i32
    %dma_start3A_61 = arith.constant 0 : i32
    %dma_start3A_62 = arith.constant 0 : i32
    %dma_start3A_63 = tpu.memref_slice %arg24[%dma_start3A_61, %dma_start3A_62] : memref<2x128xi32, #tpu.memory_space<vmem>> -> memref<1x128xi32, #tpu.memory_space<vmem>>
    %dma_start3A_64 = tpu.memref_squeeze %dma_start3A_63 : memref<1x128xi32, #tpu.memory_space<vmem>> -> memref<128xi32, #tpu.memory_space<vmem>>
    %dma_start3A_65 = tpu.memref_slice %arg4[%add3A_60] : memref<204800xi32, #tpu.memory_space<hbm>> -> memref<128xi32, #tpu.memory_space<hbm>>
    %dma_start3A_66 = arith.constant 0 : i32
    %dma_start3A_67 = tpu.memref_slice %arg24[%dma_start3A_61, %dma_start3A_66] : memref<2x128xi32, #tpu.memory_space<vmem>> -> memref<1x128xi32, #tpu.memory_space<vmem>>
    %dma_start3A_68 = tpu.memref_squeeze %dma_start3A_67 : memref<1x128xi32, #tpu.memory_space<vmem>> -> memref<128xi32, #tpu.memory_space<vmem>>
    %dma_start3A_69 = tpu.memref_slice %arg4[%add3A_60] : memref<204800xi32, #tpu.memory_space<hbm>> -> memref<128xi32, #tpu.memory_space<hbm>>
    tpu.enqueue_dma source(%dma_start3A_69 : memref<128xi32, #tpu.memory_space<hbm>>) target(%dma_start3A_68 : memref<128xi32, #tpu.memory_space<vmem>>) target_semaphore(%arg29 : memref<!tpu.dma_semaphore, #tpu.memory_space<semaphore_mem>>)
    %add3A_70 = arith.constant 128 : i32
    %add3A_71 = arith.addi %mul3A_58, %add3A_70 : i32
    %dma_start3A_72 = arith.constant 1 : i32
    %dma_start3A_73 = arith.constant 0 : i32
    %dma_start3A_74 = tpu.memref_slice %arg24[%dma_start3A_72, %dma_start3A_73] : memref<2x128xi32, #tpu.memory_space<vmem>> -> memref<1x128xi32, #tpu.memory_space<vmem>>
    %dma_start3A_75 = tpu.memref_squeeze %dma_start3A_74 : memref<1x128xi32, #tpu.memory_space<vmem>> -> memref<128xi32, #tpu.memory_space<vmem>>
    %dma_start3A_76 = tpu.memref_slice %arg4[%add3A_71] : memref<204800xi32, #tpu.memory_space<hbm>> -> memref<128xi32, #tpu.memory_space<hbm>>
    %dma_start3A_77 = arith.constant 0 : i32
    %dma_start3A_78 = tpu.memref_slice %arg24[%dma_start3A_72, %dma_start3A_77] : memref<2x128xi32, #tpu.memory_space<vmem>> -> memref<1x128xi32, #tpu.memory_space<vmem>>
    %dma_start3A_79 = tpu.memref_squeeze %dma_start3A_78 : memref<1x128xi32, #tpu.memory_space<vmem>> -> memref<128xi32, #tpu.memory_space<vmem>>
    %dma_start3A_80 = tpu.memref_slice %arg4[%add3A_71] : memref<204800xi32, #tpu.memory_space<hbm>> -> memref<128xi32, #tpu.memory_space<hbm>>
    tpu.enqueue_dma source(%dma_start3A_80 : memref<128xi32, #tpu.memory_space<hbm>>) target(%dma_start3A_79 : memref<128xi32, #tpu.memory_space<vmem>>) target_semaphore(%arg30 : memref<!tpu.dma_semaphore, #tpu.memory_space<semaphore_mem>>)
    %scan3A_81 = arith.constant 0 : i32
    %scan3A_82 = arith.constant 25 : i32
    %scan3A_83 = arith.addi %scan3A_81, %scan3A_82 : i32
    %scan3A_84 = arith.constant 1 : i32
    scf.for %scan3A_1121 = %scan3A_81 to %scan3A_83 step %scan3A_84  : i32 {
      %mul3A_1122 = arith.constant 2 : i32
      %mul3A_1123 = arith.muli %scan3A_1121, %mul3A_1122 : i32
      %add3A_1124 = arith.constant 0 : i32
      %add3A_1125 = arith.addi %add3A_1124, %mul3A_1123 : i32
      %add3A_1126 = arith.constant 0 : i32
      %add3A_1127 = arith.addi %add3A_1125, %add3A_1126 : i32
      %mul3A_1128 = arith.constant 128 : i32
      %mul3A_1129 = arith.muli %add3A_1127, %mul3A_1128 : i32
      %add3A_1130 = arith.addi %mul3A_58, %mul3A_1129 : i32
      %dma_wait3A_1131 = arith.constant 0 : i32
      %dma_wait3A_1132 = arith.constant 0 : i32
      %dma_wait3A_1133 = tpu.memref_slice %arg24[%dma_wait3A_1131, %dma_wait3A_1132] : memref<2x128xi32, #tpu.memory_space<vmem>> -> memref<1x128xi32, #tpu.memory_space<vmem>>
      %dma_wait3A_1134 = tpu.memref_squeeze %dma_wait3A_1133 : memref<1x128xi32, #tpu.memory_space<vmem>> -> memref<128xi32, #tpu.memory_space<vmem>>
      %dma_wait3A_1135 = arith.constant 0 : i32
      %dma_wait3A_1136 = tpu.memref_slice %arg4[%dma_wait3A_1135] : memref<204800xi32, #tpu.memory_space<hbm>> -> memref<128xi32, #tpu.memory_space<hbm>>
      %dma_wait3A_1137 = arith.constant 0 : i32
      %dma_wait3A_1138 = tpu.memref_slice %arg24[%dma_wait3A_1131, %dma_wait3A_1137] : memref<2x128xi32, #tpu.memory_space<vmem>> -> memref<1x128xi32, #tpu.memory_space<vmem>>
      %dma_wait3A_1139 = tpu.memref_squeeze %dma_wait3A_1138 : memref<1x128xi32, #tpu.memory_space<vmem>> -> memref<128xi32, #tpu.memory_space<vmem>>
      %dma_wait3A_1140 = arith.constant 0 : i32
      %dma_wait3A_1141 = tpu.memref_slice %arg4[%dma_wait3A_1140] : memref<204800xi32, #tpu.memory_space<hbm>> -> memref<128xi32, #tpu.memory_space<hbm>>
      tpu.wait_dma2 semaphore(%arg29 : memref<!tpu.dma_semaphore, #tpu.memory_space<semaphore_mem>>) src(%dma_wait3A_1141 : memref<128xi32, #tpu.memory_space<hbm>>) dst(%dma_wait3A_1139 : memref<128xi32, #tpu.memory_space<vmem>>)
      %ge3A_1142 = arith.constant 2 : i32
      %ge3A_1143 = arith.cmpi sge, %add3A_1127, %ge3A_1142 : i32
      %convert_element_type3A_1144 = arith.extui %ge3A_1143 : i1 to i32
      %cond3A_1145 = arith.constant 0 : i32
      %cond3A_1146 = arith.cmpi ne, %convert_element_type3A_1144, %cond3A_1145 : i32
      scf.if %cond3A_1146 {
        %dma_wait3A_1256 = arith.constant 0 : i32
        %dma_wait3A_1257 = arith.constant 0 : i32
        %dma_wait3A_1258 = arith.constant 0 : i32
        %dma_wait3A_1259 = tpu.memref_slice %arg25[%dma_wait3A_1256, %dma_wait3A_1257, %dma_wait3A_1258] : memref<2x128x128xf32, #tpu.memory_space<vmem>> -> memref<1x128x128xf32, #tpu.memory_space<vmem>>
        %dma_wait3A_1260 = tpu.memref_squeeze %dma_wait3A_1259 : memref<1x128x128xf32, #tpu.memory_space<vmem>> -> memref<128x128xf32, #tpu.memory_space<vmem>>
        %dma_wait3A_1261 = arith.constant 0 : i32
        %dma_wait3A_1262 = arith.constant 0 : i32
        %dma_wait3A_1263 = tpu.memref_slice %arg17[%dma_wait3A_1261, %dma_wait3A_1262] : memref<204800x128xf32, #tpu.memory_space<hbm>> -> memref<128x128xf32, #tpu.memory_space<hbm>>
        %dma_wait3A_1264 = arith.constant 0 : i32
        %dma_wait3A_1265 = arith.constant 0 : i32
        %dma_wait3A_1266 = tpu.memref_slice %arg17[%dma_wait3A_1264, %dma_wait3A_1265] : memref<204800x128xf32, #tpu.memory_space<hbm>> -> memref<128x128xf32, #tpu.memory_space<hbm>>
        %dma_wait3A_1267 = arith.constant 0 : i32
        %dma_wait3A_1268 = arith.constant 0 : i32
        %dma_wait3A_1269 = tpu.memref_slice %arg25[%dma_wait3A_1256, %dma_wait3A_1267, %dma_wait3A_1268] : memref<2x128x128xf32, #tpu.memory_space<vmem>> -> memref<1x128x128xf32, #tpu.memory_space<vmem>>
        %dma_wait3A_1270 = tpu.memref_squeeze %dma_wait3A_1269 : memref<1x128x128xf32, #tpu.memory_space<vmem>> -> memref<128x128xf32, #tpu.memory_space<vmem>>
        tpu.wait_dma2 semaphore(%arg27 : memref<!tpu.dma_semaphore, #tpu.memory_space<semaphore_mem>>) src(%dma_wait3A_1270 : memref<128x128xf32, #tpu.memory_space<vmem>>) dst(%dma_wait3A_1266 : memref<128x128xf32, #tpu.memory_space<hbm>>)
      } else {
      }
      %dma_start3A_1147 = arith.constant 0 : i32
      %dma_start3A_1148 = arith.constant 0 : i32
      %dma_start3A_1149 = arith.constant 0 : i32
      %dma_start3A_1150 = arith.constant 0 : i32
      %dma_start3A_1151 = tpu.memref_slice %arg25[%dma_start3A_1148, %dma_start3A_1149, %dma_start3A_1150] : memref<2x128x128xf32, #tpu.memory_space<vmem>> -> memref<1x128x128xf32, #tpu.memory_space<vmem>>
      %dma_start3A_1152 = tpu.memref_squeeze %dma_start3A_1151 : memref<1x128x128xf32, #tpu.memory_space<vmem>> -> memref<128x128xf32, #tpu.memory_space<vmem>>
      %dma_start3A_1153 = arith.constant 0 : i32
      %dma_start3A_1154 = tpu.memref_slice %arg24[%dma_start3A_1147, %dma_start3A_1153] : memref<2x128xi32, #tpu.memory_space<vmem>> -> memref<1x128xi32, #tpu.memory_space<vmem>>
      %dma_start3A_1155 = tpu.memref_squeeze %dma_start3A_1154 : memref<1x128xi32, #tpu.memory_space<vmem>> -> memref<128xi32, #tpu.memory_space<vmem>>
      %dma_start3A_1156 = arith.constant 0 : i32
      %dma_start3A_1157 = arith.constant 0 : i32
      %dma_start3A_1158 = tpu.memref_slice %arg2[%dma_start3A_1156, %dma_start3A_1157] : memref<500000x128xf32, #tpu.memory_space<hbm>> -> memref<500000x128xf32, #tpu.memory_space<hbm>>
      tpu.enqueue_indirect_dma source(%dma_start3A_1158 : memref<500000x128xf32, #tpu.memory_space<hbm>>) target(%dma_start3A_1152 : memref<128x128xf32, #tpu.memory_space<vmem>>) offsets(%dma_start3A_1155 : memref<128xi32, #tpu.memory_space<vmem>>) semaphore(%arg26 : memref<!tpu.dma_semaphore, #tpu.memory_space<semaphore_mem>>)
      %dma_wait3A_1159 = arith.constant 0 : i32
      %dma_wait3A_1160 = arith.constant 0 : i32
      %dma_wait3A_1161 = arith.constant 0 : i32
      %dma_wait3A_1162 = arith.constant 0 : i32
      %dma_wait3A_1163 = tpu.memref_slice %arg25[%dma_wait3A_1160, %dma_wait3A_1161, %dma_wait3A_1162] : memref<2x128x128xf32, #tpu.memory_space<vmem>> -> memref<1x128x128xf32, #tpu.memory_space<vmem>>
      %dma_wait3A_1164 = tpu.memref_squeeze %dma_wait3A_1163 : memref<1x128x128xf32, #tpu.memory_space<vmem>> -> memref<128x128xf32, #tpu.memory_space<vmem>>
      %dma_wait3A_1165 = arith.constant 0 : i32
      %dma_wait3A_1166 = tpu.memref_slice %arg24[%dma_wait3A_1159, %dma_wait3A_1165] : memref<2x128xi32, #tpu.memory_space<vmem>> -> memref<1x128xi32, #tpu.memory_space<vmem>>
      %dma_wait3A_1167 = tpu.memref_squeeze %dma_wait3A_1166 : memref<1x128xi32, #tpu.memory_space<vmem>> -> memref<128xi32, #tpu.memory_space<vmem>>
      %dma_wait3A_1168 = arith.constant 0 : i32
      %dma_wait3A_1169 = arith.constant 0 : i32
      %dma_wait3A_1170 = tpu.memref_slice %arg2[%dma_wait3A_1168, %dma_wait3A_1169] : memref<500000x128xf32, #tpu.memory_space<hbm>> -> memref<500000x128xf32, #tpu.memory_space<hbm>>
      tpu.wait_indirect_dma semaphore(%arg26 : memref<!tpu.dma_semaphore, #tpu.memory_space<semaphore_mem>>) src(%dma_wait3A_1170 : memref<500000x128xf32, #tpu.memory_space<hbm>>) dst(%dma_wait3A_1164 : memref<128x128xf32, #tpu.memory_space<vmem>>)
      %dma_start3A_1171 = arith.constant 0 : i32
      %dma_start3A_1172 = arith.constant 0 : i32
      %dma_start3A_1173 = arith.constant 0 : i32
      %dma_start3A_1174 = tpu.memref_slice %arg25[%dma_start3A_1171, %dma_start3A_1172, %dma_start3A_1173] : memref<2x128x128xf32, #tpu.memory_space<vmem>> -> memref<1x128x128xf32, #tpu.memory_space<vmem>>
      %dma_start3A_1175 = tpu.memref_squeeze %dma_start3A_1174 : memref<1x128x128xf32, #tpu.memory_space<vmem>> -> memref<128x128xf32, #tpu.memory_space<vmem>>
      %dma_start3A_1176 = arith.constant 0 : i32
      %dma_start3A_1177 = tpu.memref_slice %arg17[%add3A_1130, %dma_start3A_1176] : memref<204800x128xf32, #tpu.memory_space<hbm>> -> memref<128x128xf32, #tpu.memory_space<hbm>>
      %dma_start3A_1178 = arith.constant 0 : i32
      %dma_start3A_1179 = tpu.memref_slice %arg17[%add3A_1130, %dma_start3A_1178] : memref<204800x128xf32, #tpu.memory_space<hbm>> -> memref<128x128xf32, #tpu.memory_space<hbm>>
      %dma_start3A_1180 = arith.constant 0 : i32
      %dma_start3A_1181 = arith.constant 0 : i32
      %dma_start3A_1182 = tpu.memref_slice %arg25[%dma_start3A_1171, %dma_start3A_1180, %dma_start3A_1181] : memref<2x128x128xf32, #tpu.memory_space<vmem>> -> memref<1x128x128xf32, #tpu.memory_space<vmem>>
      %dma_start3A_1183 = tpu.memref_squeeze %dma_start3A_1182 : memref<1x128x128xf32, #tpu.memory_space<vmem>> -> memref<128x128xf32, #tpu.memory_space<vmem>>
      tpu.enqueue_dma source(%dma_start3A_1183 : memref<128x128xf32, #tpu.memory_space<vmem>>) target(%dma_start3A_1179 : memref<128x128xf32, #tpu.memory_space<hbm>>) target_semaphore(%arg27 : memref<!tpu.dma_semaphore, #tpu.memory_space<semaphore_mem>>)
      %add3A_1184 = arith.constant 2 : i32
      %add3A_1185 = arith.addi %add3A_1127, %add3A_1184 : i32
      %lt3A_1186 = arith.constant 50 : i32
      %lt3A_1187 = arith.cmpi slt, %add3A_1185, %lt3A_1186 : i32
      %convert_element_type3A_1188 = arith.extui %lt3A_1187 : i1 to i32
      %cond3A_1189 = arith.constant 0 : i32
      %cond3A_1190 = arith.cmpi ne, %convert_element_type3A_1188, %cond3A_1189 : i32
      scf.if %cond3A_1190 {
        %add3A_1256 = arith.constant 256 : i32
        %add3A_1257 = arith.addi %add3A_1130, %add3A_1256 : i32
        %dma_start3A_1258 = arith.constant 0 : i32
        %dma_start3A_1259 = arith.constant 0 : i32
        %dma_start3A_1260 = tpu.memref_slice %arg24[%dma_start3A_1258, %dma_start3A_1259] : memref<2x128xi32, #tpu.memory_space<vmem>> -> memref<1x128xi32, #tpu.memory_space<vmem>>
        %dma_start3A_1261 = tpu.memref_squeeze %dma_start3A_1260 : memref<1x128xi32, #tpu.memory_space<vmem>> -> memref<128xi32, #tpu.memory_space<vmem>>
        %dma_start3A_1262 = tpu.memref_slice %arg4[%add3A_1257] : memref<204800xi32, #tpu.memory_space<hbm>> -> memref<128xi32, #tpu.memory_space<hbm>>
        %dma_start3A_1263 = arith.constant 0 : i32
        %dma_start3A_1264 = tpu.memref_slice %arg24[%dma_start3A_1258, %dma_start3A_1263] : memref<2x128xi32, #tpu.memory_space<vmem>> -> memref<1x128xi32, #tpu.memory_space<vmem>>
        %dma_start3A_1265 = tpu.memref_squeeze %dma_start3A_1264 : memref<1x128xi32, #tpu.memory_space<vmem>> -> memref<128xi32, #tpu.memory_space<vmem>>
        %dma_start3A_1266 = tpu.memref_slice %arg4[%add3A_1257] : memref<204800xi32, #tpu.memory_space<hbm>> -> memref<128xi32, #tpu.memory_space<hbm>>
        tpu.enqueue_dma source(%dma_start3A_1266 : memref<128xi32, #tpu.memory_space<hbm>>) target(%dma_start3A_1265 : memref<128xi32, #tpu.memory_space<vmem>>) target_semaphore(%arg29 : memref<!tpu.dma_semaphore, #tpu.memory_space<semaphore_mem>>)
      } else {
      }
      %add3A_1191 = arith.constant 1 : i32
      %add3A_1192 = arith.addi %add3A_1125, %add3A_1191 : i32
      %mul3A_1193 = arith.constant 128 : i32
      %mul3A_1194 = arith.muli %add3A_1192, %mul3A_1193 : i32
      %add3A_1195 = arith.addi %mul3A_58, %mul3A_1194 : i32
      %dma_wait3A_1196 = arith.constant 1 : i32
      %dma_wait3A_1197 = arith.constant 0 : i32
      %dma_wait3A_1198 = tpu.memref_slice %arg24[%dma_wait3A_1196, %dma_wait3A_1197] : memref<2x128xi32, #tpu.memory_space<vmem>> -> memref<1x128xi32, #tpu.memory_space<vmem>>
      %dma_wait3A_1199 = tpu.memref_squeeze %dma_wait3A_1198 : memref<1x128xi32, #tpu.memory_space<vmem>> -> memref<128xi32, #tpu.memory_space<vmem>>
      %dma_wait3A_1200 = arith.constant 0 : i32
      %dma_wait3A_1201 = tpu.memref_slice %arg4[%dma_wait3A_1200] : memref<204800xi32, #tpu.memory_space<hbm>> -> memref<128xi32, #tpu.memory_space<hbm>>
      %dma_wait3A_1202 = arith.constant 0 : i32
      %dma_wait3A_1203 = tpu.memref_slice %arg24[%dma_wait3A_1196, %dma_wait3A_1202] : memref<2x128xi32, #tpu.memory_space<vmem>> -> memref<1x128xi32, #tpu.memory_space<vmem>>
      %dma_wait3A_1204 = tpu.memref_squeeze %dma_wait3A_1203 : memref<1x128xi32, #tpu.memory_space<vmem>> -> memref<128xi32, #tpu.memory_space<vmem>>
      %dma_wait3A_1205 = arith.constant 0 : i32
      %dma_wait3A_1206 = tpu.memref_slice %arg4[%dma_wait3A_1205] : memref<204800xi32, #tpu.memory_space<hbm>> -> memref<128xi32, #tpu.memory_space<hbm>>
      tpu.wait_dma2 semaphore(%arg30 : memref<!tpu.dma_semaphore, #tpu.memory_space<semaphore_mem>>) src(%dma_wait3A_1206 : memref<128xi32, #tpu.memory_space<hbm>>) dst(%dma_wait3A_1204 : memref<128xi32, #tpu.memory_space<vmem>>)
      %ge3A_1207 = arith.constant 2 : i32
      %ge3A_1208 = arith.cmpi sge, %add3A_1192, %ge3A_1207 : i32
      %convert_element_type3A_1209 = arith.extui %ge3A_1208 : i1 to i32
      %cond3A_1210 = arith.constant 0 : i32
      %cond3A_1211 = arith.cmpi ne, %convert_element_type3A_1209, %cond3A_1210 : i32
      scf.if %cond3A_1211 {
        %dma_wait3A_1256 = arith.constant 1 : i32
        %dma_wait3A_1257 = arith.constant 0 : i32
        %dma_wait3A_1258 = arith.constant 0 : i32
        %dma_wait3A_1259 = tpu.memref_slice %arg25[%dma_wait3A_1256, %dma_wait3A_1257, %dma_wait3A_1258] : memref<2x128x128xf32, #tpu.memory_space<vmem>> -> memref<1x128x128xf32, #tpu.memory_space<vmem>>
        %dma_wait3A_1260 = tpu.memref_squeeze %dma_wait3A_1259 : memref<1x128x128xf32, #tpu.memory_space<vmem>> -> memref<128x128xf32, #tpu.memory_space<vmem>>
        %dma_wait3A_1261 = arith.constant 0 : i32
        %dma_wait3A_1262 = arith.constant 0 : i32
        %dma_wait3A_1263 = tpu.memref_slice %arg17[%dma_wait3A_1261, %dma_wait3A_1262] : memref<204800x128xf32, #tpu.memory_space<hbm>> -> memref<128x128xf32, #tpu.memory_space<hbm>>
        %dma_wait3A_1264 = arith.constant 0 : i32
        %dma_wait3A_1265 = arith.constant 0 : i32
        %dma_wait3A_1266 = tpu.memref_slice %arg17[%dma_wait3A_1264, %dma_wait3A_1265] : memref<204800x128xf32, #tpu.memory_space<hbm>> -> memref<128x128xf32, #tpu.memory_space<hbm>>
        %dma_wait3A_1267 = arith.constant 0 : i32
        %dma_wait3A_1268 = arith.constant 0 : i32
        %dma_wait3A_1269 = tpu.memref_slice %arg25[%dma_wait3A_1256, %dma_wait3A_1267, %dma_wait3A_1268] : memref<2x128x128xf32, #tpu.memory_space<vmem>> -> memref<1x128x128xf32, #tpu.memory_space<vmem>>
        %dma_wait3A_1270 = tpu.memref_squeeze %dma_wait3A_1269 : memref<1x128x128xf32, #tpu.memory_space<vmem>> -> memref<128x128xf32, #tpu.memory_space<vmem>>
        tpu.wait_dma2 semaphore(%arg28 : memref<!tpu.dma_semaphore, #tpu.memory_space<semaphore_mem>>) src(%dma_wait3A_1270 : memref<128x128xf32, #tpu.memory_space<vmem>>) dst(%dma_wait3A_1266 : memref<128x128xf32, #tpu.memory_space<hbm>>)
      } else {
      }
      %dma_start3A_1212 = arith.constant 1 : i32
      %dma_start3A_1213 = arith.constant 1 : i32
      %dma_start3A_1214 = arith.constant 0 : i32
      %dma_start3A_1215 = arith.constant 0 : i32
      %dma_start3A_1216 = tpu.memref_slice %arg25[%dma_start3A_1213, %dma_start3A_1214, %dma_start3A_1215] : memref<2x128x128xf32, #tpu.memory_space<vmem>> -> memref<1x128x128xf32, #tpu.memory_space<vmem>>
      %dma_start3A_1217 = tpu.memref_squeeze %dma_start3A_1216 : memref<1x128x128xf32, #tpu.memory_space<vmem>> -> memref<128x128xf32, #tpu.memory_space<vmem>>
      %dma_start3A_1218 = arith.constant 0 : i32
      %dma_start3A_1219 = tpu.memref_slice %arg24[%dma_start3A_1212, %dma_start3A_1218] : memref<2x128xi32, #tpu.memory_space<vmem>> -> memref<1x128xi32, #tpu.memory_space<vmem>>
      %dma_start3A_1220 = tpu.memref_squeeze %dma_start3A_1219 : memref<1x128xi32, #tpu.memory_space<vmem>> -> memref<128xi32, #tpu.memory_space<vmem>>
      %dma_start3A_1221 = arith.constant 0 : i32
      %dma_start3A_1222 = arith.constant 0 : i32
      %dma_start3A_1223 = tpu.memref_slice %arg2[%dma_start3A_1221, %dma_start3A_1222] : memref<500000x128xf32, #tpu.memory_space<hbm>> -> memref<500000x128xf32, #tpu.memory_space<hbm>>
      tpu.enqueue_indirect_dma source(%dma_start3A_1223 : memref<500000x128xf32, #tpu.memory_space<hbm>>) target(%dma_start3A_1217 : memref<128x128xf32, #tpu.memory_space<vmem>>) offsets(%dma_start3A_1220 : memref<128xi32, #tpu.memory_space<vmem>>) semaphore(%arg26 : memref<!tpu.dma_semaphore, #tpu.memory_space<semaphore_mem>>)
      %dma_wait3A_1224 = arith.constant 1 : i32
      %dma_wait3A_1225 = arith.constant 1 : i32
      %dma_wait3A_1226 = arith.constant 0 : i32
      %dma_wait3A_1227 = arith.constant 0 : i32
      %dma_wait3A_1228 = tpu.memref_slice %arg25[%dma_wait3A_1225, %dma_wait3A_1226, %dma_wait3A_1227] : memref<2x128x128xf32, #tpu.memory_space<vmem>> -> memref<1x128x128xf32, #tpu.memory_space<vmem>>
      %dma_wait3A_1229 = tpu.memref_squeeze %dma_wait3A_1228 : memref<1x128x128xf32, #tpu.memory_space<vmem>> -> memref<128x128xf32, #tpu.memory_space<vmem>>
      %dma_wait3A_1230 = arith.constant 0 : i32
      %dma_wait3A_1231 = tpu.memref_slice %arg24[%dma_wait3A_1224, %dma_wait3A_1230] : memref<2x128xi32, #tpu.memory_space<vmem>> -> memref<1x128xi32, #tpu.memory_space<vmem>>
      %dma_wait3A_1232 = tpu.memref_squeeze %dma_wait3A_1231 : memref<1x128xi32, #tpu.memory_space<vmem>> -> memref<128xi32, #tpu.memory_space<vmem>>
      %dma_wait3A_1233 = arith.constant 0 : i32
      %dma_wait3A_1234 = arith.constant 0 : i32
      %dma_wait3A_1235 = tpu.memref_slice %arg2[%dma_wait3A_1233, %dma_wait3A_1234] : memref<500000x128xf32, #tpu.memory_space<hbm>> -> memref<500000x128xf32, #tpu.memory_space<hbm>>
      tpu.wait_indirect_dma semaphore(%arg26 : memref<!tpu.dma_semaphore, #tpu.memory_space<semaphore_mem>>) src(%dma_wait3A_1235 : memref<500000x128xf32, #tpu.memory_space<hbm>>) dst(%dma_wait3A_1229 : memref<128x128xf32, #tpu.memory_space<vmem>>)
      %dma_start3A_1236 = arith.constant 1 : i32
      %dma_start3A_1237 = arith.constant 0 : i32
      %dma_start3A_1238 = arith.constant 0 : i32
      %dma_start3A_1239 = tpu.memref_slice %arg25[%dma_start3A_1236, %dma_start3A_1237, %dma_start3A_1238] : memref<2x128x128xf32, #tpu.memory_space<vmem>> -> memref<1x128x128xf32, #tpu.memory_space<vmem>>
      %dma_start3A_1240 = tpu.memref_squeeze %dma_start3A_1239 : memref<1x128x128xf32, #tpu.memory_space<vmem>> -> memref<128x128xf32, #tpu.memory_space<vmem>>
      %dma_start3A_1241 = arith.constant 0 : i32
      %dma_start3A_1242 = tpu.memref_slice %arg17[%add3A_1195, %dma_start3A_1241] : memref<204800x128xf32, #tpu.memory_space<hbm>> -> memref<128x128xf32, #tpu.memory_space<hbm>>
      %dma_start3A_1243 = arith.constant 0 : i32
      %dma_start3A_1244 = tpu.memref_slice %arg17[%add3A_1195, %dma_start3A_1243] : memref<204800x128xf32, #tpu.memory_space<hbm>> -> memref<128x128xf32, #tpu.memory_space<hbm>>
      %dma_start3A_1245 = arith.constant 0 : i32
      %dma_start3A_1246 = arith.constant 0 : i32
      %dma_start3A_1247 = tpu.memref_slice %arg25[%dma_start3A_1236, %dma_start3A_1245, %dma_start3A_1246] : memref<2x128x128xf32, #tpu.memory_space<vmem>> -> memref<1x128x128xf32, #tpu.memory_space<vmem>>
      %dma_start3A_1248 = tpu.memref_squeeze %dma_start3A_1247 : memref<1x128x128xf32, #tpu.memory_space<vmem>> -> memref<128x128xf32, #tpu.memory_space<vmem>>
      tpu.enqueue_dma source(%dma_start3A_1248 : memref<128x128xf32, #tpu.memory_space<vmem>>) target(%dma_start3A_1244 : memref<128x128xf32, #tpu.memory_space<hbm>>) target_semaphore(%arg28 : memref<!tpu.dma_semaphore, #tpu.memory_space<semaphore_mem>>)
      %add3A_1249 = arith.constant 2 : i32
      %add3A_1250 = arith.addi %add3A_1192, %add3A_1249 : i32
      %lt3A_1251 = arith.constant 50 : i32
      %lt3A_1252 = arith.cmpi slt, %add3A_1250, %lt3A_1251 : i32
      %convert_element_type3A_1253 = arith.extui %lt3A_1252 : i1 to i32
      %cond3A_1254 = arith.constant 0 : i32
      %cond3A_1255 = arith.cmpi ne, %convert_element_type3A_1253, %cond3A_1254 : i32
      scf.if %cond3A_1255 {
        %add3A_1256 = arith.constant 256 : i32
        %add3A_1257 = arith.addi %add3A_1195, %add3A_1256 : i32
        %dma_start3A_1258 = arith.constant 1 : i32
        %dma_start3A_1259 = arith.constant 0 : i32
        %dma_start3A_1260 = tpu.memref_slice %arg24[%dma_start3A_1258, %dma_start3A_1259] : memref<2x128xi32, #tpu.memory_space<vmem>> -> memref<1x128xi32, #tpu.memory_space<vmem>>
        %dma_start3A_1261 = tpu.memref_squeeze %dma_start3A_1260 : memref<1x128xi32, #tpu.memory_space<vmem>> -> memref<128xi32, #tpu.memory_space<vmem>>
        %dma_start3A_1262 = tpu.memref_slice %arg4[%add3A_1257] : memref<204800xi32, #tpu.memory_space<hbm>> -> memref<128xi32, #tpu.memory_space<hbm>>
        %dma_start3A_1263 = arith.constant 0 : i32
        %dma_start3A_1264 = tpu.memref_slice %arg24[%dma_start3A_1258, %dma_start3A_1263] : memref<2x128xi32, #tpu.memory_space<vmem>> -> memref<1x128xi32, #tpu.memory_space<vmem>>
        %dma_start3A_1265 = tpu.memref_squeeze %dma_start3A_1264 : memref<1x128xi32, #tpu.memory_space<vmem>> -> memref<128xi32, #tpu.memory_space<vmem>>
        %dma_start3A_1266 = tpu.memref_slice %arg4[%add3A_1257] : memref<204800xi32, #tpu.memory_space<hbm>> -> memref<128xi32, #tpu.memory_space<hbm>>
        tpu.enqueue_dma source(%dma_start3A_1266 : memref<128xi32, #tpu.memory_space<hbm>>) target(%dma_start3A_1265 : memref<128xi32, #tpu.memory_space<vmem>>) target_semaphore(%arg30 : memref<!tpu.dma_semaphore, #tpu.memory_space<semaphore_mem>>)
      } else {
      }
    }
    %scan3A_85 = arith.constant 25 : i32
    %dma_wait3A_86 = arith.constant 0 : i32
    %dma_wait3A_87 = arith.constant 0 : i32
    %dma_wait3A_88 = arith.constant 0 : i32
    %dma_wait3A_89 = tpu.memref_slice %arg25[%dma_wait3A_86, %dma_wait3A_87, %dma_wait3A_88] : memref<2x128x128xf32, #tpu.memory_space<vmem>> -> memref<1x128x128xf32, #tpu.memory_space<vmem>>
    %dma_wait3A_90 = tpu.memref_squeeze %dma_wait3A_89 : memref<1x128x128xf32, #tpu.memory_space<vmem>> -> memref<128x128xf32, #tpu.memory_space<vmem>>
    %dma_wait3A_91 = arith.constant 0 : i32
    %dma_wait3A_92 = arith.constant 0 : i32
    %dma_wait3A_93 = tpu.memref_slice %arg17[%dma_wait3A_91, %dma_wait3A_92] : memref<204800x128xf32, #tpu.memory_space<hbm>> -> memref<128x128xf32, #tpu.memory_space<hbm>>
    %dma_wait3A_94 = arith.constant 0 : i32
    %dma_wait3A_95 = arith.constant 0 : i32
    %dma_wait3A_96 = tpu.memref_slice %arg17[%dma_wait3A_94, %dma_wait3A_95] : memref<204800x128xf32, #tpu.memory_space<hbm>> -> memref<128x128xf32, #tpu.memory_space<hbm>>
    %dma_wait3A_97 = arith.constant 0 : i32
    %dma_wait3A_98 = arith.constant 0 : i32
    %dma_wait3A_99 = tpu.memref_slice %arg25[%dma_wait3A_86, %dma_wait3A_97, %dma_wait3A_98] : memref<2x128x128xf32, #tpu.memory_space<vmem>> -> memref<1x128x128xf32, #tpu.memory_space<vmem>>
    %dma_wait3A_100 = tpu.memref_squeeze %dma_wait3A_99 : memref<1x128x128xf32, #tpu.memory_space<vmem>> -> memref<128x128xf32, #tpu.memory_space<vmem>>
    tpu.wait_dma2 semaphore(%arg27 : memref<!tpu.dma_semaphore, #tpu.memory_space<semaphore_mem>>) src(%dma_wait3A_100 : memref<128x128xf32, #tpu.memory_space<vmem>>) dst(%dma_wait3A_96 : memref<128x128xf32, #tpu.memory_space<hbm>>)
    %dma_wait3A_101 = arith.constant 1 : i32
    %dma_wait3A_102 = arith.constant 0 : i32
    %dma_wait3A_103 = arith.constant 0 : i32
    %dma_wait3A_104 = tpu.memref_slice %arg25[%dma_wait3A_101, %dma_wait3A_102, %dma_wait3A_103] : memref<2x128x128xf32, #tpu.memory_space<vmem>> -> memref<1x128x128xf32, #tpu.memory_space<vmem>>
    %dma_wait3A_105 = tpu.memref_squeeze %dma_wait3A_104 : memref<1x128x128xf32, #tpu.memory_space<vmem>> -> memref<128x128xf32, #tpu.memory_space<vmem>>
    %dma_wait3A_106 = arith.constant 0 : i32
    %dma_wait3A_107 = arith.constant 0 : i32
    %dma_wait3A_108 = tpu.memref_slice %arg17[%dma_wait3A_106, %dma_wait3A_107] : memref<204800x128xf32, #tpu.memory_space<hbm>> -> memref<128x128xf32, #tpu.memory_space<hbm>>
    %dma_wait3A_109 = arith.constant 0 : i32
    %dma_wait3A_110 = arith.constant 0 : i32
    %dma_wait3A_111 = tpu.memref_slice %arg17[%dma_wait3A_109, %dma_wait3A_110] : memref<204800x128xf32, #tpu.memory_space<hbm>> -> memref<128x128xf32, #tpu.memory_space<hbm>>
    %dma_wait3A_112 = arith.constant 0 : i32
    %dma_wait3A_113 = arith.constant 0 : i32
    %dma_wait3A_114 = tpu.memref_slice %arg25[%dma_wait3A_101, %dma_wait3A_112, %dma_wait3A_113] : memref<2x128x128xf32, #tpu.memory_space<vmem>> -> memref<1x128x128xf32, #tpu.memory_space<vmem>>
    %dma_wait3A_115 = tpu.memref_squeeze %dma_wait3A_114 : memref<1x128x128xf32, #tpu.memory_space<vmem>> -> memref<128x128xf32, #tpu.memory_space<vmem>>
    tpu.wait_dma2 semaphore(%arg28 : memref<!tpu.dma_semaphore, #tpu.memory_space<semaphore_mem>>) src(%dma_wait3A_115 : memref<128x128xf32, #tpu.memory_space<vmem>>) dst(%dma_wait3A_111 : memref<128x128xf32, #tpu.memory_space<hbm>>)
    %mul3A_116 = arith.constant 6400 : i32
    %mul3A_117 = arith.muli %add3A, %mul3A_116 : i32
    %add3A_118 = arith.constant 0 : i32
    %add3A_119 = arith.addi %mul3A_117, %add3A_118 : i32
    %dma_start3A_120 = arith.constant 0 : i32
    %dma_start3A_121 = arith.constant 0 : i32
    %dma_start3A_122 = tpu.memref_slice %arg24[%dma_start3A_120, %dma_start3A_121] : memref<2x128xi32, #tpu.memory_space<vmem>> -> memref<1x128xi32, #tpu.memory_space<vmem>>
    %dma_start3A_123 = tpu.memref_squeeze %dma_start3A_122 : memref<1x128xi32, #tpu.memory_space<vmem>> -> memref<128xi32, #tpu.memory_space<vmem>>
    %dma_start3A_124 = tpu.memref_slice %arg5[%add3A_119] : memref<204800xi32, #tpu.memory_space<hbm>> -> memref<128xi32, #tpu.memory_space<hbm>>
    %dma_start3A_125 = arith.constant 0 : i32
    %dma_start3A_126 = tpu.memref_slice %arg24[%dma_start3A_120, %dma_start3A_125] : memref<2x128xi32, #tpu.memory_space<vmem>> -> memref<1x128xi32, #tpu.memory_space<vmem>>
    %dma_start3A_127 = tpu.memref_squeeze %dma_start3A_126 : memref<1x128xi32, #tpu.memory_space<vmem>> -> memref<128xi32, #tpu.memory_space<vmem>>
    %dma_start3A_128 = tpu.memref_slice %arg5[%add3A_119] : memref<204800xi32, #tpu.memory_space<hbm>> -> memref<128xi32, #tpu.memory_space<hbm>>
    tpu.enqueue_dma source(%dma_start3A_128 : memref<128xi32, #tpu.memory_space<hbm>>) target(%dma_start3A_127 : memref<128xi32, #tpu.memory_space<vmem>>) target_semaphore(%arg29 : memref<!tpu.dma_semaphore, #tpu.memory_space<semaphore_mem>>)
    %add3A_129 = arith.constant 128 : i32
    %add3A_130 = arith.addi %mul3A_117, %add3A_129 : i32
    %dma_start3A_131 = arith.constant 1 : i32
    %dma_start3A_132 = arith.constant 0 : i32
    %dma_start3A_133 = tpu.memref_slice %arg24[%dma_start3A_131, %dma_start3A_132] : memref<2x128xi32, #tpu.memory_space<vmem>> -> memref<1x128xi32, #tpu.memory_space<vmem>>
    %dma_start3A_134 = tpu.memref_squeeze %dma_start3A_133 : memref<1x128xi32, #tpu.memory_space<vmem>> -> memref<128xi32, #tpu.memory_space<vmem>>
    %dma_start3A_135 = tpu.memref_slice %arg5[%add3A_130] : memref<204800xi32, #tpu.memory_space<hbm>> -> memref<128xi32, #tpu.memory_space<hbm>>
    %dma_start3A_136 = arith.constant 0 : i32
    %dma_start3A_137 = tpu.memref_slice %arg24[%dma_start3A_131, %dma_start3A_136] : memref<2x128xi32, #tpu.memory_space<vmem>> -> memref<1x128xi32, #tpu.memory_space<vmem>>
    %dma_start3A_138 = tpu.memref_squeeze %dma_start3A_137 : memref<1x128xi32, #tpu.memory_space<vmem>> -> memref<128xi32, #tpu.memory_space<vmem>>
    %dma_start3A_139 = tpu.memref_slice %arg5[%add3A_130] : memref<204800xi32, #tpu.memory_space<hbm>> -> memref<128xi32, #tpu.memory_space<hbm>>
    tpu.enqueue_dma source(%dma_start3A_139 : memref<128xi32, #tpu.memory_space<hbm>>) target(%dma_start3A_138 : memref<128xi32, #tpu.memory_space<vmem>>) target_semaphore(%arg30 : memref<!tpu.dma_semaphore, #tpu.memory_space<semaphore_mem>>)
    %scan3A_140 = arith.constant 0 : i32
    %scan3A_141 = arith.constant 25 : i32
    %scan3A_142 = arith.addi %scan3A_140, %scan3A_141 : i32
    %scan3A_143 = arith.constant 1 : i32
    scf.for %scan3A_1121 = %scan3A_140 to %scan3A_142 step %scan3A_143  : i32 {
      %mul3A_1122 = arith.constant 2 : i32
      %mul3A_1123 = arith.muli %scan3A_1121, %mul3A_1122 : i32
      %add3A_1124 = arith.constant 0 : i32
      %add3A_1125 = arith.addi %add3A_1124, %mul3A_1123 : i32
      %add3A_1126 = arith.constant 0 : i32
      %add3A_1127 = arith.addi %add3A_1125, %add3A_1126 : i32
      %mul3A_1128 = arith.constant 128 : i32
      %mul3A_1129 = arith.muli %add3A_1127, %mul3A_1128 : i32
      %add3A_1130 = arith.addi %mul3A_117, %mul3A_1129 : i32
      %dma_wait3A_1131 = arith.constant 0 : i32
      %dma_wait3A_1132 = arith.constant 0 : i32
      %dma_wait3A_1133 = tpu.memref_slice %arg24[%dma_wait3A_1131, %dma_wait3A_1132] : memref<2x128xi32, #tpu.memory_space<vmem>> -> memref<1x128xi32, #tpu.memory_space<vmem>>
      %dma_wait3A_1134 = tpu.memref_squeeze %dma_wait3A_1133 : memref<1x128xi32, #tpu.memory_space<vmem>> -> memref<128xi32, #tpu.memory_space<vmem>>
      %dma_wait3A_1135 = arith.constant 0 : i32
      %dma_wait3A_1136 = tpu.memref_slice %arg5[%dma_wait3A_1135] : memref<204800xi32, #tpu.memory_space<hbm>> -> memref<128xi32, #tpu.memory_space<hbm>>
      %dma_wait3A_1137 = arith.constant 0 : i32
      %dma_wait3A_1138 = tpu.memref_slice %arg24[%dma_wait3A_1131, %dma_wait3A_1137] : memref<2x128xi32, #tpu.memory_space<vmem>> -> memref<1x128xi32, #tpu.memory_space<vmem>>
      %dma_wait3A_1139 = tpu.memref_squeeze %dma_wait3A_1138 : memref<1x128xi32, #tpu.memory_space<vmem>> -> memref<128xi32, #tpu.memory_space<vmem>>
      %dma_wait3A_1140 = arith.constant 0 : i32
      %dma_wait3A_1141 = tpu.memref_slice %arg5[%dma_wait3A_1140] : memref<204800xi32, #tpu.memory_space<hbm>> -> memref<128xi32, #tpu.memory_space<hbm>>
      tpu.wait_dma2 semaphore(%arg29 : memref<!tpu.dma_semaphore, #tpu.memory_space<semaphore_mem>>) src(%dma_wait3A_1141 : memref<128xi32, #tpu.memory_space<hbm>>) dst(%dma_wait3A_1139 : memref<128xi32, #tpu.memory_space<vmem>>)
      %ge3A_1142 = arith.constant 2 : i32
      %ge3A_1143 = arith.cmpi sge, %add3A_1127, %ge3A_1142 : i32
      %convert_element_type3A_1144 = arith.extui %ge3A_1143 : i1 to i32
      %cond3A_1145 = arith.constant 0 : i32
      %cond3A_1146 = arith.cmpi ne, %convert_element_type3A_1144, %cond3A_1145 : i32
      scf.if %cond3A_1146 {
        %dma_wait3A_1256 = arith.constant 0 : i32
        %dma_wait3A_1257 = arith.constant 0 : i32
        %dma_wait3A_1258 = arith.constant 0 : i32
        %dma_wait3A_1259 = tpu.memref_slice %arg25[%dma_wait3A_1256, %dma_wait3A_1257, %dma_wait3A_1258] : memref<2x128x128xf32, #tpu.memory_space<vmem>> -> memref<1x128x128xf32, #tpu.memory_space<vmem>>
        %dma_wait3A_1260 = tpu.memref_squeeze %dma_wait3A_1259 : memref<1x128x128xf32, #tpu.memory_space<vmem>> -> memref<128x128xf32, #tpu.memory_space<vmem>>
        %dma_wait3A_1261 = arith.constant 0 : i32
        %dma_wait3A_1262 = arith.constant 0 : i32
        %dma_wait3A_1263 = tpu.memref_slice %arg18[%dma_wait3A_1261, %dma_wait3A_1262] : memref<204800x128xf32, #tpu.memory_space<hbm>> -> memref<128x128xf32, #tpu.memory_space<hbm>>
        %dma_wait3A_1264 = arith.constant 0 : i32
        %dma_wait3A_1265 = arith.constant 0 : i32
        %dma_wait3A_1266 = tpu.memref_slice %arg18[%dma_wait3A_1264, %dma_wait3A_1265] : memref<204800x128xf32, #tpu.memory_space<hbm>> -> memref<128x128xf32, #tpu.memory_space<hbm>>
        %dma_wait3A_1267 = arith.constant 0 : i32
        %dma_wait3A_1268 = arith.constant 0 : i32
        %dma_wait3A_1269 = tpu.memref_slice %arg25[%dma_wait3A_1256, %dma_wait3A_1267, %dma_wait3A_1268] : memref<2x128x128xf32, #tpu.memory_space<vmem>> -> memref<1x128x128xf32, #tpu.memory_space<vmem>>
        %dma_wait3A_1270 = tpu.memref_squeeze %dma_wait3A_1269 : memref<1x128x128xf32, #tpu.memory_space<vmem>> -> memref<128x128xf32, #tpu.memory_space<vmem>>
        tpu.wait_dma2 semaphore(%arg27 : memref<!tpu.dma_semaphore, #tpu.memory_space<semaphore_mem>>) src(%dma_wait3A_1270 : memref<128x128xf32, #tpu.memory_space<vmem>>) dst(%dma_wait3A_1266 : memref<128x128xf32, #tpu.memory_space<hbm>>)
      } else {
      }
      %dma_start3A_1147 = arith.constant 0 : i32
      %dma_start3A_1148 = arith.constant 0 : i32
      %dma_start3A_1149 = arith.constant 0 : i32
      %dma_start3A_1150 = arith.constant 0 : i32
      %dma_start3A_1151 = tpu.memref_slice %arg25[%dma_start3A_1148, %dma_start3A_1149, %dma_start3A_1150] : memref<2x128x128xf32, #tpu.memory_space<vmem>> -> memref<1x128x128xf32, #tpu.memory_space<vmem>>
      %dma_start3A_1152 = tpu.memref_squeeze %dma_start3A_1151 : memref<1x128x128xf32, #tpu.memory_space<vmem>> -> memref<128x128xf32, #tpu.memory_space<vmem>>
      %dma_start3A_1153 = arith.constant 0 : i32
      %dma_start3A_1154 = tpu.memref_slice %arg24[%dma_start3A_1147, %dma_start3A_1153] : memref<2x128xi32, #tpu.memory_space<vmem>> -> memref<1x128xi32, #tpu.memory_space<vmem>>
      %dma_start3A_1155 = tpu.memref_squeeze %dma_start3A_1154 : memref<1x128xi32, #tpu.memory_space<vmem>> -> memref<128xi32, #tpu.memory_space<vmem>>
      %dma_start3A_1156 = arith.constant 0 : i32
      %dma_start3A_1157 = arith.constant 0 : i32
      %dma_start3A_1158 = tpu.memref_slice %arg2[%dma_start3A_1156, %dma_start3A_1157] : memref<500000x128xf32, #tpu.memory_space<hbm>> -> memref<500000x128xf32, #tpu.memory_space<hbm>>
      tpu.enqueue_indirect_dma source(%dma_start3A_1158 : memref<500000x128xf32, #tpu.memory_space<hbm>>) target(%dma_start3A_1152 : memref<128x128xf32, #tpu.memory_space<vmem>>) offsets(%dma_start3A_1155 : memref<128xi32, #tpu.memory_space<vmem>>) semaphore(%arg26 : memref<!tpu.dma_semaphore, #tpu.memory_space<semaphore_mem>>)
      %dma_wait3A_1159 = arith.constant 0 : i32
      %dma_wait3A_1160 = arith.constant 0 : i32
      %dma_wait3A_1161 = arith.constant 0 : i32
      %dma_wait3A_1162 = arith.constant 0 : i32
      %dma_wait3A_1163 = tpu.memref_slice %arg25[%dma_wait3A_1160, %dma_wait3A_1161, %dma_wait3A_1162] : memref<2x128x128xf32, #tpu.memory_space<vmem>> -> memref<1x128x128xf32, #tpu.memory_space<vmem>>
      %dma_wait3A_1164 = tpu.memref_squeeze %dma_wait3A_1163 : memref<1x128x128xf32, #tpu.memory_space<vmem>> -> memref<128x128xf32, #tpu.memory_space<vmem>>
      %dma_wait3A_1165 = arith.constant 0 : i32
      %dma_wait3A_1166 = tpu.memref_slice %arg24[%dma_wait3A_1159, %dma_wait3A_1165] : memref<2x128xi32, #tpu.memory_space<vmem>> -> memref<1x128xi32, #tpu.memory_space<vmem>>
      %dma_wait3A_1167 = tpu.memref_squeeze %dma_wait3A_1166 : memref<1x128xi32, #tpu.memory_space<vmem>> -> memref<128xi32, #tpu.memory_space<vmem>>
      %dma_wait3A_1168 = arith.constant 0 : i32
      %dma_wait3A_1169 = arith.constant 0 : i32
      %dma_wait3A_1170 = tpu.memref_slice %arg2[%dma_wait3A_1168, %dma_wait3A_1169] : memref<500000x128xf32, #tpu.memory_space<hbm>> -> memref<500000x128xf32, #tpu.memory_space<hbm>>
      tpu.wait_indirect_dma semaphore(%arg26 : memref<!tpu.dma_semaphore, #tpu.memory_space<semaphore_mem>>) src(%dma_wait3A_1170 : memref<500000x128xf32, #tpu.memory_space<hbm>>) dst(%dma_wait3A_1164 : memref<128x128xf32, #tpu.memory_space<vmem>>)
      %dma_start3A_1171 = arith.constant 0 : i32
      %dma_start3A_1172 = arith.constant 0 : i32
      %dma_start3A_1173 = arith.constant 0 : i32
      %dma_start3A_1174 = tpu.memref_slice %arg25[%dma_start3A_1171, %dma_start3A_1172, %dma_start3A_1173] : memref<2x128x128xf32, #tpu.memory_space<vmem>> -> memref<1x128x128xf32, #tpu.memory_space<vmem>>
      %dma_start3A_1175 = tpu.memref_squeeze %dma_start3A_1174 : memref<1x128x128xf32, #tpu.memory_space<vmem>> -> memref<128x128xf32, #tpu.memory_space<vmem>>
      %dma_start3A_1176 = arith.constant 0 : i32
      %dma_start3A_1177 = tpu.memref_slice %arg18[%add3A_1130, %dma_start3A_1176] : memref<204800x128xf32, #tpu.memory_space<hbm>> -> memref<128x128xf32, #tpu.memory_space<hbm>>
      %dma_start3A_1178 = arith.constant 0 : i32
      %dma_start3A_1179 = tpu.memref_slice %arg18[%add3A_1130, %dma_start3A_1178] : memref<204800x128xf32, #tpu.memory_space<hbm>> -> memref<128x128xf32, #tpu.memory_space<hbm>>
      %dma_start3A_1180 = arith.constant 0 : i32
      %dma_start3A_1181 = arith.constant 0 : i32
      %dma_start3A_1182 = tpu.memref_slice %arg25[%dma_start3A_1171, %dma_start3A_1180, %dma_start3A_1181] : memref<2x128x128xf32, #tpu.memory_space<vmem>> -> memref<1x128x128xf32, #tpu.memory_space<vmem>>
      %dma_start3A_1183 = tpu.memref_squeeze %dma_start3A_1182 : memref<1x128x128xf32, #tpu.memory_space<vmem>> -> memref<128x128xf32, #tpu.memory_space<vmem>>
      tpu.enqueue_dma source(%dma_start3A_1183 : memref<128x128xf32, #tpu.memory_space<vmem>>) target(%dma_start3A_1179 : memref<128x128xf32, #tpu.memory_space<hbm>>) target_semaphore(%arg27 : memref<!tpu.dma_semaphore, #tpu.memory_space<semaphore_mem>>)
      %add3A_1184 = arith.constant 2 : i32
      %add3A_1185 = arith.addi %add3A_1127, %add3A_1184 : i32
      %lt3A_1186 = arith.constant 50 : i32
      %lt3A_1187 = arith.cmpi slt, %add3A_1185, %lt3A_1186 : i32
      %convert_element_type3A_1188 = arith.extui %lt3A_1187 : i1 to i32
      %cond3A_1189 = arith.constant 0 : i32
      %cond3A_1190 = arith.cmpi ne, %convert_element_type3A_1188, %cond3A_1189 : i32
      scf.if %cond3A_1190 {
        %add3A_1256 = arith.constant 256 : i32
        %add3A_1257 = arith.addi %add3A_1130, %add3A_1256 : i32
        %dma_start3A_1258 = arith.constant 0 : i32
        %dma_start3A_1259 = arith.constant 0 : i32
        %dma_start3A_1260 = tpu.memref_slice %arg24[%dma_start3A_1258, %dma_start3A_1259] : memref<2x128xi32, #tpu.memory_space<vmem>> -> memref<1x128xi32, #tpu.memory_space<vmem>>
        %dma_start3A_1261 = tpu.memref_squeeze %dma_start3A_1260 : memref<1x128xi32, #tpu.memory_space<vmem>> -> memref<128xi32, #tpu.memory_space<vmem>>
        %dma_start3A_1262 = tpu.memref_slice %arg5[%add3A_1257] : memref<204800xi32, #tpu.memory_space<hbm>> -> memref<128xi32, #tpu.memory_space<hbm>>
        %dma_start3A_1263 = arith.constant 0 : i32
        %dma_start3A_1264 = tpu.memref_slice %arg24[%dma_start3A_1258, %dma_start3A_1263] : memref<2x128xi32, #tpu.memory_space<vmem>> -> memref<1x128xi32, #tpu.memory_space<vmem>>
        %dma_start3A_1265 = tpu.memref_squeeze %dma_start3A_1264 : memref<1x128xi32, #tpu.memory_space<vmem>> -> memref<128xi32, #tpu.memory_space<vmem>>
        %dma_start3A_1266 = tpu.memref_slice %arg5[%add3A_1257] : memref<204800xi32, #tpu.memory_space<hbm>> -> memref<128xi32, #tpu.memory_space<hbm>>
        tpu.enqueue_dma source(%dma_start3A_1266 : memref<128xi32, #tpu.memory_space<hbm>>) target(%dma_start3A_1265 : memref<128xi32, #tpu.memory_space<vmem>>) target_semaphore(%arg29 : memref<!tpu.dma_semaphore, #tpu.memory_space<semaphore_mem>>)
      } else {
      }
      %add3A_1191 = arith.constant 1 : i32
      %add3A_1192 = arith.addi %add3A_1125, %add3A_1191 : i32
      %mul3A_1193 = arith.constant 128 : i32
      %mul3A_1194 = arith.muli %add3A_1192, %mul3A_1193 : i32
      %add3A_1195 = arith.addi %mul3A_117, %mul3A_1194 : i32
      %dma_wait3A_1196 = arith.constant 1 : i32
      %dma_wait3A_1197 = arith.constant 0 : i32
      %dma_wait3A_1198 = tpu.memref_slice %arg24[%dma_wait3A_1196, %dma_wait3A_1197] : memref<2x128xi32, #tpu.memory_space<vmem>> -> memref<1x128xi32, #tpu.memory_space<vmem>>
      %dma_wait3A_1199 = tpu.memref_squeeze %dma_wait3A_1198 : memref<1x128xi32, #tpu.memory_space<vmem>> -> memref<128xi32, #tpu.memory_space<vmem>>
      %dma_wait3A_1200 = arith.constant 0 : i32
      %dma_wait3A_1201 = tpu.memref_slice %arg5[%dma_wait3A_1200] : memref<204800xi32, #tpu.memory_space<hbm>> -> memref<128xi32, #tpu.memory_space<hbm>>
      %dma_wait3A_1202 = arith.constant 0 : i32
      %dma_wait3A_1203 = tpu.memref_slice %arg24[%dma_wait3A_1196, %dma_wait3A_1202] : memref<2x128xi32, #tpu.memory_space<vmem>> -> memref<1x128xi32, #tpu.memory_space<vmem>>
      %dma_wait3A_1204 = tpu.memref_squeeze %dma_wait3A_1203 : memref<1x128xi32, #tpu.memory_space<vmem>> -> memref<128xi32, #tpu.memory_space<vmem>>
      %dma_wait3A_1205 = arith.constant 0 : i32
      %dma_wait3A_1206 = tpu.memref_slice %arg5[%dma_wait3A_1205] : memref<204800xi32, #tpu.memory_space<hbm>> -> memref<128xi32, #tpu.memory_space<hbm>>
      tpu.wait_dma2 semaphore(%arg30 : memref<!tpu.dma_semaphore, #tpu.memory_space<semaphore_mem>>) src(%dma_wait3A_1206 : memref<128xi32, #tpu.memory_space<hbm>>) dst(%dma_wait3A_1204 : memref<128xi32, #tpu.memory_space<vmem>>)
      %ge3A_1207 = arith.constant 2 : i32
      %ge3A_1208 = arith.cmpi sge, %add3A_1192, %ge3A_1207 : i32
      %convert_element_type3A_1209 = arith.extui %ge3A_1208 : i1 to i32
      %cond3A_1210 = arith.constant 0 : i32
      %cond3A_1211 = arith.cmpi ne, %convert_element_type3A_1209, %cond3A_1210 : i32
      scf.if %cond3A_1211 {
        %dma_wait3A_1256 = arith.constant 1 : i32
        %dma_wait3A_1257 = arith.constant 0 : i32
        %dma_wait3A_1258 = arith.constant 0 : i32
        %dma_wait3A_1259 = tpu.memref_slice %arg25[%dma_wait3A_1256, %dma_wait3A_1257, %dma_wait3A_1258] : memref<2x128x128xf32, #tpu.memory_space<vmem>> -> memref<1x128x128xf32, #tpu.memory_space<vmem>>
        %dma_wait3A_1260 = tpu.memref_squeeze %dma_wait3A_1259 : memref<1x128x128xf32, #tpu.memory_space<vmem>> -> memref<128x128xf32, #tpu.memory_space<vmem>>
        %dma_wait3A_1261 = arith.constant 0 : i32
        %dma_wait3A_1262 = arith.constant 0 : i32
        %dma_wait3A_1263 = tpu.memref_slice %arg18[%dma_wait3A_1261, %dma_wait3A_1262] : memref<204800x128xf32, #tpu.memory_space<hbm>> -> memref<128x128xf32, #tpu.memory_space<hbm>>
        %dma_wait3A_1264 = arith.constant 0 : i32
        %dma_wait3A_1265 = arith.constant 0 : i32
        %dma_wait3A_1266 = tpu.memref_slice %arg18[%dma_wait3A_1264, %dma_wait3A_1265] : memref<204800x128xf32, #tpu.memory_space<hbm>> -> memref<128x128xf32, #tpu.memory_space<hbm>>
        %dma_wait3A_1267 = arith.constant 0 : i32
        %dma_wait3A_1268 = arith.constant 0 : i32
        %dma_wait3A_1269 = tpu.memref_slice %arg25[%dma_wait3A_1256, %dma_wait3A_1267, %dma_wait3A_1268] : memref<2x128x128xf32, #tpu.memory_space<vmem>> -> memref<1x128x128xf32, #tpu.memory_space<vmem>>
        %dma_wait3A_1270 = tpu.memref_squeeze %dma_wait3A_1269 : memref<1x128x128xf32, #tpu.memory_space<vmem>> -> memref<128x128xf32, #tpu.memory_space<vmem>>
        tpu.wait_dma2 semaphore(%arg28 : memref<!tpu.dma_semaphore, #tpu.memory_space<semaphore_mem>>) src(%dma_wait3A_1270 : memref<128x128xf32, #tpu.memory_space<vmem>>) dst(%dma_wait3A_1266 : memref<128x128xf32, #tpu.memory_space<hbm>>)
      } else {
      }
      %dma_start3A_1212 = arith.constant 1 : i32
      %dma_start3A_1213 = arith.constant 1 : i32
      %dma_start3A_1214 = arith.constant 0 : i32
      %dma_start3A_1215 = arith.constant 0 : i32
      %dma_start3A_1216 = tpu.memref_slice %arg25[%dma_start3A_1213, %dma_start3A_1214, %dma_start3A_1215] : memref<2x128x128xf32, #tpu.memory_space<vmem>> -> memref<1x128x128xf32, #tpu.memory_space<vmem>>
      %dma_start3A_1217 = tpu.memref_squeeze %dma_start3A_1216 : memref<1x128x128xf32, #tpu.memory_space<vmem>> -> memref<128x128xf32, #tpu.memory_space<vmem>>
      %dma_start3A_1218 = arith.constant 0 : i32
      %dma_start3A_1219 = tpu.memref_slice %arg24[%dma_start3A_1212, %dma_start3A_1218] : memref<2x128xi32, #tpu.memory_space<vmem>> -> memref<1x128xi32, #tpu.memory_space<vmem>>
      %dma_start3A_1220 = tpu.memref_squeeze %dma_start3A_1219 : memref<1x128xi32, #tpu.memory_space<vmem>> -> memref<128xi32, #tpu.memory_space<vmem>>
      %dma_start3A_1221 = arith.constant 0 : i32
      %dma_start3A_1222 = arith.constant 0 : i32
      %dma_start3A_1223 = tpu.memref_slice %arg2[%dma_start3A_1221, %dma_start3A_1222] : memref<500000x128xf32, #tpu.memory_space<hbm>> -> memref<500000x128xf32, #tpu.memory_space<hbm>>
      tpu.enqueue_indirect_dma source(%dma_start3A_1223 : memref<500000x128xf32, #tpu.memory_space<hbm>>) target(%dma_start3A_1217 : memref<128x128xf32, #tpu.memory_space<vmem>>) offsets(%dma_start3A_1220 : memref<128xi32, #tpu.memory_space<vmem>>) semaphore(%arg26 : memref<!tpu.dma_semaphore, #tpu.memory_space<semaphore_mem>>)
      %dma_wait3A_1224 = arith.constant 1 : i32
      %dma_wait3A_1225 = arith.constant 1 : i32
      %dma_wait3A_1226 = arith.constant 0 : i32
      %dma_wait3A_1227 = arith.constant 0 : i32
      %dma_wait3A_1228 = tpu.memref_slice %arg25[%dma_wait3A_1225, %dma_wait3A_1226, %dma_wait3A_1227] : memref<2x128x128xf32, #tpu.memory_space<vmem>> -> memref<1x128x128xf32, #tpu.memory_space<vmem>>
      %dma_wait3A_1229 = tpu.memref_squeeze %dma_wait3A_1228 : memref<1x128x128xf32, #tpu.memory_space<vmem>> -> memref<128x128xf32, #tpu.memory_space<vmem>>
      %dma_wait3A_1230 = arith.constant 0 : i32
      %dma_wait3A_1231 = tpu.memref_slice %arg24[%dma_wait3A_1224, %dma_wait3A_1230] : memref<2x128xi32, #tpu.memory_space<vmem>> -> memref<1x128xi32, #tpu.memory_space<vmem>>
      %dma_wait3A_1232 = tpu.memref_squeeze %dma_wait3A_1231 : memref<1x128xi32, #tpu.memory_space<vmem>> -> memref<128xi32, #tpu.memory_space<vmem>>
      %dma_wait3A_1233 = arith.constant 0 : i32
      %dma_wait3A_1234 = arith.constant 0 : i32
      %dma_wait3A_1235 = tpu.memref_slice %arg2[%dma_wait3A_1233, %dma_wait3A_1234] : memref<500000x128xf32, #tpu.memory_space<hbm>> -> memref<500000x128xf32, #tpu.memory_space<hbm>>
      tpu.wait_indirect_dma semaphore(%arg26 : memref<!tpu.dma_semaphore, #tpu.memory_space<semaphore_mem>>) src(%dma_wait3A_1235 : memref<500000x128xf32, #tpu.memory_space<hbm>>) dst(%dma_wait3A_1229 : memref<128x128xf32, #tpu.memory_space<vmem>>)
      %dma_start3A_1236 = arith.constant 1 : i32
      %dma_start3A_1237 = arith.constant 0 : i32
      %dma_start3A_1238 = arith.constant 0 : i32
      %dma_start3A_1239 = tpu.memref_slice %arg25[%dma_start3A_1236, %dma_start3A_1237, %dma_start3A_1238] : memref<2x128x128xf32, #tpu.memory_space<vmem>> -> memref<1x128x128xf32, #tpu.memory_space<vmem>>
      %dma_start3A_1240 = tpu.memref_squeeze %dma_start3A_1239 : memref<1x128x128xf32, #tpu.memory_space<vmem>> -> memref<128x128xf32, #tpu.memory_space<vmem>>
      %dma_start3A_1241 = arith.constant 0 : i32
      %dma_start3A_1242 = tpu.memref_slice %arg18[%add3A_1195, %dma_start3A_1241] : memref<204800x128xf32, #tpu.memory_space<hbm>> -> memref<128x128xf32, #tpu.memory_space<hbm>>
      %dma_start3A_1243 = arith.constant 0 : i32
      %dma_start3A_1244 = tpu.memref_slice %arg18[%add3A_1195, %dma_start3A_1243] : memref<204800x128xf32, #tpu.memory_space<hbm>> -> memref<128x128xf32, #tpu.memory_space<hbm>>
      %dma_start3A_1245 = arith.constant 0 : i32
      %dma_start3A_1246 = arith.constant 0 : i32
      %dma_start3A_1247 = tpu.memref_slice %arg25[%dma_start3A_1236, %dma_start3A_1245, %dma_start3A_1246] : memref<2x128x128xf32, #tpu.memory_space<vmem>> -> memref<1x128x128xf32, #tpu.memory_space<vmem>>
      %dma_start3A_1248 = tpu.memref_squeeze %dma_start3A_1247 : memref<1x128x128xf32, #tpu.memory_space<vmem>> -> memref<128x128xf32, #tpu.memory_space<vmem>>
      tpu.enqueue_dma source(%dma_start3A_1248 : memref<128x128xf32, #tpu.memory_space<vmem>>) target(%dma_start3A_1244 : memref<128x128xf32, #tpu.memory_space<hbm>>) target_semaphore(%arg28 : memref<!tpu.dma_semaphore, #tpu.memory_space<semaphore_mem>>)
      %add3A_1249 = arith.constant 2 : i32
      %add3A_1250 = arith.addi %add3A_1192, %add3A_1249 : i32
      %lt3A_1251 = arith.constant 50 : i32
      %lt3A_1252 = arith.cmpi slt, %add3A_1250, %lt3A_1251 : i32
      %convert_element_type3A_1253 = arith.extui %lt3A_1252 : i1 to i32
      %cond3A_1254 = arith.constant 0 : i32
      %cond3A_1255 = arith.cmpi ne, %convert_element_type3A_1253, %cond3A_1254 : i32
      scf.if %cond3A_1255 {
        %add3A_1256 = arith.constant 256 : i32
        %add3A_1257 = arith.addi %add3A_1195, %add3A_1256 : i32
        %dma_start3A_1258 = arith.constant 1 : i32
        %dma_start3A_1259 = arith.constant 0 : i32
        %dma_start3A_1260 = tpu.memref_slice %arg24[%dma_start3A_1258, %dma_start3A_1259] : memref<2x128xi32, #tpu.memory_space<vmem>> -> memref<1x128xi32, #tpu.memory_space<vmem>>
        %dma_start3A_1261 = tpu.memref_squeeze %dma_start3A_1260 : memref<1x128xi32, #tpu.memory_space<vmem>> -> memref<128xi32, #tpu.memory_space<vmem>>
        %dma_start3A_1262 = tpu.memref_slice %arg5[%add3A_1257] : memref<204800xi32, #tpu.memory_space<hbm>> -> memref<128xi32, #tpu.memory_space<hbm>>
        %dma_start3A_1263 = arith.constant 0 : i32
        %dma_start3A_1264 = tpu.memref_slice %arg24[%dma_start3A_1258, %dma_start3A_1263] : memref<2x128xi32, #tpu.memory_space<vmem>> -> memref<1x128xi32, #tpu.memory_space<vmem>>
        %dma_start3A_1265 = tpu.memref_squeeze %dma_start3A_1264 : memref<1x128xi32, #tpu.memory_space<vmem>> -> memref<128xi32, #tpu.memory_space<vmem>>
        %dma_start3A_1266 = tpu.memref_slice %arg5[%add3A_1257] : memref<204800xi32, #tpu.memory_space<hbm>> -> memref<128xi32, #tpu.memory_space<hbm>>
        tpu.enqueue_dma source(%dma_start3A_1266 : memref<128xi32, #tpu.memory_space<hbm>>) target(%dma_start3A_1265 : memref<128xi32, #tpu.memory_space<vmem>>) target_semaphore(%arg30 : memref<!tpu.dma_semaphore, #tpu.memory_space<semaphore_mem>>)
      } else {
      }
    }
    %scan3A_144 = arith.constant 25 : i32
    %dma_wait3A_145 = arith.constant 0 : i32
    %dma_wait3A_146 = arith.constant 0 : i32
    %dma_wait3A_147 = arith.constant 0 : i32
    %dma_wait3A_148 = tpu.memref_slice %arg25[%dma_wait3A_145, %dma_wait3A_146, %dma_wait3A_147] : memref<2x128x128xf32, #tpu.memory_space<vmem>> -> memref<1x128x128xf32, #tpu.memory_space<vmem>>
    %dma_wait3A_149 = tpu.memref_squeeze %dma_wait3A_148 : memref<1x128x128xf32, #tpu.memory_space<vmem>> -> memref<128x128xf32, #tpu.memory_space<vmem>>
    %dma_wait3A_150 = arith.constant 0 : i32
    %dma_wait3A_151 = arith.constant 0 : i32
    %dma_wait3A_152 = tpu.memref_slice %arg18[%dma_wait3A_150, %dma_wait3A_151] : memref<204800x128xf32, #tpu.memory_space<hbm>> -> memref<128x128xf32, #tpu.memory_space<hbm>>
    %dma_wait3A_153 = arith.constant 0 : i32
    %dma_wait3A_154 = arith.constant 0 : i32
    %dma_wait3A_155 = tpu.memref_slice %arg18[%dma_wait3A_153, %dma_wait3A_154] : memref<204800x128xf32, #tpu.memory_space<hbm>> -> memref<128x128xf32, #tpu.memory_space<hbm>>
    %dma_wait3A_156 = arith.constant 0 : i32
    %dma_wait3A_157 = arith.constant 0 : i32
    %dma_wait3A_158 = tpu.memref_slice %arg25[%dma_wait3A_145, %dma_wait3A_156, %dma_wait3A_157] : memref<2x128x128xf32, #tpu.memory_space<vmem>> -> memref<1x128x128xf32, #tpu.memory_space<vmem>>
    %dma_wait3A_159 = tpu.memref_squeeze %dma_wait3A_158 : memref<1x128x128xf32, #tpu.memory_space<vmem>> -> memref<128x128xf32, #tpu.memory_space<vmem>>
    tpu.wait_dma2 semaphore(%arg27 : memref<!tpu.dma_semaphore, #tpu.memory_space<semaphore_mem>>) src(%dma_wait3A_159 : memref<128x128xf32, #tpu.memory_space<vmem>>) dst(%dma_wait3A_155 : memref<128x128xf32, #tpu.memory_space<hbm>>)
    %dma_wait3A_160 = arith.constant 1 : i32
    %dma_wait3A_161 = arith.constant 0 : i32
    %dma_wait3A_162 = arith.constant 0 : i32
    %dma_wait3A_163 = tpu.memref_slice %arg25[%dma_wait3A_160, %dma_wait3A_161, %dma_wait3A_162] : memref<2x128x128xf32, #tpu.memory_space<vmem>> -> memref<1x128x128xf32, #tpu.memory_space<vmem>>
    %dma_wait3A_164 = tpu.memref_squeeze %dma_wait3A_163 : memref<1x128x128xf32, #tpu.memory_space<vmem>> -> memref<128x128xf32, #tpu.memory_space<vmem>>
    %dma_wait3A_165 = arith.constant 0 : i32
    %dma_wait3A_166 = arith.constant 0 : i32
    %dma_wait3A_167 = tpu.memref_slice %arg18[%dma_wait3A_165, %dma_wait3A_166] : memref<204800x128xf32, #tpu.memory_space<hbm>> -> memref<128x128xf32, #tpu.memory_space<hbm>>
    %dma_wait3A_168 = arith.constant 0 : i32
    %dma_wait3A_169 = arith.constant 0 : i32
    %dma_wait3A_170 = tpu.memref_slice %arg18[%dma_wait3A_168, %dma_wait3A_169] : memref<204800x128xf32, #tpu.memory_space<hbm>> -> memref<128x128xf32, #tpu.memory_space<hbm>>
    %dma_wait3A_171 = arith.constant 0 : i32
    %dma_wait3A_172 = arith.constant 0 : i32
    %dma_wait3A_173 = tpu.memref_slice %arg25[%dma_wait3A_160, %dma_wait3A_171, %dma_wait3A_172] : memref<2x128x128xf32, #tpu.memory_space<vmem>> -> memref<1x128x128xf32, #tpu.memory_space<vmem>>
    %dma_wait3A_174 = tpu.memref_squeeze %dma_wait3A_173 : memref<1x128x128xf32, #tpu.memory_space<vmem>> -> memref<128x128xf32, #tpu.memory_space<vmem>>
    tpu.wait_dma2 semaphore(%arg28 : memref<!tpu.dma_semaphore, #tpu.memory_space<semaphore_mem>>) src(%dma_wait3A_174 : memref<128x128xf32, #tpu.memory_space<vmem>>) dst(%dma_wait3A_170 : memref<128x128xf32, #tpu.memory_space<hbm>>)
    %mul3A_175 = arith.constant 256 : i32
    %mul3A_176 = arith.muli %add3A, %mul3A_175 : i32
    %add3A_177 = arith.constant 0 : i32
    %add3A_178 = arith.addi %mul3A_176, %add3A_177 : i32
    %dma_start3A_179 = arith.constant 0 : i32
    %dma_start3A_180 = arith.constant 0 : i32
    %dma_start3A_181 = tpu.memref_slice %arg24[%dma_start3A_179, %dma_start3A_180] : memref<2x128xi32, #tpu.memory_space<vmem>> -> memref<1x128xi32, #tpu.memory_space<vmem>>
    %dma_start3A_182 = tpu.memref_squeeze %dma_start3A_181 : memref<1x128xi32, #tpu.memory_space<vmem>> -> memref<128xi32, #tpu.memory_space<vmem>>
    %dma_start3A_183 = tpu.memref_slice %arg11[%add3A_178] : memref<8192xi32, #tpu.memory_space<hbm>> -> memref<128xi32, #tpu.memory_space<hbm>>
    %dma_start3A_184 = arith.constant 0 : i32
    %dma_start3A_185 = tpu.memref_slice %arg24[%dma_start3A_179, %dma_start3A_184] : memref<2x128xi32, #tpu.memory_space<vmem>> -> memref<1x128xi32, #tpu.memory_space<vmem>>
    %dma_start3A_186 = tpu.memref_squeeze %dma_start3A_185 : memref<1x128xi32, #tpu.memory_space<vmem>> -> memref<128xi32, #tpu.memory_space<vmem>>
    %dma_start3A_187 = tpu.memref_slice %arg11[%add3A_178] : memref<8192xi32, #tpu.memory_space<hbm>> -> memref<128xi32, #tpu.memory_space<hbm>>
    tpu.enqueue_dma source(%dma_start3A_187 : memref<128xi32, #tpu.memory_space<hbm>>) target(%dma_start3A_186 : memref<128xi32, #tpu.memory_space<vmem>>) target_semaphore(%arg29 : memref<!tpu.dma_semaphore, #tpu.memory_space<semaphore_mem>>)
    %add3A_188 = arith.constant 128 : i32
    %add3A_189 = arith.addi %mul3A_176, %add3A_188 : i32
    %dma_start3A_190 = arith.constant 1 : i32
    %dma_start3A_191 = arith.constant 0 : i32
    %dma_start3A_192 = tpu.memref_slice %arg24[%dma_start3A_190, %dma_start3A_191] : memref<2x128xi32, #tpu.memory_space<vmem>> -> memref<1x128xi32, #tpu.memory_space<vmem>>
    %dma_start3A_193 = tpu.memref_squeeze %dma_start3A_192 : memref<1x128xi32, #tpu.memory_space<vmem>> -> memref<128xi32, #tpu.memory_space<vmem>>
    %dma_start3A_194 = tpu.memref_slice %arg11[%add3A_189] : memref<8192xi32, #tpu.memory_space<hbm>> -> memref<128xi32, #tpu.memory_space<hbm>>
    %dma_start3A_195 = arith.constant 0 : i32
    %dma_start3A_196 = tpu.memref_slice %arg24[%dma_start3A_190, %dma_start3A_195] : memref<2x128xi32, #tpu.memory_space<vmem>> -> memref<1x128xi32, #tpu.memory_space<vmem>>
    %dma_start3A_197 = tpu.memref_squeeze %dma_start3A_196 : memref<1x128xi32, #tpu.memory_space<vmem>> -> memref<128xi32, #tpu.memory_space<vmem>>
    %dma_start3A_198 = tpu.memref_slice %arg11[%add3A_189] : memref<8192xi32, #tpu.memory_space<hbm>> -> memref<128xi32, #tpu.memory_space<hbm>>
    tpu.enqueue_dma source(%dma_start3A_198 : memref<128xi32, #tpu.memory_space<hbm>>) target(%dma_start3A_197 : memref<128xi32, #tpu.memory_space<vmem>>) target_semaphore(%arg30 : memref<!tpu.dma_semaphore, #tpu.memory_space<semaphore_mem>>)
    %scan3A_199 = arith.constant 0 : i32
    %mul3A_200 = arith.constant 2 : i32
    %mul3A_201 = arith.muli %scan3A_199, %mul3A_200 : i32
    %add3A_202 = arith.constant 0 : i32
    %add3A_203 = arith.addi %add3A_202, %mul3A_201 : i32
    %add3A_204 = arith.constant 0 : i32
    %add3A_205 = arith.addi %add3A_203, %add3A_204 : i32
    %mul3A_206 = arith.constant 128 : i32
    %mul3A_207 = arith.muli %add3A_205, %mul3A_206 : i32
    %add3A_208 = arith.addi %mul3A_176, %mul3A_207 : i32
    %dma_wait3A_209 = arith.constant 0 : i32
    %dma_wait3A_210 = arith.constant 0 : i32
    %dma_wait3A_211 = tpu.memref_slice %arg24[%dma_wait3A_209, %dma_wait3A_210] : memref<2x128xi32, #tpu.memory_space<vmem>> -> memref<1x128xi32, #tpu.memory_space<vmem>>
    %dma_wait3A_212 = tpu.memref_squeeze %dma_wait3A_211 : memref<1x128xi32, #tpu.memory_space<vmem>> -> memref<128xi32, #tpu.memory_space<vmem>>
    %dma_wait3A_213 = arith.constant 0 : i32
    %dma_wait3A_214 = tpu.memref_slice %arg11[%dma_wait3A_213] : memref<8192xi32, #tpu.memory_space<hbm>> -> memref<128xi32, #tpu.memory_space<hbm>>
    %dma_wait3A_215 = arith.constant 0 : i32
    %dma_wait3A_216 = tpu.memref_slice %arg24[%dma_wait3A_209, %dma_wait3A_215] : memref<2x128xi32, #tpu.memory_space<vmem>> -> memref<1x128xi32, #tpu.memory_space<vmem>>
    %dma_wait3A_217 = tpu.memref_squeeze %dma_wait3A_216 : memref<1x128xi32, #tpu.memory_space<vmem>> -> memref<128xi32, #tpu.memory_space<vmem>>
    %dma_wait3A_218 = arith.constant 0 : i32
    %dma_wait3A_219 = tpu.memref_slice %arg11[%dma_wait3A_218] : memref<8192xi32, #tpu.memory_space<hbm>> -> memref<128xi32, #tpu.memory_space<hbm>>
    tpu.wait_dma2 semaphore(%arg29 : memref<!tpu.dma_semaphore, #tpu.memory_space<semaphore_mem>>) src(%dma_wait3A_219 : memref<128xi32, #tpu.memory_space<hbm>>) dst(%dma_wait3A_217 : memref<128xi32, #tpu.memory_space<vmem>>)
    %ge3A = arith.constant 2 : i32
    %ge3A_220 = arith.cmpi sge, %add3A_205, %ge3A : i32
    %convert_element_type3A = arith.extui %ge3A_220 : i1 to i32
    %cond3A = arith.constant 0 : i32
    %cond3A_221 = arith.cmpi ne, %convert_element_type3A, %cond3A : i32
    scf.if %cond3A_221 {
      %dma_wait3A_1121 = arith.constant 0 : i32
      %dma_wait3A_1122 = arith.constant 0 : i32
      %dma_wait3A_1123 = arith.constant 0 : i32
      %dma_wait3A_1124 = tpu.memref_slice %arg25[%dma_wait3A_1121, %dma_wait3A_1122, %dma_wait3A_1123] : memref<2x128x128xf32, #tpu.memory_space<vmem>> -> memref<1x128x128xf32, #tpu.memory_space<vmem>>
      %dma_wait3A_1125 = tpu.memref_squeeze %dma_wait3A_1124 : memref<1x128x128xf32, #tpu.memory_space<vmem>> -> memref<128x128xf32, #tpu.memory_space<vmem>>
      %dma_wait3A_1126 = arith.constant 0 : i32
      %dma_wait3A_1127 = arith.constant 0 : i32
      %dma_wait3A_1128 = tpu.memref_slice %arg19[%dma_wait3A_1126, %dma_wait3A_1127] : memref<8192x128xf32, #tpu.memory_space<hbm>> -> memref<128x128xf32, #tpu.memory_space<hbm>>
      %dma_wait3A_1129 = arith.constant 0 : i32
      %dma_wait3A_1130 = arith.constant 0 : i32
      %dma_wait3A_1131 = tpu.memref_slice %arg19[%dma_wait3A_1129, %dma_wait3A_1130] : memref<8192x128xf32, #tpu.memory_space<hbm>> -> memref<128x128xf32, #tpu.memory_space<hbm>>
      %dma_wait3A_1132 = arith.constant 0 : i32
      %dma_wait3A_1133 = arith.constant 0 : i32
      %dma_wait3A_1134 = tpu.memref_slice %arg25[%dma_wait3A_1121, %dma_wait3A_1132, %dma_wait3A_1133] : memref<2x128x128xf32, #tpu.memory_space<vmem>> -> memref<1x128x128xf32, #tpu.memory_space<vmem>>
      %dma_wait3A_1135 = tpu.memref_squeeze %dma_wait3A_1134 : memref<1x128x128xf32, #tpu.memory_space<vmem>> -> memref<128x128xf32, #tpu.memory_space<vmem>>
      tpu.wait_dma2 semaphore(%arg27 : memref<!tpu.dma_semaphore, #tpu.memory_space<semaphore_mem>>) src(%dma_wait3A_1135 : memref<128x128xf32, #tpu.memory_space<vmem>>) dst(%dma_wait3A_1131 : memref<128x128xf32, #tpu.memory_space<hbm>>)
    } else {
    }
    %dma_start3A_222 = arith.constant 0 : i32
    %dma_start3A_223 = arith.constant 0 : i32
    %dma_start3A_224 = arith.constant 0 : i32
    %dma_start3A_225 = arith.constant 0 : i32
    %dma_start3A_226 = tpu.memref_slice %arg25[%dma_start3A_223, %dma_start3A_224, %dma_start3A_225] : memref<2x128x128xf32, #tpu.memory_space<vmem>> -> memref<1x128x128xf32, #tpu.memory_space<vmem>>
    %dma_start3A_227 = tpu.memref_squeeze %dma_start3A_226 : memref<1x128x128xf32, #tpu.memory_space<vmem>> -> memref<128x128xf32, #tpu.memory_space<vmem>>
    %dma_start3A_228 = arith.constant 0 : i32
    %dma_start3A_229 = tpu.memref_slice %arg24[%dma_start3A_222, %dma_start3A_228] : memref<2x128xi32, #tpu.memory_space<vmem>> -> memref<1x128xi32, #tpu.memory_space<vmem>>
    %dma_start3A_230 = tpu.memref_squeeze %dma_start3A_229 : memref<1x128xi32, #tpu.memory_space<vmem>> -> memref<128xi32, #tpu.memory_space<vmem>>
    %dma_start3A_231 = arith.constant 0 : i32
    %dma_start3A_232 = arith.constant 0 : i32
    %dma_start3A_233 = tpu.memref_slice %arg6[%dma_start3A_231, %dma_start3A_232] : memref<50000x128xf32, #tpu.memory_space<hbm>> -> memref<50000x128xf32, #tpu.memory_space<hbm>>
    tpu.enqueue_indirect_dma source(%dma_start3A_233 : memref<50000x128xf32, #tpu.memory_space<hbm>>) target(%dma_start3A_227 : memref<128x128xf32, #tpu.memory_space<vmem>>) offsets(%dma_start3A_230 : memref<128xi32, #tpu.memory_space<vmem>>) semaphore(%arg26 : memref<!tpu.dma_semaphore, #tpu.memory_space<semaphore_mem>>)
    %dma_wait3A_234 = arith.constant 0 : i32
    %dma_wait3A_235 = arith.constant 0 : i32
    %dma_wait3A_236 = arith.constant 0 : i32
    %dma_wait3A_237 = arith.constant 0 : i32
    %dma_wait3A_238 = tpu.memref_slice %arg25[%dma_wait3A_235, %dma_wait3A_236, %dma_wait3A_237] : memref<2x128x128xf32, #tpu.memory_space<vmem>> -> memref<1x128x128xf32, #tpu.memory_space<vmem>>
    %dma_wait3A_239 = tpu.memref_squeeze %dma_wait3A_238 : memref<1x128x128xf32, #tpu.memory_space<vmem>> -> memref<128x128xf32, #tpu.memory_space<vmem>>
    %dma_wait3A_240 = arith.constant 0 : i32
    %dma_wait3A_241 = tpu.memref_slice %arg24[%dma_wait3A_234, %dma_wait3A_240] : memref<2x128xi32, #tpu.memory_space<vmem>> -> memref<1x128xi32, #tpu.memory_space<vmem>>
    %dma_wait3A_242 = tpu.memref_squeeze %dma_wait3A_241 : memref<1x128xi32, #tpu.memory_space<vmem>> -> memref<128xi32, #tpu.memory_space<vmem>>
    %dma_wait3A_243 = arith.constant 0 : i32
    %dma_wait3A_244 = arith.constant 0 : i32
    %dma_wait3A_245 = tpu.memref_slice %arg6[%dma_wait3A_243, %dma_wait3A_244] : memref<50000x128xf32, #tpu.memory_space<hbm>> -> memref<50000x128xf32, #tpu.memory_space<hbm>>
    tpu.wait_indirect_dma semaphore(%arg26 : memref<!tpu.dma_semaphore, #tpu.memory_space<semaphore_mem>>) src(%dma_wait3A_245 : memref<50000x128xf32, #tpu.memory_space<hbm>>) dst(%dma_wait3A_239 : memref<128x128xf32, #tpu.memory_space<vmem>>)
    %dma_start3A_246 = arith.constant 0 : i32
    %dma_start3A_247 = arith.constant 0 : i32
    %dma_start3A_248 = arith.constant 0 : i32
    %dma_start3A_249 = tpu.memref_slice %arg25[%dma_start3A_246, %dma_start3A_247, %dma_start3A_248] : memref<2x128x128xf32, #tpu.memory_space<vmem>> -> memref<1x128x128xf32, #tpu.memory_space<vmem>>
    %dma_start3A_250 = tpu.memref_squeeze %dma_start3A_249 : memref<1x128x128xf32, #tpu.memory_space<vmem>> -> memref<128x128xf32, #tpu.memory_space<vmem>>
    %dma_start3A_251 = arith.constant 0 : i32
    %dma_start3A_252 = tpu.memref_slice %arg19[%add3A_208, %dma_start3A_251] : memref<8192x128xf32, #tpu.memory_space<hbm>> -> memref<128x128xf32, #tpu.memory_space<hbm>>
    %dma_start3A_253 = arith.constant 0 : i32
    %dma_start3A_254 = tpu.memref_slice %arg19[%add3A_208, %dma_start3A_253] : memref<8192x128xf32, #tpu.memory_space<hbm>> -> memref<128x128xf32, #tpu.memory_space<hbm>>
    %dma_start3A_255 = arith.constant 0 : i32
    %dma_start3A_256 = arith.constant 0 : i32
    %dma_start3A_257 = tpu.memref_slice %arg25[%dma_start3A_246, %dma_start3A_255, %dma_start3A_256] : memref<2x128x128xf32, #tpu.memory_space<vmem>> -> memref<1x128x128xf32, #tpu.memory_space<vmem>>
    %dma_start3A_258 = tpu.memref_squeeze %dma_start3A_257 : memref<1x128x128xf32, #tpu.memory_space<vmem>> -> memref<128x128xf32, #tpu.memory_space<vmem>>
    tpu.enqueue_dma source(%dma_start3A_258 : memref<128x128xf32, #tpu.memory_space<vmem>>) target(%dma_start3A_254 : memref<128x128xf32, #tpu.memory_space<hbm>>) target_semaphore(%arg27 : memref<!tpu.dma_semaphore, #tpu.memory_space<semaphore_mem>>)
    %add3A_259 = arith.constant 2 : i32
    %add3A_260 = arith.addi %add3A_205, %add3A_259 : i32
    %lt3A = arith.constant 2 : i32
    %lt3A_261 = arith.cmpi slt, %add3A_260, %lt3A : i32
    %convert_element_type3A_262 = arith.extui %lt3A_261 : i1 to i32
    %cond3A_263 = arith.constant 0 : i32
    %cond3A_264 = arith.cmpi ne, %convert_element_type3A_262, %cond3A_263 : i32
    scf.if %cond3A_264 {
      %add3A_1121 = arith.constant 256 : i32
      %add3A_1122 = arith.addi %add3A_208, %add3A_1121 : i32
      %dma_start3A_1123 = arith.constant 0 : i32
      %dma_start3A_1124 = arith.constant 0 : i32
      %dma_start3A_1125 = tpu.memref_slice %arg24[%dma_start3A_1123, %dma_start3A_1124] : memref<2x128xi32, #tpu.memory_space<vmem>> -> memref<1x128xi32, #tpu.memory_space<vmem>>
      %dma_start3A_1126 = tpu.memref_squeeze %dma_start3A_1125 : memref<1x128xi32, #tpu.memory_space<vmem>> -> memref<128xi32, #tpu.memory_space<vmem>>
      %dma_start3A_1127 = tpu.memref_slice %arg11[%add3A_1122] : memref<8192xi32, #tpu.memory_space<hbm>> -> memref<128xi32, #tpu.memory_space<hbm>>
      %dma_start3A_1128 = arith.constant 0 : i32
      %dma_start3A_1129 = tpu.memref_slice %arg24[%dma_start3A_1123, %dma_start3A_1128] : memref<2x128xi32, #tpu.memory_space<vmem>> -> memref<1x128xi32, #tpu.memory_space<vmem>>
      %dma_start3A_1130 = tpu.memref_squeeze %dma_start3A_1129 : memref<1x128xi32, #tpu.memory_space<vmem>> -> memref<128xi32, #tpu.memory_space<vmem>>
      %dma_start3A_1131 = tpu.memref_slice %arg11[%add3A_1122] : memref<8192xi32, #tpu.memory_space<hbm>> -> memref<128xi32, #tpu.memory_space<hbm>>
      tpu.enqueue_dma source(%dma_start3A_1131 : memref<128xi32, #tpu.memory_space<hbm>>) target(%dma_start3A_1130 : memref<128xi32, #tpu.memory_space<vmem>>) target_semaphore(%arg29 : memref<!tpu.dma_semaphore, #tpu.memory_space<semaphore_mem>>)
    } else {
    }
    %add3A_265 = arith.constant 1 : i32
    %add3A_266 = arith.addi %add3A_203, %add3A_265 : i32
    %mul3A_267 = arith.constant 128 : i32
    %mul3A_268 = arith.muli %add3A_266, %mul3A_267 : i32
    %add3A_269 = arith.addi %mul3A_176, %mul3A_268 : i32
    %dma_wait3A_270 = arith.constant 1 : i32
    %dma_wait3A_271 = arith.constant 0 : i32
    %dma_wait3A_272 = tpu.memref_slice %arg24[%dma_wait3A_270, %dma_wait3A_271] : memref<2x128xi32, #tpu.memory_space<vmem>> -> memref<1x128xi32, #tpu.memory_space<vmem>>
    %dma_wait3A_273 = tpu.memref_squeeze %dma_wait3A_272 : memref<1x128xi32, #tpu.memory_space<vmem>> -> memref<128xi32, #tpu.memory_space<vmem>>
    %dma_wait3A_274 = arith.constant 0 : i32
    %dma_wait3A_275 = tpu.memref_slice %arg11[%dma_wait3A_274] : memref<8192xi32, #tpu.memory_space<hbm>> -> memref<128xi32, #tpu.memory_space<hbm>>
    %dma_wait3A_276 = arith.constant 0 : i32
    %dma_wait3A_277 = tpu.memref_slice %arg24[%dma_wait3A_270, %dma_wait3A_276] : memref<2x128xi32, #tpu.memory_space<vmem>> -> memref<1x128xi32, #tpu.memory_space<vmem>>
    %dma_wait3A_278 = tpu.memref_squeeze %dma_wait3A_277 : memref<1x128xi32, #tpu.memory_space<vmem>> -> memref<128xi32, #tpu.memory_space<vmem>>
    %dma_wait3A_279 = arith.constant 0 : i32
    %dma_wait3A_280 = tpu.memref_slice %arg11[%dma_wait3A_279] : memref<8192xi32, #tpu.memory_space<hbm>> -> memref<128xi32, #tpu.memory_space<hbm>>
    tpu.wait_dma2 semaphore(%arg30 : memref<!tpu.dma_semaphore, #tpu.memory_space<semaphore_mem>>) src(%dma_wait3A_280 : memref<128xi32, #tpu.memory_space<hbm>>) dst(%dma_wait3A_278 : memref<128xi32, #tpu.memory_space<vmem>>)
    %ge3A_281 = arith.constant 2 : i32
    %ge3A_282 = arith.cmpi sge, %add3A_266, %ge3A_281 : i32
    %convert_element_type3A_283 = arith.extui %ge3A_282 : i1 to i32
    %cond3A_284 = arith.constant 0 : i32
    %cond3A_285 = arith.cmpi ne, %convert_element_type3A_283, %cond3A_284 : i32
    scf.if %cond3A_285 {
      %dma_wait3A_1121 = arith.constant 1 : i32
      %dma_wait3A_1122 = arith.constant 0 : i32
      %dma_wait3A_1123 = arith.constant 0 : i32
      %dma_wait3A_1124 = tpu.memref_slice %arg25[%dma_wait3A_1121, %dma_wait3A_1122, %dma_wait3A_1123] : memref<2x128x128xf32, #tpu.memory_space<vmem>> -> memref<1x128x128xf32, #tpu.memory_space<vmem>>
      %dma_wait3A_1125 = tpu.memref_squeeze %dma_wait3A_1124 : memref<1x128x128xf32, #tpu.memory_space<vmem>> -> memref<128x128xf32, #tpu.memory_space<vmem>>
      %dma_wait3A_1126 = arith.constant 0 : i32
      %dma_wait3A_1127 = arith.constant 0 : i32
      %dma_wait3A_1128 = tpu.memref_slice %arg19[%dma_wait3A_1126, %dma_wait3A_1127] : memref<8192x128xf32, #tpu.memory_space<hbm>> -> memref<128x128xf32, #tpu.memory_space<hbm>>
      %dma_wait3A_1129 = arith.constant 0 : i32
      %dma_wait3A_1130 = arith.constant 0 : i32
      %dma_wait3A_1131 = tpu.memref_slice %arg19[%dma_wait3A_1129, %dma_wait3A_1130] : memref<8192x128xf32, #tpu.memory_space<hbm>> -> memref<128x128xf32, #tpu.memory_space<hbm>>
      %dma_wait3A_1132 = arith.constant 0 : i32
      %dma_wait3A_1133 = arith.constant 0 : i32
      %dma_wait3A_1134 = tpu.memref_slice %arg25[%dma_wait3A_1121, %dma_wait3A_1132, %dma_wait3A_1133] : memref<2x128x128xf32, #tpu.memory_space<vmem>> -> memref<1x128x128xf32, #tpu.memory_space<vmem>>
      %dma_wait3A_1135 = tpu.memref_squeeze %dma_wait3A_1134 : memref<1x128x128xf32, #tpu.memory_space<vmem>> -> memref<128x128xf32, #tpu.memory_space<vmem>>
      tpu.wait_dma2 semaphore(%arg28 : memref<!tpu.dma_semaphore, #tpu.memory_space<semaphore_mem>>) src(%dma_wait3A_1135 : memref<128x128xf32, #tpu.memory_space<vmem>>) dst(%dma_wait3A_1131 : memref<128x128xf32, #tpu.memory_space<hbm>>)
    } else {
    }
    %dma_start3A_286 = arith.constant 1 : i32
    %dma_start3A_287 = arith.constant 1 : i32
    %dma_start3A_288 = arith.constant 0 : i32
    %dma_start3A_289 = arith.constant 0 : i32
    %dma_start3A_290 = tpu.memref_slice %arg25[%dma_start3A_287, %dma_start3A_288, %dma_start3A_289] : memref<2x128x128xf32, #tpu.memory_space<vmem>> -> memref<1x128x128xf32, #tpu.memory_space<vmem>>
    %dma_start3A_291 = tpu.memref_squeeze %dma_start3A_290 : memref<1x128x128xf32, #tpu.memory_space<vmem>> -> memref<128x128xf32, #tpu.memory_space<vmem>>
    %dma_start3A_292 = arith.constant 0 : i32
    %dma_start3A_293 = tpu.memref_slice %arg24[%dma_start3A_286, %dma_start3A_292] : memref<2x128xi32, #tpu.memory_space<vmem>> -> memref<1x128xi32, #tpu.memory_space<vmem>>
    %dma_start3A_294 = tpu.memref_squeeze %dma_start3A_293 : memref<1x128xi32, #tpu.memory_space<vmem>> -> memref<128xi32, #tpu.memory_space<vmem>>
    %dma_start3A_295 = arith.constant 0 : i32
    %dma_start3A_296 = arith.constant 0 : i32
    %dma_start3A_297 = tpu.memref_slice %arg6[%dma_start3A_295, %dma_start3A_296] : memref<50000x128xf32, #tpu.memory_space<hbm>> -> memref<50000x128xf32, #tpu.memory_space<hbm>>
    tpu.enqueue_indirect_dma source(%dma_start3A_297 : memref<50000x128xf32, #tpu.memory_space<hbm>>) target(%dma_start3A_291 : memref<128x128xf32, #tpu.memory_space<vmem>>) offsets(%dma_start3A_294 : memref<128xi32, #tpu.memory_space<vmem>>) semaphore(%arg26 : memref<!tpu.dma_semaphore, #tpu.memory_space<semaphore_mem>>)
    %dma_wait3A_298 = arith.constant 1 : i32
    %dma_wait3A_299 = arith.constant 1 : i32
    %dma_wait3A_300 = arith.constant 0 : i32
    %dma_wait3A_301 = arith.constant 0 : i32
    %dma_wait3A_302 = tpu.memref_slice %arg25[%dma_wait3A_299, %dma_wait3A_300, %dma_wait3A_301] : memref<2x128x128xf32, #tpu.memory_space<vmem>> -> memref<1x128x128xf32, #tpu.memory_space<vmem>>
    %dma_wait3A_303 = tpu.memref_squeeze %dma_wait3A_302 : memref<1x128x128xf32, #tpu.memory_space<vmem>> -> memref<128x128xf32, #tpu.memory_space<vmem>>
    %dma_wait3A_304 = arith.constant 0 : i32
    %dma_wait3A_305 = tpu.memref_slice %arg24[%dma_wait3A_298, %dma_wait3A_304] : memref<2x128xi32, #tpu.memory_space<vmem>> -> memref<1x128xi32, #tpu.memory_space<vmem>>
    %dma_wait3A_306 = tpu.memref_squeeze %dma_wait3A_305 : memref<1x128xi32, #tpu.memory_space<vmem>> -> memref<128xi32, #tpu.memory_space<vmem>>
    %dma_wait3A_307 = arith.constant 0 : i32
    %dma_wait3A_308 = arith.constant 0 : i32
    %dma_wait3A_309 = tpu.memref_slice %arg6[%dma_wait3A_307, %dma_wait3A_308] : memref<50000x128xf32, #tpu.memory_space<hbm>> -> memref<50000x128xf32, #tpu.memory_space<hbm>>
    tpu.wait_indirect_dma semaphore(%arg26 : memref<!tpu.dma_semaphore, #tpu.memory_space<semaphore_mem>>) src(%dma_wait3A_309 : memref<50000x128xf32, #tpu.memory_space<hbm>>) dst(%dma_wait3A_303 : memref<128x128xf32, #tpu.memory_space<vmem>>)
    %dma_start3A_310 = arith.constant 1 : i32
    %dma_start3A_311 = arith.constant 0 : i32
    %dma_start3A_312 = arith.constant 0 : i32
    %dma_start3A_313 = tpu.memref_slice %arg25[%dma_start3A_310, %dma_start3A_311, %dma_start3A_312] : memref<2x128x128xf32, #tpu.memory_space<vmem>> -> memref<1x128x128xf32, #tpu.memory_space<vmem>>
    %dma_start3A_314 = tpu.memref_squeeze %dma_start3A_313 : memref<1x128x128xf32, #tpu.memory_space<vmem>> -> memref<128x128xf32, #tpu.memory_space<vmem>>
    %dma_start3A_315 = arith.constant 0 : i32
    %dma_start3A_316 = tpu.memref_slice %arg19[%add3A_269, %dma_start3A_315] : memref<8192x128xf32, #tpu.memory_space<hbm>> -> memref<128x128xf32, #tpu.memory_space<hbm>>
    %dma_start3A_317 = arith.constant 0 : i32
    %dma_start3A_318 = tpu.memref_slice %arg19[%add3A_269, %dma_start3A_317] : memref<8192x128xf32, #tpu.memory_space<hbm>> -> memref<128x128xf32, #tpu.memory_space<hbm>>
    %dma_start3A_319 = arith.constant 0 : i32
    %dma_start3A_320 = arith.constant 0 : i32
    %dma_start3A_321 = tpu.memref_slice %arg25[%dma_start3A_310, %dma_start3A_319, %dma_start3A_320] : memref<2x128x128xf32, #tpu.memory_space<vmem>> -> memref<1x128x128xf32, #tpu.memory_space<vmem>>
    %dma_start3A_322 = tpu.memref_squeeze %dma_start3A_321 : memref<1x128x128xf32, #tpu.memory_space<vmem>> -> memref<128x128xf32, #tpu.memory_space<vmem>>
    tpu.enqueue_dma source(%dma_start3A_322 : memref<128x128xf32, #tpu.memory_space<vmem>>) target(%dma_start3A_318 : memref<128x128xf32, #tpu.memory_space<hbm>>) target_semaphore(%arg28 : memref<!tpu.dma_semaphore, #tpu.memory_space<semaphore_mem>>)
    %add3A_323 = arith.constant 2 : i32
    %add3A_324 = arith.addi %add3A_266, %add3A_323 : i32
    %lt3A_325 = arith.constant 2 : i32
    %lt3A_326 = arith.cmpi slt, %add3A_324, %lt3A_325 : i32
    %convert_element_type3A_327 = arith.extui %lt3A_326 : i1 to i32
    %cond3A_328 = arith.constant 0 : i32
    %cond3A_329 = arith.cmpi ne, %convert_element_type3A_327, %cond3A_328 : i32
    scf.if %cond3A_329 {
      %add3A_1121 = arith.constant 256 : i32
      %add3A_1122 = arith.addi %add3A_269, %add3A_1121 : i32
      %dma_start3A_1123 = arith.constant 1 : i32
      %dma_start3A_1124 = arith.constant 0 : i32
      %dma_start3A_1125 = tpu.memref_slice %arg24[%dma_start3A_1123, %dma_start3A_1124] : memref<2x128xi32, #tpu.memory_space<vmem>> -> memref<1x128xi32, #tpu.memory_space<vmem>>
      %dma_start3A_1126 = tpu.memref_squeeze %dma_start3A_1125 : memref<1x128xi32, #tpu.memory_space<vmem>> -> memref<128xi32, #tpu.memory_space<vmem>>
      %dma_start3A_1127 = tpu.memref_slice %arg11[%add3A_1122] : memref<8192xi32, #tpu.memory_space<hbm>> -> memref<128xi32, #tpu.memory_space<hbm>>
      %dma_start3A_1128 = arith.constant 0 : i32
      %dma_start3A_1129 = tpu.memref_slice %arg24[%dma_start3A_1123, %dma_start3A_1128] : memref<2x128xi32, #tpu.memory_space<vmem>> -> memref<1x128xi32, #tpu.memory_space<vmem>>
      %dma_start3A_1130 = tpu.memref_squeeze %dma_start3A_1129 : memref<1x128xi32, #tpu.memory_space<vmem>> -> memref<128xi32, #tpu.memory_space<vmem>>
      %dma_start3A_1131 = tpu.memref_slice %arg11[%add3A_1122] : memref<8192xi32, #tpu.memory_space<hbm>> -> memref<128xi32, #tpu.memory_space<hbm>>
      tpu.enqueue_dma source(%dma_start3A_1131 : memref<128xi32, #tpu.memory_space<hbm>>) target(%dma_start3A_1130 : memref<128xi32, #tpu.memory_space<vmem>>) target_semaphore(%arg30 : memref<!tpu.dma_semaphore, #tpu.memory_space<semaphore_mem>>)
    } else {
    }
    %scan3A_330 = arith.constant 1 : i32
    %dma_wait3A_331 = arith.constant 0 : i32
    %dma_wait3A_332 = arith.constant 0 : i32
    %dma_wait3A_333 = arith.constant 0 : i32
    %dma_wait3A_334 = tpu.memref_slice %arg25[%dma_wait3A_331, %dma_wait3A_332, %dma_wait3A_333] : memref<2x128x128xf32, #tpu.memory_space<vmem>> -> memref<1x128x128xf32, #tpu.memory_space<vmem>>
    %dma_wait3A_335 = tpu.memref_squeeze %dma_wait3A_334 : memref<1x128x128xf32, #tpu.memory_space<vmem>> -> memref<128x128xf32, #tpu.memory_space<vmem>>
    %dma_wait3A_336 = arith.constant 0 : i32
    %dma_wait3A_337 = arith.constant 0 : i32
    %dma_wait3A_338 = tpu.memref_slice %arg19[%dma_wait3A_336, %dma_wait3A_337] : memref<8192x128xf32, #tpu.memory_space<hbm>> -> memref<128x128xf32, #tpu.memory_space<hbm>>
    %dma_wait3A_339 = arith.constant 0 : i32
    %dma_wait3A_340 = arith.constant 0 : i32
    %dma_wait3A_341 = tpu.memref_slice %arg19[%dma_wait3A_339, %dma_wait3A_340] : memref<8192x128xf32, #tpu.memory_space<hbm>> -> memref<128x128xf32, #tpu.memory_space<hbm>>
    %dma_wait3A_342 = arith.constant 0 : i32
    %dma_wait3A_343 = arith.constant 0 : i32
    %dma_wait3A_344 = tpu.memref_slice %arg25[%dma_wait3A_331, %dma_wait3A_342, %dma_wait3A_343] : memref<2x128x128xf32, #tpu.memory_space<vmem>> -> memref<1x128x128xf32, #tpu.memory_space<vmem>>
    %dma_wait3A_345 = tpu.memref_squeeze %dma_wait3A_344 : memref<1x128x128xf32, #tpu.memory_space<vmem>> -> memref<128x128xf32, #tpu.memory_space<vmem>>
    tpu.wait_dma2 semaphore(%arg27 : memref<!tpu.dma_semaphore, #tpu.memory_space<semaphore_mem>>) src(%dma_wait3A_345 : memref<128x128xf32, #tpu.memory_space<vmem>>) dst(%dma_wait3A_341 : memref<128x128xf32, #tpu.memory_space<hbm>>)
    %dma_wait3A_346 = arith.constant 1 : i32
    %dma_wait3A_347 = arith.constant 0 : i32
    %dma_wait3A_348 = arith.constant 0 : i32
    %dma_wait3A_349 = tpu.memref_slice %arg25[%dma_wait3A_346, %dma_wait3A_347, %dma_wait3A_348] : memref<2x128x128xf32, #tpu.memory_space<vmem>> -> memref<1x128x128xf32, #tpu.memory_space<vmem>>
    %dma_wait3A_350 = tpu.memref_squeeze %dma_wait3A_349 : memref<1x128x128xf32, #tpu.memory_space<vmem>> -> memref<128x128xf32, #tpu.memory_space<vmem>>
    %dma_wait3A_351 = arith.constant 0 : i32
    %dma_wait3A_352 = arith.constant 0 : i32
    %dma_wait3A_353 = tpu.memref_slice %arg19[%dma_wait3A_351, %dma_wait3A_352] : memref<8192x128xf32, #tpu.memory_space<hbm>> -> memref<128x128xf32, #tpu.memory_space<hbm>>
    %dma_wait3A_354 = arith.constant 0 : i32
    %dma_wait3A_355 = arith.constant 0 : i32
    %dma_wait3A_356 = tpu.memref_slice %arg19[%dma_wait3A_354, %dma_wait3A_355] : memref<8192x128xf32, #tpu.memory_space<hbm>> -> memref<128x128xf32, #tpu.memory_space<hbm>>
    %dma_wait3A_357 = arith.constant 0 : i32
    %dma_wait3A_358 = arith.constant 0 : i32
    %dma_wait3A_359 = tpu.memref_slice %arg25[%dma_wait3A_346, %dma_wait3A_357, %dma_wait3A_358] : memref<2x128x128xf32, #tpu.memory_space<vmem>> -> memref<1x128x128xf32, #tpu.memory_space<vmem>>
    %dma_wait3A_360 = tpu.memref_squeeze %dma_wait3A_359 : memref<1x128x128xf32, #tpu.memory_space<vmem>> -> memref<128x128xf32, #tpu.memory_space<vmem>>
    tpu.wait_dma2 semaphore(%arg28 : memref<!tpu.dma_semaphore, #tpu.memory_space<semaphore_mem>>) src(%dma_wait3A_360 : memref<128x128xf32, #tpu.memory_space<vmem>>) dst(%dma_wait3A_356 : memref<128x128xf32, #tpu.memory_space<hbm>>)
    %mul3A_361 = arith.constant 256 : i32
    %mul3A_362 = arith.muli %add3A, %mul3A_361 : i32
    %add3A_363 = arith.constant 0 : i32
    %add3A_364 = arith.addi %mul3A_362, %add3A_363 : i32
    %dma_start3A_365 = arith.constant 0 : i32
    %dma_start3A_366 = arith.constant 0 : i32
    %dma_start3A_367 = tpu.memref_slice %arg24[%dma_start3A_365, %dma_start3A_366] : memref<2x128xi32, #tpu.memory_space<vmem>> -> memref<1x128xi32, #tpu.memory_space<vmem>>
    %dma_start3A_368 = tpu.memref_squeeze %dma_start3A_367 : memref<1x128xi32, #tpu.memory_space<vmem>> -> memref<128xi32, #tpu.memory_space<vmem>>
    %dma_start3A_369 = tpu.memref_slice %arg12[%add3A_364] : memref<8192xi32, #tpu.memory_space<hbm>> -> memref<128xi32, #tpu.memory_space<hbm>>
    %dma_start3A_370 = arith.constant 0 : i32
    %dma_start3A_371 = tpu.memref_slice %arg24[%dma_start3A_365, %dma_start3A_370] : memref<2x128xi32, #tpu.memory_space<vmem>> -> memref<1x128xi32, #tpu.memory_space<vmem>>
    %dma_start3A_372 = tpu.memref_squeeze %dma_start3A_371 : memref<1x128xi32, #tpu.memory_space<vmem>> -> memref<128xi32, #tpu.memory_space<vmem>>
    %dma_start3A_373 = tpu.memref_slice %arg12[%add3A_364] : memref<8192xi32, #tpu.memory_space<hbm>> -> memref<128xi32, #tpu.memory_space<hbm>>
    tpu.enqueue_dma source(%dma_start3A_373 : memref<128xi32, #tpu.memory_space<hbm>>) target(%dma_start3A_372 : memref<128xi32, #tpu.memory_space<vmem>>) target_semaphore(%arg29 : memref<!tpu.dma_semaphore, #tpu.memory_space<semaphore_mem>>)
    %add3A_374 = arith.constant 128 : i32
    %add3A_375 = arith.addi %mul3A_362, %add3A_374 : i32
    %dma_start3A_376 = arith.constant 1 : i32
    %dma_start3A_377 = arith.constant 0 : i32
    %dma_start3A_378 = tpu.memref_slice %arg24[%dma_start3A_376, %dma_start3A_377] : memref<2x128xi32, #tpu.memory_space<vmem>> -> memref<1x128xi32, #tpu.memory_space<vmem>>
    %dma_start3A_379 = tpu.memref_squeeze %dma_start3A_378 : memref<1x128xi32, #tpu.memory_space<vmem>> -> memref<128xi32, #tpu.memory_space<vmem>>
    %dma_start3A_380 = tpu.memref_slice %arg12[%add3A_375] : memref<8192xi32, #tpu.memory_space<hbm>> -> memref<128xi32, #tpu.memory_space<hbm>>
    %dma_start3A_381 = arith.constant 0 : i32
    %dma_start3A_382 = tpu.memref_slice %arg24[%dma_start3A_376, %dma_start3A_381] : memref<2x128xi32, #tpu.memory_space<vmem>> -> memref<1x128xi32, #tpu.memory_space<vmem>>
    %dma_start3A_383 = tpu.memref_squeeze %dma_start3A_382 : memref<1x128xi32, #tpu.memory_space<vmem>> -> memref<128xi32, #tpu.memory_space<vmem>>
    %dma_start3A_384 = tpu.memref_slice %arg12[%add3A_375] : memref<8192xi32, #tpu.memory_space<hbm>> -> memref<128xi32, #tpu.memory_space<hbm>>
    tpu.enqueue_dma source(%dma_start3A_384 : memref<128xi32, #tpu.memory_space<hbm>>) target(%dma_start3A_383 : memref<128xi32, #tpu.memory_space<vmem>>) target_semaphore(%arg30 : memref<!tpu.dma_semaphore, #tpu.memory_space<semaphore_mem>>)
    %scan3A_385 = arith.constant 0 : i32
    %mul3A_386 = arith.constant 2 : i32
    %mul3A_387 = arith.muli %scan3A_385, %mul3A_386 : i32
    %add3A_388 = arith.constant 0 : i32
    %add3A_389 = arith.addi %add3A_388, %mul3A_387 : i32
    %add3A_390 = arith.constant 0 : i32
    %add3A_391 = arith.addi %add3A_389, %add3A_390 : i32
    %mul3A_392 = arith.constant 128 : i32
    %mul3A_393 = arith.muli %add3A_391, %mul3A_392 : i32
    %add3A_394 = arith.addi %mul3A_362, %mul3A_393 : i32
    %dma_wait3A_395 = arith.constant 0 : i32
    %dma_wait3A_396 = arith.constant 0 : i32
    %dma_wait3A_397 = tpu.memref_slice %arg24[%dma_wait3A_395, %dma_wait3A_396] : memref<2x128xi32, #tpu.memory_space<vmem>> -> memref<1x128xi32, #tpu.memory_space<vmem>>
    %dma_wait3A_398 = tpu.memref_squeeze %dma_wait3A_397 : memref<1x128xi32, #tpu.memory_space<vmem>> -> memref<128xi32, #tpu.memory_space<vmem>>
    %dma_wait3A_399 = arith.constant 0 : i32
    %dma_wait3A_400 = tpu.memref_slice %arg12[%dma_wait3A_399] : memref<8192xi32, #tpu.memory_space<hbm>> -> memref<128xi32, #tpu.memory_space<hbm>>
    %dma_wait3A_401 = arith.constant 0 : i32
    %dma_wait3A_402 = tpu.memref_slice %arg24[%dma_wait3A_395, %dma_wait3A_401] : memref<2x128xi32, #tpu.memory_space<vmem>> -> memref<1x128xi32, #tpu.memory_space<vmem>>
    %dma_wait3A_403 = tpu.memref_squeeze %dma_wait3A_402 : memref<1x128xi32, #tpu.memory_space<vmem>> -> memref<128xi32, #tpu.memory_space<vmem>>
    %dma_wait3A_404 = arith.constant 0 : i32
    %dma_wait3A_405 = tpu.memref_slice %arg12[%dma_wait3A_404] : memref<8192xi32, #tpu.memory_space<hbm>> -> memref<128xi32, #tpu.memory_space<hbm>>
    tpu.wait_dma2 semaphore(%arg29 : memref<!tpu.dma_semaphore, #tpu.memory_space<semaphore_mem>>) src(%dma_wait3A_405 : memref<128xi32, #tpu.memory_space<hbm>>) dst(%dma_wait3A_403 : memref<128xi32, #tpu.memory_space<vmem>>)
    %ge3A_406 = arith.constant 2 : i32
    %ge3A_407 = arith.cmpi sge, %add3A_391, %ge3A_406 : i32
    %convert_element_type3A_408 = arith.extui %ge3A_407 : i1 to i32
    %cond3A_409 = arith.constant 0 : i32
    %cond3A_410 = arith.cmpi ne, %convert_element_type3A_408, %cond3A_409 : i32
    scf.if %cond3A_410 {
      %dma_wait3A_1121 = arith.constant 0 : i32
      %dma_wait3A_1122 = arith.constant 0 : i32
      %dma_wait3A_1123 = arith.constant 0 : i32
      %dma_wait3A_1124 = tpu.memref_slice %arg25[%dma_wait3A_1121, %dma_wait3A_1122, %dma_wait3A_1123] : memref<2x128x128xf32, #tpu.memory_space<vmem>> -> memref<1x128x128xf32, #tpu.memory_space<vmem>>
      %dma_wait3A_1125 = tpu.memref_squeeze %dma_wait3A_1124 : memref<1x128x128xf32, #tpu.memory_space<vmem>> -> memref<128x128xf32, #tpu.memory_space<vmem>>
      %dma_wait3A_1126 = arith.constant 0 : i32
      %dma_wait3A_1127 = arith.constant 0 : i32
      %dma_wait3A_1128 = tpu.memref_slice %arg20[%dma_wait3A_1126, %dma_wait3A_1127] : memref<8192x128xf32, #tpu.memory_space<hbm>> -> memref<128x128xf32, #tpu.memory_space<hbm>>
      %dma_wait3A_1129 = arith.constant 0 : i32
      %dma_wait3A_1130 = arith.constant 0 : i32
      %dma_wait3A_1131 = tpu.memref_slice %arg20[%dma_wait3A_1129, %dma_wait3A_1130] : memref<8192x128xf32, #tpu.memory_space<hbm>> -> memref<128x128xf32, #tpu.memory_space<hbm>>
      %dma_wait3A_1132 = arith.constant 0 : i32
      %dma_wait3A_1133 = arith.constant 0 : i32
      %dma_wait3A_1134 = tpu.memref_slice %arg25[%dma_wait3A_1121, %dma_wait3A_1132, %dma_wait3A_1133] : memref<2x128x128xf32, #tpu.memory_space<vmem>> -> memref<1x128x128xf32, #tpu.memory_space<vmem>>
      %dma_wait3A_1135 = tpu.memref_squeeze %dma_wait3A_1134 : memref<1x128x128xf32, #tpu.memory_space<vmem>> -> memref<128x128xf32, #tpu.memory_space<vmem>>
      tpu.wait_dma2 semaphore(%arg27 : memref<!tpu.dma_semaphore, #tpu.memory_space<semaphore_mem>>) src(%dma_wait3A_1135 : memref<128x128xf32, #tpu.memory_space<vmem>>) dst(%dma_wait3A_1131 : memref<128x128xf32, #tpu.memory_space<hbm>>)
    } else {
    }
    %dma_start3A_411 = arith.constant 0 : i32
    %dma_start3A_412 = arith.constant 0 : i32
    %dma_start3A_413 = arith.constant 0 : i32
    %dma_start3A_414 = arith.constant 0 : i32
    %dma_start3A_415 = tpu.memref_slice %arg25[%dma_start3A_412, %dma_start3A_413, %dma_start3A_414] : memref<2x128x128xf32, #tpu.memory_space<vmem>> -> memref<1x128x128xf32, #tpu.memory_space<vmem>>
    %dma_start3A_416 = tpu.memref_squeeze %dma_start3A_415 : memref<1x128x128xf32, #tpu.memory_space<vmem>> -> memref<128x128xf32, #tpu.memory_space<vmem>>
    %dma_start3A_417 = arith.constant 0 : i32
    %dma_start3A_418 = tpu.memref_slice %arg24[%dma_start3A_411, %dma_start3A_417] : memref<2x128xi32, #tpu.memory_space<vmem>> -> memref<1x128xi32, #tpu.memory_space<vmem>>
    %dma_start3A_419 = tpu.memref_squeeze %dma_start3A_418 : memref<1x128xi32, #tpu.memory_space<vmem>> -> memref<128xi32, #tpu.memory_space<vmem>>
    %dma_start3A_420 = arith.constant 0 : i32
    %dma_start3A_421 = arith.constant 0 : i32
    %dma_start3A_422 = tpu.memref_slice %arg7[%dma_start3A_420, %dma_start3A_421] : memref<50000x128xf32, #tpu.memory_space<hbm>> -> memref<50000x128xf32, #tpu.memory_space<hbm>>
    tpu.enqueue_indirect_dma source(%dma_start3A_422 : memref<50000x128xf32, #tpu.memory_space<hbm>>) target(%dma_start3A_416 : memref<128x128xf32, #tpu.memory_space<vmem>>) offsets(%dma_start3A_419 : memref<128xi32, #tpu.memory_space<vmem>>) semaphore(%arg26 : memref<!tpu.dma_semaphore, #tpu.memory_space<semaphore_mem>>)
    %dma_wait3A_423 = arith.constant 0 : i32
    %dma_wait3A_424 = arith.constant 0 : i32
    %dma_wait3A_425 = arith.constant 0 : i32
    %dma_wait3A_426 = arith.constant 0 : i32
    %dma_wait3A_427 = tpu.memref_slice %arg25[%dma_wait3A_424, %dma_wait3A_425, %dma_wait3A_426] : memref<2x128x128xf32, #tpu.memory_space<vmem>> -> memref<1x128x128xf32, #tpu.memory_space<vmem>>
    %dma_wait3A_428 = tpu.memref_squeeze %dma_wait3A_427 : memref<1x128x128xf32, #tpu.memory_space<vmem>> -> memref<128x128xf32, #tpu.memory_space<vmem>>
    %dma_wait3A_429 = arith.constant 0 : i32
    %dma_wait3A_430 = tpu.memref_slice %arg24[%dma_wait3A_423, %dma_wait3A_429] : memref<2x128xi32, #tpu.memory_space<vmem>> -> memref<1x128xi32, #tpu.memory_space<vmem>>
    %dma_wait3A_431 = tpu.memref_squeeze %dma_wait3A_430 : memref<1x128xi32, #tpu.memory_space<vmem>> -> memref<128xi32, #tpu.memory_space<vmem>>
    %dma_wait3A_432 = arith.constant 0 : i32
    %dma_wait3A_433 = arith.constant 0 : i32
    %dma_wait3A_434 = tpu.memref_slice %arg7[%dma_wait3A_432, %dma_wait3A_433] : memref<50000x128xf32, #tpu.memory_space<hbm>> -> memref<50000x128xf32, #tpu.memory_space<hbm>>
    tpu.wait_indirect_dma semaphore(%arg26 : memref<!tpu.dma_semaphore, #tpu.memory_space<semaphore_mem>>) src(%dma_wait3A_434 : memref<50000x128xf32, #tpu.memory_space<hbm>>) dst(%dma_wait3A_428 : memref<128x128xf32, #tpu.memory_space<vmem>>)
    %dma_start3A_435 = arith.constant 0 : i32
    %dma_start3A_436 = arith.constant 0 : i32
    %dma_start3A_437 = arith.constant 0 : i32
    %dma_start3A_438 = tpu.memref_slice %arg25[%dma_start3A_435, %dma_start3A_436, %dma_start3A_437] : memref<2x128x128xf32, #tpu.memory_space<vmem>> -> memref<1x128x128xf32, #tpu.memory_space<vmem>>
    %dma_start3A_439 = tpu.memref_squeeze %dma_start3A_438 : memref<1x128x128xf32, #tpu.memory_space<vmem>> -> memref<128x128xf32, #tpu.memory_space<vmem>>
    %dma_start3A_440 = arith.constant 0 : i32
    %dma_start3A_441 = tpu.memref_slice %arg20[%add3A_394, %dma_start3A_440] : memref<8192x128xf32, #tpu.memory_space<hbm>> -> memref<128x128xf32, #tpu.memory_space<hbm>>
    %dma_start3A_442 = arith.constant 0 : i32
    %dma_start3A_443 = tpu.memref_slice %arg20[%add3A_394, %dma_start3A_442] : memref<8192x128xf32, #tpu.memory_space<hbm>> -> memref<128x128xf32, #tpu.memory_space<hbm>>
    %dma_start3A_444 = arith.constant 0 : i32
    %dma_start3A_445 = arith.constant 0 : i32
    %dma_start3A_446 = tpu.memref_slice %arg25[%dma_start3A_435, %dma_start3A_444, %dma_start3A_445] : memref<2x128x128xf32, #tpu.memory_space<vmem>> -> memref<1x128x128xf32, #tpu.memory_space<vmem>>
    %dma_start3A_447 = tpu.memref_squeeze %dma_start3A_446 : memref<1x128x128xf32, #tpu.memory_space<vmem>> -> memref<128x128xf32, #tpu.memory_space<vmem>>
    tpu.enqueue_dma source(%dma_start3A_447 : memref<128x128xf32, #tpu.memory_space<vmem>>) target(%dma_start3A_443 : memref<128x128xf32, #tpu.memory_space<hbm>>) target_semaphore(%arg27 : memref<!tpu.dma_semaphore, #tpu.memory_space<semaphore_mem>>)
    %add3A_448 = arith.constant 2 : i32
    %add3A_449 = arith.addi %add3A_391, %add3A_448 : i32
    %lt3A_450 = arith.constant 2 : i32
    %lt3A_451 = arith.cmpi slt, %add3A_449, %lt3A_450 : i32
    %convert_element_type3A_452 = arith.extui %lt3A_451 : i1 to i32
    %cond3A_453 = arith.constant 0 : i32
    %cond3A_454 = arith.cmpi ne, %convert_element_type3A_452, %cond3A_453 : i32
    scf.if %cond3A_454 {
      %add3A_1121 = arith.constant 256 : i32
      %add3A_1122 = arith.addi %add3A_394, %add3A_1121 : i32
      %dma_start3A_1123 = arith.constant 0 : i32
      %dma_start3A_1124 = arith.constant 0 : i32
      %dma_start3A_1125 = tpu.memref_slice %arg24[%dma_start3A_1123, %dma_start3A_1124] : memref<2x128xi32, #tpu.memory_space<vmem>> -> memref<1x128xi32, #tpu.memory_space<vmem>>
      %dma_start3A_1126 = tpu.memref_squeeze %dma_start3A_1125 : memref<1x128xi32, #tpu.memory_space<vmem>> -> memref<128xi32, #tpu.memory_space<vmem>>
      %dma_start3A_1127 = tpu.memref_slice %arg12[%add3A_1122] : memref<8192xi32, #tpu.memory_space<hbm>> -> memref<128xi32, #tpu.memory_space<hbm>>
      %dma_start3A_1128 = arith.constant 0 : i32
      %dma_start3A_1129 = tpu.memref_slice %arg24[%dma_start3A_1123, %dma_start3A_1128] : memref<2x128xi32, #tpu.memory_space<vmem>> -> memref<1x128xi32, #tpu.memory_space<vmem>>
      %dma_start3A_1130 = tpu.memref_squeeze %dma_start3A_1129 : memref<1x128xi32, #tpu.memory_space<vmem>> -> memref<128xi32, #tpu.memory_space<vmem>>
      %dma_start3A_1131 = tpu.memref_slice %arg12[%add3A_1122] : memref<8192xi32, #tpu.memory_space<hbm>> -> memref<128xi32, #tpu.memory_space<hbm>>
      tpu.enqueue_dma source(%dma_start3A_1131 : memref<128xi32, #tpu.memory_space<hbm>>) target(%dma_start3A_1130 : memref<128xi32, #tpu.memory_space<vmem>>) target_semaphore(%arg29 : memref<!tpu.dma_semaphore, #tpu.memory_space<semaphore_mem>>)
    } else {
    }
    %add3A_455 = arith.constant 1 : i32
    %add3A_456 = arith.addi %add3A_389, %add3A_455 : i32
    %mul3A_457 = arith.constant 128 : i32
    %mul3A_458 = arith.muli %add3A_456, %mul3A_457 : i32
    %add3A_459 = arith.addi %mul3A_362, %mul3A_458 : i32
    %dma_wait3A_460 = arith.constant 1 : i32
    %dma_wait3A_461 = arith.constant 0 : i32
    %dma_wait3A_462 = tpu.memref_slice %arg24[%dma_wait3A_460, %dma_wait3A_461] : memref<2x128xi32, #tpu.memory_space<vmem>> -> memref<1x128xi32, #tpu.memory_space<vmem>>
    %dma_wait3A_463 = tpu.memref_squeeze %dma_wait3A_462 : memref<1x128xi32, #tpu.memory_space<vmem>> -> memref<128xi32, #tpu.memory_space<vmem>>
    %dma_wait3A_464 = arith.constant 0 : i32
    %dma_wait3A_465 = tpu.memref_slice %arg12[%dma_wait3A_464] : memref<8192xi32, #tpu.memory_space<hbm>> -> memref<128xi32, #tpu.memory_space<hbm>>
    %dma_wait3A_466 = arith.constant 0 : i32
    %dma_wait3A_467 = tpu.memref_slice %arg24[%dma_wait3A_460, %dma_wait3A_466] : memref<2x128xi32, #tpu.memory_space<vmem>> -> memref<1x128xi32, #tpu.memory_space<vmem>>
    %dma_wait3A_468 = tpu.memref_squeeze %dma_wait3A_467 : memref<1x128xi32, #tpu.memory_space<vmem>> -> memref<128xi32, #tpu.memory_space<vmem>>
    %dma_wait3A_469 = arith.constant 0 : i32
    %dma_wait3A_470 = tpu.memref_slice %arg12[%dma_wait3A_469] : memref<8192xi32, #tpu.memory_space<hbm>> -> memref<128xi32, #tpu.memory_space<hbm>>
    tpu.wait_dma2 semaphore(%arg30 : memref<!tpu.dma_semaphore, #tpu.memory_space<semaphore_mem>>) src(%dma_wait3A_470 : memref<128xi32, #tpu.memory_space<hbm>>) dst(%dma_wait3A_468 : memref<128xi32, #tpu.memory_space<vmem>>)
    %ge3A_471 = arith.constant 2 : i32
    %ge3A_472 = arith.cmpi sge, %add3A_456, %ge3A_471 : i32
    %convert_element_type3A_473 = arith.extui %ge3A_472 : i1 to i32
    %cond3A_474 = arith.constant 0 : i32
    %cond3A_475 = arith.cmpi ne, %convert_element_type3A_473, %cond3A_474 : i32
    scf.if %cond3A_475 {
      %dma_wait3A_1121 = arith.constant 1 : i32
      %dma_wait3A_1122 = arith.constant 0 : i32
      %dma_wait3A_1123 = arith.constant 0 : i32
      %dma_wait3A_1124 = tpu.memref_slice %arg25[%dma_wait3A_1121, %dma_wait3A_1122, %dma_wait3A_1123] : memref<2x128x128xf32, #tpu.memory_space<vmem>> -> memref<1x128x128xf32, #tpu.memory_space<vmem>>
      %dma_wait3A_1125 = tpu.memref_squeeze %dma_wait3A_1124 : memref<1x128x128xf32, #tpu.memory_space<vmem>> -> memref<128x128xf32, #tpu.memory_space<vmem>>
      %dma_wait3A_1126 = arith.constant 0 : i32
      %dma_wait3A_1127 = arith.constant 0 : i32
      %dma_wait3A_1128 = tpu.memref_slice %arg20[%dma_wait3A_1126, %dma_wait3A_1127] : memref<8192x128xf32, #tpu.memory_space<hbm>> -> memref<128x128xf32, #tpu.memory_space<hbm>>
      %dma_wait3A_1129 = arith.constant 0 : i32
      %dma_wait3A_1130 = arith.constant 0 : i32
      %dma_wait3A_1131 = tpu.memref_slice %arg20[%dma_wait3A_1129, %dma_wait3A_1130] : memref<8192x128xf32, #tpu.memory_space<hbm>> -> memref<128x128xf32, #tpu.memory_space<hbm>>
      %dma_wait3A_1132 = arith.constant 0 : i32
      %dma_wait3A_1133 = arith.constant 0 : i32
      %dma_wait3A_1134 = tpu.memref_slice %arg25[%dma_wait3A_1121, %dma_wait3A_1132, %dma_wait3A_1133] : memref<2x128x128xf32, #tpu.memory_space<vmem>> -> memref<1x128x128xf32, #tpu.memory_space<vmem>>
      %dma_wait3A_1135 = tpu.memref_squeeze %dma_wait3A_1134 : memref<1x128x128xf32, #tpu.memory_space<vmem>> -> memref<128x128xf32, #tpu.memory_space<vmem>>
      tpu.wait_dma2 semaphore(%arg28 : memref<!tpu.dma_semaphore, #tpu.memory_space<semaphore_mem>>) src(%dma_wait3A_1135 : memref<128x128xf32, #tpu.memory_space<vmem>>) dst(%dma_wait3A_1131 : memref<128x128xf32, #tpu.memory_space<hbm>>)
    } else {
    }
    %dma_start3A_476 = arith.constant 1 : i32
    %dma_start3A_477 = arith.constant 1 : i32
    %dma_start3A_478 = arith.constant 0 : i32
    %dma_start3A_479 = arith.constant 0 : i32
    %dma_start3A_480 = tpu.memref_slice %arg25[%dma_start3A_477, %dma_start3A_478, %dma_start3A_479] : memref<2x128x128xf32, #tpu.memory_space<vmem>> -> memref<1x128x128xf32, #tpu.memory_space<vmem>>
    %dma_start3A_481 = tpu.memref_squeeze %dma_start3A_480 : memref<1x128x128xf32, #tpu.memory_space<vmem>> -> memref<128x128xf32, #tpu.memory_space<vmem>>
    %dma_start3A_482 = arith.constant 0 : i32
    %dma_start3A_483 = tpu.memref_slice %arg24[%dma_start3A_476, %dma_start3A_482] : memref<2x128xi32, #tpu.memory_space<vmem>> -> memref<1x128xi32, #tpu.memory_space<vmem>>
    %dma_start3A_484 = tpu.memref_squeeze %dma_start3A_483 : memref<1x128xi32, #tpu.memory_space<vmem>> -> memref<128xi32, #tpu.memory_space<vmem>>
    %dma_start3A_485 = arith.constant 0 : i32
    %dma_start3A_486 = arith.constant 0 : i32
    %dma_start3A_487 = tpu.memref_slice %arg7[%dma_start3A_485, %dma_start3A_486] : memref<50000x128xf32, #tpu.memory_space<hbm>> -> memref<50000x128xf32, #tpu.memory_space<hbm>>
    tpu.enqueue_indirect_dma source(%dma_start3A_487 : memref<50000x128xf32, #tpu.memory_space<hbm>>) target(%dma_start3A_481 : memref<128x128xf32, #tpu.memory_space<vmem>>) offsets(%dma_start3A_484 : memref<128xi32, #tpu.memory_space<vmem>>) semaphore(%arg26 : memref<!tpu.dma_semaphore, #tpu.memory_space<semaphore_mem>>)
    %dma_wait3A_488 = arith.constant 1 : i32
    %dma_wait3A_489 = arith.constant 1 : i32
    %dma_wait3A_490 = arith.constant 0 : i32
    %dma_wait3A_491 = arith.constant 0 : i32
    %dma_wait3A_492 = tpu.memref_slice %arg25[%dma_wait3A_489, %dma_wait3A_490, %dma_wait3A_491] : memref<2x128x128xf32, #tpu.memory_space<vmem>> -> memref<1x128x128xf32, #tpu.memory_space<vmem>>
    %dma_wait3A_493 = tpu.memref_squeeze %dma_wait3A_492 : memref<1x128x128xf32, #tpu.memory_space<vmem>> -> memref<128x128xf32, #tpu.memory_space<vmem>>
    %dma_wait3A_494 = arith.constant 0 : i32
    %dma_wait3A_495 = tpu.memref_slice %arg24[%dma_wait3A_488, %dma_wait3A_494] : memref<2x128xi32, #tpu.memory_space<vmem>> -> memref<1x128xi32, #tpu.memory_space<vmem>>
    %dma_wait3A_496 = tpu.memref_squeeze %dma_wait3A_495 : memref<1x128xi32, #tpu.memory_space<vmem>> -> memref<128xi32, #tpu.memory_space<vmem>>
    %dma_wait3A_497 = arith.constant 0 : i32
    %dma_wait3A_498 = arith.constant 0 : i32
    %dma_wait3A_499 = tpu.memref_slice %arg7[%dma_wait3A_497, %dma_wait3A_498] : memref<50000x128xf32, #tpu.memory_space<hbm>> -> memref<50000x128xf32, #tpu.memory_space<hbm>>
    tpu.wait_indirect_dma semaphore(%arg26 : memref<!tpu.dma_semaphore, #tpu.memory_space<semaphore_mem>>) src(%dma_wait3A_499 : memref<50000x128xf32, #tpu.memory_space<hbm>>) dst(%dma_wait3A_493 : memref<128x128xf32, #tpu.memory_space<vmem>>)
    %dma_start3A_500 = arith.constant 1 : i32
    %dma_start3A_501 = arith.constant 0 : i32
    %dma_start3A_502 = arith.constant 0 : i32
    %dma_start3A_503 = tpu.memref_slice %arg25[%dma_start3A_500, %dma_start3A_501, %dma_start3A_502] : memref<2x128x128xf32, #tpu.memory_space<vmem>> -> memref<1x128x128xf32, #tpu.memory_space<vmem>>
    %dma_start3A_504 = tpu.memref_squeeze %dma_start3A_503 : memref<1x128x128xf32, #tpu.memory_space<vmem>> -> memref<128x128xf32, #tpu.memory_space<vmem>>
    %dma_start3A_505 = arith.constant 0 : i32
    %dma_start3A_506 = tpu.memref_slice %arg20[%add3A_459, %dma_start3A_505] : memref<8192x128xf32, #tpu.memory_space<hbm>> -> memref<128x128xf32, #tpu.memory_space<hbm>>
    %dma_start3A_507 = arith.constant 0 : i32
    %dma_start3A_508 = tpu.memref_slice %arg20[%add3A_459, %dma_start3A_507] : memref<8192x128xf32, #tpu.memory_space<hbm>> -> memref<128x128xf32, #tpu.memory_space<hbm>>
    %dma_start3A_509 = arith.constant 0 : i32
    %dma_start3A_510 = arith.constant 0 : i32
    %dma_start3A_511 = tpu.memref_slice %arg25[%dma_start3A_500, %dma_start3A_509, %dma_start3A_510] : memref<2x128x128xf32, #tpu.memory_space<vmem>> -> memref<1x128x128xf32, #tpu.memory_space<vmem>>
    %dma_start3A_512 = tpu.memref_squeeze %dma_start3A_511 : memref<1x128x128xf32, #tpu.memory_space<vmem>> -> memref<128x128xf32, #tpu.memory_space<vmem>>
    tpu.enqueue_dma source(%dma_start3A_512 : memref<128x128xf32, #tpu.memory_space<vmem>>) target(%dma_start3A_508 : memref<128x128xf32, #tpu.memory_space<hbm>>) target_semaphore(%arg28 : memref<!tpu.dma_semaphore, #tpu.memory_space<semaphore_mem>>)
    %add3A_513 = arith.constant 2 : i32
    %add3A_514 = arith.addi %add3A_456, %add3A_513 : i32
    %lt3A_515 = arith.constant 2 : i32
    %lt3A_516 = arith.cmpi slt, %add3A_514, %lt3A_515 : i32
    %convert_element_type3A_517 = arith.extui %lt3A_516 : i1 to i32
    %cond3A_518 = arith.constant 0 : i32
    %cond3A_519 = arith.cmpi ne, %convert_element_type3A_517, %cond3A_518 : i32
    scf.if %cond3A_519 {
      %add3A_1121 = arith.constant 256 : i32
      %add3A_1122 = arith.addi %add3A_459, %add3A_1121 : i32
      %dma_start3A_1123 = arith.constant 1 : i32
      %dma_start3A_1124 = arith.constant 0 : i32
      %dma_start3A_1125 = tpu.memref_slice %arg24[%dma_start3A_1123, %dma_start3A_1124] : memref<2x128xi32, #tpu.memory_space<vmem>> -> memref<1x128xi32, #tpu.memory_space<vmem>>
      %dma_start3A_1126 = tpu.memref_squeeze %dma_start3A_1125 : memref<1x128xi32, #tpu.memory_space<vmem>> -> memref<128xi32, #tpu.memory_space<vmem>>
      %dma_start3A_1127 = tpu.memref_slice %arg12[%add3A_1122] : memref<8192xi32, #tpu.memory_space<hbm>> -> memref<128xi32, #tpu.memory_space<hbm>>
      %dma_start3A_1128 = arith.constant 0 : i32
      %dma_start3A_1129 = tpu.memref_slice %arg24[%dma_start3A_1123, %dma_start3A_1128] : memref<2x128xi32, #tpu.memory_space<vmem>> -> memref<1x128xi32, #tpu.memory_space<vmem>>
      %dma_start3A_1130 = tpu.memref_squeeze %dma_start3A_1129 : memref<1x128xi32, #tpu.memory_space<vmem>> -> memref<128xi32, #tpu.memory_space<vmem>>
      %dma_start3A_1131 = tpu.memref_slice %arg12[%add3A_1122] : memref<8192xi32, #tpu.memory_space<hbm>> -> memref<128xi32, #tpu.memory_space<hbm>>
      tpu.enqueue_dma source(%dma_start3A_1131 : memref<128xi32, #tpu.memory_space<hbm>>) target(%dma_start3A_1130 : memref<128xi32, #tpu.memory_space<vmem>>) target_semaphore(%arg30 : memref<!tpu.dma_semaphore, #tpu.memory_space<semaphore_mem>>)
    } else {
    }
    %scan3A_520 = arith.constant 1 : i32
    %dma_wait3A_521 = arith.constant 0 : i32
    %dma_wait3A_522 = arith.constant 0 : i32
    %dma_wait3A_523 = arith.constant 0 : i32
    %dma_wait3A_524 = tpu.memref_slice %arg25[%dma_wait3A_521, %dma_wait3A_522, %dma_wait3A_523] : memref<2x128x128xf32, #tpu.memory_space<vmem>> -> memref<1x128x128xf32, #tpu.memory_space<vmem>>
    %dma_wait3A_525 = tpu.memref_squeeze %dma_wait3A_524 : memref<1x128x128xf32, #tpu.memory_space<vmem>> -> memref<128x128xf32, #tpu.memory_space<vmem>>
    %dma_wait3A_526 = arith.constant 0 : i32
    %dma_wait3A_527 = arith.constant 0 : i32
    %dma_wait3A_528 = tpu.memref_slice %arg20[%dma_wait3A_526, %dma_wait3A_527] : memref<8192x128xf32, #tpu.memory_space<hbm>> -> memref<128x128xf32, #tpu.memory_space<hbm>>
    %dma_wait3A_529 = arith.constant 0 : i32
    %dma_wait3A_530 = arith.constant 0 : i32
    %dma_wait3A_531 = tpu.memref_slice %arg20[%dma_wait3A_529, %dma_wait3A_530] : memref<8192x128xf32, #tpu.memory_space<hbm>> -> memref<128x128xf32, #tpu.memory_space<hbm>>
    %dma_wait3A_532 = arith.constant 0 : i32
    %dma_wait3A_533 = arith.constant 0 : i32
    %dma_wait3A_534 = tpu.memref_slice %arg25[%dma_wait3A_521, %dma_wait3A_532, %dma_wait3A_533] : memref<2x128x128xf32, #tpu.memory_space<vmem>> -> memref<1x128x128xf32, #tpu.memory_space<vmem>>
    %dma_wait3A_535 = tpu.memref_squeeze %dma_wait3A_534 : memref<1x128x128xf32, #tpu.memory_space<vmem>> -> memref<128x128xf32, #tpu.memory_space<vmem>>
    tpu.wait_dma2 semaphore(%arg27 : memref<!tpu.dma_semaphore, #tpu.memory_space<semaphore_mem>>) src(%dma_wait3A_535 : memref<128x128xf32, #tpu.memory_space<vmem>>) dst(%dma_wait3A_531 : memref<128x128xf32, #tpu.memory_space<hbm>>)
    %dma_wait3A_536 = arith.constant 1 : i32
    %dma_wait3A_537 = arith.constant 0 : i32
    %dma_wait3A_538 = arith.constant 0 : i32
    %dma_wait3A_539 = tpu.memref_slice %arg25[%dma_wait3A_536, %dma_wait3A_537, %dma_wait3A_538] : memref<2x128x128xf32, #tpu.memory_space<vmem>> -> memref<1x128x128xf32, #tpu.memory_space<vmem>>
    %dma_wait3A_540 = tpu.memref_squeeze %dma_wait3A_539 : memref<1x128x128xf32, #tpu.memory_space<vmem>> -> memref<128x128xf32, #tpu.memory_space<vmem>>
    %dma_wait3A_541 = arith.constant 0 : i32
    %dma_wait3A_542 = arith.constant 0 : i32
    %dma_wait3A_543 = tpu.memref_slice %arg20[%dma_wait3A_541, %dma_wait3A_542] : memref<8192x128xf32, #tpu.memory_space<hbm>> -> memref<128x128xf32, #tpu.memory_space<hbm>>
    %dma_wait3A_544 = arith.constant 0 : i32
    %dma_wait3A_545 = arith.constant 0 : i32
    %dma_wait3A_546 = tpu.memref_slice %arg20[%dma_wait3A_544, %dma_wait3A_545] : memref<8192x128xf32, #tpu.memory_space<hbm>> -> memref<128x128xf32, #tpu.memory_space<hbm>>
    %dma_wait3A_547 = arith.constant 0 : i32
    %dma_wait3A_548 = arith.constant 0 : i32
    %dma_wait3A_549 = tpu.memref_slice %arg25[%dma_wait3A_536, %dma_wait3A_547, %dma_wait3A_548] : memref<2x128x128xf32, #tpu.memory_space<vmem>> -> memref<1x128x128xf32, #tpu.memory_space<vmem>>
    %dma_wait3A_550 = tpu.memref_squeeze %dma_wait3A_549 : memref<1x128x128xf32, #tpu.memory_space<vmem>> -> memref<128x128xf32, #tpu.memory_space<vmem>>
    tpu.wait_dma2 semaphore(%arg28 : memref<!tpu.dma_semaphore, #tpu.memory_space<semaphore_mem>>) src(%dma_wait3A_550 : memref<128x128xf32, #tpu.memory_space<vmem>>) dst(%dma_wait3A_546 : memref<128x128xf32, #tpu.memory_space<hbm>>)
    %mul3A_551 = arith.constant 256 : i32
    %mul3A_552 = arith.muli %add3A, %mul3A_551 : i32
    %add3A_553 = arith.constant 0 : i32
    %add3A_554 = arith.addi %mul3A_552, %add3A_553 : i32
    %dma_start3A_555 = arith.constant 0 : i32
    %dma_start3A_556 = arith.constant 0 : i32
    %dma_start3A_557 = tpu.memref_slice %arg24[%dma_start3A_555, %dma_start3A_556] : memref<2x128xi32, #tpu.memory_space<vmem>> -> memref<1x128xi32, #tpu.memory_space<vmem>>
    %dma_start3A_558 = tpu.memref_squeeze %dma_start3A_557 : memref<1x128xi32, #tpu.memory_space<vmem>> -> memref<128xi32, #tpu.memory_space<vmem>>
    %dma_start3A_559 = tpu.memref_slice %arg13[%add3A_554] : memref<8192xi32, #tpu.memory_space<hbm>> -> memref<128xi32, #tpu.memory_space<hbm>>
    %dma_start3A_560 = arith.constant 0 : i32
    %dma_start3A_561 = tpu.memref_slice %arg24[%dma_start3A_555, %dma_start3A_560] : memref<2x128xi32, #tpu.memory_space<vmem>> -> memref<1x128xi32, #tpu.memory_space<vmem>>
    %dma_start3A_562 = tpu.memref_squeeze %dma_start3A_561 : memref<1x128xi32, #tpu.memory_space<vmem>> -> memref<128xi32, #tpu.memory_space<vmem>>
    %dma_start3A_563 = tpu.memref_slice %arg13[%add3A_554] : memref<8192xi32, #tpu.memory_space<hbm>> -> memref<128xi32, #tpu.memory_space<hbm>>
    tpu.enqueue_dma source(%dma_start3A_563 : memref<128xi32, #tpu.memory_space<hbm>>) target(%dma_start3A_562 : memref<128xi32, #tpu.memory_space<vmem>>) target_semaphore(%arg29 : memref<!tpu.dma_semaphore, #tpu.memory_space<semaphore_mem>>)
    %add3A_564 = arith.constant 128 : i32
    %add3A_565 = arith.addi %mul3A_552, %add3A_564 : i32
    %dma_start3A_566 = arith.constant 1 : i32
    %dma_start3A_567 = arith.constant 0 : i32
    %dma_start3A_568 = tpu.memref_slice %arg24[%dma_start3A_566, %dma_start3A_567] : memref<2x128xi32, #tpu.memory_space<vmem>> -> memref<1x128xi32, #tpu.memory_space<vmem>>
    %dma_start3A_569 = tpu.memref_squeeze %dma_start3A_568 : memref<1x128xi32, #tpu.memory_space<vmem>> -> memref<128xi32, #tpu.memory_space<vmem>>
    %dma_start3A_570 = tpu.memref_slice %arg13[%add3A_565] : memref<8192xi32, #tpu.memory_space<hbm>> -> memref<128xi32, #tpu.memory_space<hbm>>
    %dma_start3A_571 = arith.constant 0 : i32
    %dma_start3A_572 = tpu.memref_slice %arg24[%dma_start3A_566, %dma_start3A_571] : memref<2x128xi32, #tpu.memory_space<vmem>> -> memref<1x128xi32, #tpu.memory_space<vmem>>
    %dma_start3A_573 = tpu.memref_squeeze %dma_start3A_572 : memref<1x128xi32, #tpu.memory_space<vmem>> -> memref<128xi32, #tpu.memory_space<vmem>>
    %dma_start3A_574 = tpu.memref_slice %arg13[%add3A_565] : memref<8192xi32, #tpu.memory_space<hbm>> -> memref<128xi32, #tpu.memory_space<hbm>>
    tpu.enqueue_dma source(%dma_start3A_574 : memref<128xi32, #tpu.memory_space<hbm>>) target(%dma_start3A_573 : memref<128xi32, #tpu.memory_space<vmem>>) target_semaphore(%arg30 : memref<!tpu.dma_semaphore, #tpu.memory_space<semaphore_mem>>)
    %scan3A_575 = arith.constant 0 : i32
    %mul3A_576 = arith.constant 2 : i32
    %mul3A_577 = arith.muli %scan3A_575, %mul3A_576 : i32
    %add3A_578 = arith.constant 0 : i32
    %add3A_579 = arith.addi %add3A_578, %mul3A_577 : i32
    %add3A_580 = arith.constant 0 : i32
    %add3A_581 = arith.addi %add3A_579, %add3A_580 : i32
    %mul3A_582 = arith.constant 128 : i32
    %mul3A_583 = arith.muli %add3A_581, %mul3A_582 : i32
    %add3A_584 = arith.addi %mul3A_552, %mul3A_583 : i32
    %dma_wait3A_585 = arith.constant 0 : i32
    %dma_wait3A_586 = arith.constant 0 : i32
    %dma_wait3A_587 = tpu.memref_slice %arg24[%dma_wait3A_585, %dma_wait3A_586] : memref<2x128xi32, #tpu.memory_space<vmem>> -> memref<1x128xi32, #tpu.memory_space<vmem>>
    %dma_wait3A_588 = tpu.memref_squeeze %dma_wait3A_587 : memref<1x128xi32, #tpu.memory_space<vmem>> -> memref<128xi32, #tpu.memory_space<vmem>>
    %dma_wait3A_589 = arith.constant 0 : i32
    %dma_wait3A_590 = tpu.memref_slice %arg13[%dma_wait3A_589] : memref<8192xi32, #tpu.memory_space<hbm>> -> memref<128xi32, #tpu.memory_space<hbm>>
    %dma_wait3A_591 = arith.constant 0 : i32
    %dma_wait3A_592 = tpu.memref_slice %arg24[%dma_wait3A_585, %dma_wait3A_591] : memref<2x128xi32, #tpu.memory_space<vmem>> -> memref<1x128xi32, #tpu.memory_space<vmem>>
    %dma_wait3A_593 = tpu.memref_squeeze %dma_wait3A_592 : memref<1x128xi32, #tpu.memory_space<vmem>> -> memref<128xi32, #tpu.memory_space<vmem>>
    %dma_wait3A_594 = arith.constant 0 : i32
    %dma_wait3A_595 = tpu.memref_slice %arg13[%dma_wait3A_594] : memref<8192xi32, #tpu.memory_space<hbm>> -> memref<128xi32, #tpu.memory_space<hbm>>
    tpu.wait_dma2 semaphore(%arg29 : memref<!tpu.dma_semaphore, #tpu.memory_space<semaphore_mem>>) src(%dma_wait3A_595 : memref<128xi32, #tpu.memory_space<hbm>>) dst(%dma_wait3A_593 : memref<128xi32, #tpu.memory_space<vmem>>)
    %ge3A_596 = arith.constant 2 : i32
    %ge3A_597 = arith.cmpi sge, %add3A_581, %ge3A_596 : i32
    %convert_element_type3A_598 = arith.extui %ge3A_597 : i1 to i32
    %cond3A_599 = arith.constant 0 : i32
    %cond3A_600 = arith.cmpi ne, %convert_element_type3A_598, %cond3A_599 : i32
    scf.if %cond3A_600 {
      %dma_wait3A_1121 = arith.constant 0 : i32
      %dma_wait3A_1122 = arith.constant 0 : i32
      %dma_wait3A_1123 = arith.constant 0 : i32
      %dma_wait3A_1124 = tpu.memref_slice %arg25[%dma_wait3A_1121, %dma_wait3A_1122, %dma_wait3A_1123] : memref<2x128x128xf32, #tpu.memory_space<vmem>> -> memref<1x128x128xf32, #tpu.memory_space<vmem>>
      %dma_wait3A_1125 = tpu.memref_squeeze %dma_wait3A_1124 : memref<1x128x128xf32, #tpu.memory_space<vmem>> -> memref<128x128xf32, #tpu.memory_space<vmem>>
      %dma_wait3A_1126 = arith.constant 0 : i32
      %dma_wait3A_1127 = arith.constant 0 : i32
      %dma_wait3A_1128 = tpu.memref_slice %arg21[%dma_wait3A_1126, %dma_wait3A_1127] : memref<8192x128xf32, #tpu.memory_space<hbm>> -> memref<128x128xf32, #tpu.memory_space<hbm>>
      %dma_wait3A_1129 = arith.constant 0 : i32
      %dma_wait3A_1130 = arith.constant 0 : i32
      %dma_wait3A_1131 = tpu.memref_slice %arg21[%dma_wait3A_1129, %dma_wait3A_1130] : memref<8192x128xf32, #tpu.memory_space<hbm>> -> memref<128x128xf32, #tpu.memory_space<hbm>>
      %dma_wait3A_1132 = arith.constant 0 : i32
      %dma_wait3A_1133 = arith.constant 0 : i32
      %dma_wait3A_1134 = tpu.memref_slice %arg25[%dma_wait3A_1121, %dma_wait3A_1132, %dma_wait3A_1133] : memref<2x128x128xf32, #tpu.memory_space<vmem>> -> memref<1x128x128xf32, #tpu.memory_space<vmem>>
      %dma_wait3A_1135 = tpu.memref_squeeze %dma_wait3A_1134 : memref<1x128x128xf32, #tpu.memory_space<vmem>> -> memref<128x128xf32, #tpu.memory_space<vmem>>
      tpu.wait_dma2 semaphore(%arg27 : memref<!tpu.dma_semaphore, #tpu.memory_space<semaphore_mem>>) src(%dma_wait3A_1135 : memref<128x128xf32, #tpu.memory_space<vmem>>) dst(%dma_wait3A_1131 : memref<128x128xf32, #tpu.memory_space<hbm>>)
    } else {
    }
    %dma_start3A_601 = arith.constant 0 : i32
    %dma_start3A_602 = arith.constant 0 : i32
    %dma_start3A_603 = arith.constant 0 : i32
    %dma_start3A_604 = arith.constant 0 : i32
    %dma_start3A_605 = tpu.memref_slice %arg25[%dma_start3A_602, %dma_start3A_603, %dma_start3A_604] : memref<2x128x128xf32, #tpu.memory_space<vmem>> -> memref<1x128x128xf32, #tpu.memory_space<vmem>>
    %dma_start3A_606 = tpu.memref_squeeze %dma_start3A_605 : memref<1x128x128xf32, #tpu.memory_space<vmem>> -> memref<128x128xf32, #tpu.memory_space<vmem>>
    %dma_start3A_607 = arith.constant 0 : i32
    %dma_start3A_608 = tpu.memref_slice %arg24[%dma_start3A_601, %dma_start3A_607] : memref<2x128xi32, #tpu.memory_space<vmem>> -> memref<1x128xi32, #tpu.memory_space<vmem>>
    %dma_start3A_609 = tpu.memref_squeeze %dma_start3A_608 : memref<1x128xi32, #tpu.memory_space<vmem>> -> memref<128xi32, #tpu.memory_space<vmem>>
    %dma_start3A_610 = arith.constant 0 : i32
    %dma_start3A_611 = arith.constant 0 : i32
    %dma_start3A_612 = tpu.memref_slice %arg8[%dma_start3A_610, %dma_start3A_611] : memref<50000x128xf32, #tpu.memory_space<hbm>> -> memref<50000x128xf32, #tpu.memory_space<hbm>>
    tpu.enqueue_indirect_dma source(%dma_start3A_612 : memref<50000x128xf32, #tpu.memory_space<hbm>>) target(%dma_start3A_606 : memref<128x128xf32, #tpu.memory_space<vmem>>) offsets(%dma_start3A_609 : memref<128xi32, #tpu.memory_space<vmem>>) semaphore(%arg26 : memref<!tpu.dma_semaphore, #tpu.memory_space<semaphore_mem>>)
    %dma_wait3A_613 = arith.constant 0 : i32
    %dma_wait3A_614 = arith.constant 0 : i32
    %dma_wait3A_615 = arith.constant 0 : i32
    %dma_wait3A_616 = arith.constant 0 : i32
    %dma_wait3A_617 = tpu.memref_slice %arg25[%dma_wait3A_614, %dma_wait3A_615, %dma_wait3A_616] : memref<2x128x128xf32, #tpu.memory_space<vmem>> -> memref<1x128x128xf32, #tpu.memory_space<vmem>>
    %dma_wait3A_618 = tpu.memref_squeeze %dma_wait3A_617 : memref<1x128x128xf32, #tpu.memory_space<vmem>> -> memref<128x128xf32, #tpu.memory_space<vmem>>
    %dma_wait3A_619 = arith.constant 0 : i32
    %dma_wait3A_620 = tpu.memref_slice %arg24[%dma_wait3A_613, %dma_wait3A_619] : memref<2x128xi32, #tpu.memory_space<vmem>> -> memref<1x128xi32, #tpu.memory_space<vmem>>
    %dma_wait3A_621 = tpu.memref_squeeze %dma_wait3A_620 : memref<1x128xi32, #tpu.memory_space<vmem>> -> memref<128xi32, #tpu.memory_space<vmem>>
    %dma_wait3A_622 = arith.constant 0 : i32
    %dma_wait3A_623 = arith.constant 0 : i32
    %dma_wait3A_624 = tpu.memref_slice %arg8[%dma_wait3A_622, %dma_wait3A_623] : memref<50000x128xf32, #tpu.memory_space<hbm>> -> memref<50000x128xf32, #tpu.memory_space<hbm>>
    tpu.wait_indirect_dma semaphore(%arg26 : memref<!tpu.dma_semaphore, #tpu.memory_space<semaphore_mem>>) src(%dma_wait3A_624 : memref<50000x128xf32, #tpu.memory_space<hbm>>) dst(%dma_wait3A_618 : memref<128x128xf32, #tpu.memory_space<vmem>>)
    %dma_start3A_625 = arith.constant 0 : i32
    %dma_start3A_626 = arith.constant 0 : i32
    %dma_start3A_627 = arith.constant 0 : i32
    %dma_start3A_628 = tpu.memref_slice %arg25[%dma_start3A_625, %dma_start3A_626, %dma_start3A_627] : memref<2x128x128xf32, #tpu.memory_space<vmem>> -> memref<1x128x128xf32, #tpu.memory_space<vmem>>
    %dma_start3A_629 = tpu.memref_squeeze %dma_start3A_628 : memref<1x128x128xf32, #tpu.memory_space<vmem>> -> memref<128x128xf32, #tpu.memory_space<vmem>>
    %dma_start3A_630 = arith.constant 0 : i32
    %dma_start3A_631 = tpu.memref_slice %arg21[%add3A_584, %dma_start3A_630] : memref<8192x128xf32, #tpu.memory_space<hbm>> -> memref<128x128xf32, #tpu.memory_space<hbm>>
    %dma_start3A_632 = arith.constant 0 : i32
    %dma_start3A_633 = tpu.memref_slice %arg21[%add3A_584, %dma_start3A_632] : memref<8192x128xf32, #tpu.memory_space<hbm>> -> memref<128x128xf32, #tpu.memory_space<hbm>>
    %dma_start3A_634 = arith.constant 0 : i32
    %dma_start3A_635 = arith.constant 0 : i32
    %dma_start3A_636 = tpu.memref_slice %arg25[%dma_start3A_625, %dma_start3A_634, %dma_start3A_635] : memref<2x128x128xf32, #tpu.memory_space<vmem>> -> memref<1x128x128xf32, #tpu.memory_space<vmem>>
    %dma_start3A_637 = tpu.memref_squeeze %dma_start3A_636 : memref<1x128x128xf32, #tpu.memory_space<vmem>> -> memref<128x128xf32, #tpu.memory_space<vmem>>
    tpu.enqueue_dma source(%dma_start3A_637 : memref<128x128xf32, #tpu.memory_space<vmem>>) target(%dma_start3A_633 : memref<128x128xf32, #tpu.memory_space<hbm>>) target_semaphore(%arg27 : memref<!tpu.dma_semaphore, #tpu.memory_space<semaphore_mem>>)
    %add3A_638 = arith.constant 2 : i32
    %add3A_639 = arith.addi %add3A_581, %add3A_638 : i32
    %lt3A_640 = arith.constant 2 : i32
    %lt3A_641 = arith.cmpi slt, %add3A_639, %lt3A_640 : i32
    %convert_element_type3A_642 = arith.extui %lt3A_641 : i1 to i32
    %cond3A_643 = arith.constant 0 : i32
    %cond3A_644 = arith.cmpi ne, %convert_element_type3A_642, %cond3A_643 : i32
    scf.if %cond3A_644 {
      %add3A_1121 = arith.constant 256 : i32
      %add3A_1122 = arith.addi %add3A_584, %add3A_1121 : i32
      %dma_start3A_1123 = arith.constant 0 : i32
      %dma_start3A_1124 = arith.constant 0 : i32
      %dma_start3A_1125 = tpu.memref_slice %arg24[%dma_start3A_1123, %dma_start3A_1124] : memref<2x128xi32, #tpu.memory_space<vmem>> -> memref<1x128xi32, #tpu.memory_space<vmem>>
      %dma_start3A_1126 = tpu.memref_squeeze %dma_start3A_1125 : memref<1x128xi32, #tpu.memory_space<vmem>> -> memref<128xi32, #tpu.memory_space<vmem>>
      %dma_start3A_1127 = tpu.memref_slice %arg13[%add3A_1122] : memref<8192xi32, #tpu.memory_space<hbm>> -> memref<128xi32, #tpu.memory_space<hbm>>
      %dma_start3A_1128 = arith.constant 0 : i32
      %dma_start3A_1129 = tpu.memref_slice %arg24[%dma_start3A_1123, %dma_start3A_1128] : memref<2x128xi32, #tpu.memory_space<vmem>> -> memref<1x128xi32, #tpu.memory_space<vmem>>
      %dma_start3A_1130 = tpu.memref_squeeze %dma_start3A_1129 : memref<1x128xi32, #tpu.memory_space<vmem>> -> memref<128xi32, #tpu.memory_space<vmem>>
      %dma_start3A_1131 = tpu.memref_slice %arg13[%add3A_1122] : memref<8192xi32, #tpu.memory_space<hbm>> -> memref<128xi32, #tpu.memory_space<hbm>>
      tpu.enqueue_dma source(%dma_start3A_1131 : memref<128xi32, #tpu.memory_space<hbm>>) target(%dma_start3A_1130 : memref<128xi32, #tpu.memory_space<vmem>>) target_semaphore(%arg29 : memref<!tpu.dma_semaphore, #tpu.memory_space<semaphore_mem>>)
    } else {
    }
    %add3A_645 = arith.constant 1 : i32
    %add3A_646 = arith.addi %add3A_579, %add3A_645 : i32
    %mul3A_647 = arith.constant 128 : i32
    %mul3A_648 = arith.muli %add3A_646, %mul3A_647 : i32
    %add3A_649 = arith.addi %mul3A_552, %mul3A_648 : i32
    %dma_wait3A_650 = arith.constant 1 : i32
    %dma_wait3A_651 = arith.constant 0 : i32
    %dma_wait3A_652 = tpu.memref_slice %arg24[%dma_wait3A_650, %dma_wait3A_651] : memref<2x128xi32, #tpu.memory_space<vmem>> -> memref<1x128xi32, #tpu.memory_space<vmem>>
    %dma_wait3A_653 = tpu.memref_squeeze %dma_wait3A_652 : memref<1x128xi32, #tpu.memory_space<vmem>> -> memref<128xi32, #tpu.memory_space<vmem>>
    %dma_wait3A_654 = arith.constant 0 : i32
    %dma_wait3A_655 = tpu.memref_slice %arg13[%dma_wait3A_654] : memref<8192xi32, #tpu.memory_space<hbm>> -> memref<128xi32, #tpu.memory_space<hbm>>
    %dma_wait3A_656 = arith.constant 0 : i32
    %dma_wait3A_657 = tpu.memref_slice %arg24[%dma_wait3A_650, %dma_wait3A_656] : memref<2x128xi32, #tpu.memory_space<vmem>> -> memref<1x128xi32, #tpu.memory_space<vmem>>
    %dma_wait3A_658 = tpu.memref_squeeze %dma_wait3A_657 : memref<1x128xi32, #tpu.memory_space<vmem>> -> memref<128xi32, #tpu.memory_space<vmem>>
    %dma_wait3A_659 = arith.constant 0 : i32
    %dma_wait3A_660 = tpu.memref_slice %arg13[%dma_wait3A_659] : memref<8192xi32, #tpu.memory_space<hbm>> -> memref<128xi32, #tpu.memory_space<hbm>>
    tpu.wait_dma2 semaphore(%arg30 : memref<!tpu.dma_semaphore, #tpu.memory_space<semaphore_mem>>) src(%dma_wait3A_660 : memref<128xi32, #tpu.memory_space<hbm>>) dst(%dma_wait3A_658 : memref<128xi32, #tpu.memory_space<vmem>>)
    %ge3A_661 = arith.constant 2 : i32
    %ge3A_662 = arith.cmpi sge, %add3A_646, %ge3A_661 : i32
    %convert_element_type3A_663 = arith.extui %ge3A_662 : i1 to i32
    %cond3A_664 = arith.constant 0 : i32
    %cond3A_665 = arith.cmpi ne, %convert_element_type3A_663, %cond3A_664 : i32
    scf.if %cond3A_665 {
      %dma_wait3A_1121 = arith.constant 1 : i32
      %dma_wait3A_1122 = arith.constant 0 : i32
      %dma_wait3A_1123 = arith.constant 0 : i32
      %dma_wait3A_1124 = tpu.memref_slice %arg25[%dma_wait3A_1121, %dma_wait3A_1122, %dma_wait3A_1123] : memref<2x128x128xf32, #tpu.memory_space<vmem>> -> memref<1x128x128xf32, #tpu.memory_space<vmem>>
      %dma_wait3A_1125 = tpu.memref_squeeze %dma_wait3A_1124 : memref<1x128x128xf32, #tpu.memory_space<vmem>> -> memref<128x128xf32, #tpu.memory_space<vmem>>
      %dma_wait3A_1126 = arith.constant 0 : i32
      %dma_wait3A_1127 = arith.constant 0 : i32
      %dma_wait3A_1128 = tpu.memref_slice %arg21[%dma_wait3A_1126, %dma_wait3A_1127] : memref<8192x128xf32, #tpu.memory_space<hbm>> -> memref<128x128xf32, #tpu.memory_space<hbm>>
      %dma_wait3A_1129 = arith.constant 0 : i32
      %dma_wait3A_1130 = arith.constant 0 : i32
      %dma_wait3A_1131 = tpu.memref_slice %arg21[%dma_wait3A_1129, %dma_wait3A_1130] : memref<8192x128xf32, #tpu.memory_space<hbm>> -> memref<128x128xf32, #tpu.memory_space<hbm>>
      %dma_wait3A_1132 = arith.constant 0 : i32
      %dma_wait3A_1133 = arith.constant 0 : i32
      %dma_wait3A_1134 = tpu.memref_slice %arg25[%dma_wait3A_1121, %dma_wait3A_1132, %dma_wait3A_1133] : memref<2x128x128xf32, #tpu.memory_space<vmem>> -> memref<1x128x128xf32, #tpu.memory_space<vmem>>
      %dma_wait3A_1135 = tpu.memref_squeeze %dma_wait3A_1134 : memref<1x128x128xf32, #tpu.memory_space<vmem>> -> memref<128x128xf32, #tpu.memory_space<vmem>>
      tpu.wait_dma2 semaphore(%arg28 : memref<!tpu.dma_semaphore, #tpu.memory_space<semaphore_mem>>) src(%dma_wait3A_1135 : memref<128x128xf32, #tpu.memory_space<vmem>>) dst(%dma_wait3A_1131 : memref<128x128xf32, #tpu.memory_space<hbm>>)
    } else {
    }
    %dma_start3A_666 = arith.constant 1 : i32
    %dma_start3A_667 = arith.constant 1 : i32
    %dma_start3A_668 = arith.constant 0 : i32
    %dma_start3A_669 = arith.constant 0 : i32
    %dma_start3A_670 = tpu.memref_slice %arg25[%dma_start3A_667, %dma_start3A_668, %dma_start3A_669] : memref<2x128x128xf32, #tpu.memory_space<vmem>> -> memref<1x128x128xf32, #tpu.memory_space<vmem>>
    %dma_start3A_671 = tpu.memref_squeeze %dma_start3A_670 : memref<1x128x128xf32, #tpu.memory_space<vmem>> -> memref<128x128xf32, #tpu.memory_space<vmem>>
    %dma_start3A_672 = arith.constant 0 : i32
    %dma_start3A_673 = tpu.memref_slice %arg24[%dma_start3A_666, %dma_start3A_672] : memref<2x128xi32, #tpu.memory_space<vmem>> -> memref<1x128xi32, #tpu.memory_space<vmem>>
    %dma_start3A_674 = tpu.memref_squeeze %dma_start3A_673 : memref<1x128xi32, #tpu.memory_space<vmem>> -> memref<128xi32, #tpu.memory_space<vmem>>
    %dma_start3A_675 = arith.constant 0 : i32
    %dma_start3A_676 = arith.constant 0 : i32
    %dma_start3A_677 = tpu.memref_slice %arg8[%dma_start3A_675, %dma_start3A_676] : memref<50000x128xf32, #tpu.memory_space<hbm>> -> memref<50000x128xf32, #tpu.memory_space<hbm>>
    tpu.enqueue_indirect_dma source(%dma_start3A_677 : memref<50000x128xf32, #tpu.memory_space<hbm>>) target(%dma_start3A_671 : memref<128x128xf32, #tpu.memory_space<vmem>>) offsets(%dma_start3A_674 : memref<128xi32, #tpu.memory_space<vmem>>) semaphore(%arg26 : memref<!tpu.dma_semaphore, #tpu.memory_space<semaphore_mem>>)
    %dma_wait3A_678 = arith.constant 1 : i32
    %dma_wait3A_679 = arith.constant 1 : i32
    %dma_wait3A_680 = arith.constant 0 : i32
    %dma_wait3A_681 = arith.constant 0 : i32
    %dma_wait3A_682 = tpu.memref_slice %arg25[%dma_wait3A_679, %dma_wait3A_680, %dma_wait3A_681] : memref<2x128x128xf32, #tpu.memory_space<vmem>> -> memref<1x128x128xf32, #tpu.memory_space<vmem>>
    %dma_wait3A_683 = tpu.memref_squeeze %dma_wait3A_682 : memref<1x128x128xf32, #tpu.memory_space<vmem>> -> memref<128x128xf32, #tpu.memory_space<vmem>>
    %dma_wait3A_684 = arith.constant 0 : i32
    %dma_wait3A_685 = tpu.memref_slice %arg24[%dma_wait3A_678, %dma_wait3A_684] : memref<2x128xi32, #tpu.memory_space<vmem>> -> memref<1x128xi32, #tpu.memory_space<vmem>>
    %dma_wait3A_686 = tpu.memref_squeeze %dma_wait3A_685 : memref<1x128xi32, #tpu.memory_space<vmem>> -> memref<128xi32, #tpu.memory_space<vmem>>
    %dma_wait3A_687 = arith.constant 0 : i32
    %dma_wait3A_688 = arith.constant 0 : i32
    %dma_wait3A_689 = tpu.memref_slice %arg8[%dma_wait3A_687, %dma_wait3A_688] : memref<50000x128xf32, #tpu.memory_space<hbm>> -> memref<50000x128xf32, #tpu.memory_space<hbm>>
    tpu.wait_indirect_dma semaphore(%arg26 : memref<!tpu.dma_semaphore, #tpu.memory_space<semaphore_mem>>) src(%dma_wait3A_689 : memref<50000x128xf32, #tpu.memory_space<hbm>>) dst(%dma_wait3A_683 : memref<128x128xf32, #tpu.memory_space<vmem>>)
    %dma_start3A_690 = arith.constant 1 : i32
    %dma_start3A_691 = arith.constant 0 : i32
    %dma_start3A_692 = arith.constant 0 : i32
    %dma_start3A_693 = tpu.memref_slice %arg25[%dma_start3A_690, %dma_start3A_691, %dma_start3A_692] : memref<2x128x128xf32, #tpu.memory_space<vmem>> -> memref<1x128x128xf32, #tpu.memory_space<vmem>>
    %dma_start3A_694 = tpu.memref_squeeze %dma_start3A_693 : memref<1x128x128xf32, #tpu.memory_space<vmem>> -> memref<128x128xf32, #tpu.memory_space<vmem>>
    %dma_start3A_695 = arith.constant 0 : i32
    %dma_start3A_696 = tpu.memref_slice %arg21[%add3A_649, %dma_start3A_695] : memref<8192x128xf32, #tpu.memory_space<hbm>> -> memref<128x128xf32, #tpu.memory_space<hbm>>
    %dma_start3A_697 = arith.constant 0 : i32
    %dma_start3A_698 = tpu.memref_slice %arg21[%add3A_649, %dma_start3A_697] : memref<8192x128xf32, #tpu.memory_space<hbm>> -> memref<128x128xf32, #tpu.memory_space<hbm>>
    %dma_start3A_699 = arith.constant 0 : i32
    %dma_start3A_700 = arith.constant 0 : i32
    %dma_start3A_701 = tpu.memref_slice %arg25[%dma_start3A_690, %dma_start3A_699, %dma_start3A_700] : memref<2x128x128xf32, #tpu.memory_space<vmem>> -> memref<1x128x128xf32, #tpu.memory_space<vmem>>
    %dma_start3A_702 = tpu.memref_squeeze %dma_start3A_701 : memref<1x128x128xf32, #tpu.memory_space<vmem>> -> memref<128x128xf32, #tpu.memory_space<vmem>>
    tpu.enqueue_dma source(%dma_start3A_702 : memref<128x128xf32, #tpu.memory_space<vmem>>) target(%dma_start3A_698 : memref<128x128xf32, #tpu.memory_space<hbm>>) target_semaphore(%arg28 : memref<!tpu.dma_semaphore, #tpu.memory_space<semaphore_mem>>)
    %add3A_703 = arith.constant 2 : i32
    %add3A_704 = arith.addi %add3A_646, %add3A_703 : i32
    %lt3A_705 = arith.constant 2 : i32
    %lt3A_706 = arith.cmpi slt, %add3A_704, %lt3A_705 : i32
    %convert_element_type3A_707 = arith.extui %lt3A_706 : i1 to i32
    %cond3A_708 = arith.constant 0 : i32
    %cond3A_709 = arith.cmpi ne, %convert_element_type3A_707, %cond3A_708 : i32
    scf.if %cond3A_709 {
      %add3A_1121 = arith.constant 256 : i32
      %add3A_1122 = arith.addi %add3A_649, %add3A_1121 : i32
      %dma_start3A_1123 = arith.constant 1 : i32
      %dma_start3A_1124 = arith.constant 0 : i32
      %dma_start3A_1125 = tpu.memref_slice %arg24[%dma_start3A_1123, %dma_start3A_1124] : memref<2x128xi32, #tpu.memory_space<vmem>> -> memref<1x128xi32, #tpu.memory_space<vmem>>
      %dma_start3A_1126 = tpu.memref_squeeze %dma_start3A_1125 : memref<1x128xi32, #tpu.memory_space<vmem>> -> memref<128xi32, #tpu.memory_space<vmem>>
      %dma_start3A_1127 = tpu.memref_slice %arg13[%add3A_1122] : memref<8192xi32, #tpu.memory_space<hbm>> -> memref<128xi32, #tpu.memory_space<hbm>>
      %dma_start3A_1128 = arith.constant 0 : i32
      %dma_start3A_1129 = tpu.memref_slice %arg24[%dma_start3A_1123, %dma_start3A_1128] : memref<2x128xi32, #tpu.memory_space<vmem>> -> memref<1x128xi32, #tpu.memory_space<vmem>>
      %dma_start3A_1130 = tpu.memref_squeeze %dma_start3A_1129 : memref<1x128xi32, #tpu.memory_space<vmem>> -> memref<128xi32, #tpu.memory_space<vmem>>
      %dma_start3A_1131 = tpu.memref_slice %arg13[%add3A_1122] : memref<8192xi32, #tpu.memory_space<hbm>> -> memref<128xi32, #tpu.memory_space<hbm>>
      tpu.enqueue_dma source(%dma_start3A_1131 : memref<128xi32, #tpu.memory_space<hbm>>) target(%dma_start3A_1130 : memref<128xi32, #tpu.memory_space<vmem>>) target_semaphore(%arg30 : memref<!tpu.dma_semaphore, #tpu.memory_space<semaphore_mem>>)
    } else {
    }
    %scan3A_710 = arith.constant 1 : i32
    %dma_wait3A_711 = arith.constant 0 : i32
    %dma_wait3A_712 = arith.constant 0 : i32
    %dma_wait3A_713 = arith.constant 0 : i32
    %dma_wait3A_714 = tpu.memref_slice %arg25[%dma_wait3A_711, %dma_wait3A_712, %dma_wait3A_713] : memref<2x128x128xf32, #tpu.memory_space<vmem>> -> memref<1x128x128xf32, #tpu.memory_space<vmem>>
    %dma_wait3A_715 = tpu.memref_squeeze %dma_wait3A_714 : memref<1x128x128xf32, #tpu.memory_space<vmem>> -> memref<128x128xf32, #tpu.memory_space<vmem>>
    %dma_wait3A_716 = arith.constant 0 : i32
    %dma_wait3A_717 = arith.constant 0 : i32
    %dma_wait3A_718 = tpu.memref_slice %arg21[%dma_wait3A_716, %dma_wait3A_717] : memref<8192x128xf32, #tpu.memory_space<hbm>> -> memref<128x128xf32, #tpu.memory_space<hbm>>
    %dma_wait3A_719 = arith.constant 0 : i32
    %dma_wait3A_720 = arith.constant 0 : i32
    %dma_wait3A_721 = tpu.memref_slice %arg21[%dma_wait3A_719, %dma_wait3A_720] : memref<8192x128xf32, #tpu.memory_space<hbm>> -> memref<128x128xf32, #tpu.memory_space<hbm>>
    %dma_wait3A_722 = arith.constant 0 : i32
    %dma_wait3A_723 = arith.constant 0 : i32
    %dma_wait3A_724 = tpu.memref_slice %arg25[%dma_wait3A_711, %dma_wait3A_722, %dma_wait3A_723] : memref<2x128x128xf32, #tpu.memory_space<vmem>> -> memref<1x128x128xf32, #tpu.memory_space<vmem>>
    %dma_wait3A_725 = tpu.memref_squeeze %dma_wait3A_724 : memref<1x128x128xf32, #tpu.memory_space<vmem>> -> memref<128x128xf32, #tpu.memory_space<vmem>>
    tpu.wait_dma2 semaphore(%arg27 : memref<!tpu.dma_semaphore, #tpu.memory_space<semaphore_mem>>) src(%dma_wait3A_725 : memref<128x128xf32, #tpu.memory_space<vmem>>) dst(%dma_wait3A_721 : memref<128x128xf32, #tpu.memory_space<hbm>>)
    %dma_wait3A_726 = arith.constant 1 : i32
    %dma_wait3A_727 = arith.constant 0 : i32
    %dma_wait3A_728 = arith.constant 0 : i32
    %dma_wait3A_729 = tpu.memref_slice %arg25[%dma_wait3A_726, %dma_wait3A_727, %dma_wait3A_728] : memref<2x128x128xf32, #tpu.memory_space<vmem>> -> memref<1x128x128xf32, #tpu.memory_space<vmem>>
    %dma_wait3A_730 = tpu.memref_squeeze %dma_wait3A_729 : memref<1x128x128xf32, #tpu.memory_space<vmem>> -> memref<128x128xf32, #tpu.memory_space<vmem>>
    %dma_wait3A_731 = arith.constant 0 : i32
    %dma_wait3A_732 = arith.constant 0 : i32
    %dma_wait3A_733 = tpu.memref_slice %arg21[%dma_wait3A_731, %dma_wait3A_732] : memref<8192x128xf32, #tpu.memory_space<hbm>> -> memref<128x128xf32, #tpu.memory_space<hbm>>
    %dma_wait3A_734 = arith.constant 0 : i32
    %dma_wait3A_735 = arith.constant 0 : i32
    %dma_wait3A_736 = tpu.memref_slice %arg21[%dma_wait3A_734, %dma_wait3A_735] : memref<8192x128xf32, #tpu.memory_space<hbm>> -> memref<128x128xf32, #tpu.memory_space<hbm>>
    %dma_wait3A_737 = arith.constant 0 : i32
    %dma_wait3A_738 = arith.constant 0 : i32
    %dma_wait3A_739 = tpu.memref_slice %arg25[%dma_wait3A_726, %dma_wait3A_737, %dma_wait3A_738] : memref<2x128x128xf32, #tpu.memory_space<vmem>> -> memref<1x128x128xf32, #tpu.memory_space<vmem>>
    %dma_wait3A_740 = tpu.memref_squeeze %dma_wait3A_739 : memref<1x128x128xf32, #tpu.memory_space<vmem>> -> memref<128x128xf32, #tpu.memory_space<vmem>>
    tpu.wait_dma2 semaphore(%arg28 : memref<!tpu.dma_semaphore, #tpu.memory_space<semaphore_mem>>) src(%dma_wait3A_740 : memref<128x128xf32, #tpu.memory_space<vmem>>) dst(%dma_wait3A_736 : memref<128x128xf32, #tpu.memory_space<hbm>>)
    %mul3A_741 = arith.constant 256 : i32
    %mul3A_742 = arith.muli %add3A, %mul3A_741 : i32
    %add3A_743 = arith.constant 0 : i32
    %add3A_744 = arith.addi %mul3A_742, %add3A_743 : i32
    %dma_start3A_745 = arith.constant 0 : i32
    %dma_start3A_746 = arith.constant 0 : i32
    %dma_start3A_747 = tpu.memref_slice %arg24[%dma_start3A_745, %dma_start3A_746] : memref<2x128xi32, #tpu.memory_space<vmem>> -> memref<1x128xi32, #tpu.memory_space<vmem>>
    %dma_start3A_748 = tpu.memref_squeeze %dma_start3A_747 : memref<1x128xi32, #tpu.memory_space<vmem>> -> memref<128xi32, #tpu.memory_space<vmem>>
    %dma_start3A_749 = tpu.memref_slice %arg14[%add3A_744] : memref<8192xi32, #tpu.memory_space<hbm>> -> memref<128xi32, #tpu.memory_space<hbm>>
    %dma_start3A_750 = arith.constant 0 : i32
    %dma_start3A_751 = tpu.memref_slice %arg24[%dma_start3A_745, %dma_start3A_750] : memref<2x128xi32, #tpu.memory_space<vmem>> -> memref<1x128xi32, #tpu.memory_space<vmem>>
    %dma_start3A_752 = tpu.memref_squeeze %dma_start3A_751 : memref<1x128xi32, #tpu.memory_space<vmem>> -> memref<128xi32, #tpu.memory_space<vmem>>
    %dma_start3A_753 = tpu.memref_slice %arg14[%add3A_744] : memref<8192xi32, #tpu.memory_space<hbm>> -> memref<128xi32, #tpu.memory_space<hbm>>
    tpu.enqueue_dma source(%dma_start3A_753 : memref<128xi32, #tpu.memory_space<hbm>>) target(%dma_start3A_752 : memref<128xi32, #tpu.memory_space<vmem>>) target_semaphore(%arg29 : memref<!tpu.dma_semaphore, #tpu.memory_space<semaphore_mem>>)
    %add3A_754 = arith.constant 128 : i32
    %add3A_755 = arith.addi %mul3A_742, %add3A_754 : i32
    %dma_start3A_756 = arith.constant 1 : i32
    %dma_start3A_757 = arith.constant 0 : i32
    %dma_start3A_758 = tpu.memref_slice %arg24[%dma_start3A_756, %dma_start3A_757] : memref<2x128xi32, #tpu.memory_space<vmem>> -> memref<1x128xi32, #tpu.memory_space<vmem>>
    %dma_start3A_759 = tpu.memref_squeeze %dma_start3A_758 : memref<1x128xi32, #tpu.memory_space<vmem>> -> memref<128xi32, #tpu.memory_space<vmem>>
    %dma_start3A_760 = tpu.memref_slice %arg14[%add3A_755] : memref<8192xi32, #tpu.memory_space<hbm>> -> memref<128xi32, #tpu.memory_space<hbm>>
    %dma_start3A_761 = arith.constant 0 : i32
    %dma_start3A_762 = tpu.memref_slice %arg24[%dma_start3A_756, %dma_start3A_761] : memref<2x128xi32, #tpu.memory_space<vmem>> -> memref<1x128xi32, #tpu.memory_space<vmem>>
    %dma_start3A_763 = tpu.memref_squeeze %dma_start3A_762 : memref<1x128xi32, #tpu.memory_space<vmem>> -> memref<128xi32, #tpu.memory_space<vmem>>
    %dma_start3A_764 = tpu.memref_slice %arg14[%add3A_755] : memref<8192xi32, #tpu.memory_space<hbm>> -> memref<128xi32, #tpu.memory_space<hbm>>
    tpu.enqueue_dma source(%dma_start3A_764 : memref<128xi32, #tpu.memory_space<hbm>>) target(%dma_start3A_763 : memref<128xi32, #tpu.memory_space<vmem>>) target_semaphore(%arg30 : memref<!tpu.dma_semaphore, #tpu.memory_space<semaphore_mem>>)
    %scan3A_765 = arith.constant 0 : i32
    %mul3A_766 = arith.constant 2 : i32
    %mul3A_767 = arith.muli %scan3A_765, %mul3A_766 : i32
    %add3A_768 = arith.constant 0 : i32
    %add3A_769 = arith.addi %add3A_768, %mul3A_767 : i32
    %add3A_770 = arith.constant 0 : i32
    %add3A_771 = arith.addi %add3A_769, %add3A_770 : i32
    %mul3A_772 = arith.constant 128 : i32
    %mul3A_773 = arith.muli %add3A_771, %mul3A_772 : i32
    %add3A_774 = arith.addi %mul3A_742, %mul3A_773 : i32
    %dma_wait3A_775 = arith.constant 0 : i32
    %dma_wait3A_776 = arith.constant 0 : i32
    %dma_wait3A_777 = tpu.memref_slice %arg24[%dma_wait3A_775, %dma_wait3A_776] : memref<2x128xi32, #tpu.memory_space<vmem>> -> memref<1x128xi32, #tpu.memory_space<vmem>>
    %dma_wait3A_778 = tpu.memref_squeeze %dma_wait3A_777 : memref<1x128xi32, #tpu.memory_space<vmem>> -> memref<128xi32, #tpu.memory_space<vmem>>
    %dma_wait3A_779 = arith.constant 0 : i32
    %dma_wait3A_780 = tpu.memref_slice %arg14[%dma_wait3A_779] : memref<8192xi32, #tpu.memory_space<hbm>> -> memref<128xi32, #tpu.memory_space<hbm>>
    %dma_wait3A_781 = arith.constant 0 : i32
    %dma_wait3A_782 = tpu.memref_slice %arg24[%dma_wait3A_775, %dma_wait3A_781] : memref<2x128xi32, #tpu.memory_space<vmem>> -> memref<1x128xi32, #tpu.memory_space<vmem>>
    %dma_wait3A_783 = tpu.memref_squeeze %dma_wait3A_782 : memref<1x128xi32, #tpu.memory_space<vmem>> -> memref<128xi32, #tpu.memory_space<vmem>>
    %dma_wait3A_784 = arith.constant 0 : i32
    %dma_wait3A_785 = tpu.memref_slice %arg14[%dma_wait3A_784] : memref<8192xi32, #tpu.memory_space<hbm>> -> memref<128xi32, #tpu.memory_space<hbm>>
    tpu.wait_dma2 semaphore(%arg29 : memref<!tpu.dma_semaphore, #tpu.memory_space<semaphore_mem>>) src(%dma_wait3A_785 : memref<128xi32, #tpu.memory_space<hbm>>) dst(%dma_wait3A_783 : memref<128xi32, #tpu.memory_space<vmem>>)
    %ge3A_786 = arith.constant 2 : i32
    %ge3A_787 = arith.cmpi sge, %add3A_771, %ge3A_786 : i32
    %convert_element_type3A_788 = arith.extui %ge3A_787 : i1 to i32
    %cond3A_789 = arith.constant 0 : i32
    %cond3A_790 = arith.cmpi ne, %convert_element_type3A_788, %cond3A_789 : i32
    scf.if %cond3A_790 {
      %dma_wait3A_1121 = arith.constant 0 : i32
      %dma_wait3A_1122 = arith.constant 0 : i32
      %dma_wait3A_1123 = arith.constant 0 : i32
      %dma_wait3A_1124 = tpu.memref_slice %arg25[%dma_wait3A_1121, %dma_wait3A_1122, %dma_wait3A_1123] : memref<2x128x128xf32, #tpu.memory_space<vmem>> -> memref<1x128x128xf32, #tpu.memory_space<vmem>>
      %dma_wait3A_1125 = tpu.memref_squeeze %dma_wait3A_1124 : memref<1x128x128xf32, #tpu.memory_space<vmem>> -> memref<128x128xf32, #tpu.memory_space<vmem>>
      %dma_wait3A_1126 = arith.constant 0 : i32
      %dma_wait3A_1127 = arith.constant 0 : i32
      %dma_wait3A_1128 = tpu.memref_slice %arg22[%dma_wait3A_1126, %dma_wait3A_1127] : memref<8192x128xf32, #tpu.memory_space<hbm>> -> memref<128x128xf32, #tpu.memory_space<hbm>>
      %dma_wait3A_1129 = arith.constant 0 : i32
      %dma_wait3A_1130 = arith.constant 0 : i32
      %dma_wait3A_1131 = tpu.memref_slice %arg22[%dma_wait3A_1129, %dma_wait3A_1130] : memref<8192x128xf32, #tpu.memory_space<hbm>> -> memref<128x128xf32, #tpu.memory_space<hbm>>
      %dma_wait3A_1132 = arith.constant 0 : i32
      %dma_wait3A_1133 = arith.constant 0 : i32
      %dma_wait3A_1134 = tpu.memref_slice %arg25[%dma_wait3A_1121, %dma_wait3A_1132, %dma_wait3A_1133] : memref<2x128x128xf32, #tpu.memory_space<vmem>> -> memref<1x128x128xf32, #tpu.memory_space<vmem>>
      %dma_wait3A_1135 = tpu.memref_squeeze %dma_wait3A_1134 : memref<1x128x128xf32, #tpu.memory_space<vmem>> -> memref<128x128xf32, #tpu.memory_space<vmem>>
      tpu.wait_dma2 semaphore(%arg27 : memref<!tpu.dma_semaphore, #tpu.memory_space<semaphore_mem>>) src(%dma_wait3A_1135 : memref<128x128xf32, #tpu.memory_space<vmem>>) dst(%dma_wait3A_1131 : memref<128x128xf32, #tpu.memory_space<hbm>>)
    } else {
    }
    %dma_start3A_791 = arith.constant 0 : i32
    %dma_start3A_792 = arith.constant 0 : i32
    %dma_start3A_793 = arith.constant 0 : i32
    %dma_start3A_794 = arith.constant 0 : i32
    %dma_start3A_795 = tpu.memref_slice %arg25[%dma_start3A_792, %dma_start3A_793, %dma_start3A_794] : memref<2x128x128xf32, #tpu.memory_space<vmem>> -> memref<1x128x128xf32, #tpu.memory_space<vmem>>
    %dma_start3A_796 = tpu.memref_squeeze %dma_start3A_795 : memref<1x128x128xf32, #tpu.memory_space<vmem>> -> memref<128x128xf32, #tpu.memory_space<vmem>>
    %dma_start3A_797 = arith.constant 0 : i32
    %dma_start3A_798 = tpu.memref_slice %arg24[%dma_start3A_791, %dma_start3A_797] : memref<2x128xi32, #tpu.memory_space<vmem>> -> memref<1x128xi32, #tpu.memory_space<vmem>>
    %dma_start3A_799 = tpu.memref_squeeze %dma_start3A_798 : memref<1x128xi32, #tpu.memory_space<vmem>> -> memref<128xi32, #tpu.memory_space<vmem>>
    %dma_start3A_800 = arith.constant 0 : i32
    %dma_start3A_801 = arith.constant 0 : i32
    %dma_start3A_802 = tpu.memref_slice %arg9[%dma_start3A_800, %dma_start3A_801] : memref<50000x128xf32, #tpu.memory_space<hbm>> -> memref<50000x128xf32, #tpu.memory_space<hbm>>
    tpu.enqueue_indirect_dma source(%dma_start3A_802 : memref<50000x128xf32, #tpu.memory_space<hbm>>) target(%dma_start3A_796 : memref<128x128xf32, #tpu.memory_space<vmem>>) offsets(%dma_start3A_799 : memref<128xi32, #tpu.memory_space<vmem>>) semaphore(%arg26 : memref<!tpu.dma_semaphore, #tpu.memory_space<semaphore_mem>>)
    %dma_wait3A_803 = arith.constant 0 : i32
    %dma_wait3A_804 = arith.constant 0 : i32
    %dma_wait3A_805 = arith.constant 0 : i32
    %dma_wait3A_806 = arith.constant 0 : i32
    %dma_wait3A_807 = tpu.memref_slice %arg25[%dma_wait3A_804, %dma_wait3A_805, %dma_wait3A_806] : memref<2x128x128xf32, #tpu.memory_space<vmem>> -> memref<1x128x128xf32, #tpu.memory_space<vmem>>
    %dma_wait3A_808 = tpu.memref_squeeze %dma_wait3A_807 : memref<1x128x128xf32, #tpu.memory_space<vmem>> -> memref<128x128xf32, #tpu.memory_space<vmem>>
    %dma_wait3A_809 = arith.constant 0 : i32
    %dma_wait3A_810 = tpu.memref_slice %arg24[%dma_wait3A_803, %dma_wait3A_809] : memref<2x128xi32, #tpu.memory_space<vmem>> -> memref<1x128xi32, #tpu.memory_space<vmem>>
    %dma_wait3A_811 = tpu.memref_squeeze %dma_wait3A_810 : memref<1x128xi32, #tpu.memory_space<vmem>> -> memref<128xi32, #tpu.memory_space<vmem>>
    %dma_wait3A_812 = arith.constant 0 : i32
    %dma_wait3A_813 = arith.constant 0 : i32
    %dma_wait3A_814 = tpu.memref_slice %arg9[%dma_wait3A_812, %dma_wait3A_813] : memref<50000x128xf32, #tpu.memory_space<hbm>> -> memref<50000x128xf32, #tpu.memory_space<hbm>>
    tpu.wait_indirect_dma semaphore(%arg26 : memref<!tpu.dma_semaphore, #tpu.memory_space<semaphore_mem>>) src(%dma_wait3A_814 : memref<50000x128xf32, #tpu.memory_space<hbm>>) dst(%dma_wait3A_808 : memref<128x128xf32, #tpu.memory_space<vmem>>)
    %dma_start3A_815 = arith.constant 0 : i32
    %dma_start3A_816 = arith.constant 0 : i32
    %dma_start3A_817 = arith.constant 0 : i32
    %dma_start3A_818 = tpu.memref_slice %arg25[%dma_start3A_815, %dma_start3A_816, %dma_start3A_817] : memref<2x128x128xf32, #tpu.memory_space<vmem>> -> memref<1x128x128xf32, #tpu.memory_space<vmem>>
    %dma_start3A_819 = tpu.memref_squeeze %dma_start3A_818 : memref<1x128x128xf32, #tpu.memory_space<vmem>> -> memref<128x128xf32, #tpu.memory_space<vmem>>
    %dma_start3A_820 = arith.constant 0 : i32
    %dma_start3A_821 = tpu.memref_slice %arg22[%add3A_774, %dma_start3A_820] : memref<8192x128xf32, #tpu.memory_space<hbm>> -> memref<128x128xf32, #tpu.memory_space<hbm>>
    %dma_start3A_822 = arith.constant 0 : i32
    %dma_start3A_823 = tpu.memref_slice %arg22[%add3A_774, %dma_start3A_822] : memref<8192x128xf32, #tpu.memory_space<hbm>> -> memref<128x128xf32, #tpu.memory_space<hbm>>
    %dma_start3A_824 = arith.constant 0 : i32
    %dma_start3A_825 = arith.constant 0 : i32
    %dma_start3A_826 = tpu.memref_slice %arg25[%dma_start3A_815, %dma_start3A_824, %dma_start3A_825] : memref<2x128x128xf32, #tpu.memory_space<vmem>> -> memref<1x128x128xf32, #tpu.memory_space<vmem>>
    %dma_start3A_827 = tpu.memref_squeeze %dma_start3A_826 : memref<1x128x128xf32, #tpu.memory_space<vmem>> -> memref<128x128xf32, #tpu.memory_space<vmem>>
    tpu.enqueue_dma source(%dma_start3A_827 : memref<128x128xf32, #tpu.memory_space<vmem>>) target(%dma_start3A_823 : memref<128x128xf32, #tpu.memory_space<hbm>>) target_semaphore(%arg27 : memref<!tpu.dma_semaphore, #tpu.memory_space<semaphore_mem>>)
    %add3A_828 = arith.constant 2 : i32
    %add3A_829 = arith.addi %add3A_771, %add3A_828 : i32
    %lt3A_830 = arith.constant 2 : i32
    %lt3A_831 = arith.cmpi slt, %add3A_829, %lt3A_830 : i32
    %convert_element_type3A_832 = arith.extui %lt3A_831 : i1 to i32
    %cond3A_833 = arith.constant 0 : i32
    %cond3A_834 = arith.cmpi ne, %convert_element_type3A_832, %cond3A_833 : i32
    scf.if %cond3A_834 {
      %add3A_1121 = arith.constant 256 : i32
      %add3A_1122 = arith.addi %add3A_774, %add3A_1121 : i32
      %dma_start3A_1123 = arith.constant 0 : i32
      %dma_start3A_1124 = arith.constant 0 : i32
      %dma_start3A_1125 = tpu.memref_slice %arg24[%dma_start3A_1123, %dma_start3A_1124] : memref<2x128xi32, #tpu.memory_space<vmem>> -> memref<1x128xi32, #tpu.memory_space<vmem>>
      %dma_start3A_1126 = tpu.memref_squeeze %dma_start3A_1125 : memref<1x128xi32, #tpu.memory_space<vmem>> -> memref<128xi32, #tpu.memory_space<vmem>>
      %dma_start3A_1127 = tpu.memref_slice %arg14[%add3A_1122] : memref<8192xi32, #tpu.memory_space<hbm>> -> memref<128xi32, #tpu.memory_space<hbm>>
      %dma_start3A_1128 = arith.constant 0 : i32
      %dma_start3A_1129 = tpu.memref_slice %arg24[%dma_start3A_1123, %dma_start3A_1128] : memref<2x128xi32, #tpu.memory_space<vmem>> -> memref<1x128xi32, #tpu.memory_space<vmem>>
      %dma_start3A_1130 = tpu.memref_squeeze %dma_start3A_1129 : memref<1x128xi32, #tpu.memory_space<vmem>> -> memref<128xi32, #tpu.memory_space<vmem>>
      %dma_start3A_1131 = tpu.memref_slice %arg14[%add3A_1122] : memref<8192xi32, #tpu.memory_space<hbm>> -> memref<128xi32, #tpu.memory_space<hbm>>
      tpu.enqueue_dma source(%dma_start3A_1131 : memref<128xi32, #tpu.memory_space<hbm>>) target(%dma_start3A_1130 : memref<128xi32, #tpu.memory_space<vmem>>) target_semaphore(%arg29 : memref<!tpu.dma_semaphore, #tpu.memory_space<semaphore_mem>>)
    } else {
    }
    %add3A_835 = arith.constant 1 : i32
    %add3A_836 = arith.addi %add3A_769, %add3A_835 : i32
    %mul3A_837 = arith.constant 128 : i32
    %mul3A_838 = arith.muli %add3A_836, %mul3A_837 : i32
    %add3A_839 = arith.addi %mul3A_742, %mul3A_838 : i32
    %dma_wait3A_840 = arith.constant 1 : i32
    %dma_wait3A_841 = arith.constant 0 : i32
    %dma_wait3A_842 = tpu.memref_slice %arg24[%dma_wait3A_840, %dma_wait3A_841] : memref<2x128xi32, #tpu.memory_space<vmem>> -> memref<1x128xi32, #tpu.memory_space<vmem>>
    %dma_wait3A_843 = tpu.memref_squeeze %dma_wait3A_842 : memref<1x128xi32, #tpu.memory_space<vmem>> -> memref<128xi32, #tpu.memory_space<vmem>>
    %dma_wait3A_844 = arith.constant 0 : i32
    %dma_wait3A_845 = tpu.memref_slice %arg14[%dma_wait3A_844] : memref<8192xi32, #tpu.memory_space<hbm>> -> memref<128xi32, #tpu.memory_space<hbm>>
    %dma_wait3A_846 = arith.constant 0 : i32
    %dma_wait3A_847 = tpu.memref_slice %arg24[%dma_wait3A_840, %dma_wait3A_846] : memref<2x128xi32, #tpu.memory_space<vmem>> -> memref<1x128xi32, #tpu.memory_space<vmem>>
    %dma_wait3A_848 = tpu.memref_squeeze %dma_wait3A_847 : memref<1x128xi32, #tpu.memory_space<vmem>> -> memref<128xi32, #tpu.memory_space<vmem>>
    %dma_wait3A_849 = arith.constant 0 : i32
    %dma_wait3A_850 = tpu.memref_slice %arg14[%dma_wait3A_849] : memref<8192xi32, #tpu.memory_space<hbm>> -> memref<128xi32, #tpu.memory_space<hbm>>
    tpu.wait_dma2 semaphore(%arg30 : memref<!tpu.dma_semaphore, #tpu.memory_space<semaphore_mem>>) src(%dma_wait3A_850 : memref<128xi32, #tpu.memory_space<hbm>>) dst(%dma_wait3A_848 : memref<128xi32, #tpu.memory_space<vmem>>)
    %ge3A_851 = arith.constant 2 : i32
    %ge3A_852 = arith.cmpi sge, %add3A_836, %ge3A_851 : i32
    %convert_element_type3A_853 = arith.extui %ge3A_852 : i1 to i32
    %cond3A_854 = arith.constant 0 : i32
    %cond3A_855 = arith.cmpi ne, %convert_element_type3A_853, %cond3A_854 : i32
    scf.if %cond3A_855 {
      %dma_wait3A_1121 = arith.constant 1 : i32
      %dma_wait3A_1122 = arith.constant 0 : i32
      %dma_wait3A_1123 = arith.constant 0 : i32
      %dma_wait3A_1124 = tpu.memref_slice %arg25[%dma_wait3A_1121, %dma_wait3A_1122, %dma_wait3A_1123] : memref<2x128x128xf32, #tpu.memory_space<vmem>> -> memref<1x128x128xf32, #tpu.memory_space<vmem>>
      %dma_wait3A_1125 = tpu.memref_squeeze %dma_wait3A_1124 : memref<1x128x128xf32, #tpu.memory_space<vmem>> -> memref<128x128xf32, #tpu.memory_space<vmem>>
      %dma_wait3A_1126 = arith.constant 0 : i32
      %dma_wait3A_1127 = arith.constant 0 : i32
      %dma_wait3A_1128 = tpu.memref_slice %arg22[%dma_wait3A_1126, %dma_wait3A_1127] : memref<8192x128xf32, #tpu.memory_space<hbm>> -> memref<128x128xf32, #tpu.memory_space<hbm>>
      %dma_wait3A_1129 = arith.constant 0 : i32
      %dma_wait3A_1130 = arith.constant 0 : i32
      %dma_wait3A_1131 = tpu.memref_slice %arg22[%dma_wait3A_1129, %dma_wait3A_1130] : memref<8192x128xf32, #tpu.memory_space<hbm>> -> memref<128x128xf32, #tpu.memory_space<hbm>>
      %dma_wait3A_1132 = arith.constant 0 : i32
      %dma_wait3A_1133 = arith.constant 0 : i32
      %dma_wait3A_1134 = tpu.memref_slice %arg25[%dma_wait3A_1121, %dma_wait3A_1132, %dma_wait3A_1133] : memref<2x128x128xf32, #tpu.memory_space<vmem>> -> memref<1x128x128xf32, #tpu.memory_space<vmem>>
      %dma_wait3A_1135 = tpu.memref_squeeze %dma_wait3A_1134 : memref<1x128x128xf32, #tpu.memory_space<vmem>> -> memref<128x128xf32, #tpu.memory_space<vmem>>
      tpu.wait_dma2 semaphore(%arg28 : memref<!tpu.dma_semaphore, #tpu.memory_space<semaphore_mem>>) src(%dma_wait3A_1135 : memref<128x128xf32, #tpu.memory_space<vmem>>) dst(%dma_wait3A_1131 : memref<128x128xf32, #tpu.memory_space<hbm>>)
    } else {
    }
    %dma_start3A_856 = arith.constant 1 : i32
    %dma_start3A_857 = arith.constant 1 : i32
    %dma_start3A_858 = arith.constant 0 : i32
    %dma_start3A_859 = arith.constant 0 : i32
    %dma_start3A_860 = tpu.memref_slice %arg25[%dma_start3A_857, %dma_start3A_858, %dma_start3A_859] : memref<2x128x128xf32, #tpu.memory_space<vmem>> -> memref<1x128x128xf32, #tpu.memory_space<vmem>>
    %dma_start3A_861 = tpu.memref_squeeze %dma_start3A_860 : memref<1x128x128xf32, #tpu.memory_space<vmem>> -> memref<128x128xf32, #tpu.memory_space<vmem>>
    %dma_start3A_862 = arith.constant 0 : i32
    %dma_start3A_863 = tpu.memref_slice %arg24[%dma_start3A_856, %dma_start3A_862] : memref<2x128xi32, #tpu.memory_space<vmem>> -> memref<1x128xi32, #tpu.memory_space<vmem>>
    %dma_start3A_864 = tpu.memref_squeeze %dma_start3A_863 : memref<1x128xi32, #tpu.memory_space<vmem>> -> memref<128xi32, #tpu.memory_space<vmem>>
    %dma_start3A_865 = arith.constant 0 : i32
    %dma_start3A_866 = arith.constant 0 : i32
    %dma_start3A_867 = tpu.memref_slice %arg9[%dma_start3A_865, %dma_start3A_866] : memref<50000x128xf32, #tpu.memory_space<hbm>> -> memref<50000x128xf32, #tpu.memory_space<hbm>>
    tpu.enqueue_indirect_dma source(%dma_start3A_867 : memref<50000x128xf32, #tpu.memory_space<hbm>>) target(%dma_start3A_861 : memref<128x128xf32, #tpu.memory_space<vmem>>) offsets(%dma_start3A_864 : memref<128xi32, #tpu.memory_space<vmem>>) semaphore(%arg26 : memref<!tpu.dma_semaphore, #tpu.memory_space<semaphore_mem>>)
    %dma_wait3A_868 = arith.constant 1 : i32
    %dma_wait3A_869 = arith.constant 1 : i32
    %dma_wait3A_870 = arith.constant 0 : i32
    %dma_wait3A_871 = arith.constant 0 : i32
    %dma_wait3A_872 = tpu.memref_slice %arg25[%dma_wait3A_869, %dma_wait3A_870, %dma_wait3A_871] : memref<2x128x128xf32, #tpu.memory_space<vmem>> -> memref<1x128x128xf32, #tpu.memory_space<vmem>>
    %dma_wait3A_873 = tpu.memref_squeeze %dma_wait3A_872 : memref<1x128x128xf32, #tpu.memory_space<vmem>> -> memref<128x128xf32, #tpu.memory_space<vmem>>
    %dma_wait3A_874 = arith.constant 0 : i32
    %dma_wait3A_875 = tpu.memref_slice %arg24[%dma_wait3A_868, %dma_wait3A_874] : memref<2x128xi32, #tpu.memory_space<vmem>> -> memref<1x128xi32, #tpu.memory_space<vmem>>
    %dma_wait3A_876 = tpu.memref_squeeze %dma_wait3A_875 : memref<1x128xi32, #tpu.memory_space<vmem>> -> memref<128xi32, #tpu.memory_space<vmem>>
    %dma_wait3A_877 = arith.constant 0 : i32
    %dma_wait3A_878 = arith.constant 0 : i32
    %dma_wait3A_879 = tpu.memref_slice %arg9[%dma_wait3A_877, %dma_wait3A_878] : memref<50000x128xf32, #tpu.memory_space<hbm>> -> memref<50000x128xf32, #tpu.memory_space<hbm>>
    tpu.wait_indirect_dma semaphore(%arg26 : memref<!tpu.dma_semaphore, #tpu.memory_space<semaphore_mem>>) src(%dma_wait3A_879 : memref<50000x128xf32, #tpu.memory_space<hbm>>) dst(%dma_wait3A_873 : memref<128x128xf32, #tpu.memory_space<vmem>>)
    %dma_start3A_880 = arith.constant 1 : i32
    %dma_start3A_881 = arith.constant 0 : i32
    %dma_start3A_882 = arith.constant 0 : i32
    %dma_start3A_883 = tpu.memref_slice %arg25[%dma_start3A_880, %dma_start3A_881, %dma_start3A_882] : memref<2x128x128xf32, #tpu.memory_space<vmem>> -> memref<1x128x128xf32, #tpu.memory_space<vmem>>
    %dma_start3A_884 = tpu.memref_squeeze %dma_start3A_883 : memref<1x128x128xf32, #tpu.memory_space<vmem>> -> memref<128x128xf32, #tpu.memory_space<vmem>>
    %dma_start3A_885 = arith.constant 0 : i32
    %dma_start3A_886 = tpu.memref_slice %arg22[%add3A_839, %dma_start3A_885] : memref<8192x128xf32, #tpu.memory_space<hbm>> -> memref<128x128xf32, #tpu.memory_space<hbm>>
    %dma_start3A_887 = arith.constant 0 : i32
    %dma_start3A_888 = tpu.memref_slice %arg22[%add3A_839, %dma_start3A_887] : memref<8192x128xf32, #tpu.memory_space<hbm>> -> memref<128x128xf32, #tpu.memory_space<hbm>>
    %dma_start3A_889 = arith.constant 0 : i32
    %dma_start3A_890 = arith.constant 0 : i32
    %dma_start3A_891 = tpu.memref_slice %arg25[%dma_start3A_880, %dma_start3A_889, %dma_start3A_890] : memref<2x128x128xf32, #tpu.memory_space<vmem>> -> memref<1x128x128xf32, #tpu.memory_space<vmem>>
    %dma_start3A_892 = tpu.memref_squeeze %dma_start3A_891 : memref<1x128x128xf32, #tpu.memory_space<vmem>> -> memref<128x128xf32, #tpu.memory_space<vmem>>
    tpu.enqueue_dma source(%dma_start3A_892 : memref<128x128xf32, #tpu.memory_space<vmem>>) target(%dma_start3A_888 : memref<128x128xf32, #tpu.memory_space<hbm>>) target_semaphore(%arg28 : memref<!tpu.dma_semaphore, #tpu.memory_space<semaphore_mem>>)
    %add3A_893 = arith.constant 2 : i32
    %add3A_894 = arith.addi %add3A_836, %add3A_893 : i32
    %lt3A_895 = arith.constant 2 : i32
    %lt3A_896 = arith.cmpi slt, %add3A_894, %lt3A_895 : i32
    %convert_element_type3A_897 = arith.extui %lt3A_896 : i1 to i32
    %cond3A_898 = arith.constant 0 : i32
    %cond3A_899 = arith.cmpi ne, %convert_element_type3A_897, %cond3A_898 : i32
    scf.if %cond3A_899 {
      %add3A_1121 = arith.constant 256 : i32
      %add3A_1122 = arith.addi %add3A_839, %add3A_1121 : i32
      %dma_start3A_1123 = arith.constant 1 : i32
      %dma_start3A_1124 = arith.constant 0 : i32
      %dma_start3A_1125 = tpu.memref_slice %arg24[%dma_start3A_1123, %dma_start3A_1124] : memref<2x128xi32, #tpu.memory_space<vmem>> -> memref<1x128xi32, #tpu.memory_space<vmem>>
      %dma_start3A_1126 = tpu.memref_squeeze %dma_start3A_1125 : memref<1x128xi32, #tpu.memory_space<vmem>> -> memref<128xi32, #tpu.memory_space<vmem>>
      %dma_start3A_1127 = tpu.memref_slice %arg14[%add3A_1122] : memref<8192xi32, #tpu.memory_space<hbm>> -> memref<128xi32, #tpu.memory_space<hbm>>
      %dma_start3A_1128 = arith.constant 0 : i32
      %dma_start3A_1129 = tpu.memref_slice %arg24[%dma_start3A_1123, %dma_start3A_1128] : memref<2x128xi32, #tpu.memory_space<vmem>> -> memref<1x128xi32, #tpu.memory_space<vmem>>
      %dma_start3A_1130 = tpu.memref_squeeze %dma_start3A_1129 : memref<1x128xi32, #tpu.memory_space<vmem>> -> memref<128xi32, #tpu.memory_space<vmem>>
      %dma_start3A_1131 = tpu.memref_slice %arg14[%add3A_1122] : memref<8192xi32, #tpu.memory_space<hbm>> -> memref<128xi32, #tpu.memory_space<hbm>>
      tpu.enqueue_dma source(%dma_start3A_1131 : memref<128xi32, #tpu.memory_space<hbm>>) target(%dma_start3A_1130 : memref<128xi32, #tpu.memory_space<vmem>>) target_semaphore(%arg30 : memref<!tpu.dma_semaphore, #tpu.memory_space<semaphore_mem>>)
    } else {
    }
    %scan3A_900 = arith.constant 1 : i32
    %dma_wait3A_901 = arith.constant 0 : i32
    %dma_wait3A_902 = arith.constant 0 : i32
    %dma_wait3A_903 = arith.constant 0 : i32
    %dma_wait3A_904 = tpu.memref_slice %arg25[%dma_wait3A_901, %dma_wait3A_902, %dma_wait3A_903] : memref<2x128x128xf32, #tpu.memory_space<vmem>> -> memref<1x128x128xf32, #tpu.memory_space<vmem>>
    %dma_wait3A_905 = tpu.memref_squeeze %dma_wait3A_904 : memref<1x128x128xf32, #tpu.memory_space<vmem>> -> memref<128x128xf32, #tpu.memory_space<vmem>>
    %dma_wait3A_906 = arith.constant 0 : i32
    %dma_wait3A_907 = arith.constant 0 : i32
    %dma_wait3A_908 = tpu.memref_slice %arg22[%dma_wait3A_906, %dma_wait3A_907] : memref<8192x128xf32, #tpu.memory_space<hbm>> -> memref<128x128xf32, #tpu.memory_space<hbm>>
    %dma_wait3A_909 = arith.constant 0 : i32
    %dma_wait3A_910 = arith.constant 0 : i32
    %dma_wait3A_911 = tpu.memref_slice %arg22[%dma_wait3A_909, %dma_wait3A_910] : memref<8192x128xf32, #tpu.memory_space<hbm>> -> memref<128x128xf32, #tpu.memory_space<hbm>>
    %dma_wait3A_912 = arith.constant 0 : i32
    %dma_wait3A_913 = arith.constant 0 : i32
    %dma_wait3A_914 = tpu.memref_slice %arg25[%dma_wait3A_901, %dma_wait3A_912, %dma_wait3A_913] : memref<2x128x128xf32, #tpu.memory_space<vmem>> -> memref<1x128x128xf32, #tpu.memory_space<vmem>>
    %dma_wait3A_915 = tpu.memref_squeeze %dma_wait3A_914 : memref<1x128x128xf32, #tpu.memory_space<vmem>> -> memref<128x128xf32, #tpu.memory_space<vmem>>
    tpu.wait_dma2 semaphore(%arg27 : memref<!tpu.dma_semaphore, #tpu.memory_space<semaphore_mem>>) src(%dma_wait3A_915 : memref<128x128xf32, #tpu.memory_space<vmem>>) dst(%dma_wait3A_911 : memref<128x128xf32, #tpu.memory_space<hbm>>)
    %dma_wait3A_916 = arith.constant 1 : i32
    %dma_wait3A_917 = arith.constant 0 : i32
    %dma_wait3A_918 = arith.constant 0 : i32
    %dma_wait3A_919 = tpu.memref_slice %arg25[%dma_wait3A_916, %dma_wait3A_917, %dma_wait3A_918] : memref<2x128x128xf32, #tpu.memory_space<vmem>> -> memref<1x128x128xf32, #tpu.memory_space<vmem>>
    %dma_wait3A_920 = tpu.memref_squeeze %dma_wait3A_919 : memref<1x128x128xf32, #tpu.memory_space<vmem>> -> memref<128x128xf32, #tpu.memory_space<vmem>>
    %dma_wait3A_921 = arith.constant 0 : i32
    %dma_wait3A_922 = arith.constant 0 : i32
    %dma_wait3A_923 = tpu.memref_slice %arg22[%dma_wait3A_921, %dma_wait3A_922] : memref<8192x128xf32, #tpu.memory_space<hbm>> -> memref<128x128xf32, #tpu.memory_space<hbm>>
    %dma_wait3A_924 = arith.constant 0 : i32
    %dma_wait3A_925 = arith.constant 0 : i32
    %dma_wait3A_926 = tpu.memref_slice %arg22[%dma_wait3A_924, %dma_wait3A_925] : memref<8192x128xf32, #tpu.memory_space<hbm>> -> memref<128x128xf32, #tpu.memory_space<hbm>>
    %dma_wait3A_927 = arith.constant 0 : i32
    %dma_wait3A_928 = arith.constant 0 : i32
    %dma_wait3A_929 = tpu.memref_slice %arg25[%dma_wait3A_916, %dma_wait3A_927, %dma_wait3A_928] : memref<2x128x128xf32, #tpu.memory_space<vmem>> -> memref<1x128x128xf32, #tpu.memory_space<vmem>>
    %dma_wait3A_930 = tpu.memref_squeeze %dma_wait3A_929 : memref<1x128x128xf32, #tpu.memory_space<vmem>> -> memref<128x128xf32, #tpu.memory_space<vmem>>
    tpu.wait_dma2 semaphore(%arg28 : memref<!tpu.dma_semaphore, #tpu.memory_space<semaphore_mem>>) src(%dma_wait3A_930 : memref<128x128xf32, #tpu.memory_space<vmem>>) dst(%dma_wait3A_926 : memref<128x128xf32, #tpu.memory_space<hbm>>)
    %mul3A_931 = arith.constant 256 : i32
    %mul3A_932 = arith.muli %add3A, %mul3A_931 : i32
    %add3A_933 = arith.constant 0 : i32
    %add3A_934 = arith.addi %mul3A_932, %add3A_933 : i32
    %dma_start3A_935 = arith.constant 0 : i32
    %dma_start3A_936 = arith.constant 0 : i32
    %dma_start3A_937 = tpu.memref_slice %arg24[%dma_start3A_935, %dma_start3A_936] : memref<2x128xi32, #tpu.memory_space<vmem>> -> memref<1x128xi32, #tpu.memory_space<vmem>>
    %dma_start3A_938 = tpu.memref_squeeze %dma_start3A_937 : memref<1x128xi32, #tpu.memory_space<vmem>> -> memref<128xi32, #tpu.memory_space<vmem>>
    %dma_start3A_939 = tpu.memref_slice %arg15[%add3A_934] : memref<8192xi32, #tpu.memory_space<hbm>> -> memref<128xi32, #tpu.memory_space<hbm>>
    %dma_start3A_940 = arith.constant 0 : i32
    %dma_start3A_941 = tpu.memref_slice %arg24[%dma_start3A_935, %dma_start3A_940] : memref<2x128xi32, #tpu.memory_space<vmem>> -> memref<1x128xi32, #tpu.memory_space<vmem>>
    %dma_start3A_942 = tpu.memref_squeeze %dma_start3A_941 : memref<1x128xi32, #tpu.memory_space<vmem>> -> memref<128xi32, #tpu.memory_space<vmem>>
    %dma_start3A_943 = tpu.memref_slice %arg15[%add3A_934] : memref<8192xi32, #tpu.memory_space<hbm>> -> memref<128xi32, #tpu.memory_space<hbm>>
    tpu.enqueue_dma source(%dma_start3A_943 : memref<128xi32, #tpu.memory_space<hbm>>) target(%dma_start3A_942 : memref<128xi32, #tpu.memory_space<vmem>>) target_semaphore(%arg29 : memref<!tpu.dma_semaphore, #tpu.memory_space<semaphore_mem>>)
    %add3A_944 = arith.constant 128 : i32
    %add3A_945 = arith.addi %mul3A_932, %add3A_944 : i32
    %dma_start3A_946 = arith.constant 1 : i32
    %dma_start3A_947 = arith.constant 0 : i32
    %dma_start3A_948 = tpu.memref_slice %arg24[%dma_start3A_946, %dma_start3A_947] : memref<2x128xi32, #tpu.memory_space<vmem>> -> memref<1x128xi32, #tpu.memory_space<vmem>>
    %dma_start3A_949 = tpu.memref_squeeze %dma_start3A_948 : memref<1x128xi32, #tpu.memory_space<vmem>> -> memref<128xi32, #tpu.memory_space<vmem>>
    %dma_start3A_950 = tpu.memref_slice %arg15[%add3A_945] : memref<8192xi32, #tpu.memory_space<hbm>> -> memref<128xi32, #tpu.memory_space<hbm>>
    %dma_start3A_951 = arith.constant 0 : i32
    %dma_start3A_952 = tpu.memref_slice %arg24[%dma_start3A_946, %dma_start3A_951] : memref<2x128xi32, #tpu.memory_space<vmem>> -> memref<1x128xi32, #tpu.memory_space<vmem>>
    %dma_start3A_953 = tpu.memref_squeeze %dma_start3A_952 : memref<1x128xi32, #tpu.memory_space<vmem>> -> memref<128xi32, #tpu.memory_space<vmem>>
    %dma_start3A_954 = tpu.memref_slice %arg15[%add3A_945] : memref<8192xi32, #tpu.memory_space<hbm>> -> memref<128xi32, #tpu.memory_space<hbm>>
    tpu.enqueue_dma source(%dma_start3A_954 : memref<128xi32, #tpu.memory_space<hbm>>) target(%dma_start3A_953 : memref<128xi32, #tpu.memory_space<vmem>>) target_semaphore(%arg30 : memref<!tpu.dma_semaphore, #tpu.memory_space<semaphore_mem>>)
    %scan3A_955 = arith.constant 0 : i32
    %mul3A_956 = arith.constant 2 : i32
    %mul3A_957 = arith.muli %scan3A_955, %mul3A_956 : i32
    %add3A_958 = arith.constant 0 : i32
    %add3A_959 = arith.addi %add3A_958, %mul3A_957 : i32
    %add3A_960 = arith.constant 0 : i32
    %add3A_961 = arith.addi %add3A_959, %add3A_960 : i32
    %mul3A_962 = arith.constant 128 : i32
    %mul3A_963 = arith.muli %add3A_961, %mul3A_962 : i32
    %add3A_964 = arith.addi %mul3A_932, %mul3A_963 : i32
    %dma_wait3A_965 = arith.constant 0 : i32
    %dma_wait3A_966 = arith.constant 0 : i32
    %dma_wait3A_967 = tpu.memref_slice %arg24[%dma_wait3A_965, %dma_wait3A_966] : memref<2x128xi32, #tpu.memory_space<vmem>> -> memref<1x128xi32, #tpu.memory_space<vmem>>
    %dma_wait3A_968 = tpu.memref_squeeze %dma_wait3A_967 : memref<1x128xi32, #tpu.memory_space<vmem>> -> memref<128xi32, #tpu.memory_space<vmem>>
    %dma_wait3A_969 = arith.constant 0 : i32
    %dma_wait3A_970 = tpu.memref_slice %arg15[%dma_wait3A_969] : memref<8192xi32, #tpu.memory_space<hbm>> -> memref<128xi32, #tpu.memory_space<hbm>>
    %dma_wait3A_971 = arith.constant 0 : i32
    %dma_wait3A_972 = tpu.memref_slice %arg24[%dma_wait3A_965, %dma_wait3A_971] : memref<2x128xi32, #tpu.memory_space<vmem>> -> memref<1x128xi32, #tpu.memory_space<vmem>>
    %dma_wait3A_973 = tpu.memref_squeeze %dma_wait3A_972 : memref<1x128xi32, #tpu.memory_space<vmem>> -> memref<128xi32, #tpu.memory_space<vmem>>
    %dma_wait3A_974 = arith.constant 0 : i32
    %dma_wait3A_975 = tpu.memref_slice %arg15[%dma_wait3A_974] : memref<8192xi32, #tpu.memory_space<hbm>> -> memref<128xi32, #tpu.memory_space<hbm>>
    tpu.wait_dma2 semaphore(%arg29 : memref<!tpu.dma_semaphore, #tpu.memory_space<semaphore_mem>>) src(%dma_wait3A_975 : memref<128xi32, #tpu.memory_space<hbm>>) dst(%dma_wait3A_973 : memref<128xi32, #tpu.memory_space<vmem>>)
    %ge3A_976 = arith.constant 2 : i32
    %ge3A_977 = arith.cmpi sge, %add3A_961, %ge3A_976 : i32
    %convert_element_type3A_978 = arith.extui %ge3A_977 : i1 to i32
    %cond3A_979 = arith.constant 0 : i32
    %cond3A_980 = arith.cmpi ne, %convert_element_type3A_978, %cond3A_979 : i32
    scf.if %cond3A_980 {
      %dma_wait3A_1121 = arith.constant 0 : i32
      %dma_wait3A_1122 = arith.constant 0 : i32
      %dma_wait3A_1123 = arith.constant 0 : i32
      %dma_wait3A_1124 = tpu.memref_slice %arg25[%dma_wait3A_1121, %dma_wait3A_1122, %dma_wait3A_1123] : memref<2x128x128xf32, #tpu.memory_space<vmem>> -> memref<1x128x128xf32, #tpu.memory_space<vmem>>
      %dma_wait3A_1125 = tpu.memref_squeeze %dma_wait3A_1124 : memref<1x128x128xf32, #tpu.memory_space<vmem>> -> memref<128x128xf32, #tpu.memory_space<vmem>>
      %dma_wait3A_1126 = arith.constant 0 : i32
      %dma_wait3A_1127 = arith.constant 0 : i32
      %dma_wait3A_1128 = tpu.memref_slice %arg23[%dma_wait3A_1126, %dma_wait3A_1127] : memref<8192x128xf32, #tpu.memory_space<hbm>> -> memref<128x128xf32, #tpu.memory_space<hbm>>
      %dma_wait3A_1129 = arith.constant 0 : i32
      %dma_wait3A_1130 = arith.constant 0 : i32
      %dma_wait3A_1131 = tpu.memref_slice %arg23[%dma_wait3A_1129, %dma_wait3A_1130] : memref<8192x128xf32, #tpu.memory_space<hbm>> -> memref<128x128xf32, #tpu.memory_space<hbm>>
      %dma_wait3A_1132 = arith.constant 0 : i32
      %dma_wait3A_1133 = arith.constant 0 : i32
      %dma_wait3A_1134 = tpu.memref_slice %arg25[%dma_wait3A_1121, %dma_wait3A_1132, %dma_wait3A_1133] : memref<2x128x128xf32, #tpu.memory_space<vmem>> -> memref<1x128x128xf32, #tpu.memory_space<vmem>>
      %dma_wait3A_1135 = tpu.memref_squeeze %dma_wait3A_1134 : memref<1x128x128xf32, #tpu.memory_space<vmem>> -> memref<128x128xf32, #tpu.memory_space<vmem>>
      tpu.wait_dma2 semaphore(%arg27 : memref<!tpu.dma_semaphore, #tpu.memory_space<semaphore_mem>>) src(%dma_wait3A_1135 : memref<128x128xf32, #tpu.memory_space<vmem>>) dst(%dma_wait3A_1131 : memref<128x128xf32, #tpu.memory_space<hbm>>)
    } else {
    }
    %dma_start3A_981 = arith.constant 0 : i32
    %dma_start3A_982 = arith.constant 0 : i32
    %dma_start3A_983 = arith.constant 0 : i32
    %dma_start3A_984 = arith.constant 0 : i32
    %dma_start3A_985 = tpu.memref_slice %arg25[%dma_start3A_982, %dma_start3A_983, %dma_start3A_984] : memref<2x128x128xf32, #tpu.memory_space<vmem>> -> memref<1x128x128xf32, #tpu.memory_space<vmem>>
    %dma_start3A_986 = tpu.memref_squeeze %dma_start3A_985 : memref<1x128x128xf32, #tpu.memory_space<vmem>> -> memref<128x128xf32, #tpu.memory_space<vmem>>
    %dma_start3A_987 = arith.constant 0 : i32
    %dma_start3A_988 = tpu.memref_slice %arg24[%dma_start3A_981, %dma_start3A_987] : memref<2x128xi32, #tpu.memory_space<vmem>> -> memref<1x128xi32, #tpu.memory_space<vmem>>
    %dma_start3A_989 = tpu.memref_squeeze %dma_start3A_988 : memref<1x128xi32, #tpu.memory_space<vmem>> -> memref<128xi32, #tpu.memory_space<vmem>>
    %dma_start3A_990 = arith.constant 0 : i32
    %dma_start3A_991 = arith.constant 0 : i32
    %dma_start3A_992 = tpu.memref_slice %arg10[%dma_start3A_990, %dma_start3A_991] : memref<50000x128xf32, #tpu.memory_space<hbm>> -> memref<50000x128xf32, #tpu.memory_space<hbm>>
    tpu.enqueue_indirect_dma source(%dma_start3A_992 : memref<50000x128xf32, #tpu.memory_space<hbm>>) target(%dma_start3A_986 : memref<128x128xf32, #tpu.memory_space<vmem>>) offsets(%dma_start3A_989 : memref<128xi32, #tpu.memory_space<vmem>>) semaphore(%arg26 : memref<!tpu.dma_semaphore, #tpu.memory_space<semaphore_mem>>)
    %dma_wait3A_993 = arith.constant 0 : i32
    %dma_wait3A_994 = arith.constant 0 : i32
    %dma_wait3A_995 = arith.constant 0 : i32
    %dma_wait3A_996 = arith.constant 0 : i32
    %dma_wait3A_997 = tpu.memref_slice %arg25[%dma_wait3A_994, %dma_wait3A_995, %dma_wait3A_996] : memref<2x128x128xf32, #tpu.memory_space<vmem>> -> memref<1x128x128xf32, #tpu.memory_space<vmem>>
    %dma_wait3A_998 = tpu.memref_squeeze %dma_wait3A_997 : memref<1x128x128xf32, #tpu.memory_space<vmem>> -> memref<128x128xf32, #tpu.memory_space<vmem>>
    %dma_wait3A_999 = arith.constant 0 : i32
    %dma_wait3A_1000 = tpu.memref_slice %arg24[%dma_wait3A_993, %dma_wait3A_999] : memref<2x128xi32, #tpu.memory_space<vmem>> -> memref<1x128xi32, #tpu.memory_space<vmem>>
    %dma_wait3A_1001 = tpu.memref_squeeze %dma_wait3A_1000 : memref<1x128xi32, #tpu.memory_space<vmem>> -> memref<128xi32, #tpu.memory_space<vmem>>
    %dma_wait3A_1002 = arith.constant 0 : i32
    %dma_wait3A_1003 = arith.constant 0 : i32
    %dma_wait3A_1004 = tpu.memref_slice %arg10[%dma_wait3A_1002, %dma_wait3A_1003] : memref<50000x128xf32, #tpu.memory_space<hbm>> -> memref<50000x128xf32, #tpu.memory_space<hbm>>
    tpu.wait_indirect_dma semaphore(%arg26 : memref<!tpu.dma_semaphore, #tpu.memory_space<semaphore_mem>>) src(%dma_wait3A_1004 : memref<50000x128xf32, #tpu.memory_space<hbm>>) dst(%dma_wait3A_998 : memref<128x128xf32, #tpu.memory_space<vmem>>)
    %dma_start3A_1005 = arith.constant 0 : i32
    %dma_start3A_1006 = arith.constant 0 : i32
    %dma_start3A_1007 = arith.constant 0 : i32
    %dma_start3A_1008 = tpu.memref_slice %arg25[%dma_start3A_1005, %dma_start3A_1006, %dma_start3A_1007] : memref<2x128x128xf32, #tpu.memory_space<vmem>> -> memref<1x128x128xf32, #tpu.memory_space<vmem>>
    %dma_start3A_1009 = tpu.memref_squeeze %dma_start3A_1008 : memref<1x128x128xf32, #tpu.memory_space<vmem>> -> memref<128x128xf32, #tpu.memory_space<vmem>>
    %dma_start3A_1010 = arith.constant 0 : i32
    %dma_start3A_1011 = tpu.memref_slice %arg23[%add3A_964, %dma_start3A_1010] : memref<8192x128xf32, #tpu.memory_space<hbm>> -> memref<128x128xf32, #tpu.memory_space<hbm>>
    %dma_start3A_1012 = arith.constant 0 : i32
    %dma_start3A_1013 = tpu.memref_slice %arg23[%add3A_964, %dma_start3A_1012] : memref<8192x128xf32, #tpu.memory_space<hbm>> -> memref<128x128xf32, #tpu.memory_space<hbm>>
    %dma_start3A_1014 = arith.constant 0 : i32
    %dma_start3A_1015 = arith.constant 0 : i32
    %dma_start3A_1016 = tpu.memref_slice %arg25[%dma_start3A_1005, %dma_start3A_1014, %dma_start3A_1015] : memref<2x128x128xf32, #tpu.memory_space<vmem>> -> memref<1x128x128xf32, #tpu.memory_space<vmem>>
    %dma_start3A_1017 = tpu.memref_squeeze %dma_start3A_1016 : memref<1x128x128xf32, #tpu.memory_space<vmem>> -> memref<128x128xf32, #tpu.memory_space<vmem>>
    tpu.enqueue_dma source(%dma_start3A_1017 : memref<128x128xf32, #tpu.memory_space<vmem>>) target(%dma_start3A_1013 : memref<128x128xf32, #tpu.memory_space<hbm>>) target_semaphore(%arg27 : memref<!tpu.dma_semaphore, #tpu.memory_space<semaphore_mem>>)
    %add3A_1018 = arith.constant 2 : i32
    %add3A_1019 = arith.addi %add3A_961, %add3A_1018 : i32
    %lt3A_1020 = arith.constant 2 : i32
    %lt3A_1021 = arith.cmpi slt, %add3A_1019, %lt3A_1020 : i32
    %convert_element_type3A_1022 = arith.extui %lt3A_1021 : i1 to i32
    %cond3A_1023 = arith.constant 0 : i32
    %cond3A_1024 = arith.cmpi ne, %convert_element_type3A_1022, %cond3A_1023 : i32
    scf.if %cond3A_1024 {
      %add3A_1121 = arith.constant 256 : i32
      %add3A_1122 = arith.addi %add3A_964, %add3A_1121 : i32
      %dma_start3A_1123 = arith.constant 0 : i32
      %dma_start3A_1124 = arith.constant 0 : i32
      %dma_start3A_1125 = tpu.memref_slice %arg24[%dma_start3A_1123, %dma_start3A_1124] : memref<2x128xi32, #tpu.memory_space<vmem>> -> memref<1x128xi32, #tpu.memory_space<vmem>>
      %dma_start3A_1126 = tpu.memref_squeeze %dma_start3A_1125 : memref<1x128xi32, #tpu.memory_space<vmem>> -> memref<128xi32, #tpu.memory_space<vmem>>
      %dma_start3A_1127 = tpu.memref_slice %arg15[%add3A_1122] : memref<8192xi32, #tpu.memory_space<hbm>> -> memref<128xi32, #tpu.memory_space<hbm>>
      %dma_start3A_1128 = arith.constant 0 : i32
      %dma_start3A_1129 = tpu.memref_slice %arg24[%dma_start3A_1123, %dma_start3A_1128] : memref<2x128xi32, #tpu.memory_space<vmem>> -> memref<1x128xi32, #tpu.memory_space<vmem>>
      %dma_start3A_1130 = tpu.memref_squeeze %dma_start3A_1129 : memref<1x128xi32, #tpu.memory_space<vmem>> -> memref<128xi32, #tpu.memory_space<vmem>>
      %dma_start3A_1131 = tpu.memref_slice %arg15[%add3A_1122] : memref<8192xi32, #tpu.memory_space<hbm>> -> memref<128xi32, #tpu.memory_space<hbm>>
      tpu.enqueue_dma source(%dma_start3A_1131 : memref<128xi32, #tpu.memory_space<hbm>>) target(%dma_start3A_1130 : memref<128xi32, #tpu.memory_space<vmem>>) target_semaphore(%arg29 : memref<!tpu.dma_semaphore, #tpu.memory_space<semaphore_mem>>)
    } else {
    }
    %add3A_1025 = arith.constant 1 : i32
    %add3A_1026 = arith.addi %add3A_959, %add3A_1025 : i32
    %mul3A_1027 = arith.constant 128 : i32
    %mul3A_1028 = arith.muli %add3A_1026, %mul3A_1027 : i32
    %add3A_1029 = arith.addi %mul3A_932, %mul3A_1028 : i32
    %dma_wait3A_1030 = arith.constant 1 : i32
    %dma_wait3A_1031 = arith.constant 0 : i32
    %dma_wait3A_1032 = tpu.memref_slice %arg24[%dma_wait3A_1030, %dma_wait3A_1031] : memref<2x128xi32, #tpu.memory_space<vmem>> -> memref<1x128xi32, #tpu.memory_space<vmem>>
    %dma_wait3A_1033 = tpu.memref_squeeze %dma_wait3A_1032 : memref<1x128xi32, #tpu.memory_space<vmem>> -> memref<128xi32, #tpu.memory_space<vmem>>
    %dma_wait3A_1034 = arith.constant 0 : i32
    %dma_wait3A_1035 = tpu.memref_slice %arg15[%dma_wait3A_1034] : memref<8192xi32, #tpu.memory_space<hbm>> -> memref<128xi32, #tpu.memory_space<hbm>>
    %dma_wait3A_1036 = arith.constant 0 : i32
    %dma_wait3A_1037 = tpu.memref_slice %arg24[%dma_wait3A_1030, %dma_wait3A_1036] : memref<2x128xi32, #tpu.memory_space<vmem>> -> memref<1x128xi32, #tpu.memory_space<vmem>>
    %dma_wait3A_1038 = tpu.memref_squeeze %dma_wait3A_1037 : memref<1x128xi32, #tpu.memory_space<vmem>> -> memref<128xi32, #tpu.memory_space<vmem>>
    %dma_wait3A_1039 = arith.constant 0 : i32
    %dma_wait3A_1040 = tpu.memref_slice %arg15[%dma_wait3A_1039] : memref<8192xi32, #tpu.memory_space<hbm>> -> memref<128xi32, #tpu.memory_space<hbm>>
    tpu.wait_dma2 semaphore(%arg30 : memref<!tpu.dma_semaphore, #tpu.memory_space<semaphore_mem>>) src(%dma_wait3A_1040 : memref<128xi32, #tpu.memory_space<hbm>>) dst(%dma_wait3A_1038 : memref<128xi32, #tpu.memory_space<vmem>>)
    %ge3A_1041 = arith.constant 2 : i32
    %ge3A_1042 = arith.cmpi sge, %add3A_1026, %ge3A_1041 : i32
    %convert_element_type3A_1043 = arith.extui %ge3A_1042 : i1 to i32
    %cond3A_1044 = arith.constant 0 : i32
    %cond3A_1045 = arith.cmpi ne, %convert_element_type3A_1043, %cond3A_1044 : i32
    scf.if %cond3A_1045 {
      %dma_wait3A_1121 = arith.constant 1 : i32
      %dma_wait3A_1122 = arith.constant 0 : i32
      %dma_wait3A_1123 = arith.constant 0 : i32
      %dma_wait3A_1124 = tpu.memref_slice %arg25[%dma_wait3A_1121, %dma_wait3A_1122, %dma_wait3A_1123] : memref<2x128x128xf32, #tpu.memory_space<vmem>> -> memref<1x128x128xf32, #tpu.memory_space<vmem>>
      %dma_wait3A_1125 = tpu.memref_squeeze %dma_wait3A_1124 : memref<1x128x128xf32, #tpu.memory_space<vmem>> -> memref<128x128xf32, #tpu.memory_space<vmem>>
      %dma_wait3A_1126 = arith.constant 0 : i32
      %dma_wait3A_1127 = arith.constant 0 : i32
      %dma_wait3A_1128 = tpu.memref_slice %arg23[%dma_wait3A_1126, %dma_wait3A_1127] : memref<8192x128xf32, #tpu.memory_space<hbm>> -> memref<128x128xf32, #tpu.memory_space<hbm>>
      %dma_wait3A_1129 = arith.constant 0 : i32
      %dma_wait3A_1130 = arith.constant 0 : i32
      %dma_wait3A_1131 = tpu.memref_slice %arg23[%dma_wait3A_1129, %dma_wait3A_1130] : memref<8192x128xf32, #tpu.memory_space<hbm>> -> memref<128x128xf32, #tpu.memory_space<hbm>>
      %dma_wait3A_1132 = arith.constant 0 : i32
      %dma_wait3A_1133 = arith.constant 0 : i32
      %dma_wait3A_1134 = tpu.memref_slice %arg25[%dma_wait3A_1121, %dma_wait3A_1132, %dma_wait3A_1133] : memref<2x128x128xf32, #tpu.memory_space<vmem>> -> memref<1x128x128xf32, #tpu.memory_space<vmem>>
      %dma_wait3A_1135 = tpu.memref_squeeze %dma_wait3A_1134 : memref<1x128x128xf32, #tpu.memory_space<vmem>> -> memref<128x128xf32, #tpu.memory_space<vmem>>
      tpu.wait_dma2 semaphore(%arg28 : memref<!tpu.dma_semaphore, #tpu.memory_space<semaphore_mem>>) src(%dma_wait3A_1135 : memref<128x128xf32, #tpu.memory_space<vmem>>) dst(%dma_wait3A_1131 : memref<128x128xf32, #tpu.memory_space<hbm>>)
    } else {
    }
    %dma_start3A_1046 = arith.constant 1 : i32
    %dma_start3A_1047 = arith.constant 1 : i32
    %dma_start3A_1048 = arith.constant 0 : i32
    %dma_start3A_1049 = arith.constant 0 : i32
    %dma_start3A_1050 = tpu.memref_slice %arg25[%dma_start3A_1047, %dma_start3A_1048, %dma_start3A_1049] : memref<2x128x128xf32, #tpu.memory_space<vmem>> -> memref<1x128x128xf32, #tpu.memory_space<vmem>>
    %dma_start3A_1051 = tpu.memref_squeeze %dma_start3A_1050 : memref<1x128x128xf32, #tpu.memory_space<vmem>> -> memref<128x128xf32, #tpu.memory_space<vmem>>
    %dma_start3A_1052 = arith.constant 0 : i32
    %dma_start3A_1053 = tpu.memref_slice %arg24[%dma_start3A_1046, %dma_start3A_1052] : memref<2x128xi32, #tpu.memory_space<vmem>> -> memref<1x128xi32, #tpu.memory_space<vmem>>
    %dma_start3A_1054 = tpu.memref_squeeze %dma_start3A_1053 : memref<1x128xi32, #tpu.memory_space<vmem>> -> memref<128xi32, #tpu.memory_space<vmem>>
    %dma_start3A_1055 = arith.constant 0 : i32
    %dma_start3A_1056 = arith.constant 0 : i32
    %dma_start3A_1057 = tpu.memref_slice %arg10[%dma_start3A_1055, %dma_start3A_1056] : memref<50000x128xf32, #tpu.memory_space<hbm>> -> memref<50000x128xf32, #tpu.memory_space<hbm>>
    tpu.enqueue_indirect_dma source(%dma_start3A_1057 : memref<50000x128xf32, #tpu.memory_space<hbm>>) target(%dma_start3A_1051 : memref<128x128xf32, #tpu.memory_space<vmem>>) offsets(%dma_start3A_1054 : memref<128xi32, #tpu.memory_space<vmem>>) semaphore(%arg26 : memref<!tpu.dma_semaphore, #tpu.memory_space<semaphore_mem>>)
    %dma_wait3A_1058 = arith.constant 1 : i32
    %dma_wait3A_1059 = arith.constant 1 : i32
    %dma_wait3A_1060 = arith.constant 0 : i32
    %dma_wait3A_1061 = arith.constant 0 : i32
    %dma_wait3A_1062 = tpu.memref_slice %arg25[%dma_wait3A_1059, %dma_wait3A_1060, %dma_wait3A_1061] : memref<2x128x128xf32, #tpu.memory_space<vmem>> -> memref<1x128x128xf32, #tpu.memory_space<vmem>>
    %dma_wait3A_1063 = tpu.memref_squeeze %dma_wait3A_1062 : memref<1x128x128xf32, #tpu.memory_space<vmem>> -> memref<128x128xf32, #tpu.memory_space<vmem>>
    %dma_wait3A_1064 = arith.constant 0 : i32
    %dma_wait3A_1065 = tpu.memref_slice %arg24[%dma_wait3A_1058, %dma_wait3A_1064] : memref<2x128xi32, #tpu.memory_space<vmem>> -> memref<1x128xi32, #tpu.memory_space<vmem>>
    %dma_wait3A_1066 = tpu.memref_squeeze %dma_wait3A_1065 : memref<1x128xi32, #tpu.memory_space<vmem>> -> memref<128xi32, #tpu.memory_space<vmem>>
    %dma_wait3A_1067 = arith.constant 0 : i32
    %dma_wait3A_1068 = arith.constant 0 : i32
    %dma_wait3A_1069 = tpu.memref_slice %arg10[%dma_wait3A_1067, %dma_wait3A_1068] : memref<50000x128xf32, #tpu.memory_space<hbm>> -> memref<50000x128xf32, #tpu.memory_space<hbm>>
    tpu.wait_indirect_dma semaphore(%arg26 : memref<!tpu.dma_semaphore, #tpu.memory_space<semaphore_mem>>) src(%dma_wait3A_1069 : memref<50000x128xf32, #tpu.memory_space<hbm>>) dst(%dma_wait3A_1063 : memref<128x128xf32, #tpu.memory_space<vmem>>)
    %dma_start3A_1070 = arith.constant 1 : i32
    %dma_start3A_1071 = arith.constant 0 : i32
    %dma_start3A_1072 = arith.constant 0 : i32
    %dma_start3A_1073 = tpu.memref_slice %arg25[%dma_start3A_1070, %dma_start3A_1071, %dma_start3A_1072] : memref<2x128x128xf32, #tpu.memory_space<vmem>> -> memref<1x128x128xf32, #tpu.memory_space<vmem>>
    %dma_start3A_1074 = tpu.memref_squeeze %dma_start3A_1073 : memref<1x128x128xf32, #tpu.memory_space<vmem>> -> memref<128x128xf32, #tpu.memory_space<vmem>>
    %dma_start3A_1075 = arith.constant 0 : i32
    %dma_start3A_1076 = tpu.memref_slice %arg23[%add3A_1029, %dma_start3A_1075] : memref<8192x128xf32, #tpu.memory_space<hbm>> -> memref<128x128xf32, #tpu.memory_space<hbm>>
    %dma_start3A_1077 = arith.constant 0 : i32
    %dma_start3A_1078 = tpu.memref_slice %arg23[%add3A_1029, %dma_start3A_1077] : memref<8192x128xf32, #tpu.memory_space<hbm>> -> memref<128x128xf32, #tpu.memory_space<hbm>>
    %dma_start3A_1079 = arith.constant 0 : i32
    %dma_start3A_1080 = arith.constant 0 : i32
    %dma_start3A_1081 = tpu.memref_slice %arg25[%dma_start3A_1070, %dma_start3A_1079, %dma_start3A_1080] : memref<2x128x128xf32, #tpu.memory_space<vmem>> -> memref<1x128x128xf32, #tpu.memory_space<vmem>>
    %dma_start3A_1082 = tpu.memref_squeeze %dma_start3A_1081 : memref<1x128x128xf32, #tpu.memory_space<vmem>> -> memref<128x128xf32, #tpu.memory_space<vmem>>
    tpu.enqueue_dma source(%dma_start3A_1082 : memref<128x128xf32, #tpu.memory_space<vmem>>) target(%dma_start3A_1078 : memref<128x128xf32, #tpu.memory_space<hbm>>) target_semaphore(%arg28 : memref<!tpu.dma_semaphore, #tpu.memory_space<semaphore_mem>>)
    %add3A_1083 = arith.constant 2 : i32
    %add3A_1084 = arith.addi %add3A_1026, %add3A_1083 : i32
    %lt3A_1085 = arith.constant 2 : i32
    %lt3A_1086 = arith.cmpi slt, %add3A_1084, %lt3A_1085 : i32
    %convert_element_type3A_1087 = arith.extui %lt3A_1086 : i1 to i32
    %cond3A_1088 = arith.constant 0 : i32
    %cond3A_1089 = arith.cmpi ne, %convert_element_type3A_1087, %cond3A_1088 : i32
    scf.if %cond3A_1089 {
      %add3A_1121 = arith.constant 256 : i32
      %add3A_1122 = arith.addi %add3A_1029, %add3A_1121 : i32
      %dma_start3A_1123 = arith.constant 1 : i32
      %dma_start3A_1124 = arith.constant 0 : i32
      %dma_start3A_1125 = tpu.memref_slice %arg24[%dma_start3A_1123, %dma_start3A_1124] : memref<2x128xi32, #tpu.memory_space<vmem>> -> memref<1x128xi32, #tpu.memory_space<vmem>>
      %dma_start3A_1126 = tpu.memref_squeeze %dma_start3A_1125 : memref<1x128xi32, #tpu.memory_space<vmem>> -> memref<128xi32, #tpu.memory_space<vmem>>
      %dma_start3A_1127 = tpu.memref_slice %arg15[%add3A_1122] : memref<8192xi32, #tpu.memory_space<hbm>> -> memref<128xi32, #tpu.memory_space<hbm>>
      %dma_start3A_1128 = arith.constant 0 : i32
      %dma_start3A_1129 = tpu.memref_slice %arg24[%dma_start3A_1123, %dma_start3A_1128] : memref<2x128xi32, #tpu.memory_space<vmem>> -> memref<1x128xi32, #tpu.memory_space<vmem>>
      %dma_start3A_1130 = tpu.memref_squeeze %dma_start3A_1129 : memref<1x128xi32, #tpu.memory_space<vmem>> -> memref<128xi32, #tpu.memory_space<vmem>>
      %dma_start3A_1131 = tpu.memref_slice %arg15[%add3A_1122] : memref<8192xi32, #tpu.memory_space<hbm>> -> memref<128xi32, #tpu.memory_space<hbm>>
      tpu.enqueue_dma source(%dma_start3A_1131 : memref<128xi32, #tpu.memory_space<hbm>>) target(%dma_start3A_1130 : memref<128xi32, #tpu.memory_space<vmem>>) target_semaphore(%arg30 : memref<!tpu.dma_semaphore, #tpu.memory_space<semaphore_mem>>)
    } else {
    }
    %scan3A_1090 = arith.constant 1 : i32
    %dma_wait3A_1091 = arith.constant 0 : i32
    %dma_wait3A_1092 = arith.constant 0 : i32
    %dma_wait3A_1093 = arith.constant 0 : i32
    %dma_wait3A_1094 = tpu.memref_slice %arg25[%dma_wait3A_1091, %dma_wait3A_1092, %dma_wait3A_1093] : memref<2x128x128xf32, #tpu.memory_space<vmem>> -> memref<1x128x128xf32, #tpu.memory_space<vmem>>
    %dma_wait3A_1095 = tpu.memref_squeeze %dma_wait3A_1094 : memref<1x128x128xf32, #tpu.memory_space<vmem>> -> memref<128x128xf32, #tpu.memory_space<vmem>>
    %dma_wait3A_1096 = arith.constant 0 : i32
    %dma_wait3A_1097 = arith.constant 0 : i32
    %dma_wait3A_1098 = tpu.memref_slice %arg23[%dma_wait3A_1096, %dma_wait3A_1097] : memref<8192x128xf32, #tpu.memory_space<hbm>> -> memref<128x128xf32, #tpu.memory_space<hbm>>
    %dma_wait3A_1099 = arith.constant 0 : i32
    %dma_wait3A_1100 = arith.constant 0 : i32
    %dma_wait3A_1101 = tpu.memref_slice %arg23[%dma_wait3A_1099, %dma_wait3A_1100] : memref<8192x128xf32, #tpu.memory_space<hbm>> -> memref<128x128xf32, #tpu.memory_space<hbm>>
    %dma_wait3A_1102 = arith.constant 0 : i32
    %dma_wait3A_1103 = arith.constant 0 : i32
    %dma_wait3A_1104 = tpu.memref_slice %arg25[%dma_wait3A_1091, %dma_wait3A_1102, %dma_wait3A_1103] : memref<2x128x128xf32, #tpu.memory_space<vmem>> -> memref<1x128x128xf32, #tpu.memory_space<vmem>>
    %dma_wait3A_1105 = tpu.memref_squeeze %dma_wait3A_1104 : memref<1x128x128xf32, #tpu.memory_space<vmem>> -> memref<128x128xf32, #tpu.memory_space<vmem>>
    tpu.wait_dma2 semaphore(%arg27 : memref<!tpu.dma_semaphore, #tpu.memory_space<semaphore_mem>>) src(%dma_wait3A_1105 : memref<128x128xf32, #tpu.memory_space<vmem>>) dst(%dma_wait3A_1101 : memref<128x128xf32, #tpu.memory_space<hbm>>)
    %dma_wait3A_1106 = arith.constant 1 : i32
    %dma_wait3A_1107 = arith.constant 0 : i32
    %dma_wait3A_1108 = arith.constant 0 : i32
    %dma_wait3A_1109 = tpu.memref_slice %arg25[%dma_wait3A_1106, %dma_wait3A_1107, %dma_wait3A_1108] : memref<2x128x128xf32, #tpu.memory_space<vmem>> -> memref<1x128x128xf32, #tpu.memory_space<vmem>>
    %dma_wait3A_1110 = tpu.memref_squeeze %dma_wait3A_1109 : memref<1x128x128xf32, #tpu.memory_space<vmem>> -> memref<128x128xf32, #tpu.memory_space<vmem>>
    %dma_wait3A_1111 = arith.constant 0 : i32
    %dma_wait3A_1112 = arith.constant 0 : i32
    %dma_wait3A_1113 = tpu.memref_slice %arg23[%dma_wait3A_1111, %dma_wait3A_1112] : memref<8192x128xf32, #tpu.memory_space<hbm>> -> memref<128x128xf32, #tpu.memory_space<hbm>>
    %dma_wait3A_1114 = arith.constant 0 : i32
    %dma_wait3A_1115 = arith.constant 0 : i32
    %dma_wait3A_1116 = tpu.memref_slice %arg23[%dma_wait3A_1114, %dma_wait3A_1115] : memref<8192x128xf32, #tpu.memory_space<hbm>> -> memref<128x128xf32, #tpu.memory_space<hbm>>
    %dma_wait3A_1117 = arith.constant 0 : i32
    %dma_wait3A_1118 = arith.constant 0 : i32
    %dma_wait3A_1119 = tpu.memref_slice %arg25[%dma_wait3A_1106, %dma_wait3A_1117, %dma_wait3A_1118] : memref<2x128x128xf32, #tpu.memory_space<vmem>> -> memref<1x128x128xf32, #tpu.memory_space<vmem>>
    %dma_wait3A_1120 = tpu.memref_squeeze %dma_wait3A_1119 : memref<1x128x128xf32, #tpu.memory_space<vmem>> -> memref<128x128xf32, #tpu.memory_space<vmem>>
    tpu.wait_dma2 semaphore(%arg28 : memref<!tpu.dma_semaphore, #tpu.memory_space<semaphore_mem>>) src(%dma_wait3A_1120 : memref<128x128xf32, #tpu.memory_space<vmem>>) dst(%dma_wait3A_1116 : memref<128x128xf32, #tpu.memory_space<hbm>>)
    return
  }
}

module attributes {stable_mosaic.version = 14 : i64} {
  func.func @_dense_kernel(%arg0: i32, %arg1: memref<6400x128xf32, #tpu.memory_space<vmem>>, %arg2: memref<6400x128xf32, #tpu.memory_space<vmem>>, %arg3: memref<6400x128xf32, #tpu.memory_space<vmem>>, %arg4: memref<32x200xi32, #tpu.memory_space<vmem>>, %arg5: memref<32x200xi32, #tpu.memory_space<vmem>>, %arg6: memref<32x200xi32, #tpu.memory_space<vmem>>, %arg7: memref<32x1xi32, #tpu.memory_space<vmem>>, %arg8: memref<256x128xf32, #tpu.memory_space<vmem>>, %arg9: memref<256x128xf32, #tpu.memory_space<vmem>>, %arg10: memref<256x128xf32, #tpu.memory_space<vmem>>, %arg11: memref<256x128xf32, #tpu.memory_space<vmem>>, %arg12: memref<256x128xf32, #tpu.memory_space<vmem>>, %arg13: memref<32x8xi32, #tpu.memory_space<vmem>>, %arg14: memref<32x8xi32, #tpu.memory_space<vmem>>, %arg15: memref<32x8xi32, #tpu.memory_space<vmem>>, %arg16: memref<32x8xi32, #tpu.memory_space<vmem>>, %arg17: memref<32x8xi32, #tpu.memory_space<vmem>>, %arg18: memref<32x256xf32, #tpu.memory_space<vmem>>, %arg19: memref<384x128xbf16, #tpu.memory_space<vmem>>, %arg20: memref<8x128xf32, #tpu.memory_space<vmem>>, %arg21: memref<256x128xf32, #tpu.memory_space<vmem>>, %arg22: memref<8x128xf32, #tpu.memory_space<vmem>>, %arg23: memref<384x128xf32, #tpu.memory_space<vmem>>, %arg24: memref<8x128xf32, #tpu.memory_space<vmem>>, %arg25: memref<256x128xf32, #tpu.memory_space<vmem>>, %arg26: memref<8x128xf32, #tpu.memory_space<vmem>>, %arg27: memref<128x128xf32, #tpu.memory_space<vmem>>, %arg28: memref<128x128xbf16, #tpu.memory_space<vmem>>, %arg29: memref<128x128xbf16, #tpu.memory_space<vmem>>, %arg30: memref<8x128xf32, #tpu.memory_space<vmem>>, %arg31: memref<896x256xf32, #tpu.memory_space<vmem>>, %arg32: memref<1x256xf32, #tpu.memory_space<vmem>>, %arg33: memref<256x128xf32, #tpu.memory_space<vmem>>, %arg34: memref<1x128xf32, #tpu.memory_space<vmem>>, %arg35: memref<1x128xf32, #tpu.memory_space<vmem>>, %arg36: memref<1x8xf32, #tpu.memory_space<vmem>>, %arg37: memref<32x1xf32, #tpu.memory_space<vmem>>) attributes {dimension_semantics = [#tpu.dimension_semantics<arbitrary>], iteration_bounds = array<i64: 32>, scalar_prefetch = 0 : i64, scratch_operands = 0 : i64, tpu.core_type = #tpu.core_type<tc>, window_params = [{transform_indices = @transform_0, window_bounds = array<i64: 6400, 128>}, {transform_indices = @transform_1, window_bounds = array<i64: 6400, 128>}, {transform_indices = @transform_2, window_bounds = array<i64: 6400, 128>}, {transform_indices = @transform_3, window_bounds = array<i64: 32, 200>}, {transform_indices = @transform_4, window_bounds = array<i64: 32, 200>}, {transform_indices = @transform_5, window_bounds = array<i64: 32, 200>}, {transform_indices = @transform_6, window_bounds = array<i64: 32, 1>}, {transform_indices = @transform_7, window_bounds = array<i64: 256, 128>}, {transform_indices = @transform_8, window_bounds = array<i64: 256, 128>}, {transform_indices = @transform_9, window_bounds = array<i64: 256, 128>}, {transform_indices = @transform_10, window_bounds = array<i64: 256, 128>}, {transform_indices = @transform_11, window_bounds = array<i64: 256, 128>}, {transform_indices = @transform_12, window_bounds = array<i64: 32, 8>}, {transform_indices = @transform_13, window_bounds = array<i64: 32, 8>}, {transform_indices = @transform_14, window_bounds = array<i64: 32, 8>}, {transform_indices = @transform_15, window_bounds = array<i64: 32, 8>}, {transform_indices = @transform_16, window_bounds = array<i64: 32, 8>}, {transform_indices = @transform_17, window_bounds = array<i64: 32, 256>}, {pipeline_mode = #tpu.pipeline_mode<synchronous>, transform_indices = @transform_18, window_bounds = array<i64: 384, 128>}, {pipeline_mode = #tpu.pipeline_mode<synchronous>, transform_indices = @transform_19, window_bounds = array<i64: 8, 128>}, {pipeline_mode = #tpu.pipeline_mode<synchronous>, transform_indices = @transform_20, window_bounds = array<i64: 256, 128>}, {pipeline_mode = #tpu.pipeline_mode<synchronous>, transform_indices = @transform_21, window_bounds = array<i64: 8, 128>}, {pipeline_mode = #tpu.pipeline_mode<synchronous>, transform_indices = @transform_22, window_bounds = array<i64: 384, 128>}, {pipeline_mode = #tpu.pipeline_mode<synchronous>, transform_indices = @transform_23, window_bounds = array<i64: 8, 128>}, {pipeline_mode = #tpu.pipeline_mode<synchronous>, transform_indices = @transform_24, window_bounds = array<i64: 256, 128>}, {pipeline_mode = #tpu.pipeline_mode<synchronous>, transform_indices = @transform_25, window_bounds = array<i64: 8, 128>}, {pipeline_mode = #tpu.pipeline_mode<synchronous>, transform_indices = @transform_26, window_bounds = array<i64: 128, 128>}, {pipeline_mode = #tpu.pipeline_mode<synchronous>, transform_indices = @transform_27, window_bounds = array<i64: 128, 128>}, {pipeline_mode = #tpu.pipeline_mode<synchronous>, transform_indices = @transform_28, window_bounds = array<i64: 128, 128>}, {pipeline_mode = #tpu.pipeline_mode<synchronous>, transform_indices = @transform_29, window_bounds = array<i64: 8, 128>}, {pipeline_mode = #tpu.pipeline_mode<synchronous>, transform_indices = @transform_30, window_bounds = array<i64: 896, 256>}, {pipeline_mode = #tpu.pipeline_mode<synchronous>, transform_indices = @transform_31, window_bounds = array<i64: 1, 256>}, {pipeline_mode = #tpu.pipeline_mode<synchronous>, transform_indices = @transform_32, window_bounds = array<i64: 256, 128>}, {pipeline_mode = #tpu.pipeline_mode<synchronous>, transform_indices = @transform_33, window_bounds = array<i64: 1, 128>}, {pipeline_mode = #tpu.pipeline_mode<synchronous>, transform_indices = @transform_34, window_bounds = array<i64: 1, 128>}, {pipeline_mode = #tpu.pipeline_mode<synchronous>, transform_indices = @transform_35, window_bounds = array<i64: 1, 8>}, {transform_indices = @transform_36, window_bounds = array<i64: 32, 1>}]} {
    %get3A = arith.constant 0 : index
    %get3A_0 = arith.constant 0 : index
    %get3A_1 = vector.load %arg19[%get3A, %get3A_0] : memref<384x128xbf16, #tpu.memory_space<vmem>>, vector<384x128xbf16>
    %get3A_2 = arith.constant 0 : index
    %get3A_3 = arith.constant 0 : index
    %get3A_4 = vector.load %arg1[%get3A_2, %get3A_3] : memref<6400x128xf32, #tpu.memory_space<vmem>>, vector<6400x128xf32>
    %reshape3A = vector.shape_cast %get3A_4 : vector<6400x128xf32> to vector<32x200x128xf32>
    %get3A_5 = arith.constant 0 : index
    %get3A_6 = arith.constant 0 : index
    %get3A_7 = vector.load %arg4[%get3A_5, %get3A_6] : memref<32x200xi32, #tpu.memory_space<vmem>>, vector<32x200xi32>
    %and3A = arith.constant 1 : i32
    %and3A_8 = vector.broadcast %and3A : i32 to vector<32x200xi32>
    %and3A_9 = arith.andi %get3A_7, %and3A_8 : vector<32x200xi32>
    %convert_element_type3A = arith.sitofp %and3A_9 : vector<32x200xi32> to vector<32x200xf32>
    %broadcast_in_dim3A = vector.shape_cast %convert_element_type3A : vector<32x200xf32> to vector<32x200x1xf32>
    %iota3A = tpu.iota {dimensions = array<i32: 2>} : vector<32x200x128xi32>
    %lt3A = arith.constant 64 : i32
    %lt3A_10 = vector.broadcast %lt3A : i32 to vector<32x200x128xi32>
    %lt3A_11 = arith.cmpi slt, %iota3A, %lt3A_10 : vector<32x200x128xi32>
    %sub3A = arith.constant 1.000000e+00 : f32
    %sub3A_12 = vector.broadcast %sub3A : f32 to vector<32x200x1xf32>
    %sub3A_13 = arith.subf %sub3A_12, %broadcast_in_dim3A : vector<32x200x1xf32>
    %broadcast_in_dim3A_14 = vector.shape_cast %sub3A_13 : vector<32x200x1xf32> to vector<32x200x1xf32>
    %broadcast_in_dim3A_15 = vector.broadcast %broadcast_in_dim3A_14 : vector<32x200x1xf32> to vector<32x200x128xf32>
    %broadcast_in_dim3A_16 = vector.shape_cast %broadcast_in_dim3A : vector<32x200x1xf32> to vector<32x200x1xf32>
    %broadcast_in_dim3A_17 = vector.broadcast %broadcast_in_dim3A_16 : vector<32x200x1xf32> to vector<32x200x128xf32>
    %select_n3A = arith.select %lt3A_11, %broadcast_in_dim3A_15, %broadcast_in_dim3A_17 : vector<32x200x128xi1>, vector<32x200x128xf32>
    %mul3A = arith.mulf %reshape3A, %select_n3A : vector<32x200x128xf32>
    %reshape3A_18 = vector.shape_cast %mul3A : vector<32x200x128xf32> to vector<6400x128xf32>
    %convert_element_type3A_19 = arith.truncf %reshape3A_18 : vector<6400x128xf32> to vector<6400x128xbf16>
    %slice3A = vector.extract_strided_slice %get3A_1 {offsets = [0, 0], sizes = [128, 128], strides = [1, 1]} : vector<384x128xbf16> to vector<128x128xbf16>
    %dot_general3A = arith.constant dense<0.000000e+00> : vector<6400x128xf32>
    %dot_general3A_20 = tpu.matmul %convert_element_type3A_19, %slice3A, %dot_general3A {dimension_numbers = #tpu.dot_dimension_numbers<[1], [0], [0], [1], [0, 0, 1, 1], [], []>, transpose_lhs_hint = false} : vector<6400x128xbf16>, vector<128x128xbf16>, vector<6400x128xf32> -> vector<6400x128xf32>
    %get3A_21 = arith.constant 0 : index
    %get3A_22 = arith.constant 0 : index
    %get3A_23 = vector.load %arg2[%get3A_21, %get3A_22] : memref<6400x128xf32, #tpu.memory_space<vmem>>, vector<6400x128xf32>
    %reshape3A_24 = vector.shape_cast %get3A_23 : vector<6400x128xf32> to vector<32x200x128xf32>
    %get3A_25 = arith.constant 0 : index
    %get3A_26 = arith.constant 0 : index
    %get3A_27 = vector.load %arg5[%get3A_25, %get3A_26] : memref<32x200xi32, #tpu.memory_space<vmem>>, vector<32x200xi32>
    %and3A_28 = arith.constant 1 : i32
    %and3A_29 = vector.broadcast %and3A_28 : i32 to vector<32x200xi32>
    %and3A_30 = arith.andi %get3A_27, %and3A_29 : vector<32x200xi32>
    %convert_element_type3A_31 = arith.sitofp %and3A_30 : vector<32x200xi32> to vector<32x200xf32>
    %broadcast_in_dim3A_32 = vector.shape_cast %convert_element_type3A_31 : vector<32x200xf32> to vector<32x200x1xf32>
    %iota3A_33 = tpu.iota {dimensions = array<i32: 2>} : vector<32x200x128xi32>
    %lt3A_34 = arith.constant 64 : i32
    %lt3A_35 = vector.broadcast %lt3A_34 : i32 to vector<32x200x128xi32>
    %lt3A_36 = arith.cmpi slt, %iota3A_33, %lt3A_35 : vector<32x200x128xi32>
    %sub3A_37 = arith.constant 1.000000e+00 : f32
    %sub3A_38 = vector.broadcast %sub3A_37 : f32 to vector<32x200x1xf32>
    %sub3A_39 = arith.subf %sub3A_38, %broadcast_in_dim3A_32 : vector<32x200x1xf32>
    %broadcast_in_dim3A_40 = vector.shape_cast %sub3A_39 : vector<32x200x1xf32> to vector<32x200x1xf32>
    %broadcast_in_dim3A_41 = vector.broadcast %broadcast_in_dim3A_40 : vector<32x200x1xf32> to vector<32x200x128xf32>
    %broadcast_in_dim3A_42 = vector.shape_cast %broadcast_in_dim3A_32 : vector<32x200x1xf32> to vector<32x200x1xf32>
    %broadcast_in_dim3A_43 = vector.broadcast %broadcast_in_dim3A_42 : vector<32x200x1xf32> to vector<32x200x128xf32>
    %select_n3A_44 = arith.select %lt3A_36, %broadcast_in_dim3A_41, %broadcast_in_dim3A_43 : vector<32x200x128xi1>, vector<32x200x128xf32>
    %mul3A_45 = arith.mulf %reshape3A_24, %select_n3A_44 : vector<32x200x128xf32>
    %reshape3A_46 = vector.shape_cast %mul3A_45 : vector<32x200x128xf32> to vector<6400x128xf32>
    %convert_element_type3A_47 = arith.truncf %reshape3A_46 : vector<6400x128xf32> to vector<6400x128xbf16>
    %slice3A_48 = vector.extract_strided_slice %get3A_1 {offsets = [128, 0], sizes = [128, 128], strides = [1, 1]} : vector<384x128xbf16> to vector<128x128xbf16>
    %dot_general3A_49 = arith.constant dense<0.000000e+00> : vector<6400x128xf32>
    %dot_general3A_50 = tpu.matmul %convert_element_type3A_47, %slice3A_48, %dot_general3A_49 {dimension_numbers = #tpu.dot_dimension_numbers<[1], [0], [0], [1], [0, 0, 1, 1], [], []>, transpose_lhs_hint = false} : vector<6400x128xbf16>, vector<128x128xbf16>, vector<6400x128xf32> -> vector<6400x128xf32>
    %add3A = arith.addf %dot_general3A_20, %dot_general3A_50 : vector<6400x128xf32>
    %get3A_51 = arith.constant 0 : index
    %get3A_52 = arith.constant 0 : index
    %get3A_53 = vector.load %arg3[%get3A_51, %get3A_52] : memref<6400x128xf32, #tpu.memory_space<vmem>>, vector<6400x128xf32>
    %reshape3A_54 = vector.shape_cast %get3A_53 : vector<6400x128xf32> to vector<32x200x128xf32>
    %get3A_55 = arith.constant 0 : index
    %get3A_56 = arith.constant 0 : index
    %get3A_57 = vector.load %arg6[%get3A_55, %get3A_56] : memref<32x200xi32, #tpu.memory_space<vmem>>, vector<32x200xi32>
    %and3A_58 = arith.constant 1 : i32
    %and3A_59 = vector.broadcast %and3A_58 : i32 to vector<32x200xi32>
    %and3A_60 = arith.andi %get3A_57, %and3A_59 : vector<32x200xi32>
    %convert_element_type3A_61 = arith.sitofp %and3A_60 : vector<32x200xi32> to vector<32x200xf32>
    %broadcast_in_dim3A_62 = vector.shape_cast %convert_element_type3A_61 : vector<32x200xf32> to vector<32x200x1xf32>
    %iota3A_63 = tpu.iota {dimensions = array<i32: 2>} : vector<32x200x128xi32>
    %lt3A_64 = arith.constant 64 : i32
    %lt3A_65 = vector.broadcast %lt3A_64 : i32 to vector<32x200x128xi32>
    %lt3A_66 = arith.cmpi slt, %iota3A_63, %lt3A_65 : vector<32x200x128xi32>
    %sub3A_67 = arith.constant 1.000000e+00 : f32
    %sub3A_68 = vector.broadcast %sub3A_67 : f32 to vector<32x200x1xf32>
    %sub3A_69 = arith.subf %sub3A_68, %broadcast_in_dim3A_62 : vector<32x200x1xf32>
    %broadcast_in_dim3A_70 = vector.shape_cast %sub3A_69 : vector<32x200x1xf32> to vector<32x200x1xf32>
    %broadcast_in_dim3A_71 = vector.broadcast %broadcast_in_dim3A_70 : vector<32x200x1xf32> to vector<32x200x128xf32>
    %broadcast_in_dim3A_72 = vector.shape_cast %broadcast_in_dim3A_62 : vector<32x200x1xf32> to vector<32x200x1xf32>
    %broadcast_in_dim3A_73 = vector.broadcast %broadcast_in_dim3A_72 : vector<32x200x1xf32> to vector<32x200x128xf32>
    %select_n3A_74 = arith.select %lt3A_66, %broadcast_in_dim3A_71, %broadcast_in_dim3A_73 : vector<32x200x128xi1>, vector<32x200x128xf32>
    %mul3A_75 = arith.mulf %reshape3A_54, %select_n3A_74 : vector<32x200x128xf32>
    %reshape3A_76 = vector.shape_cast %mul3A_75 : vector<32x200x128xf32> to vector<6400x128xf32>
    %convert_element_type3A_77 = arith.truncf %reshape3A_76 : vector<6400x128xf32> to vector<6400x128xbf16>
    %slice3A_78 = vector.extract_strided_slice %get3A_1 {offsets = [256, 0], sizes = [128, 128], strides = [1, 1]} : vector<384x128xbf16> to vector<128x128xbf16>
    %dot_general3A_79 = arith.constant dense<0.000000e+00> : vector<6400x128xf32>
    %dot_general3A_80 = tpu.matmul %convert_element_type3A_77, %slice3A_78, %dot_general3A_79 {dimension_numbers = #tpu.dot_dimension_numbers<[1], [0], [0], [1], [0, 0, 1, 1], [], []>, transpose_lhs_hint = false} : vector<6400x128xbf16>, vector<128x128xbf16>, vector<6400x128xf32> -> vector<6400x128xf32>
    %add3A_81 = arith.addf %add3A, %dot_general3A_80 : vector<6400x128xf32>
    %get3A_82 = arith.constant 0 : index
    %get3A_83 = arith.constant 0 : index
    %get3A_84 = vector.load %arg20[%get3A_82, %get3A_83] : memref<8x128xf32, #tpu.memory_space<vmem>>, vector<1x128xf32>
    %add3A_85 = vector.broadcast %get3A_84 : vector<1x128xf32> to vector<6400x128xf32>
    %add3A_86 = arith.addf %add3A_81, %add3A_85 : vector<6400x128xf32>
    %reduce_sum3A = arith.constant dense<0.000000e+00> : vector<6400xf32>
    %reduce_sum3A_87 = vector.multi_reduction <add>, %add3A_86, %reduce_sum3A [1] : vector<6400x128xf32> to vector<6400xf32>
    %broadcast_in_dim3A_88 = vector.shape_cast %reduce_sum3A_87 : vector<6400xf32> to vector<6400x1xf32>
    %div3A = arith.constant 1.280000e+02 : f32
    %div3A_89 = vector.broadcast %div3A : f32 to vector<6400x1xf32>
    %div3A_90 = arith.divf %broadcast_in_dim3A_88, %div3A_89 : vector<6400x1xf32>
    %sub3A_91 = vector.broadcast %div3A_90 : vector<6400x1xf32> to vector<6400x128xf32>
    %sub3A_92 = arith.subf %add3A_86, %sub3A_91 : vector<6400x128xf32>
    %integer_pow3A = arith.mulf %sub3A_92, %sub3A_92 : vector<6400x128xf32>
    %reduce_sum3A_93 = arith.constant dense<0.000000e+00> : vector<6400xf32>
    %reduce_sum3A_94 = vector.multi_reduction <add>, %integer_pow3A, %reduce_sum3A_93 [1] : vector<6400x128xf32> to vector<6400xf32>
    %broadcast_in_dim3A_95 = vector.shape_cast %reduce_sum3A_94 : vector<6400xf32> to vector<6400x1xf32>
    %div3A_96 = arith.constant 1.280000e+02 : f32
    %div3A_97 = vector.broadcast %div3A_96 : f32 to vector<6400x1xf32>
    %div3A_98 = arith.divf %broadcast_in_dim3A_95, %div3A_97 : vector<6400x1xf32>
    %sub3A_99 = vector.broadcast %div3A_90 : vector<6400x1xf32> to vector<6400x128xf32>
    %sub3A_100 = arith.subf %add3A_86, %sub3A_99 : vector<6400x128xf32>
    %add3A_101 = arith.constant 9.99999974E-6 : f32
    %add3A_102 = vector.broadcast %add3A_101 : f32 to vector<6400x1xf32>
    %add3A_103 = arith.addf %div3A_98, %add3A_102 : vector<6400x1xf32>
    %rsqrt3A = math.rsqrt %add3A_103 : vector<6400x1xf32>
    %mul3A_104 = vector.broadcast %rsqrt3A : vector<6400x1xf32> to vector<6400x128xf32>
    %mul3A_105 = arith.mulf %sub3A_100, %mul3A_104 : vector<6400x128xf32>
    %get3A_106 = arith.constant 1 : index
    %get3A_107 = arith.constant 0 : index
    %get3A_108 = vector.load %arg20[%get3A_106, %get3A_107] : memref<8x128xf32, #tpu.memory_space<vmem>>, vector<1x128xf32>
    %mul3A_109 = vector.broadcast %get3A_108 : vector<1x128xf32> to vector<6400x128xf32>
    %mul3A_110 = arith.mulf %mul3A_105, %mul3A_109 : vector<6400x128xf32>
    %get3A_111 = arith.constant 2 : index
    %get3A_112 = arith.constant 0 : index
    %get3A_113 = vector.load %arg20[%get3A_111, %get3A_112] : memref<8x128xf32, #tpu.memory_space<vmem>>, vector<1x128xf32>
    %add3A_114 = vector.broadcast %get3A_113 : vector<1x128xf32> to vector<6400x128xf32>
    %add3A_115 = arith.addf %mul3A_110, %add3A_114 : vector<6400x128xf32>
    %integer_pow3A_116 = arith.mulf %add3A_115, %add3A_115 : vector<6400x128xf32>
    %integer_pow3A_117 = arith.mulf %add3A_115, %integer_pow3A_116 : vector<6400x128xf32>
    %mul3A_118 = arith.constant 4.471500e-02 : f32
    %mul3A_119 = vector.broadcast %mul3A_118 : f32 to vector<6400x128xf32>
    %mul3A_120 = arith.mulf %mul3A_119, %integer_pow3A_117 : vector<6400x128xf32>
    %add3A_121 = arith.addf %add3A_115, %mul3A_120 : vector<6400x128xf32>
    %mul3A_122 = arith.constant 0.797884583 : f32
    %mul3A_123 = vector.broadcast %mul3A_122 : f32 to vector<6400x128xf32>
    %mul3A_124 = arith.mulf %mul3A_123, %add3A_121 : vector<6400x128xf32>
    %tanh3A = math.tanh %mul3A_124 : vector<6400x128xf32>
    %add3A_125 = arith.constant 1.000000e+00 : f32
    %add3A_126 = vector.broadcast %add3A_125 : f32 to vector<6400x128xf32>
    %add3A_127 = arith.addf %add3A_126, %tanh3A : vector<6400x128xf32>
    %mul3A_128 = arith.constant 5.000000e-01 : f32
    %mul3A_129 = vector.broadcast %mul3A_128 : f32 to vector<6400x128xf32>
    %mul3A_130 = arith.mulf %mul3A_129, %add3A_127 : vector<6400x128xf32>
    %mul3A_131 = arith.mulf %add3A_115, %mul3A_130 : vector<6400x128xf32>
    %get3A_132 = arith.constant 0 : index
    %get3A_133 = arith.constant 0 : index
    %get3A_134 = vector.load %arg7[%get3A_132, %get3A_133] : memref<32x1xi32, #tpu.memory_space<vmem>>, vector<32x1xi32>
    %iota3A_135 = tpu.iota {dimensions = array<i32: 1>} : vector<32x200x1xi32>
    %broadcast_in_dim3A_136 = vector.shape_cast %get3A_134 : vector<32x1xi32> to vector<32x1x1xi32>
    %lt3A_137 = vector.broadcast %broadcast_in_dim3A_136 : vector<32x1x1xi32> to vector<32x200x1xi32>
    %lt3A_138 = arith.cmpi slt, %iota3A_135, %lt3A_137 : vector<32x200x1xi32>
    %convert_element_type3A_139 = arith.extui %lt3A_138 : vector<32x200x1xi1> to vector<32x200x1xi32>
    %convert_element_type3A_140 = arith.sitofp %convert_element_type3A_139 : vector<32x200x1xi32> to vector<32x200x1xf32>
    %reshape3A_141 = vector.shape_cast %mul3A_131 : vector<6400x128xf32> to vector<32x200x128xf32>
    %mul3A_142 = vector.broadcast %convert_element_type3A_140 : vector<32x200x1xf32> to vector<32x200x128xf32>
    %mul3A_143 = arith.mulf %reshape3A_141, %mul3A_142 : vector<32x200x128xf32>
    %reshape3A_144 = vector.shape_cast %mul3A_143 : vector<32x200x128xf32> to vector<6400x128xf32>
    %get3A_145 = arith.constant 0 : index
    %get3A_146 = arith.constant 0 : index
    %get3A_147 = vector.load %arg8[%get3A_145, %get3A_146] : memref<256x128xf32, #tpu.memory_space<vmem>>, vector<256x128xf32>
    %reshape3A_148 = vector.shape_cast %get3A_147 : vector<256x128xf32> to vector<32x8x128xf32>
    %get3A_149 = arith.constant 0 : index
    %get3A_150 = arith.constant 0 : index
    %get3A_151 = vector.load %arg13[%get3A_149, %get3A_150] : memref<32x8xi32, #tpu.memory_space<vmem>>, vector<32x8xi32>
    %and3A_152 = arith.constant 1 : i32
    %and3A_153 = vector.broadcast %and3A_152 : i32 to vector<32x8xi32>
    %and3A_154 = arith.andi %get3A_151, %and3A_153 : vector<32x8xi32>
    %convert_element_type3A_155 = arith.sitofp %and3A_154 : vector<32x8xi32> to vector<32x8xf32>
    %broadcast_in_dim3A_156 = vector.shape_cast %convert_element_type3A_155 : vector<32x8xf32> to vector<32x8x1xf32>
    %iota3A_157 = tpu.iota {dimensions = array<i32: 2>} : vector<32x8x128xi32>
    %lt3A_158 = arith.constant 64 : i32
    %lt3A_159 = vector.broadcast %lt3A_158 : i32 to vector<32x8x128xi32>
    %lt3A_160 = arith.cmpi slt, %iota3A_157, %lt3A_159 : vector<32x8x128xi32>
    %sub3A_161 = arith.constant 1.000000e+00 : f32
    %sub3A_162 = vector.broadcast %sub3A_161 : f32 to vector<32x8x1xf32>
    %sub3A_163 = arith.subf %sub3A_162, %broadcast_in_dim3A_156 : vector<32x8x1xf32>
    %broadcast_in_dim3A_164 = vector.shape_cast %sub3A_163 : vector<32x8x1xf32> to vector<32x8x1xf32>
    %broadcast_in_dim3A_165 = vector.broadcast %broadcast_in_dim3A_164 : vector<32x8x1xf32> to vector<32x8x128xf32>
    %broadcast_in_dim3A_166 = vector.shape_cast %broadcast_in_dim3A_156 : vector<32x8x1xf32> to vector<32x8x1xf32>
    %broadcast_in_dim3A_167 = vector.broadcast %broadcast_in_dim3A_166 : vector<32x8x1xf32> to vector<32x8x128xf32>
    %select_n3A_168 = arith.select %lt3A_160, %broadcast_in_dim3A_165, %broadcast_in_dim3A_167 : vector<32x8x128xi1>, vector<32x8x128xf32>
    %mul3A_169 = arith.mulf %reshape3A_148, %select_n3A_168 : vector<32x8x128xf32>
    %reduce_sum3A_170 = arith.constant dense<0.000000e+00> : vector<32x128xf32>
    %reduce_sum3A_171 = vector.multi_reduction <add>, %mul3A_169, %reduce_sum3A_170 [1] : vector<32x8x128xf32> to vector<32x128xf32>
    %get3A_172 = arith.constant 0 : index
    %get3A_173 = arith.constant 0 : index
    %get3A_174 = vector.load %arg9[%get3A_172, %get3A_173] : memref<256x128xf32, #tpu.memory_space<vmem>>, vector<256x128xf32>
    %reshape3A_175 = vector.shape_cast %get3A_174 : vector<256x128xf32> to vector<32x8x128xf32>
    %get3A_176 = arith.constant 0 : index
    %get3A_177 = arith.constant 0 : index
    %get3A_178 = vector.load %arg14[%get3A_176, %get3A_177] : memref<32x8xi32, #tpu.memory_space<vmem>>, vector<32x8xi32>
    %and3A_179 = arith.constant 1 : i32
    %and3A_180 = vector.broadcast %and3A_179 : i32 to vector<32x8xi32>
    %and3A_181 = arith.andi %get3A_178, %and3A_180 : vector<32x8xi32>
    %convert_element_type3A_182 = arith.sitofp %and3A_181 : vector<32x8xi32> to vector<32x8xf32>
    %broadcast_in_dim3A_183 = vector.shape_cast %convert_element_type3A_182 : vector<32x8xf32> to vector<32x8x1xf32>
    %iota3A_184 = tpu.iota {dimensions = array<i32: 2>} : vector<32x8x128xi32>
    %lt3A_185 = arith.constant 64 : i32
    %lt3A_186 = vector.broadcast %lt3A_185 : i32 to vector<32x8x128xi32>
    %lt3A_187 = arith.cmpi slt, %iota3A_184, %lt3A_186 : vector<32x8x128xi32>
    %sub3A_188 = arith.constant 1.000000e+00 : f32
    %sub3A_189 = vector.broadcast %sub3A_188 : f32 to vector<32x8x1xf32>
    %sub3A_190 = arith.subf %sub3A_189, %broadcast_in_dim3A_183 : vector<32x8x1xf32>
    %broadcast_in_dim3A_191 = vector.shape_cast %sub3A_190 : vector<32x8x1xf32> to vector<32x8x1xf32>
    %broadcast_in_dim3A_192 = vector.broadcast %broadcast_in_dim3A_191 : vector<32x8x1xf32> to vector<32x8x128xf32>
    %broadcast_in_dim3A_193 = vector.shape_cast %broadcast_in_dim3A_183 : vector<32x8x1xf32> to vector<32x8x1xf32>
    %broadcast_in_dim3A_194 = vector.broadcast %broadcast_in_dim3A_193 : vector<32x8x1xf32> to vector<32x8x128xf32>
    %select_n3A_195 = arith.select %lt3A_187, %broadcast_in_dim3A_192, %broadcast_in_dim3A_194 : vector<32x8x128xi1>, vector<32x8x128xf32>
    %mul3A_196 = arith.mulf %reshape3A_175, %select_n3A_195 : vector<32x8x128xf32>
    %reduce_sum3A_197 = arith.constant dense<0.000000e+00> : vector<32x128xf32>
    %reduce_sum3A_198 = vector.multi_reduction <add>, %mul3A_196, %reduce_sum3A_197 [1] : vector<32x8x128xf32> to vector<32x128xf32>
    %get3A_199 = arith.constant 0 : index
    %get3A_200 = arith.constant 0 : index
    %get3A_201 = vector.load %arg10[%get3A_199, %get3A_200] : memref<256x128xf32, #tpu.memory_space<vmem>>, vector<256x128xf32>
    %reshape3A_202 = vector.shape_cast %get3A_201 : vector<256x128xf32> to vector<32x8x128xf32>
    %get3A_203 = arith.constant 0 : index
    %get3A_204 = arith.constant 0 : index
    %get3A_205 = vector.load %arg15[%get3A_203, %get3A_204] : memref<32x8xi32, #tpu.memory_space<vmem>>, vector<32x8xi32>
    %and3A_206 = arith.constant 1 : i32
    %and3A_207 = vector.broadcast %and3A_206 : i32 to vector<32x8xi32>
    %and3A_208 = arith.andi %get3A_205, %and3A_207 : vector<32x8xi32>
    %convert_element_type3A_209 = arith.sitofp %and3A_208 : vector<32x8xi32> to vector<32x8xf32>
    %broadcast_in_dim3A_210 = vector.shape_cast %convert_element_type3A_209 : vector<32x8xf32> to vector<32x8x1xf32>
    %iota3A_211 = tpu.iota {dimensions = array<i32: 2>} : vector<32x8x128xi32>
    %lt3A_212 = arith.constant 64 : i32
    %lt3A_213 = vector.broadcast %lt3A_212 : i32 to vector<32x8x128xi32>
    %lt3A_214 = arith.cmpi slt, %iota3A_211, %lt3A_213 : vector<32x8x128xi32>
    %sub3A_215 = arith.constant 1.000000e+00 : f32
    %sub3A_216 = vector.broadcast %sub3A_215 : f32 to vector<32x8x1xf32>
    %sub3A_217 = arith.subf %sub3A_216, %broadcast_in_dim3A_210 : vector<32x8x1xf32>
    %broadcast_in_dim3A_218 = vector.shape_cast %sub3A_217 : vector<32x8x1xf32> to vector<32x8x1xf32>
    %broadcast_in_dim3A_219 = vector.broadcast %broadcast_in_dim3A_218 : vector<32x8x1xf32> to vector<32x8x128xf32>
    %broadcast_in_dim3A_220 = vector.shape_cast %broadcast_in_dim3A_210 : vector<32x8x1xf32> to vector<32x8x1xf32>
    %broadcast_in_dim3A_221 = vector.broadcast %broadcast_in_dim3A_220 : vector<32x8x1xf32> to vector<32x8x128xf32>
    %select_n3A_222 = arith.select %lt3A_214, %broadcast_in_dim3A_219, %broadcast_in_dim3A_221 : vector<32x8x128xi1>, vector<32x8x128xf32>
    %mul3A_223 = arith.mulf %reshape3A_202, %select_n3A_222 : vector<32x8x128xf32>
    %reduce_sum3A_224 = arith.constant dense<0.000000e+00> : vector<32x128xf32>
    %reduce_sum3A_225 = vector.multi_reduction <add>, %mul3A_223, %reduce_sum3A_224 [1] : vector<32x8x128xf32> to vector<32x128xf32>
    %get3A_226 = arith.constant 0 : index
    %get3A_227 = arith.constant 0 : index
    %get3A_228 = vector.load %arg11[%get3A_226, %get3A_227] : memref<256x128xf32, #tpu.memory_space<vmem>>, vector<256x128xf32>
    %reshape3A_229 = vector.shape_cast %get3A_228 : vector<256x128xf32> to vector<32x8x128xf32>
    %get3A_230 = arith.constant 0 : index
    %get3A_231 = arith.constant 0 : index
    %get3A_232 = vector.load %arg16[%get3A_230, %get3A_231] : memref<32x8xi32, #tpu.memory_space<vmem>>, vector<32x8xi32>
    %and3A_233 = arith.constant 1 : i32
    %and3A_234 = vector.broadcast %and3A_233 : i32 to vector<32x8xi32>
    %and3A_235 = arith.andi %get3A_232, %and3A_234 : vector<32x8xi32>
    %convert_element_type3A_236 = arith.sitofp %and3A_235 : vector<32x8xi32> to vector<32x8xf32>
    %broadcast_in_dim3A_237 = vector.shape_cast %convert_element_type3A_236 : vector<32x8xf32> to vector<32x8x1xf32>
    %iota3A_238 = tpu.iota {dimensions = array<i32: 2>} : vector<32x8x128xi32>
    %lt3A_239 = arith.constant 64 : i32
    %lt3A_240 = vector.broadcast %lt3A_239 : i32 to vector<32x8x128xi32>
    %lt3A_241 = arith.cmpi slt, %iota3A_238, %lt3A_240 : vector<32x8x128xi32>
    %sub3A_242 = arith.constant 1.000000e+00 : f32
    %sub3A_243 = vector.broadcast %sub3A_242 : f32 to vector<32x8x1xf32>
    %sub3A_244 = arith.subf %sub3A_243, %broadcast_in_dim3A_237 : vector<32x8x1xf32>
    %broadcast_in_dim3A_245 = vector.shape_cast %sub3A_244 : vector<32x8x1xf32> to vector<32x8x1xf32>
    %broadcast_in_dim3A_246 = vector.broadcast %broadcast_in_dim3A_245 : vector<32x8x1xf32> to vector<32x8x128xf32>
    %broadcast_in_dim3A_247 = vector.shape_cast %broadcast_in_dim3A_237 : vector<32x8x1xf32> to vector<32x8x1xf32>
    %broadcast_in_dim3A_248 = vector.broadcast %broadcast_in_dim3A_247 : vector<32x8x1xf32> to vector<32x8x128xf32>
    %select_n3A_249 = arith.select %lt3A_241, %broadcast_in_dim3A_246, %broadcast_in_dim3A_248 : vector<32x8x128xi1>, vector<32x8x128xf32>
    %mul3A_250 = arith.mulf %reshape3A_229, %select_n3A_249 : vector<32x8x128xf32>
    %reduce_sum3A_251 = arith.constant dense<0.000000e+00> : vector<32x128xf32>
    %reduce_sum3A_252 = vector.multi_reduction <add>, %mul3A_250, %reduce_sum3A_251 [1] : vector<32x8x128xf32> to vector<32x128xf32>
    %get3A_253 = arith.constant 0 : index
    %get3A_254 = arith.constant 0 : index
    %get3A_255 = vector.load %arg12[%get3A_253, %get3A_254] : memref<256x128xf32, #tpu.memory_space<vmem>>, vector<256x128xf32>
    %reshape3A_256 = vector.shape_cast %get3A_255 : vector<256x128xf32> to vector<32x8x128xf32>
    %get3A_257 = arith.constant 0 : index
    %get3A_258 = arith.constant 0 : index
    %get3A_259 = vector.load %arg17[%get3A_257, %get3A_258] : memref<32x8xi32, #tpu.memory_space<vmem>>, vector<32x8xi32>
    %and3A_260 = arith.constant 1 : i32
    %and3A_261 = vector.broadcast %and3A_260 : i32 to vector<32x8xi32>
    %and3A_262 = arith.andi %get3A_259, %and3A_261 : vector<32x8xi32>
    %convert_element_type3A_263 = arith.sitofp %and3A_262 : vector<32x8xi32> to vector<32x8xf32>
    %broadcast_in_dim3A_264 = vector.shape_cast %convert_element_type3A_263 : vector<32x8xf32> to vector<32x8x1xf32>
    %iota3A_265 = tpu.iota {dimensions = array<i32: 2>} : vector<32x8x128xi32>
    %lt3A_266 = arith.constant 64 : i32
    %lt3A_267 = vector.broadcast %lt3A_266 : i32 to vector<32x8x128xi32>
    %lt3A_268 = arith.cmpi slt, %iota3A_265, %lt3A_267 : vector<32x8x128xi32>
    %sub3A_269 = arith.constant 1.000000e+00 : f32
    %sub3A_270 = vector.broadcast %sub3A_269 : f32 to vector<32x8x1xf32>
    %sub3A_271 = arith.subf %sub3A_270, %broadcast_in_dim3A_264 : vector<32x8x1xf32>
    %broadcast_in_dim3A_272 = vector.shape_cast %sub3A_271 : vector<32x8x1xf32> to vector<32x8x1xf32>
    %broadcast_in_dim3A_273 = vector.broadcast %broadcast_in_dim3A_272 : vector<32x8x1xf32> to vector<32x8x128xf32>
    %broadcast_in_dim3A_274 = vector.shape_cast %broadcast_in_dim3A_264 : vector<32x8x1xf32> to vector<32x8x1xf32>
    %broadcast_in_dim3A_275 = vector.broadcast %broadcast_in_dim3A_274 : vector<32x8x1xf32> to vector<32x8x128xf32>
    %select_n3A_276 = arith.select %lt3A_268, %broadcast_in_dim3A_273, %broadcast_in_dim3A_275 : vector<32x8x128xi1>, vector<32x8x128xf32>
    %mul3A_277 = arith.mulf %reshape3A_256, %select_n3A_276 : vector<32x8x128xf32>
    %reduce_sum3A_278 = arith.constant dense<0.000000e+00> : vector<32x128xf32>
    %reduce_sum3A_279 = vector.multi_reduction <add>, %mul3A_277, %reduce_sum3A_278 [1] : vector<32x8x128xf32> to vector<32x128xf32>
    %get3A_280 = arith.constant 0 : index
    %get3A_281 = arith.constant 0 : index
    %get3A_282 = vector.load %arg21[%get3A_280, %get3A_281] : memref<256x128xf32, #tpu.memory_space<vmem>>, vector<256x128xf32>
    %slice3A_283 = vector.extract_strided_slice %get3A_282 {offsets = [0, 0], sizes = [128, 128], strides = [1, 1]} : vector<256x128xf32> to vector<128x128xf32>
    %dot_general3A_284 = arith.constant dense<0.000000e+00> : vector<32x128xf32>
    %dot_general3A_285 = tpu.matmul %reduce_sum3A_171, %slice3A_283, %dot_general3A_284 {dimension_numbers = #tpu.dot_dimension_numbers<[1], [0], [0], [1], [0, 0, 1, 1], [], []>, transpose_lhs_hint = false} : vector<32x128xf32>, vector<128x128xf32>, vector<32x128xf32> -> vector<32x128xf32>
    %slice3A_286 = vector.extract_strided_slice %get3A_282 {offsets = [128, 0], sizes = [128, 128], strides = [1, 1]} : vector<256x128xf32> to vector<128x128xf32>
    %dot_general3A_287 = arith.constant dense<0.000000e+00> : vector<32x128xf32>
    %dot_general3A_288 = tpu.matmul %reduce_sum3A_198, %slice3A_286, %dot_general3A_287 {dimension_numbers = #tpu.dot_dimension_numbers<[1], [0], [0], [1], [0, 0, 1, 1], [], []>, transpose_lhs_hint = false} : vector<32x128xf32>, vector<128x128xf32>, vector<32x128xf32> -> vector<32x128xf32>
    %add3A_289 = arith.addf %dot_general3A_285, %dot_general3A_288 : vector<32x128xf32>
    %get3A_290 = arith.constant 0 : index
    %get3A_291 = arith.constant 0 : index
    %get3A_292 = vector.load %arg22[%get3A_290, %get3A_291] : memref<8x128xf32, #tpu.memory_space<vmem>>, vector<1x128xf32>
    %add3A_293 = vector.broadcast %get3A_292 : vector<1x128xf32> to vector<32x128xf32>
    %add3A_294 = arith.addf %add3A_289, %add3A_293 : vector<32x128xf32>
    %reduce_sum3A_295 = arith.constant dense<0.000000e+00> : vector<32xf32>
    %reduce_sum3A_296 = vector.multi_reduction <add>, %add3A_294, %reduce_sum3A_295 [1] : vector<32x128xf32> to vector<32xf32>
    %broadcast_in_dim3A_297 = vector.shape_cast %reduce_sum3A_296 : vector<32xf32> to vector<32x1xf32>
    %div3A_298 = arith.constant 1.280000e+02 : f32
    %div3A_299 = vector.broadcast %div3A_298 : f32 to vector<32x1xf32>
    %div3A_300 = arith.divf %broadcast_in_dim3A_297, %div3A_299 : vector<32x1xf32>
    %sub3A_301 = vector.broadcast %div3A_300 : vector<32x1xf32> to vector<32x128xf32>
    %sub3A_302 = arith.subf %add3A_294, %sub3A_301 : vector<32x128xf32>
    %integer_pow3A_303 = arith.mulf %sub3A_302, %sub3A_302 : vector<32x128xf32>
    %reduce_sum3A_304 = arith.constant dense<0.000000e+00> : vector<32xf32>
    %reduce_sum3A_305 = vector.multi_reduction <add>, %integer_pow3A_303, %reduce_sum3A_304 [1] : vector<32x128xf32> to vector<32xf32>
    %broadcast_in_dim3A_306 = vector.shape_cast %reduce_sum3A_305 : vector<32xf32> to vector<32x1xf32>
    %div3A_307 = arith.constant 1.280000e+02 : f32
    %div3A_308 = vector.broadcast %div3A_307 : f32 to vector<32x1xf32>
    %div3A_309 = arith.divf %broadcast_in_dim3A_306, %div3A_308 : vector<32x1xf32>
    %sub3A_310 = vector.broadcast %div3A_300 : vector<32x1xf32> to vector<32x128xf32>
    %sub3A_311 = arith.subf %add3A_294, %sub3A_310 : vector<32x128xf32>
    %add3A_312 = arith.constant 9.99999974E-6 : f32
    %add3A_313 = vector.broadcast %add3A_312 : f32 to vector<32x1xf32>
    %add3A_314 = arith.addf %div3A_309, %add3A_313 : vector<32x1xf32>
    %rsqrt3A_315 = math.rsqrt %add3A_314 : vector<32x1xf32>
    %mul3A_316 = vector.broadcast %rsqrt3A_315 : vector<32x1xf32> to vector<32x128xf32>
    %mul3A_317 = arith.mulf %sub3A_311, %mul3A_316 : vector<32x128xf32>
    %get3A_318 = arith.constant 1 : index
    %get3A_319 = arith.constant 0 : index
    %get3A_320 = vector.load %arg22[%get3A_318, %get3A_319] : memref<8x128xf32, #tpu.memory_space<vmem>>, vector<1x128xf32>
    %mul3A_321 = vector.broadcast %get3A_320 : vector<1x128xf32> to vector<32x128xf32>
    %mul3A_322 = arith.mulf %mul3A_317, %mul3A_321 : vector<32x128xf32>
    %get3A_323 = arith.constant 2 : index
    %get3A_324 = arith.constant 0 : index
    %get3A_325 = vector.load %arg22[%get3A_323, %get3A_324] : memref<8x128xf32, #tpu.memory_space<vmem>>, vector<1x128xf32>
    %add3A_326 = vector.broadcast %get3A_325 : vector<1x128xf32> to vector<32x128xf32>
    %add3A_327 = arith.addf %mul3A_322, %add3A_326 : vector<32x128xf32>
    %integer_pow3A_328 = arith.mulf %add3A_327, %add3A_327 : vector<32x128xf32>
    %integer_pow3A_329 = arith.mulf %add3A_327, %integer_pow3A_328 : vector<32x128xf32>
    %mul3A_330 = arith.constant 4.471500e-02 : f32
    %mul3A_331 = vector.broadcast %mul3A_330 : f32 to vector<32x128xf32>
    %mul3A_332 = arith.mulf %mul3A_331, %integer_pow3A_329 : vector<32x128xf32>
    %add3A_333 = arith.addf %add3A_327, %mul3A_332 : vector<32x128xf32>
    %mul3A_334 = arith.constant 0.797884583 : f32
    %mul3A_335 = vector.broadcast %mul3A_334 : f32 to vector<32x128xf32>
    %mul3A_336 = arith.mulf %mul3A_335, %add3A_333 : vector<32x128xf32>
    %tanh3A_337 = math.tanh %mul3A_336 : vector<32x128xf32>
    %add3A_338 = arith.constant 1.000000e+00 : f32
    %add3A_339 = vector.broadcast %add3A_338 : f32 to vector<32x128xf32>
    %add3A_340 = arith.addf %add3A_339, %tanh3A_337 : vector<32x128xf32>
    %mul3A_341 = arith.constant 5.000000e-01 : f32
    %mul3A_342 = vector.broadcast %mul3A_341 : f32 to vector<32x128xf32>
    %mul3A_343 = arith.mulf %mul3A_342, %add3A_340 : vector<32x128xf32>
    %mul3A_344 = arith.mulf %add3A_327, %mul3A_343 : vector<32x128xf32>
    %get3A_345 = arith.constant 0 : index
    %get3A_346 = arith.constant 0 : index
    %get3A_347 = vector.load %arg23[%get3A_345, %get3A_346] : memref<384x128xf32, #tpu.memory_space<vmem>>, vector<384x128xf32>
    %slice3A_348 = vector.extract_strided_slice %get3A_347 {offsets = [0, 0], sizes = [128, 128], strides = [1, 1]} : vector<384x128xf32> to vector<128x128xf32>
    %dot_general3A_349 = arith.constant dense<0.000000e+00> : vector<32x128xf32>
    %dot_general3A_350 = tpu.matmul %reduce_sum3A_225, %slice3A_348, %dot_general3A_349 {dimension_numbers = #tpu.dot_dimension_numbers<[1], [0], [0], [1], [0, 0, 1, 1], [], []>, transpose_lhs_hint = false} : vector<32x128xf32>, vector<128x128xf32>, vector<32x128xf32> -> vector<32x128xf32>
    %slice3A_351 = vector.extract_strided_slice %get3A_347 {offsets = [128, 0], sizes = [128, 128], strides = [1, 1]} : vector<384x128xf32> to vector<128x128xf32>
    %dot_general3A_352 = arith.constant dense<0.000000e+00> : vector<32x128xf32>
    %dot_general3A_353 = tpu.matmul %reduce_sum3A_252, %slice3A_351, %dot_general3A_352 {dimension_numbers = #tpu.dot_dimension_numbers<[1], [0], [0], [1], [0, 0, 1, 1], [], []>, transpose_lhs_hint = false} : vector<32x128xf32>, vector<128x128xf32>, vector<32x128xf32> -> vector<32x128xf32>
    %add3A_354 = arith.addf %dot_general3A_350, %dot_general3A_353 : vector<32x128xf32>
    %slice3A_355 = vector.extract_strided_slice %get3A_347 {offsets = [256, 0], sizes = [128, 128], strides = [1, 1]} : vector<384x128xf32> to vector<128x128xf32>
    %dot_general3A_356 = arith.constant dense<0.000000e+00> : vector<32x128xf32>
    %dot_general3A_357 = tpu.matmul %reduce_sum3A_279, %slice3A_355, %dot_general3A_356 {dimension_numbers = #tpu.dot_dimension_numbers<[1], [0], [0], [1], [0, 0, 1, 1], [], []>, transpose_lhs_hint = false} : vector<32x128xf32>, vector<128x128xf32>, vector<32x128xf32> -> vector<32x128xf32>
    %add3A_358 = arith.addf %add3A_354, %dot_general3A_357 : vector<32x128xf32>
    %get3A_359 = arith.constant 0 : index
    %get3A_360 = arith.constant 0 : index
    %get3A_361 = vector.load %arg24[%get3A_359, %get3A_360] : memref<8x128xf32, #tpu.memory_space<vmem>>, vector<1x128xf32>
    %add3A_362 = vector.broadcast %get3A_361 : vector<1x128xf32> to vector<32x128xf32>
    %add3A_363 = arith.addf %add3A_358, %add3A_362 : vector<32x128xf32>
    %reduce_sum3A_364 = arith.constant dense<0.000000e+00> : vector<32xf32>
    %reduce_sum3A_365 = vector.multi_reduction <add>, %add3A_363, %reduce_sum3A_364 [1] : vector<32x128xf32> to vector<32xf32>
    %broadcast_in_dim3A_366 = vector.shape_cast %reduce_sum3A_365 : vector<32xf32> to vector<32x1xf32>
    %div3A_367 = arith.constant 1.280000e+02 : f32
    %div3A_368 = vector.broadcast %div3A_367 : f32 to vector<32x1xf32>
    %div3A_369 = arith.divf %broadcast_in_dim3A_366, %div3A_368 : vector<32x1xf32>
    %sub3A_370 = vector.broadcast %div3A_369 : vector<32x1xf32> to vector<32x128xf32>
    %sub3A_371 = arith.subf %add3A_363, %sub3A_370 : vector<32x128xf32>
    %integer_pow3A_372 = arith.mulf %sub3A_371, %sub3A_371 : vector<32x128xf32>
    %reduce_sum3A_373 = arith.constant dense<0.000000e+00> : vector<32xf32>
    %reduce_sum3A_374 = vector.multi_reduction <add>, %integer_pow3A_372, %reduce_sum3A_373 [1] : vector<32x128xf32> to vector<32xf32>
    %broadcast_in_dim3A_375 = vector.shape_cast %reduce_sum3A_374 : vector<32xf32> to vector<32x1xf32>
    %div3A_376 = arith.constant 1.280000e+02 : f32
    %div3A_377 = vector.broadcast %div3A_376 : f32 to vector<32x1xf32>
    %div3A_378 = arith.divf %broadcast_in_dim3A_375, %div3A_377 : vector<32x1xf32>
    %sub3A_379 = vector.broadcast %div3A_369 : vector<32x1xf32> to vector<32x128xf32>
    %sub3A_380 = arith.subf %add3A_363, %sub3A_379 : vector<32x128xf32>
    %add3A_381 = arith.constant 9.99999974E-6 : f32
    %add3A_382 = vector.broadcast %add3A_381 : f32 to vector<32x1xf32>
    %add3A_383 = arith.addf %div3A_378, %add3A_382 : vector<32x1xf32>
    %rsqrt3A_384 = math.rsqrt %add3A_383 : vector<32x1xf32>
    %mul3A_385 = vector.broadcast %rsqrt3A_384 : vector<32x1xf32> to vector<32x128xf32>
    %mul3A_386 = arith.mulf %sub3A_380, %mul3A_385 : vector<32x128xf32>
    %get3A_387 = arith.constant 1 : index
    %get3A_388 = arith.constant 0 : index
    %get3A_389 = vector.load %arg24[%get3A_387, %get3A_388] : memref<8x128xf32, #tpu.memory_space<vmem>>, vector<1x128xf32>
    %mul3A_390 = vector.broadcast %get3A_389 : vector<1x128xf32> to vector<32x128xf32>
    %mul3A_391 = arith.mulf %mul3A_386, %mul3A_390 : vector<32x128xf32>
    %get3A_392 = arith.constant 2 : index
    %get3A_393 = arith.constant 0 : index
    %get3A_394 = vector.load %arg24[%get3A_392, %get3A_393] : memref<8x128xf32, #tpu.memory_space<vmem>>, vector<1x128xf32>
    %add3A_395 = vector.broadcast %get3A_394 : vector<1x128xf32> to vector<32x128xf32>
    %add3A_396 = arith.addf %mul3A_391, %add3A_395 : vector<32x128xf32>
    %integer_pow3A_397 = arith.mulf %add3A_396, %add3A_396 : vector<32x128xf32>
    %integer_pow3A_398 = arith.mulf %add3A_396, %integer_pow3A_397 : vector<32x128xf32>
    %mul3A_399 = arith.constant 4.471500e-02 : f32
    %mul3A_400 = vector.broadcast %mul3A_399 : f32 to vector<32x128xf32>
    %mul3A_401 = arith.mulf %mul3A_400, %integer_pow3A_398 : vector<32x128xf32>
    %add3A_402 = arith.addf %add3A_396, %mul3A_401 : vector<32x128xf32>
    %mul3A_403 = arith.constant 0.797884583 : f32
    %mul3A_404 = vector.broadcast %mul3A_403 : f32 to vector<32x128xf32>
    %mul3A_405 = arith.mulf %mul3A_404, %add3A_402 : vector<32x128xf32>
    %tanh3A_406 = math.tanh %mul3A_405 : vector<32x128xf32>
    %add3A_407 = arith.constant 1.000000e+00 : f32
    %add3A_408 = vector.broadcast %add3A_407 : f32 to vector<32x128xf32>
    %add3A_409 = arith.addf %add3A_408, %tanh3A_406 : vector<32x128xf32>
    %mul3A_410 = arith.constant 5.000000e-01 : f32
    %mul3A_411 = vector.broadcast %mul3A_410 : f32 to vector<32x128xf32>
    %mul3A_412 = arith.mulf %mul3A_411, %add3A_409 : vector<32x128xf32>
    %mul3A_413 = arith.mulf %add3A_396, %mul3A_412 : vector<32x128xf32>
    %get3A_414 = arith.constant 0 : index
    %get3A_415 = arith.constant 0 : index
    %get3A_416 = vector.load %arg18[%get3A_414, %get3A_415] : memref<32x256xf32, #tpu.memory_space<vmem>>, vector<32x256xf32>
    %get3A_417 = arith.constant 0 : index
    %get3A_418 = arith.constant 0 : index
    %get3A_419 = vector.load %arg25[%get3A_417, %get3A_418] : memref<256x128xf32, #tpu.memory_space<vmem>>, vector<256x128xf32>
    %dot_general3A_420 = arith.constant dense<0.000000e+00> : vector<32x128xf32>
    %dot_general3A_421 = tpu.matmul %get3A_416, %get3A_419, %dot_general3A_420 {dimension_numbers = #tpu.dot_dimension_numbers<[1], [0], [0], [1], [0, 0, 1, 1], [], []>, transpose_lhs_hint = false} : vector<32x256xf32>, vector<256x128xf32>, vector<32x128xf32> -> vector<32x128xf32>
    %get3A_422 = arith.constant 0 : index
    %get3A_423 = arith.constant 0 : index
    %get3A_424 = vector.load %arg26[%get3A_422, %get3A_423] : memref<8x128xf32, #tpu.memory_space<vmem>>, vector<1x128xf32>
    %add3A_425 = vector.broadcast %get3A_424 : vector<1x128xf32> to vector<32x128xf32>
    %add3A_426 = arith.addf %dot_general3A_421, %add3A_425 : vector<32x128xf32>
    %reduce_sum3A_427 = arith.constant dense<0.000000e+00> : vector<32xf32>
    %reduce_sum3A_428 = vector.multi_reduction <add>, %add3A_426, %reduce_sum3A_427 [1] : vector<32x128xf32> to vector<32xf32>
    %broadcast_in_dim3A_429 = vector.shape_cast %reduce_sum3A_428 : vector<32xf32> to vector<32x1xf32>
    %div3A_430 = arith.constant 1.280000e+02 : f32
    %div3A_431 = vector.broadcast %div3A_430 : f32 to vector<32x1xf32>
    %div3A_432 = arith.divf %broadcast_in_dim3A_429, %div3A_431 : vector<32x1xf32>
    %sub3A_433 = vector.broadcast %div3A_432 : vector<32x1xf32> to vector<32x128xf32>
    %sub3A_434 = arith.subf %add3A_426, %sub3A_433 : vector<32x128xf32>
    %integer_pow3A_435 = arith.mulf %sub3A_434, %sub3A_434 : vector<32x128xf32>
    %reduce_sum3A_436 = arith.constant dense<0.000000e+00> : vector<32xf32>
    %reduce_sum3A_437 = vector.multi_reduction <add>, %integer_pow3A_435, %reduce_sum3A_436 [1] : vector<32x128xf32> to vector<32xf32>
    %broadcast_in_dim3A_438 = vector.shape_cast %reduce_sum3A_437 : vector<32xf32> to vector<32x1xf32>
    %div3A_439 = arith.constant 1.280000e+02 : f32
    %div3A_440 = vector.broadcast %div3A_439 : f32 to vector<32x1xf32>
    %div3A_441 = arith.divf %broadcast_in_dim3A_438, %div3A_440 : vector<32x1xf32>
    %sub3A_442 = vector.broadcast %div3A_432 : vector<32x1xf32> to vector<32x128xf32>
    %sub3A_443 = arith.subf %add3A_426, %sub3A_442 : vector<32x128xf32>
    %add3A_444 = arith.constant 9.99999974E-6 : f32
    %add3A_445 = vector.broadcast %add3A_444 : f32 to vector<32x1xf32>
    %add3A_446 = arith.addf %div3A_441, %add3A_445 : vector<32x1xf32>
    %rsqrt3A_447 = math.rsqrt %add3A_446 : vector<32x1xf32>
    %mul3A_448 = vector.broadcast %rsqrt3A_447 : vector<32x1xf32> to vector<32x128xf32>
    %mul3A_449 = arith.mulf %sub3A_443, %mul3A_448 : vector<32x128xf32>
    %get3A_450 = arith.constant 1 : index
    %get3A_451 = arith.constant 0 : index
    %get3A_452 = vector.load %arg26[%get3A_450, %get3A_451] : memref<8x128xf32, #tpu.memory_space<vmem>>, vector<1x128xf32>
    %mul3A_453 = vector.broadcast %get3A_452 : vector<1x128xf32> to vector<32x128xf32>
    %mul3A_454 = arith.mulf %mul3A_449, %mul3A_453 : vector<32x128xf32>
    %get3A_455 = arith.constant 2 : index
    %get3A_456 = arith.constant 0 : index
    %get3A_457 = vector.load %arg26[%get3A_455, %get3A_456] : memref<8x128xf32, #tpu.memory_space<vmem>>, vector<1x128xf32>
    %add3A_458 = vector.broadcast %get3A_457 : vector<1x128xf32> to vector<32x128xf32>
    %add3A_459 = arith.addf %mul3A_454, %add3A_458 : vector<32x128xf32>
    %integer_pow3A_460 = arith.mulf %add3A_459, %add3A_459 : vector<32x128xf32>
    %integer_pow3A_461 = arith.mulf %add3A_459, %integer_pow3A_460 : vector<32x128xf32>
    %mul3A_462 = arith.constant 4.471500e-02 : f32
    %mul3A_463 = vector.broadcast %mul3A_462 : f32 to vector<32x128xf32>
    %mul3A_464 = arith.mulf %mul3A_463, %integer_pow3A_461 : vector<32x128xf32>
    %add3A_465 = arith.addf %add3A_459, %mul3A_464 : vector<32x128xf32>
    %mul3A_466 = arith.constant 0.797884583 : f32
    %mul3A_467 = vector.broadcast %mul3A_466 : f32 to vector<32x128xf32>
    %mul3A_468 = arith.mulf %mul3A_467, %add3A_465 : vector<32x128xf32>
    %tanh3A_469 = math.tanh %mul3A_468 : vector<32x128xf32>
    %add3A_470 = arith.constant 1.000000e+00 : f32
    %add3A_471 = vector.broadcast %add3A_470 : f32 to vector<32x128xf32>
    %add3A_472 = arith.addf %add3A_471, %tanh3A_469 : vector<32x128xf32>
    %mul3A_473 = arith.constant 5.000000e-01 : f32
    %mul3A_474 = vector.broadcast %mul3A_473 : f32 to vector<32x128xf32>
    %mul3A_475 = arith.mulf %mul3A_474, %add3A_472 : vector<32x128xf32>
    %mul3A_476 = arith.mulf %add3A_459, %mul3A_475 : vector<32x128xf32>
    %get3A_477 = arith.constant 0 : index
    %get3A_478 = arith.constant 0 : index
    %get3A_479 = vector.load %arg36[%get3A_477, %get3A_478] : memref<1x8xf32, #tpu.memory_space<vmem>>, vector<1x1xf32>
    %get3A_480 = arith.constant 0 : index
    %get3A_481 = arith.constant 1 : index
    %get3A_482 = vector.load %arg36[%get3A_480, %get3A_481] : memref<1x8xf32, #tpu.memory_space<vmem>>, vector<1x1xf32>
    %get3A_483 = arith.constant 0 : index
    %get3A_484 = arith.constant 0 : index
    %get3A_485 = vector.load %arg27[%get3A_483, %get3A_484] : memref<128x128xf32, #tpu.memory_space<vmem>>, vector<128x128xf32>
    %dot_general3A_486 = arith.constant dense<0.000000e+00> : vector<32x128xf32>
    %dot_general3A_487 = tpu.matmul %mul3A_413, %get3A_485, %dot_general3A_486 {dimension_numbers = #tpu.dot_dimension_numbers<[1], [0], [0], [1], [0, 0, 1, 1], [], []>, transpose_lhs_hint = false} : vector<32x128xf32>, vector<128x128xf32>, vector<32x128xf32> -> vector<32x128xf32>
    %convert_element_type3A_488 = arith.truncf %reshape3A_144 : vector<6400x128xf32> to vector<6400x128xbf16>
    %get3A_489 = arith.constant 0 : index
    %get3A_490 = arith.constant 0 : index
    %get3A_491 = vector.load %arg28[%get3A_489, %get3A_490] : memref<128x128xbf16, #tpu.memory_space<vmem>>, vector<128x128xbf16>
    %dot_general3A_492 = arith.constant dense<0.000000e+00> : vector<6400x128xf32>
    %dot_general3A_493 = tpu.matmul %convert_element_type3A_488, %get3A_491, %dot_general3A_492 {dimension_numbers = #tpu.dot_dimension_numbers<[1], [0], [0], [1], [0, 0, 1, 1], [], []>, transpose_lhs_hint = false} : vector<6400x128xbf16>, vector<128x128xbf16>, vector<6400x128xf32> -> vector<6400x128xf32>
    %broadcast_in_dim3A_494 = vector.shape_cast %mul3A_413 : vector<32x128xf32> to vector<32x1x128xf32>
    %mul3A_495 = vector.broadcast %broadcast_in_dim3A_494 : vector<32x1x128xf32> to vector<32x200x128xf32>
    %mul3A_496 = arith.mulf %mul3A_143, %mul3A_495 : vector<32x200x128xf32>
    %reshape3A_497 = vector.shape_cast %mul3A_496 : vector<32x200x128xf32> to vector<6400x128xf32>
    %convert_element_type3A_498 = arith.truncf %reshape3A_497 : vector<6400x128xf32> to vector<6400x128xbf16>
    %get3A_499 = arith.constant 0 : index
    %get3A_500 = arith.constant 0 : index
    %get3A_501 = vector.load %arg29[%get3A_499, %get3A_500] : memref<128x128xbf16, #tpu.memory_space<vmem>>, vector<128x128xbf16>
    %dot_general3A_502 = arith.constant dense<0.000000e+00> : vector<6400x128xf32>
    %dot_general3A_503 = tpu.matmul %convert_element_type3A_498, %get3A_501, %dot_general3A_502 {dimension_numbers = #tpu.dot_dimension_numbers<[1], [0], [0], [1], [0, 0, 1, 1], [], []>, transpose_lhs_hint = false} : vector<6400x128xbf16>, vector<128x128xbf16>, vector<6400x128xf32> -> vector<6400x128xf32>
    %add3A_504 = arith.addf %dot_general3A_493, %dot_general3A_503 : vector<6400x128xf32>
    %reshape3A_505 = vector.shape_cast %add3A_504 : vector<6400x128xf32> to vector<32x200x128xf32>
    %broadcast_in_dim3A_506 = vector.shape_cast %dot_general3A_487 : vector<32x128xf32> to vector<32x1x128xf32>
    %add3A_507 = vector.broadcast %broadcast_in_dim3A_506 : vector<32x1x128xf32> to vector<32x200x128xf32>
    %add3A_508 = arith.addf %reshape3A_505, %add3A_507 : vector<32x200x128xf32>
    %get3A_509 = arith.constant 0 : index
    %get3A_510 = arith.constant 0 : index
    %get3A_511 = vector.load %arg30[%get3A_509, %get3A_510] : memref<8x128xf32, #tpu.memory_space<vmem>>, vector<1x128xf32>
    %broadcast_in_dim3A_512 = vector.shape_cast %get3A_511 : vector<1x128xf32> to vector<1x1x128xf32>
    %add3A_513 = vector.broadcast %broadcast_in_dim3A_512 : vector<1x1x128xf32> to vector<32x200x128xf32>
    %add3A_514 = arith.addf %add3A_508, %add3A_513 : vector<32x200x128xf32>
    %ge3A = arith.constant 0.000000e+00 : f32
    %ge3A_515 = vector.broadcast %ge3A : f32 to vector<32x200x128xf32>
    %ge3A_516 = arith.cmpf oge, %add3A_514, %ge3A_515 : vector<32x200x128xf32>
    %broadcast_in_dim3A_517 = vector.shape_cast %get3A_479 : vector<1x1xf32> to vector<1x1x1xf32>
    %mul3A_518 = vector.broadcast %broadcast_in_dim3A_517 : vector<1x1x1xf32> to vector<32x200x128xf32>
    %mul3A_519 = arith.mulf %add3A_514, %mul3A_518 : vector<32x200x128xf32>
    %select_n3A_520 = arith.select %ge3A_516, %add3A_514, %mul3A_519 : vector<32x200x128xi1>, vector<32x200x128xf32>
    %get3A_521 = arith.constant 1 : index
    %get3A_522 = arith.constant 0 : index
    %get3A_523 = vector.load %arg30[%get3A_521, %get3A_522] : memref<8x128xf32, #tpu.memory_space<vmem>>, vector<1x128xf32>
    %broadcast_in_dim3A_524 = vector.shape_cast %get3A_523 : vector<1x128xf32> to vector<1x1x128xf32>
    %mul3A_525 = vector.broadcast %broadcast_in_dim3A_524 : vector<1x1x128xf32> to vector<32x200x128xf32>
    %mul3A_526 = arith.mulf %select_n3A_520, %mul3A_525 : vector<32x200x128xf32>
    %reduce_sum3A_527 = arith.constant dense<0.000000e+00> : vector<32x200xf32>
    %reduce_sum3A_528 = vector.multi_reduction <add>, %mul3A_526, %reduce_sum3A_527 [2] : vector<32x200x128xf32> to vector<32x200xf32>
    %add3A_529 = vector.broadcast %get3A_482 : vector<1x1xf32> to vector<32x200xf32>
    %add3A_530 = arith.addf %reduce_sum3A_528, %add3A_529 : vector<32x200xf32>
    %iota3A_531 = tpu.iota {dimensions = array<i32: 1>} : vector<32x200xi32>
    %lt3A_532 = vector.broadcast %get3A_134 : vector<32x1xi32> to vector<32x200xi32>
    %lt3A_533 = arith.cmpi slt, %iota3A_531, %lt3A_532 : vector<32x200xi32>
    %jit3A = arith.constant -1.000000e+09 : f32
    %broadcast_in_dim3A_534 = vector.broadcast %jit3A : f32 to vector<32x200xf32>
    %select_n3A_535 = arith.select %lt3A_533, %add3A_530, %broadcast_in_dim3A_534 : vector<32x200xi1>, vector<32x200xf32>
    %reduce_max3A = arith.constant dense<0xFF800000> : vector<32xf32>
    %reduce_max3A_536 = vector.multi_reduction <maximumf>, %select_n3A_535, %reduce_max3A [1] : vector<32x200xf32> to vector<32xf32>
    %broadcast_in_dim3A_537 = vector.shape_cast %reduce_max3A_536 : vector<32xf32> to vector<32x1xf32>
    %sub3A_538 = vector.broadcast %broadcast_in_dim3A_537 : vector<32x1xf32> to vector<32x200xf32>
    %sub3A_539 = arith.subf %select_n3A_535, %sub3A_538 : vector<32x200xf32>
    %exp3A = math.exp %sub3A_539 : vector<32x200xf32>
    %reduce_sum3A_540 = arith.constant dense<0.000000e+00> : vector<32xf32>
    %reduce_sum3A_541 = vector.multi_reduction <add>, %exp3A, %reduce_sum3A_540 [1] : vector<32x200xf32> to vector<32xf32>
    %broadcast_in_dim3A_542 = vector.shape_cast %reduce_sum3A_541 : vector<32xf32> to vector<32x1xf32>
    %div3A_543 = vector.broadcast %broadcast_in_dim3A_542 : vector<32x1xf32> to vector<32x200xf32>
    %div3A_544 = arith.divf %exp3A, %div3A_543 : vector<32x200xf32>
    %broadcast_in_dim3A_545 = vector.shape_cast %div3A_544 : vector<32x200xf32> to vector<32x200x1xf32>
    %mul3A_546 = vector.broadcast %broadcast_in_dim3A_545 : vector<32x200x1xf32> to vector<32x200x128xf32>
    %mul3A_547 = arith.mulf %mul3A_546, %mul3A_143 : vector<32x200x128xf32>
    %reduce_sum3A_548 = arith.constant dense<0.000000e+00> : vector<32x128xf32>
    %reduce_sum3A_549 = vector.multi_reduction <add>, %mul3A_547, %reduce_sum3A_548 [1] : vector<32x200x128xf32> to vector<32x128xf32>
    %convert_element_type3A_550 = arith.extui %lt3A_533 : vector<32x200xi1> to vector<32x200xi32>
    %convert_element_type3A_551 = arith.sitofp %convert_element_type3A_550 : vector<32x200xi32> to vector<32x200xf32>
    %reduce_sum3A_552 = arith.constant dense<0.000000e+00> : vector<32xf32>
    %reduce_sum3A_553 = vector.multi_reduction <add>, %convert_element_type3A_551, %reduce_sum3A_552 [1] : vector<32x200xf32> to vector<32xf32>
    %broadcast_in_dim3A_554 = vector.shape_cast %reduce_sum3A_553 : vector<32xf32> to vector<32x1xf32>
    %max3A = arith.constant 1.000000e+00 : f32
    %max3A_555 = vector.broadcast %max3A : f32 to vector<32x1xf32>
    %max3A_556 = arith.maximumf %broadcast_in_dim3A_554, %max3A_555 : vector<32x1xf32>
    %reduce_sum3A_557 = arith.constant dense<0.000000e+00> : vector<32x128xf32>
    %reduce_sum3A_558 = vector.multi_reduction <add>, %mul3A_143, %reduce_sum3A_557 [1] : vector<32x200x128xf32> to vector<32x128xf32>
    %div3A_559 = vector.broadcast %max3A_556 : vector<32x1xf32> to vector<32x128xf32>
    %div3A_560 = arith.divf %reduce_sum3A_558, %div3A_559 : vector<32x128xf32>
    %get3A_561 = arith.constant 0 : index
    %get3A_562 = arith.constant 2 : index
    %get3A_563 = vector.load %arg36[%get3A_561, %get3A_562] : memref<1x8xf32, #tpu.memory_space<vmem>>, vector<1x1xf32>
    %get3A_564 = arith.constant 0 : index
    %get3A_565 = arith.constant 3 : index
    %get3A_566 = vector.load %arg36[%get3A_564, %get3A_565] : memref<1x8xf32, #tpu.memory_space<vmem>>, vector<1x1xf32>
    %get3A_567 = arith.constant 0 : index
    %get3A_568 = arith.constant 4 : index
    %get3A_569 = vector.load %arg36[%get3A_567, %get3A_568] : memref<1x8xf32, #tpu.memory_space<vmem>>, vector<1x1xf32>
    %get3A_570 = arith.constant 0 : index
    %get3A_571 = arith.constant 0 : index
    %get3A_572 = vector.load %arg31[%get3A_570, %get3A_571] : memref<896x256xf32, #tpu.memory_space<vmem>>, vector<896x256xf32>
    %mul3A_573 = arith.mulf %mul3A_413, %reduce_sum3A_549 : vector<32x128xf32>
    %sub3A_574 = arith.subf %mul3A_413, %mul3A_344 : vector<32x128xf32>
    %abs3A = math.absf %sub3A_574 : vector<32x128xf32>
    %slice3A_575 = vector.extract_strided_slice %get3A_572 {offsets = [0, 0], sizes = [128, 256], strides = [1, 1]} : vector<896x256xf32> to vector<128x256xf32>
    %dot_general3A_576 = arith.constant dense<0.000000e+00> : vector<32x256xf32>
    %dot_general3A_577 = tpu.matmul %mul3A_413, %slice3A_575, %dot_general3A_576 {dimension_numbers = #tpu.dot_dimension_numbers<[1], [0], [0], [1], [0, 0, 1, 1], [], []>, transpose_lhs_hint = false} : vector<32x128xf32>, vector<128x256xf32>, vector<32x256xf32> -> vector<32x256xf32>
    %slice3A_578 = vector.extract_strided_slice %get3A_572 {offsets = [128, 0], sizes = [128, 256], strides = [1, 1]} : vector<896x256xf32> to vector<128x256xf32>
    %dot_general3A_579 = arith.constant dense<0.000000e+00> : vector<32x256xf32>
    %dot_general3A_580 = tpu.matmul %reduce_sum3A_549, %slice3A_578, %dot_general3A_579 {dimension_numbers = #tpu.dot_dimension_numbers<[1], [0], [0], [1], [0, 0, 1, 1], [], []>, transpose_lhs_hint = false} : vector<32x128xf32>, vector<128x256xf32>, vector<32x256xf32> -> vector<32x256xf32>
    %add3A_581 = arith.addf %dot_general3A_577, %dot_general3A_580 : vector<32x256xf32>
    %slice3A_582 = vector.extract_strided_slice %get3A_572 {offsets = [256, 0], sizes = [128, 256], strides = [1, 1]} : vector<896x256xf32> to vector<128x256xf32>
    %dot_general3A_583 = arith.constant dense<0.000000e+00> : vector<32x256xf32>
    %dot_general3A_584 = tpu.matmul %div3A_560, %slice3A_582, %dot_general3A_583 {dimension_numbers = #tpu.dot_dimension_numbers<[1], [0], [0], [1], [0, 0, 1, 1], [], []>, transpose_lhs_hint = false} : vector<32x128xf32>, vector<128x256xf32>, vector<32x256xf32> -> vector<32x256xf32>
    %add3A_585 = arith.addf %add3A_581, %dot_general3A_584 : vector<32x256xf32>
    %slice3A_586 = vector.extract_strided_slice %get3A_572 {offsets = [384, 0], sizes = [128, 256], strides = [1, 1]} : vector<896x256xf32> to vector<128x256xf32>
    %dot_general3A_587 = arith.constant dense<0.000000e+00> : vector<32x256xf32>
    %dot_general3A_588 = tpu.matmul %mul3A_344, %slice3A_586, %dot_general3A_587 {dimension_numbers = #tpu.dot_dimension_numbers<[1], [0], [0], [1], [0, 0, 1, 1], [], []>, transpose_lhs_hint = false} : vector<32x128xf32>, vector<128x256xf32>, vector<32x256xf32> -> vector<32x256xf32>
    %add3A_589 = arith.addf %add3A_585, %dot_general3A_588 : vector<32x256xf32>
    %slice3A_590 = vector.extract_strided_slice %get3A_572 {offsets = [512, 0], sizes = [128, 256], strides = [1, 1]} : vector<896x256xf32> to vector<128x256xf32>
    %dot_general3A_591 = arith.constant dense<0.000000e+00> : vector<32x256xf32>
    %dot_general3A_592 = tpu.matmul %mul3A_476, %slice3A_590, %dot_general3A_591 {dimension_numbers = #tpu.dot_dimension_numbers<[1], [0], [0], [1], [0, 0, 1, 1], [], []>, transpose_lhs_hint = false} : vector<32x128xf32>, vector<128x256xf32>, vector<32x256xf32> -> vector<32x256xf32>
    %add3A_593 = arith.addf %add3A_589, %dot_general3A_592 : vector<32x256xf32>
    %slice3A_594 = vector.extract_strided_slice %get3A_572 {offsets = [640, 0], sizes = [128, 256], strides = [1, 1]} : vector<896x256xf32> to vector<128x256xf32>
    %dot_general3A_595 = arith.constant dense<0.000000e+00> : vector<32x256xf32>
    %dot_general3A_596 = tpu.matmul %mul3A_573, %slice3A_594, %dot_general3A_595 {dimension_numbers = #tpu.dot_dimension_numbers<[1], [0], [0], [1], [0, 0, 1, 1], [], []>, transpose_lhs_hint = false} : vector<32x128xf32>, vector<128x256xf32>, vector<32x256xf32> -> vector<32x256xf32>
    %add3A_597 = arith.addf %add3A_593, %dot_general3A_596 : vector<32x256xf32>
    %slice3A_598 = vector.extract_strided_slice %get3A_572 {offsets = [768, 0], sizes = [128, 256], strides = [1, 1]} : vector<896x256xf32> to vector<128x256xf32>
    %dot_general3A_599 = arith.constant dense<0.000000e+00> : vector<32x256xf32>
    %dot_general3A_600 = tpu.matmul %abs3A, %slice3A_598, %dot_general3A_599 {dimension_numbers = #tpu.dot_dimension_numbers<[1], [0], [0], [1], [0, 0, 1, 1], [], []>, transpose_lhs_hint = false} : vector<32x128xf32>, vector<128x256xf32>, vector<32x256xf32> -> vector<32x256xf32>
    %add3A_601 = arith.addf %add3A_597, %dot_general3A_600 : vector<32x256xf32>
    %get3A_602 = arith.constant 0 : index
    %get3A_603 = arith.constant 0 : index
    %get3A_604 = vector.load %arg32[%get3A_602, %get3A_603] : memref<1x256xf32, #tpu.memory_space<vmem>>, vector<1x256xf32>
    %add3A_605 = vector.broadcast %get3A_604 : vector<1x256xf32> to vector<32x256xf32>
    %add3A_606 = arith.addf %add3A_601, %add3A_605 : vector<32x256xf32>
    %ge3A_607 = arith.constant 0.000000e+00 : f32
    %ge3A_608 = vector.broadcast %ge3A_607 : f32 to vector<32x256xf32>
    %ge3A_609 = arith.cmpf oge, %add3A_606, %ge3A_608 : vector<32x256xf32>
    %mul3A_610 = vector.broadcast %get3A_563 : vector<1x1xf32> to vector<32x256xf32>
    %mul3A_611 = arith.mulf %add3A_606, %mul3A_610 : vector<32x256xf32>
    %select_n3A_612 = arith.select %ge3A_609, %add3A_606, %mul3A_611 : vector<32x256xi1>, vector<32x256xf32>
    %get3A_613 = arith.constant 0 : index
    %get3A_614 = arith.constant 0 : index
    %get3A_615 = vector.load %arg33[%get3A_613, %get3A_614] : memref<256x128xf32, #tpu.memory_space<vmem>>, vector<256x128xf32>
    %dot_general3A_616 = arith.constant dense<0.000000e+00> : vector<32x128xf32>
    %dot_general3A_617 = tpu.matmul %select_n3A_612, %get3A_615, %dot_general3A_616 {dimension_numbers = #tpu.dot_dimension_numbers<[1], [0], [0], [1], [0, 0, 1, 1], [], []>, transpose_lhs_hint = false} : vector<32x256xf32>, vector<256x128xf32>, vector<32x128xf32> -> vector<32x128xf32>
    %get3A_618 = arith.constant 0 : index
    %get3A_619 = arith.constant 0 : index
    %get3A_620 = vector.load %arg34[%get3A_618, %get3A_619] : memref<1x128xf32, #tpu.memory_space<vmem>>, vector<1x128xf32>
    %add3A_621 = vector.broadcast %get3A_620 : vector<1x128xf32> to vector<32x128xf32>
    %add3A_622 = arith.addf %dot_general3A_617, %add3A_621 : vector<32x128xf32>
    %ge3A_623 = arith.constant 0.000000e+00 : f32
    %ge3A_624 = vector.broadcast %ge3A_623 : f32 to vector<32x128xf32>
    %ge3A_625 = arith.cmpf oge, %add3A_622, %ge3A_624 : vector<32x128xf32>
    %mul3A_626 = vector.broadcast %get3A_566 : vector<1x1xf32> to vector<32x128xf32>
    %mul3A_627 = arith.mulf %add3A_622, %mul3A_626 : vector<32x128xf32>
    %select_n3A_628 = arith.select %ge3A_625, %add3A_622, %mul3A_627 : vector<32x128xi1>, vector<32x128xf32>
    %get3A_629 = arith.constant 0 : index
    %get3A_630 = arith.constant 0 : index
    %get3A_631 = vector.load %arg35[%get3A_629, %get3A_630] : memref<1x128xf32, #tpu.memory_space<vmem>>, vector<1x128xf32>
    %mul3A_632 = vector.broadcast %get3A_631 : vector<1x128xf32> to vector<32x128xf32>
    %mul3A_633 = arith.mulf %select_n3A_628, %mul3A_632 : vector<32x128xf32>
    %reduce_sum3A_634 = arith.constant dense<0.000000e+00> : vector<32xf32>
    %reduce_sum3A_635 = vector.multi_reduction <add>, %mul3A_633, %reduce_sum3A_634 [1] : vector<32x128xf32> to vector<32xf32>
    %broadcast_in_dim3A_636 = vector.shape_cast %reduce_sum3A_635 : vector<32xf32> to vector<32x1xf32>
    %add3A_637 = vector.broadcast %get3A_569 : vector<1x1xf32> to vector<32x1xf32>
    %add3A_638 = arith.addf %broadcast_in_dim3A_636, %add3A_637 : vector<32x1xf32>
    %swap3A = arith.constant 0 : index
    %swap3A_639 = arith.constant 0 : index
    %swap3A_640 = vector.load %arg37[%swap3A, %swap3A_639] : memref<32x1xf32, #tpu.memory_space<vmem>>, vector<32x1xf32>
    tpu.vector_store %arg37[%swap3A, %swap3A_639], %add3A_638 {strides = array<i32>} : memref<32x1xf32, #tpu.memory_space<vmem>>, vector<32x1xf32>,
    return
  }
  func.func @transform_0(%arg0: i32) -> (i32, i32) {
    %c0_i32 = arith.constant 0 : i32
    %c0_i32_0 = arith.constant 0 : i32
    return %arg0, %c0_i32 : i32, i32
  }
  func.func @transform_1(%arg0: i32) -> (i32, i32) {
    %c0_i32 = arith.constant 0 : i32
    %c0_i32_0 = arith.constant 0 : i32
    return %arg0, %c0_i32 : i32, i32
  }
  func.func @transform_2(%arg0: i32) -> (i32, i32) {
    %c0_i32 = arith.constant 0 : i32
    %c0_i32_0 = arith.constant 0 : i32
    return %arg0, %c0_i32 : i32, i32
  }
  func.func @transform_3(%arg0: i32) -> (i32, i32) {
    %c0_i32 = arith.constant 0 : i32
    %c0_i32_0 = arith.constant 0 : i32
    return %arg0, %c0_i32 : i32, i32
  }
  func.func @transform_4(%arg0: i32) -> (i32, i32) {
    %c0_i32 = arith.constant 0 : i32
    %c0_i32_0 = arith.constant 0 : i32
    return %arg0, %c0_i32 : i32, i32
  }
  func.func @transform_5(%arg0: i32) -> (i32, i32) {
    %c0_i32 = arith.constant 0 : i32
    %c0_i32_0 = arith.constant 0 : i32
    return %arg0, %c0_i32 : i32, i32
  }
  func.func @transform_6(%arg0: i32) -> (i32, i32) {
    %c0_i32 = arith.constant 0 : i32
    %c0_i32_0 = arith.constant 0 : i32
    return %arg0, %c0_i32 : i32, i32
  }
  func.func @transform_7(%arg0: i32) -> (i32, i32) {
    %c0_i32 = arith.constant 0 : i32
    %c0_i32_0 = arith.constant 0 : i32
    return %arg0, %c0_i32 : i32, i32
  }
  func.func @transform_8(%arg0: i32) -> (i32, i32) {
    %c0_i32 = arith.constant 0 : i32
    %c0_i32_0 = arith.constant 0 : i32
    return %arg0, %c0_i32 : i32, i32
  }
  func.func @transform_9(%arg0: i32) -> (i32, i32) {
    %c0_i32 = arith.constant 0 : i32
    %c0_i32_0 = arith.constant 0 : i32
    return %arg0, %c0_i32 : i32, i32
  }
  func.func @transform_10(%arg0: i32) -> (i32, i32) {
    %c0_i32 = arith.constant 0 : i32
    %c0_i32_0 = arith.constant 0 : i32
    return %arg0, %c0_i32 : i32, i32
  }
  func.func @transform_11(%arg0: i32) -> (i32, i32) {
    %c0_i32 = arith.constant 0 : i32
    %c0_i32_0 = arith.constant 0 : i32
    return %arg0, %c0_i32 : i32, i32
  }
  func.func @transform_12(%arg0: i32) -> (i32, i32) {
    %c0_i32 = arith.constant 0 : i32
    %c0_i32_0 = arith.constant 0 : i32
    return %arg0, %c0_i32 : i32, i32
  }
  func.func @transform_13(%arg0: i32) -> (i32, i32) {
    %c0_i32 = arith.constant 0 : i32
    %c0_i32_0 = arith.constant 0 : i32
    return %arg0, %c0_i32 : i32, i32
  }
  func.func @transform_14(%arg0: i32) -> (i32, i32) {
    %c0_i32 = arith.constant 0 : i32
    %c0_i32_0 = arith.constant 0 : i32
    return %arg0, %c0_i32 : i32, i32
  }
  func.func @transform_15(%arg0: i32) -> (i32, i32) {
    %c0_i32 = arith.constant 0 : i32
    %c0_i32_0 = arith.constant 0 : i32
    return %arg0, %c0_i32 : i32, i32
  }
  func.func @transform_16(%arg0: i32) -> (i32, i32) {
    %c0_i32 = arith.constant 0 : i32
    %c0_i32_0 = arith.constant 0 : i32
    return %arg0, %c0_i32 : i32, i32
  }
  func.func @transform_17(%arg0: i32) -> (i32, i32) {
    %c0_i32 = arith.constant 0 : i32
    %c0_i32_0 = arith.constant 0 : i32
    return %arg0, %c0_i32 : i32, i32
  }
  func.func @transform_18(%arg0: i32) -> (i32, i32) {
    %c0_i32 = arith.constant 0 : i32
    %c0_i32_0 = arith.constant 0 : i32
    %c0_i32_1 = arith.constant 0 : i32
    return %c0_i32, %c0_i32_0 : i32, i32
  }
  func.func @transform_19(%arg0: i32) -> (i32, i32) {
    %c0_i32 = arith.constant 0 : i32
    %c0_i32_0 = arith.constant 0 : i32
    %c0_i32_1 = arith.constant 0 : i32
    return %c0_i32, %c0_i32_0 : i32, i32
  }
  func.func @transform_20(%arg0: i32) -> (i32, i32) {
    %c0_i32 = arith.constant 0 : i32
    %c0_i32_0 = arith.constant 0 : i32
    %c0_i32_1 = arith.constant 0 : i32
    return %c0_i32, %c0_i32_0 : i32, i32
  }
  func.func @transform_21(%arg0: i32) -> (i32, i32) {
    %c0_i32 = arith.constant 0 : i32
    %c0_i32_0 = arith.constant 0 : i32
    %c0_i32_1 = arith.constant 0 : i32
    return %c0_i32, %c0_i32_0 : i32, i32
  }
  func.func @transform_22(%arg0: i32) -> (i32, i32) {
    %c0_i32 = arith.constant 0 : i32
    %c0_i32_0 = arith.constant 0 : i32
    %c0_i32_1 = arith.constant 0 : i32
    return %c0_i32, %c0_i32_0 : i32, i32
  }
  func.func @transform_23(%arg0: i32) -> (i32, i32) {
    %c0_i32 = arith.constant 0 : i32
    %c0_i32_0 = arith.constant 0 : i32
    %c0_i32_1 = arith.constant 0 : i32
    return %c0_i32, %c0_i32_0 : i32, i32
  }
  func.func @transform_24(%arg0: i32) -> (i32, i32) {
    %c0_i32 = arith.constant 0 : i32
    %c0_i32_0 = arith.constant 0 : i32
    %c0_i32_1 = arith.constant 0 : i32
    return %c0_i32, %c0_i32_0 : i32, i32
  }
  func.func @transform_25(%arg0: i32) -> (i32, i32) {
    %c0_i32 = arith.constant 0 : i32
    %c0_i32_0 = arith.constant 0 : i32
    %c0_i32_1 = arith.constant 0 : i32
    return %c0_i32, %c0_i32_0 : i32, i32
  }
  func.func @transform_26(%arg0: i32) -> (i32, i32) {
    %c0_i32 = arith.constant 0 : i32
    %c0_i32_0 = arith.constant 0 : i32
    %c0_i32_1 = arith.constant 0 : i32
    return %c0_i32, %c0_i32_0 : i32, i32
  }
  func.func @transform_27(%arg0: i32) -> (i32, i32) {
    %c0_i32 = arith.constant 0 : i32
    %c0_i32_0 = arith.constant 0 : i32
    %c0_i32_1 = arith.constant 0 : i32
    return %c0_i32, %c0_i32_0 : i32, i32
  }
  func.func @transform_28(%arg0: i32) -> (i32, i32) {
    %c0_i32 = arith.constant 0 : i32
    %c0_i32_0 = arith.constant 0 : i32
    %c0_i32_1 = arith.constant 0 : i32
    return %c0_i32, %c0_i32_0 : i32, i32
  }
  func.func @transform_29(%arg0: i32) -> (i32, i32) {
    %c0_i32 = arith.constant 0 : i32
    %c0_i32_0 = arith.constant 0 : i32
    %c0_i32_1 = arith.constant 0 : i32
    return %c0_i32, %c0_i32_0 : i32, i32
  }
  func.func @transform_30(%arg0: i32) -> (i32, i32) {
    %c0_i32 = arith.constant 0 : i32
    %c0_i32_0 = arith.constant 0 : i32
    %c0_i32_1 = arith.constant 0 : i32
    return %c0_i32, %c0_i32_0 : i32, i32
  }
  func.func @transform_31(%arg0: i32) -> (i32, i32) {
    %c0_i32 = arith.constant 0 : i32
    %c0_i32_0 = arith.constant 0 : i32
    %c0_i32_1 = arith.constant 0 : i32
    return %c0_i32, %c0_i32_0 : i32, i32
  }
  func.func @transform_32(%arg0: i32) -> (i32, i32) {
    %c0_i32 = arith.constant 0 : i32
    %c0_i32_0 = arith.constant 0 : i32
    %c0_i32_1 = arith.constant 0 : i32
    return %c0_i32, %c0_i32_0 : i32, i32
  }
  func.func @transform_33(%arg0: i32) -> (i32, i32) {
    %c0_i32 = arith.constant 0 : i32
    %c0_i32_0 = arith.constant 0 : i32
    %c0_i32_1 = arith.constant 0 : i32
    return %c0_i32, %c0_i32_0 : i32, i32
  }
  func.func @transform_34(%arg0: i32) -> (i32, i32) {
    %c0_i32 = arith.constant 0 : i32
    %c0_i32_0 = arith.constant 0 : i32
    %c0_i32_1 = arith.constant 0 : i32
    return %c0_i32, %c0_i32_0 : i32, i32
  }
  func.func @transform_35(%arg0: i32) -> (i32, i32) {
    %c0_i32 = arith.constant 0 : i32
    %c0_i32_0 = arith.constant 0 : i32
    %c0_i32_1 = arith.constant 0 : i32
    return %c0_i32, %c0_i32_0 : i32, i32
  }
  func.func @transform_36(%arg0: i32) -> (i32, i32) {
    %c0_i32 = arith.constant 0 : i32
    %c0_i32_0 = arith.constant 0 : i32
    return %arg0, %c0_i32 : i32, i32
  }
}

</mosaic_0001>

<sc_bundles>
// kernel: kernel.4.cloned.1.call-start
scs
__scs_entry_jumppad:
0x0: {  	(pc) =	sbr.rel $0x88, $3  }
0x1: {  	(tag) =	ssettag $0x0;
	lr =	simm.s32 $0x1  }
0x2: {  	[smem:$0x3F72] =	sst lr;
	_ =	strace $0xD0000000  }
0x3: {  	_ = 	snop  }
0x4: {  	_ = 	snop  }
0x5: {  	_ = 	snop  }
0x6: {  	_ = 	snop  }
0x7: {  	_ = 	snop  }
__scs_overlays_trampoline_lowered:
0x8: {  	[smem:$0x3F81] =	sst s0  }
0x9: {  	[smem:$0x3F82] =	sst s1  }
0xa: {  	[smem:$0x3F83] =	sst s2  }
0xb: {  	[smem:$0x3F84] =	sst s3  }
0xc: {  	[smem:$0x3F85] =	sst s4  }
0xd: {  	[smem:$0x3F86] =	sst s5  }
0xe: {  	[smem:$0x3F87] =	sst s6  }
0xf: {  	[smem:$0x3F88] =	sst s7  }
0x10: {  	[smem:$0x3F89] =	sst s8  }
0x11: {  	[smem:$0x3F8A] =	sst s9;
	s0 =	simm.s32 @!p0 $0x0  }
0x12: {  	s1 =	sld [smem:$0x3F70];
	s0 =	simm.s32 @p0 $0x1  }
0x13: {  	[smem:$0x3F8B] =	sst s0;
	s0 =	simm.s32 @!p1 $0x0  }
0x14: {  	s2 =	sld [smem:$0x3F6F];
	s0 =	simm.s32 @p1 $0x1  }
0x15: {  	[smem:$0x3F8C] =	sst s0;
	s0 =	simm.s32 @!p2 $0x0  }
0x16: {  	s3 =	sld [smem:$0x3FDB];
	s0 =	simm.s32 @p2 $0x1  }
0x17: {  	s4 =	simm.s32 $0x1BF5;
	[smem:$0x3F8E] =	sst s0  }
0x18: {  	s0 =	sld [smem:$0x3F71];
	_ =	swait.ge [sflag:s4], $0x0  }
0x19: {  	s7 =	sld [smem:$0x3F72]  }
0x1a: {  	s8 =	sadd.s32 $0xFFFFE003, lr  }
0x1b: {  	s9 =	sadd.s32 $0xFFFFFEF7, lr;
	s5 =	simm.s32 $0xFFFFFFFF;
	p2 =	slt.u32 s8, $0xFFFFF086  }
0x1c: {  	p1 =	slt.u32 s9, $0xF7A;
	s5 =	simm.s32 @!p2 $0x0  }
0x1d: {  	s5 =	simm.s32 @p1 $0x1;
	p0 =	seq.s32 s7, s2  }
0x1e: {  	s7 =	smul.u32 @!p0 $0xF7A, s2;
	p2 =	seq.s32 @!p0 s5, $0x0  }
0x1f: {  	s9 =	smul.u32 $0xF7A, s1;
	s8 =	simm.s32 @!p0 $0x1BF5;
	p2 =	por !p2, p0  }
0x20: {  	[sflag:s8] =	ssyncset.s32 @!p0 $0xFFFFF086;
	s6 =	sadd.s32 @!p0 s3, s7;
	s7 =	simm.s32 @!p0 $0x108  }
0x21: {  	s3 =	sadd.s32 s3, s9;
	s6 =	sadd.s32 @!p0 $0x88, s6;
	s7 =	simm.s32 @p2 $0x1082  }
0x22: {  	[simem:s7], [sflag:s8] =	dma.local @!p0 [hbm:s6], $0xF7A  }
0x23: {  	s9 =	sor.u32 $0xD0000000, s2;
	s6 =	simm.s32 $0x108;
	_ =	swait.ge @!p0 [sflag:s8], $0x0  }
0x24: {  	s3 =	sadd.s32 $0x88, s3;
	s6 =	simm.s32 @!p1 $0x1082;
	[sflag:s4] =	ssyncset.s32 $0xFFFFF086  }
0x25: {  	[simem:s6], [sflag:s4] =	dma.local [hbm:s3], $0xF7A  }
0x26: {  	[smem:$0x3F72] =	sst s1;
	(tag) =	ssettag s2;
	_ =	strace s9  }
0x27: {  	s1 =	sld [smem:$0x3F82]  }
0x28: {  	s2 =	sld [smem:$0x3F83]  }
0x29: {  	s4 =	sld [smem:$0x3F85]  }
0x2a: {  	p0 =	seq.s32 s5, $0x0;
	s5 =	sld [smem:$0x3F86]  }
0x2b: {  	s6 =	sld [smem:$0x3F87]  }
0x2c: {  	s7 =	sld [smem:$0x3F88]  }
0x2d: {  	s3 =	simm.s32 $0x108;
	s8 =	sld [smem:$0x3F89]  }
0x2e: {  	s3 =	simm.s32 @!p0 $0x1082;
	s9 =	sld [smem:$0x3F8A]  }
0x2f: {  	lr =	sadd.s32 s0, s3;
	s0 =	sld [smem:$0x3F81]  }
0x30: {  	s3 =	sld [smem:$0x3F84]  }
0x31: {  	[smem:$0x3F8D] =	sst s10  }
0x32: {  	s10 =	sld [smem:$0x3F8B];
	_ =	sdelay $0x3  }
0x33: {  	p0 =	seq.s32 s10, $0x1;
	s10 =	sld [smem:$0x3F8D];
	_ =	sdelay $0x3  }
0x34: {  	[smem:$0x3F8D] =	sst s10  }
0x35: {  	s10 =	sld [smem:$0x3F8C];
	_ =	sdelay $0x3  }
0x36: {  	p1 =	seq.s32 s10, $0x1;
	s10 =	sld [smem:$0x3F8D];
	_ =	sdelay $0x3  }
0x37: {  	[smem:$0x3F8D] =	sst s10  }
0x38: {  	s10 =	sld [smem:$0x3F8E]  }
0x39: {  	_ = 	snop;
	(pc) =	sbr.ind lr, $3  }
0x3a: {  	_ = 	snop  }
0x3b: {  	_ = 	snop  }
0x3c: {  	p2 =	seq.s32 s10, $0x1;
	s10 =	sld [smem:$0x3F8D]  }
0x3d: {  	_ =	shalt  }
0x3e: {  	_ =	shalt  }
0x3f: {  	_ =	shalt  }
0x40: {  	_ =	shalt  }
0x41: {  	_ =	shalt  }
0x42: {  	_ =	shalt  }
0x43: {  	_ =	shalt  }
0x44: {  	_ =	shalt  }
0x45: {  	_ =	shalt  }
0x46: {  	_ =	shalt  }
0x47: {  	_ =	shalt  }
0x48: {  	_ =	shalt  }
0x49: {  	_ =	shalt  }
0x4a: {  	_ =	shalt  }
0x4b: {  	_ =	shalt  }
0x4c: {  	_ =	shalt  }
0x4d: {  	_ =	shalt  }
0x4e: {  	_ =	shalt  }
0x4f: {  	_ =	shalt  }
0x50: {  	_ =	shalt  }
0x51: {  	_ =	shalt  }
0x52: {  	_ =	shalt  }
0x53: {  	_ =	shalt  }
0x54: {  	_ =	shalt  }
0x55: {  	_ =	shalt  }
0x56: {  	_ =	shalt  }
0x57: {  	_ =	shalt  }
0x58: {  	_ =	shalt  }
0x59: {  	_ =	shalt  }
0x5a: {  	_ =	shalt  }
0x5b: {  	_ =	shalt  }
0x5c: {  	_ =	shalt  }
0x5d: {  	_ =	shalt  }
0x5e: {  	_ =	shalt  }
0x5f: {  	_ =	shalt  }
0x60: {  	_ =	shalt  }
0x61: {  	_ =	shalt  }
0x62: {  	_ =	shalt  }
0x63: {  	_ =	shalt  }
0x64: {  	_ =	shalt  }
0x65: {  	_ =	shalt  }
0x66: {  	_ =	shalt  }
0x67: {  	_ =	shalt  }
0x68: {  	_ =	shalt  }
0x69: {  	_ =	shalt  }
0x6a: {  	_ =	shalt  }
0x6b: {  	_ =	shalt  }
0x6c: {  	_ =	shalt  }
0x6d: {  	_ =	shalt  }
0x6e: {  	_ =	shalt  }
0x6f: {  	_ =	shalt  }
0x70: {  	_ =	shalt  }
0x71: {  	_ =	shalt  }
0x72: {  	_ =	shalt  }
0x73: {  	_ =	shalt  }
0x74: {  	_ =	shalt  }
0x75: {  	_ =	shalt  }
0x76: {  	_ =	shalt  }
0x77: {  	_ =	shalt  }
0x78: {  	_ =	shalt  }
0x79: {  	_ =	shalt  }
0x7a: {  	_ =	shalt  }
0x7b: {  	_ =	shalt  }
0x7c: {  	_ =	shalt  }
0x7d: {  	_ =	shalt  }
0x7e: {  	_ =	shalt  }
0x7f: {  	_ =	shalt  }
0x80: {  	_ =	shalt  }
0x81: {  	_ =	shalt  }
0x82: {  	_ =	shalt  }
0x83: {  	_ =	shalt  }
0x84: {  	_ =	shalt  }
0x85: {  	_ =	shalt  }
0x86: {  	_ =	shalt  }
0x87: {  	_ =	shalt  }
.Lfunc_end0:
.L_simem_size_0:
called_computation.1_lowered:
.L_overlay_start_0:
0x88: {  	s2 =	sld [smem:$0x3FD9]  }
0x89: {  	s3 =	sld [smem:$0x3FFE];
	_ =	sdelay $0x1  }
0x8a: {  	s1 =	srdreg.scid  }
0x8b: {  	s0 =	sand.u32 $0x1, s1  }
0x8c: {  	s16 =	sshll.u32 s0, $0xA;
	s2 =	sadd.s32 s3, s2  }
0x8d: {  	s2 =	sadd.s32 s2, s16  }
0x8e: {  	[smem:$0x3F99] =	sst s2  }
0x8f: {  	_ = 	snop  }
0x90: {  	(tm) =	ssettm $0x1  }
0x91: {  	s17 =	sld [smem:$0x3FFB];
	_ =	sdelay $0x3  }
0x92: {  	_ =	strace s17  }
0x93: {  	s2 =	sld [smem:$0x3FFC];
	_ =	sdelay $0x3  }
0x94: {  	_ =	strace s2  }
0x95: {  	s2 =	sld [smem:$0x3FFD];
	_ =	sdelay $0x3  }
0x96: {  	_ =	strace s2  }
0x97: {  	_ =	strace $0x8FFFFFFF  }
0x98: {  	s18 =	sld [smem:$0x3FDB];
	_ =	sdelay $0x1  }
0x99: {  	s19 =	simm.s32 $_scs_section_size  }
0x9a: {  	s4 =	simm.s32 $_size__tile_overlayer_lowered;
	s5 =	simm.s32 $_tile_overlayer_lowered  }
0x9b: {  	s22 =	simm.s32 $0x1BFF;
	s21 =	sshll.u32 s5, $0x1;
	s2 =	sadd.s32 s19, s18  }
0x9c: {  	s6 =	simm.s32 $0x0;
	s20 =	sshll.u32 s4, $0x1;
	s4 =	sadd.s32 s21, s2  }
0x9d: {  	[timem:s6], [sflag:s22] =	dma.local [hbm:s4], s20  }
0x9e: {  	_ =	swait.ge [sflag:s22], s20  }
0x9f: {  	s3 =	ssub.s32 $0x0, s20;
	[sflag:s22] =	ssyncset.done $0x0  }
0xa0: {  	[sflag:s22] =	ssyncadd.s32 s3;
	_ =	sdelay $0x1  }
0xa1: {  	s23 =	simm.s32 $0x1B8B  }
0xa2: {  	_ =	swait.ge [sflag:s23], $0x1  }
0xa3: {  	[sflag:s23] =	ssyncset.done $0x0  }
0xa4: {  	s25 =	simm.s32 $0x1B8E;
	s24 =	sld [smem:$0x3FFE];
	[sflag:s23] =	ssyncadd.s32 $0xFFFFFFFF  }
0xa5: {  	s26 =	simm.s32 $execute0_lowered;
	[smem:$0x3FD2] =	sst s25  }
0xa6: {  	s4 =	sshll.u32 s26, $0x1;
	_ =	strace $0x80000049;
	[dreg:$0x1] =	wrdreg $0xFFFFFFFF  }
0xa7: {  	s28 =	simm.s32 $_size_execute0_lowered;
	s2 =	sadd.s32 s2, s4;
	[dreg:$0x0] =	wrdreg $0x0  }
0xa8: {  	s4 =	sshll.u32 s28, $0x1;
	[dreg:$0x2] =	wrdreg s2  }
0xa9: {  	[dreg:$0x3] =	wrdreg s4  }
0xaa: {  	[dreg:$0x4] =	wrdreg $0xC0  }
0xab: {  	_ =	task [dreg:s6], $0x5FFFF  }
0xac: {  	[dreg:$0x1] =	wrdreg $0xFFFFFFFF  }
0xad: {  	[dreg:$0x0] =	wrdreg $0x60  }
0xae: {  	[dreg:$0x2] =	wrdreg s24  }
0xaf: {  	[dreg:$0x3] =	wrdreg $0x9  }
0xb0: {  	_ =	task.clear_ibuf [dreg:s6], $0x4FFFF;
	_ =	strace $0x90000049  }
0xb1: {  	s29 =	simm.s32 $0x9;
	_ =	strace $0x8000004B  }
0xb2: {  	_ =	swait.ge [sflag:s29], $0x1  }
0xb3: {  	[sflag:s29] =	ssyncadd.s32 $0xFFFFFFFF  }
0xb4: {  	_ =	strace $0x9000004B  }
0xb5: {  	_ =	sfence  }
0xb6: {  	s30 =	sld [smem:$0x0];
	_ =	sdelay $0x2  }
0xb7: {  	s31 =	sshll.u32 s1, $0xD;
	s1 =	sshrl.u32 s1, $0x2  }
0xb8: {  	s3 =	sand.u32 $0x4000, s31;
	s1 =	sadd.s32 s1, s30  }
0xb9: {  	s0 =	sor.u32 s3, s0;
	s1 =	sshll.u32 s1, $0x11  }
0xba: {  	s0 =	sor.u32 s1, s0  }
0xbb: {  	s0 =	sadd.s32 $0x8F2B, s0  }
0xbc: {  	[sflag:s0] =	ssyncadd.remote.s32 $0x1  }
0xbd: {  	_ =	sfence.sel $0xFFFF  }
0xbe: {  	[dreg:$0x0] =	wrdreg $0xFFFFFFFF;
	(pc) =	sbr.abs _section_cstart, $3  }
0xbf: {  	[dreg:$0x1] =	wrdreg $0xFFFFFFFF  }
0xc0: {  	_ =	task.clear_ibuf [dreg:s6], $0x2FFFF;
	_ =	strace $0x9FFFFFFF  }
0xc1: {  	(tm) =	ssettm $0x7FFFFFFF  }
tec
execute0_lowered:
.L_overlay_start_1:
0x0: {  	(tag) =	ssettag $0x1  }
0x1: {  	s0 =	rddreg [dreg:$0x0]  }
0x2: {  	s1 =	srdreg.scid;
	s17 =	stileid.u32;
	s29 =	simm.s32 $0x0  }
0x3: {  	s30 =	simm.s32 $0x100;
	s2 =	sadd.s32 $0xF5D800, s0;
	s3 =	sadd.s32 $0xF5DC00, s0  }
0x4: {  	s4 =	sadd.s32 $0xF5E000, s0;
	s9 =	sand.u32 $0x1, s1;
	s24 =	sshll.u32 s17, $0x1  }
0x5: {  	s7 =	sadd.s32 $0xF5EC00, s0;
	s8 =	sadd.s32 $0xF7EC00, s0;
	s12 =	sor.u32 s9, s24  }
0x6: {  	s10 =	sadd.s32 $0xF9EC00, s0;
	s11 =	ssub.s32 $0x2, s9;
	s16 =	sshll.u32 s12, $0xC  }
0x7: {  	[smem:$0x7FF] =	sst s29;
	s25 =	sshrl.u32 s11, $0x1;
	s26 =	sadd.s32 s7, s16  }
0x8: {  	s1 =	ssub.s32 s11, s25;
	s20 =	sadd.s32 s8, s16;
	[dreg:$0x4] =	wrdreg s26  }
0x9: {  	s11 =	sshll.u32 s12, $0x5;
	s24 =	sadd.s32 s10, s16;
	[dreg:$0x8] =	wrdreg s20  }
0xa: {  	s5 =	sadd.s32 $0xF5E400, s0;
	s15 =	sadd.s32 s2, s11;
	[dreg:$0xc] =	wrdreg s24  }
0xb: {  	s14 =	sshll.u32 s12, $0x8;
	s19 =	sadd.s32 s3, s11;
	[dreg:$0x2] =	wrdreg s15  }
0xc: {  	s14 =	sor.u32 $0x80, s14;
	s22 =	sadd.s32 s4, s11;
	[dreg:$0x6] =	wrdreg s19  }
0xd: {  	s18 =	sshll.u32 s14, $0x4;
	s26 =	sadd.s32 s5, s11;
	[dreg:$0xa] =	wrdreg s22  }
0xe: {  	s31 =	simm.s32 $0x1;
	s7 =	sadd.s32 s7, s18;
	[dreg:$0xe] =	wrdreg s26  }
0xf: {  	s28 =	simm.s32 $0x5;
	s21 =	sadd.s32 s8, s18;
	[dreg:$0x5] =	wrdreg s7  }
0x10: {  	s15 =	sshrl.u32 s14, $0x3;
	s25 =	sadd.s32 s10, s18;
	[dreg:$0x9] =	wrdreg s21  }
0x11: {  	s6 =	sadd.s32 $0xF5E800, s0;
	s2 =	sadd.s32 s2, s15;
	[dreg:$0xd] =	wrdreg s25  }
0x12: {  	s13 =	sadd.s32 $0xFBEC00, s0;
	s3 =	sadd.s32 s3, s15;
	[dreg:$0x3] =	wrdreg s2  }
0x13: {  	s20 =	sadd.s32 $0x648800, s0;
	s23 =	sadd.s32 s4, s15;
	[dreg:$0x7] =	wrdreg s3  }
0x14: {  	s24 =	smul.u32 $0x32000, s17;
	s4 =	sadd.s32 s5, s15;
	[dreg:$0xb] =	wrdreg s23  }
0x15: {  	s10 =	smul.u32 $0x3200, s17;
	s5 =	sadd.s32 s13, s16;
	[dreg:$0xf] =	wrdreg s4  }
0x16: {  	s14 =	smul.u32 $0x1900, s9;
	s7 =	sadd.s32 s6, s11;
	[dreg:$0x10] =	wrdreg s5  }
0x17: {  	s19 =	sadd.s32 $0x328800, s0;
	s8 =	sadd.s32 s6, s15;
	[dreg:$0x11] =	wrdreg s7  }
0x18: {  	s11 =	sadd.s32 s13, s18;
	s13 =	sadd.s32 $0xFDEC00, s0;
	[dreg:$0x12] =	wrdreg s8  }
0x19: {  	[dreg:$0x13] =	wrdreg s11;
	s15 =	sadd.s32 s13, s16;
	s16 =	smul.u32 $0x19000, s12  }
0x1a: {  	s2 =	sadd.s32 s13, s18;
	s3 =	sadd.s32 s14, s10;
	s8 =	smul.u32 $0x19000, s9  }
0x1b: {  	s18 =	sadd.s32 $0x8800, s0;
	s5 =	sadd.s32 s24, s19;
	s9 =	smul.u32 $0x1900, s12  }
0x1c: {  	s11 =	sadd.s32 $0xF4AC00, s0;
	s12 =	sadd.s32 $0xF51000, s0;
	[dreg:$0x14] =	wrdreg s15  }
0x1d: {  	[dreg:$0x15] =	wrdreg s2;
	s4 =	sadd.s32 s24, s18;
	s21 =	sadd.s32 s18, s16  }
0x1e: {  	s22 =	sor.u32 $0x800, s16;
	s23 =	sadd.s32 s19, s16;
	[dreg:$0x16] =	wrdreg s21  }
0x1f: {  	s2 =	sadd.s32 s20, s16;
	s4 =	sadd.s32 s8, s4;
	[dreg:$0x17] =	wrdreg s23  }
0x20: {  	s10 =	sshrl.u32 s9, $0x3;
	s16 =	sadd.s32 $0xF57400, s0;
	[dreg:$0x18] =	wrdreg s2  }
0x21: {  	s25 =	sadd.s32 s18, s22;
	s26 =	sadd.s32 s19, s22;
	s7 =	sadd.s32 s20, s22  }
0x22: {  	s2 =	sadd.s32 s24, s20;
	s22 =	sadd.s32 s8, s5;
	[dreg:$0x19] =	wrdreg s25  }
0x23: {  	s6 =	sor.u32 $0x10, s10;
	s15 =	sadd.s32 s11, s10;
	[dreg:$0x1a] =	wrdreg s26  }
0x24: {  	s17 =	sadd.s32 s12, s10;
	[dreg:$0x1b] =	wrdreg s7;
	s13 =	sadd.s32 s11, s6  }
0x25: {  	s14 =	sadd.s32 s12, s6;
	_ =	strace $0x8000004A;
	[dreg:$0x1c] =	wrdreg s13  }
0x26: {  	s18 =	sadd.s32 s16, s10;
	s6 =	sadd.s32 s16, s6;
	[dreg:$0x1d] =	wrdreg s14  }
0x27: {  	s19 =	sadd.s32 $0x20, s10;
	s5 =	sadd.s32 $0x30, s10;
	[dreg:$0x1e] =	wrdreg s6  }
0x28: {  	s21 =	sadd.s32 $0x280, s3;
	s3 =	sadd.s32 $0x200, s3;
	[dreg:$0x1f] =	wrdreg s15  }
0x29: {  	s2 =	sadd.s32 s8, s2;
	s20 =	sadd.s32 s11, s19;
	[smem:$0x7F7] =	sst s17  }
0x2a: {  	s23 =	sadd.s32 s12, s19;
	s24 =	sshrl.u32 s21, $0x3;
	[smem:$0x7F8] =	sst s18  }
0x2b: {  	s25 =	sadd.s32 s11, s5;
	s26 =	sadd.s32 s12, s5;
	[smem:$0x7F9] =	sst s20  }
0x2c: {  	s8 =	sadd.s32 s16, s5;
	s3 =	sshrl.u32 s3, $0x3;
	[smem:$0x7FA] =	sst s23  }
0x2d: {  	s21 =	smax.u32 s1, $0x1;
	s5 =	sadd.s32 $0x1800, s4;
	[smem:$0x7FC] =	sst s25  }
0x2e: {  	s1 =	simm.s32 $0x2;
	s6 =	sadd.s32 s16, s19;
	[smem:$0x7FD] =	sst s26  }
0x2f: {  	s9 =	sadd.s32 s24, s11;
	s10 =	sadd.s32 s3, s11;
	s11 =	sadd.s32 s24, s12  }
0x30: {  	s12 =	sadd.s32 s3, s12;
	s14 =	sadd.s32 $0x14A2400, s0;
	s15 =	sadd.s32 $0x10D1600, s0  }
.Ltmp0:
0x31: {  	s13 =	sadd.s32 s24, s16;
	s17 =	sadd.s32 $0x1194C00, s0;
	(pc) =	sbr.rel .LBB2_1-.Ltmp0, $4  }
0x32: {  	s16 =	sadd.s32 s3, s16;
	s18 =	sadd.s32 $0x1258200, s0;
	s19 =	sadd.s32 $0x131B800, s0  }
0x33: {  	s20 =	sadd.s32 $0x13DEE00, s0;
	s23 =	sadd.s32 $0x1800, s22;
	s24 =	sadd.s32 $0x1800, s2  }
0x34: {  	s25 =	simm.s32 $0x80;
	s26 =	simm.s32 $0x4;
	s0 =	simm.s32 $0x4100  }
0x35: {  	s2 =	simm.s32 $0x3;
	s3 =	simm.s32 $0x0;
	[smem:$0x7FB] =	sst s6  }
.LBB2_10:
0x36: {  	_ =	swait.ge [sflag:s1], $0x4000  }
0x37: {  	[sflag:s1] =	ssyncset.done $0x0  }
0x38: {  	[sflag:s1] =	ssyncadd.s32 $0xFFFFC000  }
0x39: {  	_ =	swait.ge [sflag:s2], $0x4000  }
0x3a: {  	[sflag:s2] =	ssyncset.done $0x0  }
0x3b: {  	s4 =	rddreg [dreg:$0x2];
	[sflag:s2] =	ssyncadd.s32 $0xFFFFC000  }
0x3c: {  	[tilespmem:s29], [sflag:$0x4] =	stream.linear.gather [hbm4b:s4+s29], $0x80, $0x38;
	[tilespmem:$0x8100] =	vst v63  }
0x3d: {  	s22 =	rddreg [dreg:$0x3]  }
0x3e: {  	[tilespmem:s25], [sflag:$0x5] =	stream.linear.gather [hbm4b:s22+s29], $0x80, $0x38;
	[tilespmem:$0x8100] =	vst v63  }
0x3f: {  	_ =	swait.ge [sflag:s26], $0x80  }
0x40: {  	[sflag:s26] =	ssyncset.done $0x0  }
0x41: {  	[sflag:s26] =	ssyncadd.s32 $0xFFFFFF80  }
0x42: {  	[tilespmem:s30], [sflag:$0x1] =	stream.indirect.gather [hbm4b:s15+s25], $0x80, s29, s25, $0xb8;
	[tilespmem:$0x8100] =	vst v63  }
0x43: {  	_ =	swait.ge [sflag:s31], $0x4000  }
0x44: {  	[sflag:s31] =	ssyncset.done $0x0  }
0x45: {  	s6 =	rddreg [dreg:$0x4];
	[sflag:s31] =	ssyncadd.s32 $0xFFFFC000  }
0x46: {  	[hbm4b:s6+s29] =	stream.linear.scatter [tilespmem:s30], [sflag:$0x2], $0x4000, $0x38;
	[tilespmem:$0x8100] =	vst v63  }
0x47: {  	_ =	swait.ge [sflag:s28], $0x80  }
0x48: {  	[sflag:s28] =	ssyncset.done $0x0  }
0x49: {  	[sflag:s28] =	ssyncadd.s32 $0xFFFFFF80  }
0x4a: {  	[tilespmem:s0], [sflag:$0x1] =	stream.indirect.gather [hbm4b:s15+s25], $0x80, s25, s25, $0xb8;
	[tilespmem:$0x8100] =	vst v63  }
0x4b: {  	_ =	swait.ge [sflag:s31], $0x4000  }
0x4c: {  	[sflag:s31] =	ssyncset.done $0x0  }
0x4d: {  	s7 =	rddreg [dreg:$0x5];
	[sflag:s31] =	ssyncadd.s32 $0xFFFFC000  }
0x4e: {  	[hbm4b:s7+s29] =	stream.linear.scatter [tilespmem:s0], [sflag:$0x3], $0x4000, $0x38;
	[tilespmem:$0x8100] =	vst v63  }
0x4f: {  	_ =	swait.ge [sflag:s1], $0x4000  }
0x50: {  	[sflag:s1] =	ssyncset.done $0x0  }
0x51: {  	[sflag:s1] =	ssyncadd.s32 $0xFFFFC000  }
0x52: {  	_ =	swait.ge [sflag:s2], $0x4000  }
0x53: {  	[sflag:s2] =	ssyncset.done $0x0  }
0x54: {  	s22 =	rddreg [dreg:$0x6];
	[sflag:s2] =	ssyncadd.s32 $0xFFFFC000  }
0x55: {  	[tilespmem:s29], [sflag:$0x4] =	stream.linear.gather [hbm4b:s22+s29], $0x80, $0x38;
	[tilespmem:$0x8100] =	vst v63  }
0x56: {  	s6 =	rddreg [dreg:$0x7]  }
0x57: {  	[tilespmem:s25], [sflag:$0x5] =	stream.linear.gather [hbm4b:s6+s29], $0x80, $0x38;
	[tilespmem:$0x8100] =	vst v63  }
0x58: {  	_ =	swait.ge [sflag:s26], $0x80  }
0x59: {  	[sflag:s26] =	ssyncset.done $0x0  }
0x5a: {  	[sflag:s26] =	ssyncadd.s32 $0xFFFFFF80  }
0x5b: {  	[tilespmem:s30], [sflag:$0x1] =	stream.indirect.gather [hbm4b:s17+s25], $0x80, s29, s25, $0xb8;
	[tilespmem:$0x8100] =	vst v63  }
0x5c: {  	_ =	swait.ge [sflag:s31], $0x4000  }
0x5d: {  	[sflag:s31] =	ssyncset.done $0x0  }
0x5e: {  	s7 =	rddreg [dreg:$0x8];
	[sflag:s31] =	ssyncadd.s32 $0xFFFFC000  }
0x5f: {  	[hbm4b:s7+s29] =	stream.linear.scatter [tilespmem:s30], [sflag:$0x2], $0x4000, $0x38;
	[tilespmem:$0x8100] =	vst v63  }
0x60: {  	_ =	swait.ge [sflag:s28], $0x80  }
0x61: {  	[sflag:s28] =	ssyncset.done $0x0  }
0x62: {  	[sflag:s28] =	ssyncadd.s32 $0xFFFFFF80  }
0x63: {  	[tilespmem:s0], [sflag:$0x1] =	stream.indirect.gather [hbm4b:s17+s25], $0x80, s25, s25, $0xb8;
	[tilespmem:$0x8100] =	vst v63  }
0x64: {  	_ =	swait.ge [sflag:s31], $0x4000  }
0x65: {  	[sflag:s31] =	ssyncset.done $0x0  }
0x66: {  	s22 =	rddreg [dreg:$0x9];
	[sflag:s31] =	ssyncadd.s32 $0xFFFFC000  }
0x67: {  	[hbm4b:s22+s29] =	stream.linear.scatter [tilespmem:s0], [sflag:$0x3], $0x4000, $0x38;
	[tilespmem:$0x8100] =	vst v63  }
0x68: {  	_ =	swait.ge [sflag:s1], $0x4000  }
0x69: {  	[sflag:s1] =	ssyncset.done $0x0  }
0x6a: {  	[sflag:s1] =	ssyncadd.s32 $0xFFFFC000  }
0x6b: {  	_ =	swait.ge [sflag:s2], $0x4000  }
0x6c: {  	[sflag:s2] =	ssyncset.done $0x0  }
0x6d: {  	s6 =	rddreg [dreg:$0xa];
	[sflag:s2] =	ssyncadd.s32 $0xFFFFC000  }
0x6e: {  	[tilespmem:s29], [sflag:$0x4] =	stream.linear.gather [hbm4b:s6+s29], $0x80, $0x38;
	[tilespmem:$0x8100] =	vst v63  }
0x6f: {  	s7 =	rddreg [dreg:$0xb]  }
0x70: {  	[tilespmem:s25], [sflag:$0x5] =	stream.linear.gather [hbm4b:s7+s29], $0x80, $0x38;
	[tilespmem:$0x8100] =	vst v63  }
0x71: {  	_ =	swait.ge [sflag:s26], $0x80  }
0x72: {  	[sflag:s26] =	ssyncset.done $0x0  }
0x73: {  	[sflag:s26] =	ssyncadd.s32 $0xFFFFFF80  }
0x74: {  	[tilespmem:s30], [sflag:$0x1] =	stream.indirect.gather [hbm4b:s18+s25], $0x80, s29, s25, $0xb8;
	[tilespmem:$0x8100] =	vst v63  }
0x75: {  	_ =	swait.ge [sflag:s31], $0x4000  }
0x76: {  	[sflag:s31] =	ssyncset.done $0x0  }
0x77: {  	s22 =	rddreg [dreg:$0xc];
	[sflag:s31] =	ssyncadd.s32 $0xFFFFC000  }
0x78: {  	[hbm4b:s22+s29] =	stream.linear.scatter [tilespmem:s30], [sflag:$0x2], $0x4000, $0x38;
	[tilespmem:$0x8100] =	vst v63  }
0x79: {  	_ =	swait.ge [sflag:s28], $0x80  }
0x7a: {  	[sflag:s28] =	ssyncset.done $0x0  }
0x7b: {  	[sflag:s28] =	ssyncadd.s32 $0xFFFFFF80  }
0x7c: {  	[tilespmem:s0], [sflag:$0x1] =	stream.indirect.gather [hbm4b:s18+s25], $0x80, s25, s25, $0xb8;
	[tilespmem:$0x8100] =	vst v63  }
0x7d: {  	_ =	swait.ge [sflag:s31], $0x4000  }
0x7e: {  	[sflag:s31] =	ssyncset.done $0x0  }
0x7f: {  	s6 =	rddreg [dreg:$0xd];
	[sflag:s31] =	ssyncadd.s32 $0xFFFFC000  }
0x80: {  	[hbm4b:s6+s29] =	stream.linear.scatter [tilespmem:s0], [sflag:$0x3], $0x4000, $0x38;
	[tilespmem:$0x8100] =	vst v63  }
0x81: {  	_ =	swait.ge [sflag:s1], $0x4000  }
0x82: {  	[sflag:s1] =	ssyncset.done $0x0  }
0x83: {  	[sflag:s1] =	ssyncadd.s32 $0xFFFFC000  }
0x84: {  	_ =	swait.ge [sflag:s2], $0x4000  }
0x85: {  	[sflag:s2] =	ssyncset.done $0x0  }
0x86: {  	s7 =	rddreg [dreg:$0xe];
	[sflag:s2] =	ssyncadd.s32 $0xFFFFC000  }
0x87: {  	[tilespmem:s29], [sflag:$0x4] =	stream.linear.gather [hbm4b:s7+s29], $0x80, $0x38;
	[tilespmem:$0x8100] =	vst v63  }
0x88: {  	s22 =	rddreg [dreg:$0xf]  }
0x89: {  	[tilespmem:s25], [sflag:$0x5] =	stream.linear.gather [hbm4b:s22+s29], $0x80, $0x38;
	[tilespmem:$0x8100] =	vst v63  }
0x8a: {  	_ =	swait.ge [sflag:s26], $0x80  }
0x8b: {  	[sflag:s26] =	ssyncset.done $0x0  }
0x8c: {  	[sflag:s26] =	ssyncadd.s32 $0xFFFFFF80  }
0x8d: {  	[tilespmem:s30], [sflag:$0x1] =	stream.indirect.gather [hbm4b:s19+s25], $0x80, s29, s25, $0xb8;
	[tilespmem:$0x8100] =	vst v63  }
0x8e: {  	_ =	swait.ge [sflag:s31], $0x4000  }
0x8f: {  	[sflag:s31] =	ssyncset.done $0x0  }
0x90: {  	s6 =	rddreg [dreg:$0x10];
	[sflag:s31] =	ssyncadd.s32 $0xFFFFC000  }
0x91: {  	[hbm4b:s6+s29] =	stream.linear.scatter [tilespmem:s30], [sflag:$0x2], $0x4000, $0x38;
	[tilespmem:$0x8100] =	vst v63  }
0x92: {  	_ =	swait.ge [sflag:s28], $0x80  }
0x93: {  	[sflag:s28] =	ssyncset.done $0x0  }
0x94: {  	[sflag:s28] =	ssyncadd.s32 $0xFFFFFF80  }
0x95: {  	[tilespmem:s0], [sflag:$0x1] =	stream.indirect.gather [hbm4b:s19+s25], $0x80, s25, s25, $0xb8;
	[tilespmem:$0x8100] =	vst v63  }
0x96: {  	_ =	swait.ge [sflag:s31], $0x4000  }
0x97: {  	[sflag:s31] =	ssyncset.done $0x0  }
0x98: {  	s7 =	rddreg [dreg:$0x13];
	[sflag:s31] =	ssyncadd.s32 $0xFFFFC000  }
0x99: {  	[hbm4b:s7+s29] =	stream.linear.scatter [tilespmem:s0], [sflag:$0x3], $0x4000, $0x38;
	[tilespmem:$0x8100] =	vst v63  }
0x9a: {  	_ =	swait.ge [sflag:s1], $0x4000  }
0x9b: {  	[sflag:s1] =	ssyncset.done $0x0  }
0x9c: {  	[sflag:s1] =	ssyncadd.s32 $0xFFFFC000  }
0x9d: {  	_ =	swait.ge [sflag:s2], $0x4000  }
0x9e: {  	[sflag:s2] =	ssyncset.done $0x0  }
0x9f: {  	s22 =	rddreg [dreg:$0x11];
	[sflag:s2] =	ssyncadd.s32 $0xFFFFC000  }
0xa0: {  	[tilespmem:s29], [sflag:$0x4] =	stream.linear.gather [hbm4b:s22+s29], $0x80, $0x38;
	[tilespmem:$0x8100] =	vst v63  }
0xa1: {  	s6 =	rddreg [dreg:$0x12]  }
0xa2: {  	[tilespmem:s25], [sflag:$0x5] =	stream.linear.gather [hbm4b:s6+s29], $0x80, $0x38;
	[tilespmem:$0x8100] =	vst v63  }
0xa3: {  	_ =	swait.ge [sflag:s26], $0x80  }
0xa4: {  	[sflag:s26] =	ssyncset.done $0x0  }
0xa5: {  	[sflag:s26] =	ssyncadd.s32 $0xFFFFFF80  }
0xa6: {  	[tilespmem:s30], [sflag:$0x1] =	stream.indirect.gather [hbm4b:s20+s25], $0x80, s29, s25, $0xb8;
	[tilespmem:$0x8100] =	vst v63  }
0xa7: {  	_ =	swait.ge [sflag:s31], $0x4000  }
0xa8: {  	[sflag:s31] =	ssyncset.done $0x0  }
0xa9: {  	s7 =	rddreg [dreg:$0x14];
	[sflag:s31] =	ssyncadd.s32 $0xFFFFC000  }
0xaa: {  	[hbm4b:s7+s29] =	stream.linear.scatter [tilespmem:s30], [sflag:$0x2], $0x4000, $0x38;
	[tilespmem:$0x8100] =	vst v63  }
0xab: {  	_ =	swait.ge [sflag:s28], $0x80  }
0xac: {  	[sflag:s28] =	ssyncset.done $0x0  }
0xad: {  	[sflag:s28] =	ssyncadd.s32 $0xFFFFFF80  }
0xae: {  	[tilespmem:s0], [sflag:$0x1] =	stream.indirect.gather [hbm4b:s20+s25], $0x80, s25, s25, $0xb8;
	[tilespmem:$0x8100] =	vst v63  }
0xaf: {  	_ =	swait.ge [sflag:s31], $0x4000  }
0xb0: {  	[sflag:s31] =	ssyncset.done $0x0  }
0xb1: {  	s3 =	sadd.s32 $0x1, s3;
	s22 =	rddreg [dreg:$0x15];
	[sflag:s31] =	ssyncadd.s32 $0xFFFFC000  }
0xb2: {  	[hbm4b:s22+s29] =	stream.linear.scatter [tilespmem:s0], [sflag:$0x3], $0x4000, $0x38;
	[tilespmem:$0x8100] =	vst v63  }
0xb3: {  	p0 =	sne.s32 s3, s21;
	_ =	swait.ge [sflag:s1], $0x4000  }
.Ltmp1:
0xb4: {  	[sflag:s1] =	ssyncset.done $0x0;
	(pc) =	sbr.rel @!p0 .LBB2_11-.Ltmp1, $4  }
0xb5: {  	[sflag:s1] =	ssyncadd.s32 $0xFFFFC000  }
0xb6: {  	_ =	swait.ge [sflag:s2], $0x4000  }
0xb7: {  	[sflag:s2] =	ssyncset.done $0x0  }
0xb8: {  	[sflag:s2] =	ssyncadd.s32 $0xFFFFC000  }
.LBB2_1:
0xb9: {  	s4 =	rddreg [dreg:$0x1f]  }
0xba: {  	[tilespmem:s29], [sflag:$0x4] =	stream.linear.gather [hbm4b:s4+s29], $0x80, $0x38;
	[tilespmem:$0x8100] =	vst v63  }
0xbb: {  	s7 =	rddreg [dreg:$0x1c]  }
0xbc: {  	[tilespmem:s25], [sflag:$0x5] =	stream.linear.gather [hbm4b:s7+s29], $0x80, $0x38;
	[tilespmem:$0x8100] =	vst v63  }
0xbd: {  	_ =	swait.ge [sflag:s26], $0x80  }
0xbe: {  	[sflag:s26] =	ssyncset.done $0x0  }
0xbf: {  	[sflag:s26] =	ssyncadd.s32 $0xFFFFFF80  }
0xc0: {  	[tilespmem:s30], [sflag:$0x1] =	stream.indirect.gather [hbm4b:s14+s25], $0x80, s29, s25, $0xb8;
	[tilespmem:$0x8100] =	vst v63  }
0xc1: {  	_ =	swait.ge [sflag:s31], $0x4000  }
0xc2: {  	[sflag:s31] =	ssyncset.done $0x0;
	s22 =	rddreg [dreg:$0x16]  }
0xc3: {  	s6 =	sld [smem:$0x7F9];
	[sflag:s31] =	ssyncadd.s32 $0xFFFFC000  }
0xc4: {  	[hbm4b:s22+s29] =	stream.linear.scatter [tilespmem:s30], [sflag:$0x2], $0x4000, $0x38;
	[tilespmem:$0x8100] =	vst v63  }
0xc5: {  	_ = 	snop  }
0xc6: {  	[tilespmem:s29], [sflag:$0x4] =	stream.linear.gather [hbm4b:s6+s29], $0x80, $0x38;
	[tilespmem:$0x8100] =	vst v63  }
0xc7: {  	_ =	swait.ge [sflag:s28], $0x80  }
0xc8: {  	[sflag:s28] =	ssyncset.done $0x0  }
0xc9: {  	[sflag:s28] =	ssyncadd.s32 $0xFFFFFF80  }
0xca: {  	[tilespmem:s0], [sflag:$0x1] =	stream.indirect.gather [hbm4b:s14+s25], $0x80, s25, s25, $0xb8;
	[tilespmem:$0x8100] =	vst v63  }
0xcb: {  	_ =	swait.ge [sflag:s31], $0x4000  }
0xcc: {  	[sflag:s31] =	ssyncset.done $0x0;
	s7 =	rddreg [dreg:$0x19]  }
0xcd: {  	s22 =	sld [smem:$0x7FC];
	[sflag:s31] =	ssyncadd.s32 $0xFFFFC000  }
0xce: {  	[hbm4b:s7+s29] =	stream.linear.scatter [tilespmem:s0], [sflag:$0x3], $0x4000, $0x38;
	[tilespmem:$0x8100] =	vst v63  }
0xcf: {  	_ = 	snop  }
0xd0: {  	[tilespmem:s25], [sflag:$0x5] =	stream.linear.gather [hbm4b:s22+s29], $0x80, $0x38;
	[tilespmem:$0x8100] =	vst v63  }
0xd1: {  	s4 =	simm.s32 $0x0;
	s22 =	smov.u32 s5  }
.LBB2_2:
0xd2: {  	_ =	swait.ge [sflag:s26], $0x80  }
0xd3: {  	[sflag:s26] =	ssyncset.done $0x0  }
0xd4: {  	[sflag:s26] =	ssyncadd.s32 $0xFFFFFF80  }
0xd5: {  	_ =	swait.ge [sflag:s1], $0x4000  }
0xd6: {  	[sflag:s1] =	ssyncset.done $0x0  }
0xd7: {  	[sflag:s1] =	ssyncadd.s32 $0xFFFFC000  }
0xd8: {  	[tilespmem:s30], [sflag:$0x1] =	stream.indirect.gather [hbm4b:s14+s25], $0x80, s29, s25, $0xb8;
	[tilespmem:$0x8100] =	vst v63  }
0xd9: {  	_ =	swait.ge [sflag:s31], $0x4000  }
0xda: {  	[sflag:s31] =	ssyncset.done $0x0  }
0xdb: {  	s6 =	sadd.s32 $0xFFFFF800, s22;
	p0 =	seq.s32 s4, $0x2E0;
	[sflag:s31] =	ssyncadd.s32 $0xFFFFC000  }
0xdc: {  	[hbm4b:s6+s29] =	stream.linear.scatter [tilespmem:s30], [sflag:$0x2], $0x4000, $0x38;
	[tilespmem:$0x8100] =	vst v63  }
0xdd: {  	s7 =	simm.s32 @!p0 $0x0;
	s6 =	sadd.s32 @!p0 s4, s10  }
0xde: {  	[tilespmem:s7], [sflag:$0x4] =	stream.linear.gather @!p0 [hbm4b:s6+s7], $0x80, $0x38;
	[tilespmem:$0x8100] =	vst v63  }
0xdf: {  	_ =	swait.ge [sflag:s28], $0x80  }
0xe0: {  	[sflag:s28] =	ssyncset.done $0x0  }
0xe1: {  	[sflag:s28] =	ssyncadd.s32 $0xFFFFFF80  }
0xe2: {  	_ =	swait.ge [sflag:s2], $0x4000  }
0xe3: {  	[sflag:s2] =	ssyncset.done $0x0  }
0xe4: {  	[sflag:s2] =	ssyncadd.s32 $0xFFFFC000  }
0xe5: {  	[tilespmem:s0], [sflag:$0x1] =	stream.indirect.gather [hbm4b:s14+s25], $0x80, s25, s25, $0xb8;
	[tilespmem:$0x8100] =	vst v63  }
.Ltmp2:
0xe6: {  	_ = 	snop;
	(pc) =	sbr.rel @p0 .LBB2_4-.Ltmp2, $4  }
0xe7: {  	_ =	swait.ge [sflag:s31], $0x4000  }
0xe8: {  	[sflag:s31] =	ssyncset.done $0x0  }
0xe9: {  	[sflag:s31] =	ssyncadd.s32 $0xFFFFC000  }
0xea: {  	[hbm4b:s22+s29] =	stream.linear.scatter [tilespmem:s0], [sflag:$0x3], $0x4000, $0x38;
	[tilespmem:$0x8100] =	vst v63  }
.Ltmp3:
0xeb: {  	(pc) =	sbr.rel .LBB2_2-.Ltmp3, $3  }
0xec: {  	_ =	sdelay $0x1  }
0xed: {  	s6 =	sadd.s32 s4, s9;
	s22 =	sadd.s32 $0x1000, s22;
	s4 =	sadd.s32 $0x20, s4  }
0xee: {  	[tilespmem:s25], [sflag:$0x5] =	stream.linear.gather [hbm4b:s6+s29], $0x80, $0x38;
	[tilespmem:$0x8100] =	vst v63  }
.LBB2_4:
0xef: {  	_ =	swait.ge [sflag:s1], $0x4000  }
0xf0: {  	[sflag:s1] =	ssyncset.done $0x0  }
0xf1: {  	[sflag:s1] =	ssyncadd.s32 $0xFFFFC000  }
0xf2: {  	_ =	swait.ge [sflag:s2], $0x4000  }
0xf3: {  	s6 =	sld [smem:$0x7F7]  }
0xf4: {  	[sflag:s2] =	ssyncset.done $0x0  }
0xf5: {  	s4 =	simm.s32 $0x0;
	[sflag:s2] =	ssyncadd.s32 $0xFFFFC000  }
0xf6: {  	[tilespmem:s4], [sflag:$0x4] =	stream.linear.gather [hbm4b:s6+s4], $0x80, $0x38;
	[tilespmem:$0x8100] =	vst v63  }
0xf7: {  	s22 =	rddreg [dreg:$0x1d]  }
0xf8: {  	[tilespmem:s25], [sflag:$0x5] =	stream.linear.gather [hbm4b:s22+s4], $0x80, $0x38;
	[tilespmem:$0x8100] =	vst v63  }
0xf9: {  	_ =	swait.ge [sflag:s26], $0x80  }
0xfa: {  	[sflag:s26] =	ssyncset.done $0x0  }
0xfb: {  	[sflag:s26] =	ssyncadd.s32 $0xFFFFFF80  }
0xfc: {  	[tilespmem:s30], [sflag:$0x1] =	stream.indirect.gather [hbm4b:s14+s25], $0x80, s4, s25, $0xb8;
	[tilespmem:$0x8100] =	vst v63  }
0xfd: {  	_ =	swait.ge [sflag:s31], $0x4000  }
0xfe: {  	[sflag:s31] =	ssyncset.done $0x0;
	s7 =	rddreg [dreg:$0x17]  }
0xff: {  	s22 =	sld [smem:$0x7FA];
	[sflag:s31] =	ssyncadd.s32 $0xFFFFC000  }
0x100: {  	[hbm4b:s7+s4] =	stream.linear.scatter [tilespmem:s30], [sflag:$0x2], $0x4000, $0x38;
	[tilespmem:$0x8100] =	vst v63  }
0x101: {  	_ = 	snop  }
0x102: {  	[tilespmem:s4], [sflag:$0x4] =	stream.linear.gather [hbm4b:s22+s4], $0x80, $0x38;
	[tilespmem:$0x8100] =	vst v63  }
0x103: {  	_ =	swait.ge [sflag:s28], $0x80  }
0x104: {  	[sflag:s28] =	ssyncset.done $0x0  }
0x105: {  	[sflag:s28] =	ssyncadd.s32 $0xFFFFFF80  }
0x106: {  	[tilespmem:s0], [sflag:$0x1] =	stream.indirect.gather [hbm4b:s14+s25], $0x80, s25, s25, $0xb8;
	[tilespmem:$0x8100] =	vst v63  }
0x107: {  	_ =	swait.ge [sflag:s31], $0x4000  }
0x108: {  	[sflag:s31] =	ssyncset.done $0x0;
	s7 =	rddreg [dreg:$0x1a]  }
0x109: {  	s22 =	sld [smem:$0x7FD];
	[sflag:s31] =	ssyncadd.s32 $0xFFFFC000  }
0x10a: {  	[hbm4b:s7+s4] =	stream.linear.scatter [tilespmem:s0], [sflag:$0x3], $0x4000, $0x38;
	[tilespmem:$0x8100] =	vst v63  }
0x10b: {  	_ = 	snop  }
0x10c: {  	[tilespmem:s25], [sflag:$0x5] =	stream.linear.gather [hbm4b:s22+s4], $0x80, $0x38;
	[tilespmem:$0x8100] =	vst v63  }
0x10d: {  	s22 =	smov.u32 s23  }
.LBB2_5:
0x10e: {  	_ =	swait.ge [sflag:s26], $0x80  }
0x10f: {  	[sflag:s26] =	ssyncset.done $0x0  }
0x110: {  	[sflag:s26] =	ssyncadd.s32 $0xFFFFFF80  }
0x111: {  	_ =	swait.ge [sflag:s1], $0x4000  }
0x112: {  	[sflag:s1] =	ssyncset.done $0x0  }
0x113: {  	[sflag:s1] =	ssyncadd.s32 $0xFFFFC000  }
0x114: {  	[tilespmem:s30], [sflag:$0x1] =	stream.indirect.gather [hbm4b:s14+s25], $0x80, s29, s25, $0xb8;
	[tilespmem:$0x8100] =	vst v63  }
0x115: {  	_ =	swait.ge [sflag:s31], $0x4000  }
0x116: {  	[sflag:s31] =	ssyncset.done $0x0  }
0x117: {  	s6 =	sadd.s32 $0xFFFFF800, s22;
	p0 =	seq.s32 s4, $0x2E0;
	[sflag:s31] =	ssyncadd.s32 $0xFFFFC000  }
0x118: {  	[hbm4b:s6+s29] =	stream.linear.scatter [tilespmem:s30], [sflag:$0x2], $0x4000, $0x38;
	[tilespmem:$0x8100] =	vst v63  }
0x119: {  	s7 =	simm.s32 @!p0 $0x0;
	s6 =	sadd.s32 @!p0 s4, s12  }
0x11a: {  	[tilespmem:s7], [sflag:$0x4] =	stream.linear.gather @!p0 [hbm4b:s6+s7], $0x80, $0x38;
	[tilespmem:$0x8100] =	vst v63  }
0x11b: {  	_ =	swait.ge [sflag:s28], $0x80  }
0x11c: {  	[sflag:s28] =	ssyncset.done $0x0  }
0x11d: {  	[sflag:s28] =	ssyncadd.s32 $0xFFFFFF80  }
0x11e: {  	_ =	swait.ge [sflag:s2], $0x4000  }
0x11f: {  	[sflag:s2] =	ssyncset.done $0x0  }
0x120: {  	[sflag:s2] =	ssyncadd.s32 $0xFFFFC000  }
0x121: {  	[tilespmem:s0], [sflag:$0x1] =	stream.indirect.gather [hbm4b:s14+s25], $0x80, s25, s25, $0xb8;
	[tilespmem:$0x8100] =	vst v63  }
.Ltmp4:
0x122: {  	_ = 	snop;
	(pc) =	sbr.rel @p0 .LBB2_7-.Ltmp4, $4  }
0x123: {  	_ =	swait.ge [sflag:s31], $0x4000  }
0x124: {  	[sflag:s31] =	ssyncset.done $0x0  }
0x125: {  	[sflag:s31] =	ssyncadd.s32 $0xFFFFC000  }
0x126: {  	[hbm4b:s22+s29] =	stream.linear.scatter [tilespmem:s0], [sflag:$0x3], $0x4000, $0x38;
	[tilespmem:$0x8100] =	vst v63  }
.Ltmp5:
0x127: {  	(pc) =	sbr.rel .LBB2_5-.Ltmp5, $3  }
0x128: {  	_ =	sdelay $0x1  }
0x129: {  	s6 =	sadd.s32 s4, s11;
	s22 =	sadd.s32 $0x1000, s22;
	s4 =	sadd.s32 $0x20, s4  }
0x12a: {  	[tilespmem:s25], [sflag:$0x5] =	stream.linear.gather [hbm4b:s6+s29], $0x80, $0x38;
	[tilespmem:$0x8100] =	vst v63  }
.LBB2_7:
0x12b: {  	_ =	swait.ge [sflag:s1], $0x4000  }
0x12c: {  	[sflag:s1] =	ssyncset.done $0x0  }
0x12d: {  	[sflag:s1] =	ssyncadd.s32 $0xFFFFC000  }
0x12e: {  	_ =	swait.ge [sflag:s2], $0x4000  }
0x12f: {  	s6 =	sld [smem:$0x7F8]  }
0x130: {  	[sflag:s2] =	ssyncset.done $0x0  }
0x131: {  	s4 =	simm.s32 $0x0;
	[sflag:s2] =	ssyncadd.s32 $0xFFFFC000  }
0x132: {  	[tilespmem:s4], [sflag:$0x4] =	stream.linear.gather [hbm4b:s6+s4], $0x80, $0x38;
	[tilespmem:$0x8100] =	vst v63  }
0x133: {  	s7 =	rddreg [dreg:$0x1e]  }
0x134: {  	[tilespmem:s25], [sflag:$0x5] =	stream.linear.gather [hbm4b:s7+s4], $0x80, $0x38;
	[tilespmem:$0x8100] =	vst v63  }
0x135: {  	_ =	swait.ge [sflag:s26], $0x80  }
0x136: {  	[sflag:s26] =	ssyncset.done $0x0  }
0x137: {  	[sflag:s26] =	ssyncadd.s32 $0xFFFFFF80  }
0x138: {  	[tilespmem:s30], [sflag:$0x1] =	stream.indirect.gather [hbm4b:s14+s25], $0x80, s4, s25, $0xb8;
	[tilespmem:$0x8100] =	vst v63  }
0x139: {  	_ =	swait.ge [sflag:s31], $0x4000  }
0x13a: {  	[sflag:s31] =	ssyncset.done $0x0;
	s22 =	rddreg [dreg:$0x18]  }
0x13b: {  	s7 =	sld [smem:$0x7FB];
	[sflag:s31] =	ssyncadd.s32 $0xFFFFC000  }
0x13c: {  	[hbm4b:s22+s4] =	stream.linear.scatter [tilespmem:s30], [sflag:$0x2], $0x4000, $0x38;
	[tilespmem:$0x8100] =	vst v63  }
0x13d: {  	_ = 	snop  }
0x13e: {  	[tilespmem:s4], [sflag:$0x4] =	stream.linear.gather [hbm4b:s7+s4], $0x80, $0x38;
	[tilespmem:$0x8100] =	vst v63  }
0x13f: {  	_ =	swait.ge [sflag:s28], $0x80  }
0x140: {  	[sflag:s28] =	ssyncset.done $0x0  }
0x141: {  	[sflag:s28] =	ssyncadd.s32 $0xFFFFFF80  }
0x142: {  	[tilespmem:s0], [sflag:$0x1] =	stream.indirect.gather [hbm4b:s14+s25], $0x80, s25, s25, $0xb8;
	[tilespmem:$0x8100] =	vst v63  }
0x143: {  	_ =	swait.ge [sflag:s31], $0x4000  }
0x144: {  	[sflag:s31] =	ssyncset.done $0x0  }
0x145: {  	s22 =	rddreg [dreg:$0x1b];
	[sflag:s31] =	ssyncadd.s32 $0xFFFFC000  }
0x146: {  	[hbm4b:s22+s4] =	stream.linear.scatter [tilespmem:s0], [sflag:$0x3], $0x4000, $0x38;
	[tilespmem:$0x8100] =	vst v63  }
0x147: {  	s22 =	smov.u32 s24  }
0x148: {  	[tilespmem:s25], [sflag:$0x5] =	stream.linear.gather [hbm4b:s8+s4], $0x80, $0x38;
	[tilespmem:$0x8100] =	vst v63  }
.LBB2_8:
0x149: {  	_ =	swait.ge [sflag:s26], $0x80  }
0x14a: {  	[sflag:s26] =	ssyncset.done $0x0  }
0x14b: {  	[sflag:s26] =	ssyncadd.s32 $0xFFFFFF80  }
0x14c: {  	_ =	swait.ge [sflag:s1], $0x4000  }
0x14d: {  	[sflag:s1] =	ssyncset.done $0x0  }
0x14e: {  	[sflag:s1] =	ssyncadd.s32 $0xFFFFC000  }
0x14f: {  	[tilespmem:s30], [sflag:$0x1] =	stream.indirect.gather [hbm4b:s14+s25], $0x80, s29, s25, $0xb8;
	[tilespmem:$0x8100] =	vst v63  }
0x150: {  	_ =	swait.ge [sflag:s31], $0x4000  }
0x151: {  	[sflag:s31] =	ssyncset.done $0x0  }
0x152: {  	s6 =	sadd.s32 $0xFFFFF800, s22;
	p0 =	seq.s32 s4, $0x2E0;
	[sflag:s31] =	ssyncadd.s32 $0xFFFFC000  }
0x153: {  	[hbm4b:s6+s29] =	stream.linear.scatter [tilespmem:s30], [sflag:$0x2], $0x4000, $0x38;
	[tilespmem:$0x8100] =	vst v63  }
0x154: {  	s7 =	simm.s32 @!p0 $0x0;
	s6 =	sadd.s32 @!p0 s4, s16  }
0x155: {  	[tilespmem:s7], [sflag:$0x4] =	stream.linear.gather @!p0 [hbm4b:s6+s7], $0x80, $0x38;
	[tilespmem:$0x8100] =	vst v63  }
0x156: {  	_ =	swait.ge [sflag:s28], $0x80  }
0x157: {  	[sflag:s28] =	ssyncset.done $0x0  }
0x158: {  	[sflag:s28] =	ssyncadd.s32 $0xFFFFFF80  }
0x159: {  	_ =	swait.ge [sflag:s2], $0x4000  }
0x15a: {  	[sflag:s2] =	ssyncset.done $0x0  }
0x15b: {  	[sflag:s2] =	ssyncadd.s32 $0xFFFFC000  }
0x15c: {  	[tilespmem:s0], [sflag:$0x1] =	stream.indirect.gather [hbm4b:s14+s25], $0x80, s25, s25, $0xb8;
	[tilespmem:$0x8100] =	vst v63  }
.Ltmp6:
0x15d: {  	_ = 	snop;
	(pc) =	sbr.rel @p0 .LBB2_10-.Ltmp6, $4  }
0x15e: {  	_ =	swait.ge [sflag:s31], $0x4000  }
0x15f: {  	[sflag:s31] =	ssyncset.done $0x0  }
0x160: {  	[sflag:s31] =	ssyncadd.s32 $0xFFFFC000  }
0x161: {  	[hbm4b:s22+s29] =	stream.linear.scatter [tilespmem:s0], [sflag:$0x3], $0x4000, $0x38;
	[tilespmem:$0x8100] =	vst v63  }
.Ltmp7:
0x162: {  	(pc) =	sbr.rel .LBB2_8-.Ltmp7, $3  }
0x163: {  	_ =	sdelay $0x1  }
0x164: {  	s6 =	sadd.s32 s4, s13;
	s22 =	sadd.s32 $0x1000, s22;
	s4 =	sadd.s32 $0x20, s4  }
0x165: {  	[tilespmem:s25], [sflag:$0x5] =	stream.linear.gather [hbm4b:s6+s29], $0x80, $0x38;
	[tilespmem:$0x8100] =	vst v63  }
.LBB2_11:
0x166: {  	_ =	sfence.sel $0x180000  }
0x167: {  	[bflag:$0x0] =	sbarrier.arrive $0xFFFF  }
0x168: {  	_ =	strace $0x9000004A  }
0x169: {  	s0 =	stileid.u32;
	[bflag:$0x2] =	sbarrier.arrive $0xFFFF  }
0x16a: {  	p0 =	sne.s32 s0, $0x0;
	s0 =	rddreg [dreg:$0x1]  }
0x16b: {  	s0 =	sadd.s32 @!p0 $0x100000, s0  }
0x16c: {  	[sflag:s0] =	ssyncadd.tile.s32 @!p0 $0x1;
	_ =	shalt  }
.Lfunc_end2:
_tile_overlayer_lowered:
.L_overlay_start_2:
0x16d: {  	(tag) =	ssettag $0x2  }
0x16e: {  	s0 =	rddreg [dreg:$0x0];
	s2 =	stileid.u32  }
0x16f: {  	s1 =	rddreg [dreg:$0x1];
	p0 =	sne.s32 s2, $0x0  }
0x170: {  	s3 =	rddreg [dreg:$0x2];
	[bflag:$0x3] =	sbarrier.arrive $0xFFFF;
	s2 =	simm.s32 @!p0 $0x1C06  }
0x171: {  	[timem:s3], [sflag:s2] =	dma.local @!p0 [hbm:s0], s1  }
0x172: {  	s0 =	simm.s32 @!p0 $0x6  }
0x173: {  	_ =	swait.ge @!p0 [sflag:s0], s1  }
0x174: {  	s1 =	ssub.s32 @!p0 $0x0, s1;
	[sflag:s0] =	ssyncset.done @!p0 $0x0  }
0x175: {  	[sflag:s0] =	ssyncadd.s32 @!p0 s1  }
0x176: {  	[bflag:$0x3] =	sbarrier.arrive $0xFFFF  }
0x177: {  	_ =	shalt  }

// kernel: sparse-core-data-format-call.cloned.1.call-start
scs
called_computation_lowered:
.L_overlay_start_0:
0x0: {  	s2 =	sld [smem:$0x3FD9]  }
0x1: {  	s3 =	sld [smem:$0x3FFE];
	_ =	sdelay $0x1  }
0x2: {  	s1 =	srdreg.scid  }
0x3: {  	s0 =	sand.u32 $0x1, s1  }
0x4: {  	s18 =	sshll.u32 s0, $0xA;
	s2 =	sadd.s32 s3, s2  }
0x5: {  	s2 =	sadd.s32 s2, s18  }
0x6: {  	[smem:$0x3F99] =	sst s2  }
0x7: {  	_ = 	snop  }
0x8: {  	s2 =	sld [smem:$0x3FA0];
	(tm) =	ssettm $0x1  }
0x9: {  	s19 =	sld [smem:$0x3FFB];
	_ =	sdelay $0x3  }
0xa: {  	_ =	strace s19  }
0xb: {  	s3 =	sld [smem:$0x3FFC];
	_ =	sdelay $0x3  }
0xc: {  	_ =	strace s3  }
0xd: {  	s3 =	sld [smem:$0x3FFD];
	_ =	sdelay $0x3  }
0xe: {  	_ =	strace s3  }
0xf: {  	_ =	strace $0x8FFFFFFF  }
0x10: {  	s20 =	sld [smem:$0x3FDB];
	_ =	sdelay $0x1  }
0x11: {  	s4 =	simm.s32 $_scs_section_size  }
0x12: {  	s5 =	simm.s32 $_size__tile_overlayer_lowered;
	s6 =	simm.s32 $_tile_overlayer_lowered  }
0x13: {  	s23 =	simm.s32 $0x1BFF;
	s22 =	sshll.u32 s6, $0x1;
	s3 =	sadd.s32 s4, s20  }
0x14: {  	s7 =	simm.s32 $0x0;
	s21 =	sshll.u32 s5, $0x1;
	s5 =	sadd.s32 s22, s3  }
0x15: {  	[timem:s7], [sflag:s23] =	dma.local [hbm:s5], s21  }
0x16: {  	_ =	swait.ge [sflag:s23], s21  }
0x17: {  	s4 =	ssub.s32 $0x0, s21;
	[sflag:s23] =	ssyncset.done $0x0  }
0x18: {  	[sflag:s23] =	ssyncadd.s32 s4;
	_ =	sdelay $0x1  }
0x19: {  	s24 =	simm.s32 $0x1B8B  }
0x1a: {  	_ =	swait.ge [sflag:s24], $0x1  }
0x1b: {  	[sflag:s24] =	ssyncset.done $0x0  }
0x1c: {  	s26 =	simm.s32 $0x1B8E;
	s25 =	sld [smem:$0x3FFE];
	[sflag:s24] =	ssyncadd.s32 $0xFFFFFFFF  }
0x1d: {  	s27 =	simm.s32 $execute0_lowered;
	[smem:$0x3FD2] =	sst s26  }
0x1e: {  	s5 =	sshll.u32 s27, $0x1;
	_ =	strace $0x80000046;
	[dreg:$0x1] =	wrdreg $0xFFFFFFFF  }
0x1f: {  	s28 =	simm.s32 $_size_execute0_lowered;
	s3 =	sadd.s32 s3, s5;
	[dreg:$0x0] =	wrdreg $0x0  }
0x20: {  	s5 =	sshll.u32 s28, $0x1;
	[dreg:$0x2] =	wrdreg s3  }
0x21: {  	[dreg:$0x3] =	wrdreg s5  }
0x22: {  	[dreg:$0x4] =	wrdreg $0xC0  }
0x23: {  	_ =	task [dreg:s7], $0x5FFFF  }
0x24: {  	[dreg:$0x1] =	wrdreg $0xFFFFFFFF  }
0x25: {  	[dreg:$0x0] =	wrdreg $0x60  }
0x26: {  	[dreg:$0x2] =	wrdreg s2  }
0x27: {  	[dreg:$0x3] =	wrdreg s25  }
0x28: {  	[dreg:$0x4] =	wrdreg $0x9  }
0x29: {  	_ =	task.clear_ibuf [dreg:s7], $0x5FFFF;
	_ =	strace $0x90000046  }
0x2a: {  	s29 =	simm.s32 $0x9;
	_ =	strace $0x80000048  }
0x2b: {  	_ =	swait.ge [sflag:s29], $0x1  }
0x2c: {  	[sflag:s29] =	ssyncadd.s32 $0xFFFFFFFF  }
0x2d: {  	_ =	strace $0x90000048  }
0x2e: {  	_ =	sfence  }
0x2f: {  	s30 =	sld [smem:$0x0];
	_ =	sdelay $0x2  }
0x30: {  	s31 =	sshll.u32 s1, $0xD;
	s1 =	sshrl.u32 s1, $0x2  }
0x31: {  	s3 =	sand.u32 $0x4000, s31;
	s1 =	sadd.s32 s1, s30  }
0x32: {  	s0 =	sor.u32 s3, s0;
	s1 =	sshll.u32 s1, $0x11  }
0x33: {  	s0 =	sor.u32 s1, s0  }
0x34: {  	s0 =	sadd.s32 $0x8F2B, s0  }
0x35: {  	[sflag:s0] =	ssyncadd.remote.s32 $0x1  }
0x36: {  	_ =	sfence.sel $0xFFFF  }
0x37: {  	[dreg:$0x0] =	wrdreg $0xFFFFFFFF;
	(pc) =	sbr.abs _section_cstart, $3  }
0x38: {  	[dreg:$0x1] =	wrdreg $0xFFFFFFFF  }
0x39: {  	_ =	task.clear_ibuf [dreg:s7], $0x2FFFF;
	_ =	strace $0x9FFFFFFF  }
0x3a: {  	(tm) =	ssettm $0x7FFFFFFF  }
0x3b: {  	_ =	shalt  }
tec
execute0_lowered:
.L_overlay_start_1:
0x0: {  	(tag) =	ssettag $0x1  }
0x1: {  	s0 =	srdreg.scid;
	s2 =	rddreg [dreg:$0x0]  }
0x2: {  	s5 =	rddreg [dreg:$0x1];
	s1 =	stileid.u32  }
0x3: {  	s4 =	simm.s32 $0x1;
	s6 =	simm.s32 $0x2;
	s15 =	simm.s32 $0x0  }
0x4: {  	p0 =	por $0x0, $0x0;
	s8 =	simm.s32 $0x80;
	s0 =	sshll.u32 s0, $0x4  }
0x5: {  	s14 =	simm.s32 $0x0;
	s9 =	simm.s32 $0x0;
	s3 =	sand.u32 $0x10, s0  }
.Ltmp0:
0x6: {  	s10 =	simm.s32 $0x0;
	s3 =	sor.u32 s1, s3;
	(pc) =	sbr.rel .LBB1_1-.Ltmp0, $4  }
0x7: {  	s0 =	rddreg [dreg:$0x2];
	_ =	strace $0x80000047;
	s3 =	sshll.u32 s3, $0x7  }
0x8: {  	s12 =	simm.s32 $0x0;
	[sflag:s4] =	ssyncpa.u1 $0x0;
	s7 =	ssub.s32 $0xF4200, s3  }
0x9: {  	s13 =	simm.s32 $0x0;
	[sflag:s6] =	ssyncpa.u1 $0x0;
	s6 =	sshrl.u32 s7, $0xC  }
0xa: {  	s5 =	sadd.s32 $0x8800, s5;
	s11 =	smov.u32 s3;
	s7 =	sadd.s32 $0x2, s6  }
.LBB1_5:
0xb: {  	p1 =	slt.u32 s13, $0x2  }
0xc: {  	s17 =	smov.u32 s15;
	p2 =	sgt.s32 @!p1 s15, $0xF41C0;
	s16 =	sshra.s32 @!p1 s15, $0x1F  }
0xd: {  	p3 =	sgt.s32 @!p1 s14, $0x40;
	s18 =	sshra.s32 @!p1 s14, $0x1F;
	p2 =	por !p2, p1  }
0xe: {  	s15 =	sand.u32 @!p1 s16, s15;
	p3 =	por !p3, p1;
	s16 =	smov.u32 s14  }
0xf: {  	s14 =	sand.u32 @!p1 s18, s14;
	s17 =	simm.s32 @p2 $0xF41C0;
	s16 =	simm.s32 @p3 $0x40  }
0x10: {  	s15 =	ssub.s32 @!p1 s17, s15;
	s14 =	ssub.s32 @!p1 s16, s14  }
0x11: {  	s18 =	smov.u32 s12;
	s16 =	sadd.s32 @!p1 $0xFFF0BE40, s15;
	s17 =	sadd.s32 @!p1 $0xFFFFFFC0, s14  }
0x12: {  	s15 =	ssub.s32 @!p1 $0xF4240, s15;
	p2 =	sgt.s32 @!p1 s16, $0x7F;
	p3 =	sgt.s32 @!p1 s17, $0x3F  }
0x13: {  	s14 =	ssub.s32 @!p1 $0x80, s14;
	p2 =	por !p2, p1;
	p3 =	por !p3, p1  }
0x14: {  	s16 =	sadd.s32 $0x1000, s11;
	s15 =	simm.s32 @!p2 $0x0;
	s14 =	simm.s32 @!p3 $0x0  }
0x15: {  	p2 =	sgt.s32 s16, $0xF423F;
	s14 =	smul.u32 @!p1 s14, s15;
	s15 =	sadd.s32 $0x40, s12  }
0x16: {  	s18 =	smov.u32 @p2 s15  }
0x17: {  	s16 =	smov.u32 @p2 s3;
	p2 =	sgt.s32 s18, $0x3F  }
0x18: {  	s18 =	simm.s32 @p2 $0x0;
	p2 =	sne.s32 s13, s7  }
.Ltmp1:
0x19: {  	p0 =	por !p0, !p0;
	s17 =	simm.s32 @!p1 $0x2;
	(pc) =	sbr.rel @!p2 .LBB1_6-.Ltmp1, $4  }
0x1a: {  	s15 =	smov.u32 s9;
	s9 =	smov.u32 s11;
	s14 =	sand.u32 @!p1 $0x3FFFFFFF, s14  }
0x1b: {  	s11 =	smov.u32 s16;
	_ =	swait.ge @!p1 [sflag:s17], s14;
	s19 =	ssub.s32 @!p1 $0x0, s14  }
0x1c: {  	s14 =	smov.u32 s10;
	s13 =	sadd.s32 $0x1, s13;
	[sflag:s17] =	ssyncset.done @!p1 $0x0  }
0x1d: {  	s10 =	smov.u32 s12;
	s12 =	smov.u32 s18;
	[sflag:s17] =	ssyncadd.s32 @!p1 s19  }
.LBB1_1:
0x1e: {  	p1 =	sgt.u32 s13, s6  }
0x1f: {  	s16 =	sshrl.u32 @!p1 s12, $0x3  }
0x20: {  	s17 =	sshll.u32 @!p1 s11, $0x3;
	s16 =	smul.u32 @!p1 $0x7A1400, s16  }
0x21: {  	s18 =	sshll.u32 @!p1 s12, $0x7;
	s17 =	sand.u32 @!p1 $0xFFFFFC00, s17  }
0x22: {  	s16 =	sadd.s32 @!p1 s16, s17;
	s17 =	sand.u32 @!p1 $0x380, s18  }
0x23: {  	s18 =	sand.u32 @!p1 $0x7F, s11;
	s16 =	sor.u32 @!p1 s17, s16  }
0x24: {  	s17 =	sor.u32 @!p1 s18, s16  }
0x25: {  	s18 =	smulhi.u32 @!p1 $0x218D6287, s17;
	_ =	sdelay $0x1  }
0x26: {  	s16 =	smulhi.u32 @!p1 $0x218D6287, s16;
	s18 =	sshrl.u32 @!p1 s18, $0x11  }
0x27: {  	s18 =	smul.u32 @!p1 $0xF4280, s18  }
0x28: {  	s19 =	sxor.u32 @!p1 $0xFFFFFFFF, s13;
	s16 =	sshrl.u32 @!p1 s16, $0x11  }
0x29: {  	s19 =	sshll.u32 @!p1 s19, $0xD;
	s16 =	sand.u32 @!p1 $0x3F, s16;
	s17 =	ssub.s32 @!p1 s17, s18  }
0x2a: {  	s16 =	smul.u32 @!p1 $0x1E850, s16;
	s18 =	sshrl.u32 @!p1 s17, $0x3;
	s17 =	sand.u32 @!p1 $0x7, s17  }
0x2b: {  	s19 =	sand.u32 @!p1 $0x2000, s19;
	s18 =	sadd.s32 @!p1 s2, s18;
	s17 =	sshll.u32 @!p1 s17, $0x12  }
0x2c: {  	s16 =	sadd.s32 @!p1 s16, s18;
	s17 =	sor.u32 @!p1 $0x400, s17;
	s18 =	simm.s32 @!p1 $0x7A1400  }
0x2d: {  	[tilespmem:s19], [sflag:$0x1] =	stream.strided.gather @!p1 [hbm4b:s16+s17], $0x2000, s18, s17, $0x38;
	[tilespmem:$0x8100] =	vst v63  }
0x2e: {  	p1 =	seq.s32 s13, $0x0  }
0x2f: {  	p2 =	sge.u32 @!p1 s13, s7  }
0x30: {  	p1 =	por p1, p2  }
.Ltmp2:
0x31: {  	_ = 	snop;
	(pc) =	sbr.rel @p1 .LBB1_5-.Ltmp2, $1  }
0x32: {  	_ =	sdelay $0x3  }
0x33: {  	s16 =	simm.s32 $0x1  }
0x34: {  	_ =	swait.ge [sflag:s4], $0x2000;
	s16 =	simm.s32 @!p0 $0x0  }
0x35: {  	[sflag:s4] =	ssyncset.done $0x0;
	s17 =	sshll.u32 s16, $0xD  }
0x36: {  	[sflag:s4] =	ssyncadd.s32 $0xFFFFE000;
	s17 =	sor.u32 $0x40, s17  }
0x37: {  	s16 =	smul.u32 $0x8200, s16;
	v0 =	vld [tilespmem:s17+$0x30]  }
0x38: {  	v1 =	vld [tilespmem:s17+$0xFFFFFFD0]  }
0x39: {  	s16 =	sshrl.u32 s16, $0x2;
	v5 =	vld [tilespmem:s17+$0xFFFFFFE0]  }
0x3a: {  	v6 =	vld [tilespmem:s17+$0xFFFFFFF0];
	s19 =	sor.u32 $0x4000, s16  }
0x3b: {  	s31 =	sand.u32 $0x1, s13;
	v4 =	vld [tilespmem:s17+$0x0];
	s18 =	sadd.s32 $0x0, s19  }
0x3c: {  	v3 =	vld [tilespmem:s17+$0x10];
	s16 =	smul.u32 $0x8200, s31;
	[tilespmem:s18+$0x1C70 ss:$0x41] =	vst.msk $0xffff, v0  }
0x3d: {  	v2 =	vld [tilespmem:s17+$0x20];
	[tilespmem:s18+$0x410 ss:$0x41] =	vst.msk $0xffff, v1  }
0x3e: {  	s16 =	sshrl.u32 s16, $0x2;
	v1 =	vld [tilespmem:s17+$0xFFFFFFC0];
	[tilespmem:s18+$0x820 ss:$0x41] =	vst.msk $0xffff, v5;
	s17 =	sadd.s32 $0x80, s17  }
0x3f: {  	s20 =	simm.s32 $0x4;
	s21 =	simm.s32 $0x8;
	s16 =	sor.u32 $0x4000, s16;
	[tilespmem:s18+$0xC30 ss:$0x41] =	vst.msk $0xffff, v6;
	v0 =	vld [tilespmem:s17+$0x30]  }
.LBB1_3:
0x40: {  	p1 =	sne.s32 s21, $0xFC;
	v5 =	vld [tilespmem:s17+$0xFFFFFFD0];
	[tilespmem:s18+$0x1040 ss:$0x41] =	vst.msk $0xffff, v4  }
0x41: {  	v6 =	vld [tilespmem:s17+$0xFFFFFFE0];
	[tilespmem:s18+$0x1450 ss:$0x41] =	vst.msk $0xffff, v3  }
0x42: {  	s22 =	sshra.s32 s20, $0x2;
	s20 =	smov.u32 s21;
	v7 =	vld [tilespmem:s17+$0xFFFFFFF0];
	[tilespmem:s18+$0x1860 ss:$0x41] =	vst.msk $0xffff, v2  }
.Ltmp3:
0x43: {  	v4 =	vld [tilespmem:s17+$0x0];
	[tilespmem:s18+$0x0 ss:$0x41] =	vst.msk $0xffff, v1;
	s18 =	sadd.s32 s22, s19;
	(pc) =	sbr.rel @p1 .LBB1_3-.Ltmp3, $4  }
0x44: {  	v3 =	vld [tilespmem:s17+$0x10];
	[tilespmem:s18+$0x1C70 ss:$0x41] =	vst.msk $0xffff, v0  }
0x45: {  	[tilespmem:s18+$0x410 ss:$0x41] =	vst.msk $0xffff, v5;
	v2 =	vld [tilespmem:s17+$0x20]  }
0x46: {  	v1 =	vld [tilespmem:s17+$0xFFFFFFC0];
	[tilespmem:s18+$0x820 ss:$0x41] =	vst.msk $0xffff, v6;
	s17 =	sadd.s32 $0x80, s17  }
0x47: {  	s21 =	sadd.s32 $0x4, s21;
	v0 =	vld [tilespmem:s17+$0x30];
	[tilespmem:s18+$0xC30 ss:$0x41] =	vst.msk $0xffff, v7  }
0x48: {  	s21 =	sshll.u32 s9, $0x7;
	s22 =	sshll.u32 s10, $0x3;
	s20 =	sshra.s32 s20, $0x2  }
0x49: {  	p1 =	sgt.s32 s9, $0xF41C0;
	s30 =	sshra.s32 s9, $0x1F;
	s25 =	sshra.s32 s10, $0x1F  }
0x4a: {  	v5 =	vld [tilespmem:s17+$0xFFFFFFD0];
	s28 =	sshrl.u32 s10, $0x3;
	s23 =	sand.u32 $0xFFFFFC00, s21;
	s22 =	sand.u32 $0xFFFFFC00, s22  }
0x4b: {  	[tilespmem:s18+$0x1040 ss:$0x41] =	vst.msk $0xffff, v4;
	v58 =	vld [tilespmem:s17+$0xFFFFFFE0];
	s21 =	sand.u32 $0x380, s21;
	s19 =	sadd.s32 s20, s19;
	s22 =	sadd.s32 s22, s23  }
0x4c: {  	v59 =	vld [tilespmem:s17+$0xFFFFFFF0];
	[tilespmem:s18+$0x1450 ss:$0x41] =	vst.msk $0xffff, v3;
	s29 =	sor.u32 s21, s22;
	s21 =	smov.u32 s9;
	s22 =	sand.u32 s30, s9  }
0x4d: {  	v60 =	vld [tilespmem:s17+$0x0];
	[tilespmem:s18+$0x1860 ss:$0x41] =	vst.msk $0xffff, v2;
	s30 =	sand.u32 $0x7, s10;
	s20 =	sshrl.u32 s29, $0x7;
	s21 =	simm.s32 @!p1 $0xF41C0  }
0x4e: {  	v61 =	vld [tilespmem:s17+$0x10];
	[tilespmem:s18+$0x0 ss:$0x41] =	vst.msk $0xffff, v1;
	p1 =	sgt.s32 s10, $0x40;
	s24 =	ssub.s32 s21, s22;
	s21 =	smov.u32 s10  }
0x4f: {  	v62 =	vld [tilespmem:s17+$0x20];
	[tilespmem:s19+$0x1C70 ss:$0x41] =	vst.msk $0xffff, v0;
	s31 =	smulhi.u32 $0x218DEF5, s20;
	s22 =	sand.u32 s25, s10;
	s21 =	simm.s32 @!p1 $0x40  }
0x50: {  	v63 =	vld [tilespmem:s17+$0xFFFFFFC0];
	[tilespmem:s19+$0x410 ss:$0x41] =	vst.msk $0xffff, v5;
	s26 =	sadd.s32 $0xFFF0BE40, s24;
	s17 =	ssub.s32 $0xF4240, s24;
	s21 =	ssub.s32 s21, s22  }
0x51: {  	[tilespmem:s19+$0x820 ss:$0x41] =	vst.msk $0xffff, v58;
	s23 =	sshrl.u32 s31, $0xD;
	p1 =	sgt.s32 s26, $0x7F;
	s27 =	sadd.s32 $0xFFFFFFC0, s21  }
0x52: {  	[tilespmem:s19+$0xC30 ss:$0x41] =	vst.msk $0xffff, v59;
	s23 =	smul.u32 $0xF4240, s23;
	s18 =	ssub.s32 $0x80, s21;
	p2 =	sgt.s32 s27, $0x3F  }
.Ltmp4:
0x53: {  	[tilespmem:s19+$0x1040 ss:$0x41] =	vst.msk $0xffff, v60;
	s17 =	simm.s32 @p1 $0x0;
	s18 =	simm.s32 @p2 $0x0;
	(pc) =	sbr.rel .LBB1_5-.Ltmp4, $4  }
0x54: {  	s29 =	sand.u32 $0xF, s28;
	[tilespmem:s19+$0x1450 ss:$0x41] =	vst.msk $0xffff, v61;
	s20 =	ssub.s32 s20, s23;
	s17 =	smul.u32 s18, s17  }
0x55: {  	[tilespmem:s19+$0x1860 ss:$0x41] =	vst.msk $0xffff, v62;
	s21 =	sshll.u32 s30, $0x12;
	s20 =	sshll.u32 s20, $0x4;
	s18 =	sadd.s32 s5, s29  }
0x56: {  	[tilespmem:s19+$0x0 ss:$0x41] =	vst.msk $0xffff, v63;
	s31 =	sor.u32 $0x40, s21;
	s18 =	sadd.s32 s20, s18;
	s17 =	sand.u32 $0x3FFFFFFF, s17  }
0x57: {  	[hbm4b:s18+s31] =	stream.strided.scatter [tilespmem:s16], [sflag:$0x2], s17, s8, s31, $0x18;
	[tilespmem:$0x8100] =	vst v63  }
.LBB1_6:
0x58: {  	_ =	sfence.sel $0x180000  }
0x59: {  	s2 =	simm.s32 $0x1;
	[bflag:$0x0] =	sbarrier.arrive $0xFFFF  }
0x5a: {  	s31 =	simm.s32 $0x2;
	[sflag:s2] =	ssyncpa.u1 $0x1  }
0x5b: {  	[sflag:s31] =	ssyncpa.u1 $0x1  }
0x5c: {  	p0 =	sne.s32 s1, $0x0;
	_ =	strace $0x90000047  }
0x5d: {  	s0 =	sadd.s32 @!p0 $0x100000, s0;
	[bflag:$0x2] =	sbarrier.arrive $0xFFFF  }
0x5e: {  	[sflag:s0] =	ssyncadd.tile.s32 @!p0 $0x1;
	_ =	shalt  }
.Lfunc_end1:
_tile_overlayer_lowered:
.L_overlay_start_2:
0x5f: {  	(tag) =	ssettag $0x2  }
0x60: {  	s0 =	rddreg [dreg:$0x0];
	s2 =	stileid.u32  }
0x61: {  	s1 =	rddreg [dreg:$0x1];
	p0 =	sne.s32 s2, $0x0  }
0x62: {  	s3 =	rddreg [dreg:$0x2];
	[bflag:$0x3] =	sbarrier.arrive $0xFFFF;
	s2 =	simm.s32 @!p0 $0x1C01  }
0x63: {  	[timem:s3], [sflag:s2] =	dma.local @!p0 [hbm:s0], s1  }
0x64: {  	s0 =	simm.s32 @!p0 $0x1  }
0x65: {  	_ =	swait.ge @!p0 [sflag:s0], s1  }
0x66: {  	s1 =	ssub.s32 @!p0 $0x0, s1;
	[sflag:s0] =	ssyncset.done @!p0 $0x0  }
0x67: {  	[sflag:s0] =	ssyncadd.s32 @!p0 s1  }
0x68: {  	[bflag:$0x3] =	sbarrier.arrive $0xFFFF  }
0x69: {  	_ =	shalt  }

</sc_bundles>
